<compile_context>
chip_gen: v7x
topology: tpu7x:2x2x1
jax: 0.10.2.dev20260603
libtpu: 0.0.44.dev20260713+nightly
codegen_flags: <defaults>
</compile_context>

<pallas_src>
import functools

import jax
import jax.numpy as jnp
from jax import lax
from jax.experimental import pallas as pl
from jax.experimental.pallas import tpu as pltpu
from jax.experimental.pallas import tpu_sc as plsc

N = 10000
E = 320000
D = 128

NC = 2
NS = 16
NW = NC * NS
EPW = E // NW
CH = 80
NCHUNK = EPW // CH
RPT = 624
TAIL = N - NS * RPT
DEGW = 16

_MESH = plsc.VectorSubcoreMesh(core_axis_name="c", subcore_axis_name="s")



@functools.partial(
    pl.kernel,
    out_type=jax.ShapeDtypeStruct((NC, N, D), jnp.float32),
    mesh=_MESH,
    scratch_types=[
        pltpu.VMEM((CH,), jnp.int32),
        pltpu.VMEM((CH,), jnp.int32),
        pltpu.VMEM((CH, D), jnp.float32),
        pltpu.SemaphoreType.DMA,
        pltpu.SemaphoreType.DMA,
        pltpu.VMEM_SHARED((N, D), jnp.float32),
    ],
)
def _sc_degree(cols, zerosd, onesd, deg_out,
               cidx0, cidx1, ones_v, isem0, isem1, deg_sp):
    c = lax.axis_index("c")
    s = lax.axis_index("s")
    wid = c * NS + s
    base = wid * EPW
    pltpu.sync_copy(zerosd.at[pl.ds(s * RPT, RPT)], deg_sp.at[pl.ds(s * RPT, RPT)])
    @pl.when(s == NS - 1)
    def _():
        pltpu.sync_copy(zerosd.at[pl.ds(NS * RPT, TAIL)],
                        deg_sp.at[pl.ds(NS * RPT, TAIL)])
    pltpu.sync_copy(onesd, ones_v)
    cidx = (cidx0, cidx1)
    isem = (isem0, isem1)
    pltpu.sync_copy(cols.at[pl.ds(base, CH)], cidx0)
    pltpu.async_copy(cols.at[pl.ds(base + CH, CH)], cidx1, isem1)
    plsc.subcore_barrier()
    pltpu.sync_copy(ones_v, deg_sp.at[cidx0], add=True)

    def step(ch, b, load_next):
        pltpu.make_async_copy(cols.at[pl.ds(base + ch * CH, CH)],
                              cidx[b], isem[b]).wait()
        @pl.when(load_next)
        def _():
            pltpu.async_copy(cols.at[pl.ds(base + (ch + 1) * CH, CH)],
                             cidx[1 - b], isem[1 - b])
        pltpu.sync_copy(ones_v, deg_sp.at[cidx[b]], add=True)

    def body(i, carry):
        ch = 2 * i + 1
        step(ch, 1, ch + 1 < NCHUNK)
        step(ch + 1, 0, ch + 2 < NCHUNK)
        return carry

    lax.fori_loop(0, (NCHUNK - 1) // 2, body, 0)
    plsc.subcore_barrier()
    pltpu.sync_copy(deg_sp.at[pl.ds(s * RPT, RPT)],
                    deg_out.at[c, pl.ds(s * RPT, RPT)])
    @pl.when(s == NS - 1)
    def _():
        pltpu.sync_copy(deg_sp.at[pl.ds(NS * RPT, TAIL)],
                        deg_out.at[c, pl.ds(NS * RPT, TAIL)])


@functools.partial(
    pl.kernel,
    out_type=jax.ShapeDtypeStruct((NC, N, D), jnp.float32),
    mesh=_MESH,
    scratch_types=[
        pltpu.VMEM((CH,), jnp.int32),
        pltpu.VMEM((CH,), jnp.int32),
        pltpu.VMEM((CH,), jnp.int32),
        pltpu.VMEM((CH,), jnp.int32),
        pltpu.VMEM((CH,), jnp.int32),
        pltpu.VMEM((CH,), jnp.int32),
        pltpu.VMEM((CH,), jnp.int32),
        pltpu.VMEM((CH, D), jnp.float32),
        pltpu.VMEM((CH, D), jnp.float32),
        pltpu.VMEM((CH, D), jnp.float32),
        pltpu.SemaphoreType.DMA,
        pltpu.SemaphoreType.DMA,
        pltpu.SemaphoreType.DMA,
        pltpu.SemaphoreType.DMA,
        pltpu.SemaphoreType.DMA,
        pltpu.SemaphoreType.DMA,
        pltpu.SemaphoreType.DMA,
        pltpu.SemaphoreType.DMA,
        pltpu.SemaphoreType.DMA,
        pltpu.SemaphoreType.DMA,
        pltpu.SemaphoreType.DMA,
        pltpu.SemaphoreType.DMA,
        pltpu.SemaphoreType.DMA,
        pltpu.SemaphoreType.DMA,
        pltpu.VMEM_SHARED((N, D), jnp.float32),
    ],
)
def _sc_scatter(g, rows, cols, zerosd, s_out,
                ridx0, ridx1, ridx2, cidx0, cidx1, cidx2, cidx3,
                buf0, buf1, buf2,
                rsem0, rsem1, rsem2, isem0, isem1, isem2, isem3,
                gsem0, gsem1, gsem2,
                ssem0, ssem1, ssem2, ssem3,
                s_sp):
    c = lax.axis_index("c")
    s = lax.axis_index("s")
    wid = c * NS + s
    base = wid * EPW
    pltpu.sync_copy(zerosd.at[pl.ds(s * RPT, RPT)], s_sp.at[pl.ds(s * RPT, RPT)])
    @pl.when(s == NS - 1)
    def _():
        pltpu.sync_copy(zerosd.at[pl.ds(NS * RPT, TAIL)],
                        s_sp.at[pl.ds(NS * RPT, TAIL)])

    ridx = (ridx0, ridx1, ridx2)
    cidx = (cidx0, cidx1, cidx2, cidx3)
    bufs = (buf0, buf1, buf2)
    rsem = (rsem0, rsem1, rsem2)
    isem = (isem0, isem1, isem2, isem3)
    gsem = (gsem0, gsem1, gsem2)
    ssem = (ssem0, ssem1, ssem2, ssem3)

    def rload(ch, k):
        pltpu.async_copy(rows.at[pl.ds(base + ch * CH, CH)], ridx[k], rsem[k])

    def rwait(k):
        pltpu.make_async_copy(rows.at[pl.ds(base, CH)], ridx[k], rsem[k]).wait()

    def cload(ch, k):
        pltpu.async_copy(cols.at[pl.ds(base + ch * CH, CH)], cidx[k], isem[k])

    def iwait(k):
        pltpu.make_async_copy(cols.at[pl.ds(base, CH)], cidx[k], isem[k]).wait()

    def gath(k):
        pltpu.async_copy(g.at[ridx[k]], bufs[k], gsem[k])

    def gwait(k):
        pltpu.make_async_copy(g.at[ridx[k]], bufs[k], gsem[k]).wait()

    def scat(bk, ck):
        pltpu.sync_copy(bufs[bk], s_sp.at[cidx[ck]], add=True)

    def swait(bk, ck):
        pass

    pltpu.sync_copy(rows.at[pl.ds(base, CH)], ridx0)
    pltpu.sync_copy(cols.at[pl.ds(base, CH)], cidx0)
    rload(1, 1)
    rload(2, 2)
    cload(1, 1)
    plsc.subcore_barrier()

    gath(0)
    iwait(1); rwait(1); gath(1)
    gwait(0); scat(0, 0)
    cload(2, 2); rload(3, 0)
    iwait(2); rwait(2); gath(2)
    gwait(1); scat(1, 1)
    cload(3, 3); rload(4, 1)
    for ch in (3, 4):
        iwait(ch % 4); rwait(ch % 3); swait((ch - 3) % 3, (ch - 3) % 4)
        gath(ch % 3)
        gwait((ch - 1) % 3)
        scat((ch - 1) % 3, (ch - 1) % 4)
        cload(ch + 1, (ch + 1) % 4)
        rload(ch + 2, (ch + 2) % 3)

    def body(i, carry):
        ch0 = 5 + 12 * i
        for k in range(12):
            ch = ch0 + k
            c4 = (5 + k) % 4
            c3 = (5 + k) % 3
            iwait(c4)
            rwait(c3)
            swait(c3, (c4 + 1) % 4)
            gath(c3)
            gwait((c3 + 2) % 3)
            scat((c3 + 2) % 3, (c4 + 3) % 4)
            @pl.when(ch + 1 < NCHUNK)
            def _():
                cload(ch + 1, (c4 + 1) % 4)
            @pl.when(ch + 2 < NCHUNK)
            def _():
                rload(ch + 2, (c3 + 2) % 3)
        return carry

    lax.fori_loop(0, (NCHUNK - 5) // 12, body, 0)
    last = NCHUNK - 1
    gwait(last % 3)
    scat(last % 3, last % 4)
    for m in (last - 2, last - 1, last):
        swait(m % 3, m % 4)

    plsc.subcore_barrier()
    pltpu.sync_copy(s_sp.at[pl.ds(s * RPT, RPT)],
                    s_out.at[c, pl.ds(s * RPT, RPT)])
    @pl.when(s == NS - 1)
    def _():
        pltpu.sync_copy(s_sp.at[pl.ds(NS * RPT, TAIL)],
                        s_out.at[c, pl.ds(NS * RPT, TAIL)])



_BLK = 1000
_GRID = N // _BLK

_row_spec = pl.BlockSpec((_BLK, D), lambda i: (i, 0))
_deg_spec = pl.BlockSpec((_BLK, D), lambda i: (i, 0))
_w_spec = pl.BlockSpec((D, D), lambda i: (0, 0))
_b_spec = pl.BlockSpec((1, D), lambda i: (0, 0))


def _dinv(dega_ref, degb_ref):
    d = dega_ref[:, 0:1] + degb_ref[:, 0:1] + 1.0
    return lax.rsqrt(d)


def _tc_prep_body(dega_ref, degb_ref, x_ref, w_ref, g_ref):
    dinv = _dinv(dega_ref, degb_ref)
    h = jnp.dot(x_ref[...], w_ref[...], preferred_element_type=jnp.float32)
    g_ref[...] = dinv * h


_tc_prep = pl.pallas_call(
    _tc_prep_body,
    grid=(_GRID,),
    in_specs=[_deg_spec, _deg_spec, _row_spec, _w_spec],
    out_specs=_row_spec,
    out_shape=jax.ShapeDtypeStruct((N, D), jnp.float32),
)


def _tc_mid_body(sa_ref, sb_ref, g1_ref, dega_ref, degb_ref, b_ref, w_ref, g2_ref):
    dinv = _dinv(dega_ref, degb_ref)
    s = sa_ref[...] + sb_ref[...] + g1_ref[...]
    z = jnp.maximum(dinv * s + b_ref[...], 0.0)
    h = jnp.dot(z, w_ref[...], preferred_element_type=jnp.float32)
    g2_ref[...] = dinv * h


_tc_mid = pl.pallas_call(
    _tc_mid_body,
    grid=(_GRID,),
    in_specs=[_row_spec, _row_spec, _row_spec, _deg_spec, _deg_spec, _b_spec,
              _w_spec],
    out_specs=_row_spec,
    out_shape=jax.ShapeDtypeStruct((N, D), jnp.float32),
)


def _tc_final_body(sa_ref, sb_ref, g2_ref, dega_ref, degb_ref, b_ref, o_ref):
    dinv = _dinv(dega_ref, degb_ref)
    s = sa_ref[...] + sb_ref[...] + g2_ref[...]
    o_ref[...] = dinv * s + b_ref[...]


_tc_final = pl.pallas_call(
    _tc_final_body,
    grid=(_GRID,),
    in_specs=[_row_spec, _row_spec, _row_spec, _deg_spec, _deg_spec, _b_spec],
    out_specs=_row_spec,
    out_shape=jax.ShapeDtypeStruct((N, D), jnp.float32),
)



def kernel(x, edge_index, W1, b1, W2, b2):
    rows = edge_index[0]
    cols = edge_index[1]
    zerosd = jnp.zeros((N, D), jnp.float32)
    onesd = jnp.ones((CH, D), jnp.float32)
    b1r = b1.reshape(1, D)
    b2r = b2.reshape(1, D)

    deg_p = _sc_degree(cols, zerosd, onesd)
    dega, degb = deg_p[0], deg_p[1]

    g1 = _tc_prep(dega, degb, x, W1)
    s1 = _sc_scatter(g1, rows, cols, zerosd)
    g2 = _tc_mid(s1[0], s1[1], g1, dega, degb, b1r, W2)
    s2 = _sc_scatter(g2, rows, cols, zerosd)
    return _tc_final(s2[0], s2[1], g2, dega, degb, b2r)

# --- scband reference (transcript-rebuilt; emitter-appended) ---
"""Pipeline reference for scband-gcn-18408229830831 (READ-ONLY COPY).

The authoritative reference and input builder live on the scoring server;
editing this copy changes nothing except your own understanding.
"""

import jax, jax.numpy as jnp
import numpy as np

N = 10000
E = 320000
D_IN = 128
D_H = 128
D_OUT = 128


def setup_inputs(seed: int = 0) -> dict:
    key = jax.random.key(seed)
    k1, k2, k3, k4, k5, k6 = jax.random.split(key, 6)
    x = jax.random.normal(k1, (N, D_IN), dtype=jnp.float32)
    edge_index = jax.random.randint(k2, (2, E), 0, N, dtype=jnp.int32)
    W1 = jax.random.normal(k3, (D_IN, D_H), dtype=jnp.float32) * (1.0 / np.sqrt(D_IN))
    b1 = jnp.zeros((D_H,), dtype=jnp.float32)
    W2 = jax.random.normal(k4, (D_H, D_OUT), dtype=jnp.float32) * (1.0 / np.sqrt(D_H))
    b2 = jnp.zeros((D_OUT,), dtype=jnp.float32)
    return {"x": x, "edge_index": edge_index, "W1": W1, "b1": b1, "W2": W2, "b2": b2}


def gcn_conv(x, edge_index, W, b):
    # PyG GCNConv: add self-loops, symmetric normalization, linear, scatter-add aggregate
    n = x.shape[0]
    loop = jnp.arange(n, dtype=edge_index.dtype)
    row = jnp.concatenate([edge_index[0], loop])
    col = jnp.concatenate([edge_index[1], loop])
    ew = jnp.ones(row.shape[0], dtype=x.dtype)
    deg = jax.ops.segment_sum(ew, col, num_segments=n)
    deg_inv_sqrt = jnp.where(deg > 0, 1.0 / jnp.sqrt(deg), 0.0)
    norm = deg_inv_sqrt[row] * deg_inv_sqrt[col]
    h = x @ W
    msg = h[row] * norm[:, None]
    out = jax.ops.segment_sum(msg, col, num_segments=n)
    return out + b


def reference(x, edge_index, W1, b1, W2, b2):
    h = jax.nn.relu(gcn_conv(x, edge_index, W1, b1))
    # F.dropout with training=False (eval) is identity
    return gcn_conv(h, edge_index, W2, b2)

if __name__ == "__main__":
    import jax
    _d = setup_inputs()
    print(jax.jit(kernel)(*tuple(_d.values())))

</pallas_src>

<mosaic_0001>
#map = affine_map<(d0, d1) -> (0, 0)>
#map1 = affine_map<(d0, d1) -> (0)>
#map2 = affine_map<(d0, d1) -> (0, 0, 0)>
module attributes {stable_mosaic.version = 14 : i64} {
  func.func @_sc_scatter(%arg0: i32, %arg1: i32, %arg2: memref<10000x128xf32, #tpu.memory_space<hbm>>, %arg3: memref<320000xi32, #tpu.memory_space<hbm>>, %arg4: memref<320000xi32, #tpu.memory_space<hbm>>, %arg5: memref<10000x128xf32, #tpu.memory_space<hbm>>, %arg6: memref<2x10000x128xf32, #tpu.memory_space<hbm>>, %arg7: memref<80xi32, #tpu.memory_space<vmem>>, %arg8: memref<80xi32, #tpu.memory_space<vmem>>, %arg9: memref<80xi32, #tpu.memory_space<vmem>>, %arg10: memref<80xi32, #tpu.memory_space<vmem>>, %arg11: memref<80xi32, #tpu.memory_space<vmem>>, %arg12: memref<80xi32, #tpu.memory_space<vmem>>, %arg13: memref<80xi32, #tpu.memory_space<vmem>>, %arg14: memref<80x128xf32, #tpu.memory_space<vmem>>, %arg15: memref<80x128xf32, #tpu.memory_space<vmem>>, %arg16: memref<80x128xf32, #tpu.memory_space<vmem>>, %arg17: memref<!tpu.dma_semaphore, #tpu.memory_space<semaphore_mem>>, %arg18: memref<!tpu.dma_semaphore, #tpu.memory_space<semaphore_mem>>, %arg19: memref<!tpu.dma_semaphore, #tpu.memory_space<semaphore_mem>>, %arg20: memref<!tpu.dma_semaphore, #tpu.memory_space<semaphore_mem>>, %arg21: memref<!tpu.dma_semaphore, #tpu.memory_space<semaphore_mem>>, %arg22: memref<!tpu.dma_semaphore, #tpu.memory_space<semaphore_mem>>, %arg23: memref<!tpu.dma_semaphore, #tpu.memory_space<semaphore_mem>>, %arg24: memref<!tpu.dma_semaphore, #tpu.memory_space<semaphore_mem>>, %arg25: memref<!tpu.dma_semaphore, #tpu.memory_space<semaphore_mem>>, %arg26: memref<!tpu.dma_semaphore, #tpu.memory_space<semaphore_mem>>, %arg27: memref<!tpu.dma_semaphore, #tpu.memory_space<semaphore_mem>>, %arg28: memref<!tpu.dma_semaphore, #tpu.memory_space<semaphore_mem>>, %arg29: memref<!tpu.dma_semaphore, #tpu.memory_space<semaphore_mem>>, %arg30: memref<!tpu.dma_semaphore, #tpu.memory_space<semaphore_mem>>, %arg31: memref<10000x128xf32, #tpu.memory_space<vmem_shared>>) attributes {dimension_semantics = [#tpu.dimension_semantics<core_parallel>, #tpu.dimension_semantics<subcore_parallel>], iteration_bounds = array<i64: 2, 16>, scalar_prefetch = 0 : i64, scratch_operands = 25 : i64, tpu.core_type = #tpu.core_type<sc_vector_subcore>, window_params = [{transform_indices = #map}, {transform_indices = #map1}, {transform_indices = #map1}, {transform_indices = #map}, {transform_indices = #map2}]} {
    %mul3A = arith.constant 16 : i32
    %mul3A_0 = arith.muli %arg0, %mul3A : i32
    %add3A = arith.addi %mul3A_0, %arg1 : i32
    %mul3A_1 = arith.constant 10000 : i32
    %mul3A_2 = arith.muli %add3A, %mul3A_1 : i32
    %mul3A_3 = arith.constant 624 : i32
    %mul3A_4 = arith.muli %arg1, %mul3A_3 : i32
    %mul3A_5 = arith.constant 624 : i32
    %mul3A_6 = arith.muli %arg1, %mul3A_5 : i32
    "tpu.region"() ({
      %run_scoped3A = tpu.sem_alloc : memref<!tpu.dma_semaphore, #tpu.memory_space<semaphore_mem>>
      %dma_start3A_112 = arith.constant 0 : i32
      %dma_start3A_113 = tpu.memref_slice %arg31[%mul3A_6, %dma_start3A_112] : memref<10000x128xf32, #tpu.memory_space<vmem_shared>> -> memref<624x128xf32, #tpu.memory_space<vmem_shared>>
      %dma_start3A_114 = arith.constant 0 : i32
      %dma_start3A_115 = tpu.memref_slice %arg5[%mul3A_4, %dma_start3A_114] : memref<10000x128xf32, #tpu.memory_space<hbm>> -> memref<624x128xf32, #tpu.memory_space<hbm>>
      tpu.enqueue_dma source(%dma_start3A_115 : memref<624x128xf32, #tpu.memory_space<hbm>>) target(%dma_start3A_113 : memref<624x128xf32, #tpu.memory_space<vmem_shared>>) target_semaphore(%run_scoped3A : memref<!tpu.dma_semaphore, #tpu.memory_space<semaphore_mem>>)
      %dma_wait3A_116 = arith.constant 0 : i32
      %dma_wait3A_117 = tpu.memref_slice %arg31[%mul3A_6, %dma_wait3A_116] : memref<10000x128xf32, #tpu.memory_space<vmem_shared>> -> memref<624x128xf32, #tpu.memory_space<vmem_shared>>
      %dma_wait3A_118 = arith.constant 0 : i32
      %dma_wait3A_119 = tpu.memref_slice %arg5[%mul3A_4, %dma_wait3A_118] : memref<10000x128xf32, #tpu.memory_space<hbm>> -> memref<624x128xf32, #tpu.memory_space<hbm>>
      tpu.wait_dma2 semaphore(%run_scoped3A : memref<!tpu.dma_semaphore, #tpu.memory_space<semaphore_mem>>) src(%dma_wait3A_119 : memref<624x128xf32, #tpu.memory_space<hbm>>) dst(%dma_wait3A_117 : memref<624x128xf32, #tpu.memory_space<vmem_shared>>)
      tpu.yield
    }) : () -> ()
    %eq3A = arith.constant 15 : i32
    %eq3A_7 = arith.cmpi eq, %arg1, %eq3A : i32
    %convert_element_type3A = arith.extui %eq3A_7 : i1 to i32
    %cond3A = arith.constant 0 : i32
    %cond3A_8 = arith.cmpi ne, %convert_element_type3A, %cond3A : i32
    scf.if %cond3A_8 {
      "tpu.region"() ({
        %run_scoped3A = tpu.sem_alloc : memref<!tpu.dma_semaphore, #tpu.memory_space<semaphore_mem>>
        %dma_start3A_112 = arith.constant 9984 : i32
        %dma_start3A_113 = arith.constant 0 : i32
        %dma_start3A_114 = tpu.memref_slice %arg31[%dma_start3A_112, %dma_start3A_113] : memref<10000x128xf32, #tpu.memory_space<vmem_shared>> -> memref<16x128xf32, #tpu.memory_space<vmem_shared>>
        %dma_start3A_115 = arith.constant 9984 : i32
        %dma_start3A_116 = arith.constant 0 : i32
        %dma_start3A_117 = tpu.memref_slice %arg5[%dma_start3A_115, %dma_start3A_116] : memref<10000x128xf32, #tpu.memory_space<hbm>> -> memref<16x128xf32, #tpu.memory_space<hbm>>
        tpu.enqueue_dma source(%dma_start3A_117 : memref<16x128xf32, #tpu.memory_space<hbm>>) target(%dma_start3A_114 : memref<16x128xf32, #tpu.memory_space<vmem_shared>>) target_semaphore(%run_scoped3A : memref<!tpu.dma_semaphore, #tpu.memory_space<semaphore_mem>>)
        %dma_wait3A_118 = arith.constant 9984 : i32
        %dma_wait3A_119 = arith.constant 0 : i32
        %dma_wait3A_120 = tpu.memref_slice %arg31[%dma_wait3A_118, %dma_wait3A_119] : memref<10000x128xf32, #tpu.memory_space<vmem_shared>> -> memref<16x128xf32, #tpu.memory_space<vmem_shared>>
        %dma_wait3A_121 = arith.constant 9984 : i32
        %dma_wait3A_122 = arith.constant 0 : i32
        %dma_wait3A_123 = tpu.memref_slice %arg5[%dma_wait3A_121, %dma_wait3A_122] : memref<10000x128xf32, #tpu.memory_space<hbm>> -> memref<16x128xf32, #tpu.memory_space<hbm>>
        tpu.wait_dma2 semaphore(%run_scoped3A : memref<!tpu.dma_semaphore, #tpu.memory_space<semaphore_mem>>) src(%dma_wait3A_123 : memref<16x128xf32, #tpu.memory_space<hbm>>) dst(%dma_wait3A_120 : memref<16x128xf32, #tpu.memory_space<vmem_shared>>)
        tpu.yield
      }) : () -> ()
    } else {
    }
    "tpu.region"() ({
      %run_scoped3A = tpu.sem_alloc : memref<!tpu.dma_semaphore, #tpu.memory_space<semaphore_mem>>
      %dma_start3A_112 = tpu.memref_slice %arg3[%mul3A_2] : memref<320000xi32, #tpu.memory_space<hbm>> -> memref<80xi32, #tpu.memory_space<hbm>>
      %dma_start3A_113 = tpu.memref_slice %arg3[%mul3A_2] : memref<320000xi32, #tpu.memory_space<hbm>> -> memref<80xi32, #tpu.memory_space<hbm>>
      tpu.enqueue_dma source(%dma_start3A_113 : memref<80xi32, #tpu.memory_space<hbm>>) target(%arg7 : memref<80xi32, #tpu.memory_space<vmem>>) target_semaphore(%run_scoped3A : memref<!tpu.dma_semaphore, #tpu.memory_space<semaphore_mem>>)
      %dma_wait3A_114 = tpu.memref_slice %arg3[%mul3A_2] : memref<320000xi32, #tpu.memory_space<hbm>> -> memref<80xi32, #tpu.memory_space<hbm>>
      %dma_wait3A_115 = tpu.memref_slice %arg3[%mul3A_2] : memref<320000xi32, #tpu.memory_space<hbm>> -> memref<80xi32, #tpu.memory_space<hbm>>
      tpu.wait_dma2 semaphore(%run_scoped3A : memref<!tpu.dma_semaphore, #tpu.memory_space<semaphore_mem>>) src(%dma_wait3A_115 : memref<80xi32, #tpu.memory_space<hbm>>) dst(%arg7 : memref<80xi32, #tpu.memory_space<vmem>>)
      tpu.yield
    }) : () -> ()
    "tpu.region"() ({
      %run_scoped3A = tpu.sem_alloc : memref<!tpu.dma_semaphore, #tpu.memory_space<semaphore_mem>>
      %dma_start3A_112 = tpu.memref_slice %arg4[%mul3A_2] : memref<320000xi32, #tpu.memory_space<hbm>> -> memref<80xi32, #tpu.memory_space<hbm>>
      %dma_start3A_113 = tpu.memref_slice %arg4[%mul3A_2] : memref<320000xi32, #tpu.memory_space<hbm>> -> memref<80xi32, #tpu.memory_space<hbm>>
      tpu.enqueue_dma source(%dma_start3A_113 : memref<80xi32, #tpu.memory_space<hbm>>) target(%arg10 : memref<80xi32, #tpu.memory_space<vmem>>) target_semaphore(%run_scoped3A : memref<!tpu.dma_semaphore, #tpu.memory_space<semaphore_mem>>)
      %dma_wait3A_114 = tpu.memref_slice %arg4[%mul3A_2] : memref<320000xi32, #tpu.memory_space<hbm>> -> memref<80xi32, #tpu.memory_space<hbm>>
      %dma_wait3A_115 = tpu.memref_slice %arg4[%mul3A_2] : memref<320000xi32, #tpu.memory_space<hbm>> -> memref<80xi32, #tpu.memory_space<hbm>>
      tpu.wait_dma2 semaphore(%run_scoped3A : memref<!tpu.dma_semaphore, #tpu.memory_space<semaphore_mem>>) src(%dma_wait3A_115 : memref<80xi32, #tpu.memory_space<hbm>>) dst(%arg10 : memref<80xi32, #tpu.memory_space<vmem>>)
      tpu.yield
    }) : () -> ()
    %add3A_9 = arith.constant 80 : i32
    %add3A_10 = arith.addi %mul3A_2, %add3A_9 : i32
    %dma_start3A = tpu.memref_slice %arg3[%add3A_10] : memref<320000xi32, #tpu.memory_space<hbm>> -> memref<80xi32, #tpu.memory_space<hbm>>
    %dma_start3A_11 = tpu.memref_slice %arg3[%add3A_10] : memref<320000xi32, #tpu.memory_space<hbm>> -> memref<80xi32, #tpu.memory_space<hbm>>
    tpu.enqueue_dma source(%dma_start3A_11 : memref<80xi32, #tpu.memory_space<hbm>>) target(%arg8 : memref<80xi32, #tpu.memory_space<vmem>>) target_semaphore(%arg18 : memref<!tpu.dma_semaphore, #tpu.memory_space<semaphore_mem>>)
    %add3A_12 = arith.constant 160 : i32
    %add3A_13 = arith.addi %mul3A_2, %add3A_12 : i32
    %dma_start3A_14 = tpu.memref_slice %arg3[%add3A_13] : memref<320000xi32, #tpu.memory_space<hbm>> -> memref<80xi32, #tpu.memory_space<hbm>>
    %dma_start3A_15 = tpu.memref_slice %arg3[%add3A_13] : memref<320000xi32, #tpu.memory_space<hbm>> -> memref<80xi32, #tpu.memory_space<hbm>>
    tpu.enqueue_dma source(%dma_start3A_15 : memref<80xi32, #tpu.memory_space<hbm>>) target(%arg9 : memref<80xi32, #tpu.memory_space<vmem>>) target_semaphore(%arg19 : memref<!tpu.dma_semaphore, #tpu.memory_space<semaphore_mem>>)
    %add3A_16 = arith.constant 80 : i32
    %add3A_17 = arith.addi %mul3A_2, %add3A_16 : i32
    %dma_start3A_18 = tpu.memref_slice %arg4[%add3A_17] : memref<320000xi32, #tpu.memory_space<hbm>> -> memref<80xi32, #tpu.memory_space<hbm>>
    %dma_start3A_19 = tpu.memref_slice %arg4[%add3A_17] : memref<320000xi32, #tpu.memory_space<hbm>> -> memref<80xi32, #tpu.memory_space<hbm>>
    tpu.enqueue_dma source(%dma_start3A_19 : memref<80xi32, #tpu.memory_space<hbm>>) target(%arg11 : memref<80xi32, #tpu.memory_space<vmem>>) target_semaphore(%arg21 : memref<!tpu.dma_semaphore, #tpu.memory_space<semaphore_mem>>)
    %barrier3A = arith.constant 0 : index
    tpu.barrier barrier_id(%barrier3A)
    %dma_start3A_20 = arith.constant 0 : i32
    %dma_start3A_21 = arith.constant 0 : i32
    %dma_start3A_22 = tpu.memref_slice %arg2[%dma_start3A_20, %dma_start3A_21] : memref<10000x128xf32, #tpu.memory_space<hbm>> -> memref<10000x128xf32, #tpu.memory_space<hbm>>
    tpu.enqueue_indirect_dma source(%dma_start3A_22 : memref<10000x128xf32, #tpu.memory_space<hbm>>) target(%arg14 : memref<80x128xf32, #tpu.memory_space<vmem>>) offsets(%arg7 : memref<80xi32, #tpu.memory_space<vmem>>) semaphore(%arg24 : memref<!tpu.dma_semaphore, #tpu.memory_space<semaphore_mem>>)
    %dma_wait3A = tpu.memref_slice %arg4[%mul3A_2] : memref<320000xi32, #tpu.memory_space<hbm>> -> memref<80xi32, #tpu.memory_space<hbm>>
    %dma_wait3A_23 = tpu.memref_slice %arg4[%mul3A_2] : memref<320000xi32, #tpu.memory_space<hbm>> -> memref<80xi32, #tpu.memory_space<hbm>>
    tpu.wait_dma2 semaphore(%arg21 : memref<!tpu.dma_semaphore, #tpu.memory_space<semaphore_mem>>) src(%dma_wait3A_23 : memref<80xi32, #tpu.memory_space<hbm>>) dst(%arg11 : memref<80xi32, #tpu.memory_space<vmem>>)
    %dma_wait3A_24 = tpu.memref_slice %arg3[%mul3A_2] : memref<320000xi32, #tpu.memory_space<hbm>> -> memref<80xi32, #tpu.memory_space<hbm>>
    %dma_wait3A_25 = tpu.memref_slice %arg3[%mul3A_2] : memref<320000xi32, #tpu.memory_space<hbm>> -> memref<80xi32, #tpu.memory_space<hbm>>
    tpu.wait_dma2 semaphore(%arg18 : memref<!tpu.dma_semaphore, #tpu.memory_space<semaphore_mem>>) src(%dma_wait3A_25 : memref<80xi32, #tpu.memory_space<hbm>>) dst(%arg8 : memref<80xi32, #tpu.memory_space<vmem>>)
    %dma_start3A_26 = arith.constant 0 : i32
    %dma_start3A_27 = arith.constant 0 : i32
    %dma_start3A_28 = tpu.memref_slice %arg2[%dma_start3A_26, %dma_start3A_27] : memref<10000x128xf32, #tpu.memory_space<hbm>> -> memref<10000x128xf32, #tpu.memory_space<hbm>>
    tpu.enqueue_indirect_dma source(%dma_start3A_28 : memref<10000x128xf32, #tpu.memory_space<hbm>>) target(%arg15 : memref<80x128xf32, #tpu.memory_space<vmem>>) offsets(%arg8 : memref<80xi32, #tpu.memory_space<vmem>>) semaphore(%arg25 : memref<!tpu.dma_semaphore, #tpu.memory_space<semaphore_mem>>)
    %dma_wait3A_29 = arith.constant 0 : i32
    %dma_wait3A_30 = arith.constant 0 : i32
    %dma_wait3A_31 = tpu.memref_slice %arg2[%dma_wait3A_29, %dma_wait3A_30] : memref<10000x128xf32, #tpu.memory_space<hbm>> -> memref<10000x128xf32, #tpu.memory_space<hbm>>
    tpu.wait_indirect_dma semaphore(%arg24 : memref<!tpu.dma_semaphore, #tpu.memory_space<semaphore_mem>>) src(%dma_wait3A_31 : memref<10000x128xf32, #tpu.memory_space<hbm>>) dst(%arg14 : memref<80x128xf32, #tpu.memory_space<vmem>>)
    "tpu.region"() ({
      %run_scoped3A = tpu.sem_alloc : memref<!tpu.dma_semaphore, #tpu.memory_space<semaphore_mem>>
      %dma_start3A_112 = arith.constant 0 : i32
      %dma_start3A_113 = arith.constant 0 : i32
      %dma_start3A_114 = tpu.memref_slice %arg31[%dma_start3A_112, %dma_start3A_113] : memref<10000x128xf32, #tpu.memory_space<vmem_shared>> -> memref<10000x128xf32, #tpu.memory_space<vmem_shared>>
      tpu.enqueue_indirect_dma source(%arg14 : memref<80x128xf32, #tpu.memory_space<vmem>>) target(%dma_start3A_114 : memref<10000x128xf32, #tpu.memory_space<vmem_shared>>) offsets(%arg10 : memref<80xi32, #tpu.memory_space<vmem>>) semaphore(%run_scoped3A : memref<!tpu.dma_semaphore, #tpu.memory_space<semaphore_mem>>) {add = true}
      %dma_wait3A_115 = arith.constant 0 : i32
      %dma_wait3A_116 = arith.constant 0 : i32
      %dma_wait3A_117 = tpu.memref_slice %arg31[%dma_wait3A_115, %dma_wait3A_116] : memref<10000x128xf32, #tpu.memory_space<vmem_shared>> -> memref<10000x128xf32, #tpu.memory_space<vmem_shared>>
      tpu.wait_indirect_dma semaphore(%run_scoped3A : memref<!tpu.dma_semaphore, #tpu.memory_space<semaphore_mem>>) src(%arg14 : memref<80x128xf32, #tpu.memory_space<vmem>>) dst(%dma_wait3A_117 : memref<10000x128xf32, #tpu.memory_space<vmem_shared>>)
      tpu.yield
    }) : () -> ()
    %add3A_32 = arith.constant 160 : i32
    %add3A_33 = arith.addi %mul3A_2, %add3A_32 : i32
    %dma_start3A_34 = tpu.memref_slice %arg4[%add3A_33] : memref<320000xi32, #tpu.memory_space<hbm>> -> memref<80xi32, #tpu.memory_space<hbm>>
    %dma_start3A_35 = tpu.memref_slice %arg4[%add3A_33] : memref<320000xi32, #tpu.memory_space<hbm>> -> memref<80xi32, #tpu.memory_space<hbm>>
    tpu.enqueue_dma source(%dma_start3A_35 : memref<80xi32, #tpu.memory_space<hbm>>) target(%arg12 : memref<80xi32, #tpu.memory_space<vmem>>) target_semaphore(%arg22 : memref<!tpu.dma_semaphore, #tpu.memory_space<semaphore_mem>>)
    %add3A_36 = arith.constant 240 : i32
    %add3A_37 = arith.addi %mul3A_2, %add3A_36 : i32
    %dma_start3A_38 = tpu.memref_slice %arg3[%add3A_37] : memref<320000xi32, #tpu.memory_space<hbm>> -> memref<80xi32, #tpu.memory_space<hbm>>
    %dma_start3A_39 = tpu.memref_slice %arg3[%add3A_37] : memref<320000xi32, #tpu.memory_space<hbm>> -> memref<80xi32, #tpu.memory_space<hbm>>
    tpu.enqueue_dma source(%dma_start3A_39 : memref<80xi32, #tpu.memory_space<hbm>>) target(%arg7 : memref<80xi32, #tpu.memory_space<vmem>>) target_semaphore(%arg17 : memref<!tpu.dma_semaphore, #tpu.memory_space<semaphore_mem>>)
    %dma_wait3A_40 = tpu.memref_slice %arg4[%mul3A_2] : memref<320000xi32, #tpu.memory_space<hbm>> -> memref<80xi32, #tpu.memory_space<hbm>>
    %dma_wait3A_41 = tpu.memref_slice %arg4[%mul3A_2] : memref<320000xi32, #tpu.memory_space<hbm>> -> memref<80xi32, #tpu.memory_space<hbm>>
    tpu.wait_dma2 semaphore(%arg22 : memref<!tpu.dma_semaphore, #tpu.memory_space<semaphore_mem>>) src(%dma_wait3A_41 : memref<80xi32, #tpu.memory_space<hbm>>) dst(%arg12 : memref<80xi32, #tpu.memory_space<vmem>>)
    %dma_wait3A_42 = tpu.memref_slice %arg3[%mul3A_2] : memref<320000xi32, #tpu.memory_space<hbm>> -> memref<80xi32, #tpu.memory_space<hbm>>
    %dma_wait3A_43 = tpu.memref_slice %arg3[%mul3A_2] : memref<320000xi32, #tpu.memory_space<hbm>> -> memref<80xi32, #tpu.memory_space<hbm>>
    tpu.wait_dma2 semaphore(%arg19 : memref<!tpu.dma_semaphore, #tpu.memory_space<semaphore_mem>>) src(%dma_wait3A_43 : memref<80xi32, #tpu.memory_space<hbm>>) dst(%arg9 : memref<80xi32, #tpu.memory_space<vmem>>)
    %dma_start3A_44 = arith.constant 0 : i32
    %dma_start3A_45 = arith.constant 0 : i32
    %dma_start3A_46 = tpu.memref_slice %arg2[%dma_start3A_44, %dma_start3A_45] : memref<10000x128xf32, #tpu.memory_space<hbm>> -> memref<10000x128xf32, #tpu.memory_space<hbm>>
    tpu.enqueue_indirect_dma source(%dma_start3A_46 : memref<10000x128xf32, #tpu.memory_space<hbm>>) target(%arg16 : memref<80x128xf32, #tpu.memory_space<vmem>>) offsets(%arg9 : memref<80xi32, #tpu.memory_space<vmem>>) semaphore(%arg26 : memref<!tpu.dma_semaphore, #tpu.memory_space<semaphore_mem>>)
    %dma_wait3A_47 = arith.constant 0 : i32
    %dma_wait3A_48 = arith.constant 0 : i32
    %dma_wait3A_49 = tpu.memref_slice %arg2[%dma_wait3A_47, %dma_wait3A_48] : memref<10000x128xf32, #tpu.memory_space<hbm>> -> memref<10000x128xf32, #tpu.memory_space<hbm>>
    tpu.wait_indirect_dma semaphore(%arg25 : memref<!tpu.dma_semaphore, #tpu.memory_space<semaphore_mem>>) src(%dma_wait3A_49 : memref<10000x128xf32, #tpu.memory_space<hbm>>) dst(%arg15 : memref<80x128xf32, #tpu.memory_space<vmem>>)
    "tpu.region"() ({
      %run_scoped3A = tpu.sem_alloc : memref<!tpu.dma_semaphore, #tpu.memory_space<semaphore_mem>>
      %dma_start3A_112 = arith.constant 0 : i32
      %dma_start3A_113 = arith.constant 0 : i32
      %dma_start3A_114 = tpu.memref_slice %arg31[%dma_start3A_112, %dma_start3A_113] : memref<10000x128xf32, #tpu.memory_space<vmem_shared>> -> memref<10000x128xf32, #tpu.memory_space<vmem_shared>>
      tpu.enqueue_indirect_dma source(%arg15 : memref<80x128xf32, #tpu.memory_space<vmem>>) target(%dma_start3A_114 : memref<10000x128xf32, #tpu.memory_space<vmem_shared>>) offsets(%arg11 : memref<80xi32, #tpu.memory_space<vmem>>) semaphore(%run_scoped3A : memref<!tpu.dma_semaphore, #tpu.memory_space<semaphore_mem>>) {add = true}
      %dma_wait3A_115 = arith.constant 0 : i32
      %dma_wait3A_116 = arith.constant 0 : i32
      %dma_wait3A_117 = tpu.memref_slice %arg31[%dma_wait3A_115, %dma_wait3A_116] : memref<10000x128xf32, #tpu.memory_space<vmem_shared>> -> memref<10000x128xf32, #tpu.memory_space<vmem_shared>>
      tpu.wait_indirect_dma semaphore(%run_scoped3A : memref<!tpu.dma_semaphore, #tpu.memory_space<semaphore_mem>>) src(%arg15 : memref<80x128xf32, #tpu.memory_space<vmem>>) dst(%dma_wait3A_117 : memref<10000x128xf32, #tpu.memory_space<vmem_shared>>)
      tpu.yield
    }) : () -> ()
    %add3A_50 = arith.constant 240 : i32
    %add3A_51 = arith.addi %mul3A_2, %add3A_50 : i32
    %dma_start3A_52 = tpu.memref_slice %arg4[%add3A_51] : memref<320000xi32, #tpu.memory_space<hbm>> -> memref<80xi32, #tpu.memory_space<hbm>>
    %dma_start3A_53 = tpu.memref_slice %arg4[%add3A_51] : memref<320000xi32, #tpu.memory_space<hbm>> -> memref<80xi32, #tpu.memory_space<hbm>>
    tpu.enqueue_dma source(%dma_start3A_53 : memref<80xi32, #tpu.memory_space<hbm>>) target(%arg13 : memref<80xi32, #tpu.memory_space<vmem>>) target_semaphore(%arg23 : memref<!tpu.dma_semaphore, #tpu.memory_space<semaphore_mem>>)
    %add3A_54 = arith.constant 320 : i32
    %add3A_55 = arith.addi %mul3A_2, %add3A_54 : i32
    %dma_start3A_56 = tpu.memref_slice %arg3[%add3A_55] : memref<320000xi32, #tpu.memory_space<hbm>> -> memref<80xi32, #tpu.memory_space<hbm>>
    %dma_start3A_57 = tpu.memref_slice %arg3[%add3A_55] : memref<320000xi32, #tpu.memory_space<hbm>> -> memref<80xi32, #tpu.memory_space<hbm>>
    tpu.enqueue_dma source(%dma_start3A_57 : memref<80xi32, #tpu.memory_space<hbm>>) target(%arg8 : memref<80xi32, #tpu.memory_space<vmem>>) target_semaphore(%arg18 : memref<!tpu.dma_semaphore, #tpu.memory_space<semaphore_mem>>)
    %dma_wait3A_58 = tpu.memref_slice %arg4[%mul3A_2] : memref<320000xi32, #tpu.memory_space<hbm>> -> memref<80xi32, #tpu.memory_space<hbm>>
    %dma_wait3A_59 = tpu.memref_slice %arg4[%mul3A_2] : memref<320000xi32, #tpu.memory_space<hbm>> -> memref<80xi32, #tpu.memory_space<hbm>>
    tpu.wait_dma2 semaphore(%arg23 : memref<!tpu.dma_semaphore, #tpu.memory_space<semaphore_mem>>) src(%dma_wait3A_59 : memref<80xi32, #tpu.memory_space<hbm>>) dst(%arg13 : memref<80xi32, #tpu.memory_space<vmem>>)
    %dma_wait3A_60 = tpu.memref_slice %arg3[%mul3A_2] : memref<320000xi32, #tpu.memory_space<hbm>> -> memref<80xi32, #tpu.memory_space<hbm>>
    %dma_wait3A_61 = tpu.memref_slice %arg3[%mul3A_2] : memref<320000xi32, #tpu.memory_space<hbm>> -> memref<80xi32, #tpu.memory_space<hbm>>
    tpu.wait_dma2 semaphore(%arg17 : memref<!tpu.dma_semaphore, #tpu.memory_space<semaphore_mem>>) src(%dma_wait3A_61 : memref<80xi32, #tpu.memory_space<hbm>>) dst(%arg7 : memref<80xi32, #tpu.memory_space<vmem>>)
    %dma_start3A_62 = arith.constant 0 : i32
    %dma_start3A_63 = arith.constant 0 : i32
    %dma_start3A_64 = tpu.memref_slice %arg2[%dma_start3A_62, %dma_start3A_63] : memref<10000x128xf32, #tpu.memory_space<hbm>> -> memref<10000x128xf32, #tpu.memory_space<hbm>>
    tpu.enqueue_indirect_dma source(%dma_start3A_64 : memref<10000x128xf32, #tpu.memory_space<hbm>>) target(%arg14 : memref<80x128xf32, #tpu.memory_space<vmem>>) offsets(%arg7 : memref<80xi32, #tpu.memory_space<vmem>>) semaphore(%arg24 : memref<!tpu.dma_semaphore, #tpu.memory_space<semaphore_mem>>)
    %dma_wait3A_65 = arith.constant 0 : i32
    %dma_wait3A_66 = arith.constant 0 : i32
    %dma_wait3A_67 = tpu.memref_slice %arg2[%dma_wait3A_65, %dma_wait3A_66] : memref<10000x128xf32, #tpu.memory_space<hbm>> -> memref<10000x128xf32, #tpu.memory_space<hbm>>
    tpu.wait_indirect_dma semaphore(%arg26 : memref<!tpu.dma_semaphore, #tpu.memory_space<semaphore_mem>>) src(%dma_wait3A_67 : memref<10000x128xf32, #tpu.memory_space<hbm>>) dst(%arg16 : memref<80x128xf32, #tpu.memory_space<vmem>>)
    "tpu.region"() ({
      %run_scoped3A = tpu.sem_alloc : memref<!tpu.dma_semaphore, #tpu.memory_space<semaphore_mem>>
      %dma_start3A_112 = arith.constant 0 : i32
      %dma_start3A_113 = arith.constant 0 : i32
      %dma_start3A_114 = tpu.memref_slice %arg31[%dma_start3A_112, %dma_start3A_113] : memref<10000x128xf32, #tpu.memory_space<vmem_shared>> -> memref<10000x128xf32, #tpu.memory_space<vmem_shared>>
      tpu.enqueue_indirect_dma source(%arg16 : memref<80x128xf32, #tpu.memory_space<vmem>>) target(%dma_start3A_114 : memref<10000x128xf32, #tpu.memory_space<vmem_shared>>) offsets(%arg12 : memref<80xi32, #tpu.memory_space<vmem>>) semaphore(%run_scoped3A : memref<!tpu.dma_semaphore, #tpu.memory_space<semaphore_mem>>) {add = true}
      %dma_wait3A_115 = arith.constant 0 : i32
      %dma_wait3A_116 = arith.constant 0 : i32
      %dma_wait3A_117 = tpu.memref_slice %arg31[%dma_wait3A_115, %dma_wait3A_116] : memref<10000x128xf32, #tpu.memory_space<vmem_shared>> -> memref<10000x128xf32, #tpu.memory_space<vmem_shared>>
      tpu.wait_indirect_dma semaphore(%run_scoped3A : memref<!tpu.dma_semaphore, #tpu.memory_space<semaphore_mem>>) src(%arg16 : memref<80x128xf32, #tpu.memory_space<vmem>>) dst(%dma_wait3A_117 : memref<10000x128xf32, #tpu.memory_space<vmem_shared>>)
      tpu.yield
    }) : () -> ()
    %add3A_68 = arith.constant 320 : i32
    %add3A_69 = arith.addi %mul3A_2, %add3A_68 : i32
    %dma_start3A_70 = tpu.memref_slice %arg4[%add3A_69] : memref<320000xi32, #tpu.memory_space<hbm>> -> memref<80xi32, #tpu.memory_space<hbm>>
    %dma_start3A_71 = tpu.memref_slice %arg4[%add3A_69] : memref<320000xi32, #tpu.memory_space<hbm>> -> memref<80xi32, #tpu.memory_space<hbm>>
    tpu.enqueue_dma source(%dma_start3A_71 : memref<80xi32, #tpu.memory_space<hbm>>) target(%arg10 : memref<80xi32, #tpu.memory_space<vmem>>) target_semaphore(%arg20 : memref<!tpu.dma_semaphore, #tpu.memory_space<semaphore_mem>>)
    %add3A_72 = arith.constant 400 : i32
    %add3A_73 = arith.addi %mul3A_2, %add3A_72 : i32
    %dma_start3A_74 = tpu.memref_slice %arg3[%add3A_73] : memref<320000xi32, #tpu.memory_space<hbm>> -> memref<80xi32, #tpu.memory_space<hbm>>
    %dma_start3A_75 = tpu.memref_slice %arg3[%add3A_73] : memref<320000xi32, #tpu.memory_space<hbm>> -> memref<80xi32, #tpu.memory_space<hbm>>
    tpu.enqueue_dma source(%dma_start3A_75 : memref<80xi32, #tpu.memory_space<hbm>>) target(%arg9 : memref<80xi32, #tpu.memory_space<vmem>>) target_semaphore(%arg19 : memref<!tpu.dma_semaphore, #tpu.memory_space<semaphore_mem>>)
    %dma_wait3A_76 = tpu.memref_slice %arg4[%mul3A_2] : memref<320000xi32, #tpu.memory_space<hbm>> -> memref<80xi32, #tpu.memory_space<hbm>>
    %dma_wait3A_77 = tpu.memref_slice %arg4[%mul3A_2] : memref<320000xi32, #tpu.memory_space<hbm>> -> memref<80xi32, #tpu.memory_space<hbm>>
    tpu.wait_dma2 semaphore(%arg20 : memref<!tpu.dma_semaphore, #tpu.memory_space<semaphore_mem>>) src(%dma_wait3A_77 : memref<80xi32, #tpu.memory_space<hbm>>) dst(%arg10 : memref<80xi32, #tpu.memory_space<vmem>>)
    %dma_wait3A_78 = tpu.memref_slice %arg3[%mul3A_2] : memref<320000xi32, #tpu.memory_space<hbm>> -> memref<80xi32, #tpu.memory_space<hbm>>
    %dma_wait3A_79 = tpu.memref_slice %arg3[%mul3A_2] : memref<320000xi32, #tpu.memory_space<hbm>> -> memref<80xi32, #tpu.memory_space<hbm>>
    tpu.wait_dma2 semaphore(%arg18 : memref<!tpu.dma_semaphore, #tpu.memory_space<semaphore_mem>>) src(%dma_wait3A_79 : memref<80xi32, #tpu.memory_space<hbm>>) dst(%arg8 : memref<80xi32, #tpu.memory_space<vmem>>)
    %dma_start3A_80 = arith.constant 0 : i32
    %dma_start3A_81 = arith.constant 0 : i32
    %dma_start3A_82 = tpu.memref_slice %arg2[%dma_start3A_80, %dma_start3A_81] : memref<10000x128xf32, #tpu.memory_space<hbm>> -> memref<10000x128xf32, #tpu.memory_space<hbm>>
    tpu.enqueue_indirect_dma source(%dma_start3A_82 : memref<10000x128xf32, #tpu.memory_space<hbm>>) target(%arg15 : memref<80x128xf32, #tpu.memory_space<vmem>>) offsets(%arg8 : memref<80xi32, #tpu.memory_space<vmem>>) semaphore(%arg25 : memref<!tpu.dma_semaphore, #tpu.memory_space<semaphore_mem>>)
    %dma_wait3A_83 = arith.constant 0 : i32
    %dma_wait3A_84 = arith.constant 0 : i32
    %dma_wait3A_85 = tpu.memref_slice %arg2[%dma_wait3A_83, %dma_wait3A_84] : memref<10000x128xf32, #tpu.memory_space<hbm>> -> memref<10000x128xf32, #tpu.memory_space<hbm>>
    tpu.wait_indirect_dma semaphore(%arg24 : memref<!tpu.dma_semaphore, #tpu.memory_space<semaphore_mem>>) src(%dma_wait3A_85 : memref<10000x128xf32, #tpu.memory_space<hbm>>) dst(%arg14 : memref<80x128xf32, #tpu.memory_space<vmem>>)
    "tpu.region"() ({
      %run_scoped3A = tpu.sem_alloc : memref<!tpu.dma_semaphore, #tpu.memory_space<semaphore_mem>>
      %dma_start3A_112 = arith.constant 0 : i32
      %dma_start3A_113 = arith.constant 0 : i32
      %dma_start3A_114 = tpu.memref_slice %arg31[%dma_start3A_112, %dma_start3A_113] : memref<10000x128xf32, #tpu.memory_space<vmem_shared>> -> memref<10000x128xf32, #tpu.memory_space<vmem_shared>>
      tpu.enqueue_indirect_dma source(%arg14 : memref<80x128xf32, #tpu.memory_space<vmem>>) target(%dma_start3A_114 : memref<10000x128xf32, #tpu.memory_space<vmem_shared>>) offsets(%arg13 : memref<80xi32, #tpu.memory_space<vmem>>) semaphore(%run_scoped3A : memref<!tpu.dma_semaphore, #tpu.memory_space<semaphore_mem>>) {add = true}
      %dma_wait3A_115 = arith.constant 0 : i32
      %dma_wait3A_116 = arith.constant 0 : i32
      %dma_wait3A_117 = tpu.memref_slice %arg31[%dma_wait3A_115, %dma_wait3A_116] : memref<10000x128xf32, #tpu.memory_space<vmem_shared>> -> memref<10000x128xf32, #tpu.memory_space<vmem_shared>>
      tpu.wait_indirect_dma semaphore(%run_scoped3A : memref<!tpu.dma_semaphore, #tpu.memory_space<semaphore_mem>>) src(%arg14 : memref<80x128xf32, #tpu.memory_space<vmem>>) dst(%dma_wait3A_117 : memref<10000x128xf32, #tpu.memory_space<vmem_shared>>)
      tpu.yield
    }) : () -> ()
    %add3A_86 = arith.constant 400 : i32
    %add3A_87 = arith.addi %mul3A_2, %add3A_86 : i32
    %dma_start3A_88 = tpu.memref_slice %arg4[%add3A_87] : memref<320000xi32, #tpu.memory_space<hbm>> -> memref<80xi32, #tpu.memory_space<hbm>>
    %dma_start3A_89 = tpu.memref_slice %arg4[%add3A_87] : memref<320000xi32, #tpu.memory_space<hbm>> -> memref<80xi32, #tpu.memory_space<hbm>>
    tpu.enqueue_dma source(%dma_start3A_89 : memref<80xi32, #tpu.memory_space<hbm>>) target(%arg11 : memref<80xi32, #tpu.memory_space<vmem>>) target_semaphore(%arg21 : memref<!tpu.dma_semaphore, #tpu.memory_space<semaphore_mem>>)
    %add3A_90 = arith.constant 480 : i32
    %add3A_91 = arith.addi %mul3A_2, %add3A_90 : i32
    %dma_start3A_92 = tpu.memref_slice %arg3[%add3A_91] : memref<320000xi32, #tpu.memory_space<hbm>> -> memref<80xi32, #tpu.memory_space<hbm>>
    %dma_start3A_93 = tpu.memref_slice %arg3[%add3A_91] : memref<320000xi32, #tpu.memory_space<hbm>> -> memref<80xi32, #tpu.memory_space<hbm>>
    tpu.enqueue_dma source(%dma_start3A_93 : memref<80xi32, #tpu.memory_space<hbm>>) target(%arg7 : memref<80xi32, #tpu.memory_space<vmem>>) target_semaphore(%arg17 : memref<!tpu.dma_semaphore, #tpu.memory_space<semaphore_mem>>)
    %scan3A = arith.constant 0 : i32
    %scan3A_94 = arith.constant 0 : i32
    %scan3A_95 = arith.constant 10 : i32
    %scan3A_96 = arith.addi %scan3A_94, %scan3A_95 : i32
    %scan3A_97 = arith.constant 1 : i32
    scf.for %scan3A_112 = %scan3A_94 to %scan3A_96 step %scan3A_97  : i32 {
      %mul3A_113 = arith.constant 12 : i32
      %mul3A_114 = arith.muli %mul3A_113, %scan3A_112 : i32
      %add3A_115 = arith.constant 5 : i32
      %add3A_116 = arith.addi %add3A_115, %mul3A_114 : i32
      %add3A_117 = arith.constant 0 : i32
      %add3A_118 = arith.addi %add3A_116, %add3A_117 : i32
      %dma_wait3A_119 = tpu.memref_slice %arg4[%mul3A_2] : memref<320000xi32, #tpu.memory_space<hbm>> -> memref<80xi32, #tpu.memory_space<hbm>>
      %dma_wait3A_120 = tpu.memref_slice %arg4[%mul3A_2] : memref<320000xi32, #tpu.memory_space<hbm>> -> memref<80xi32, #tpu.memory_space<hbm>>
      tpu.wait_dma2 semaphore(%arg21 : memref<!tpu.dma_semaphore, #tpu.memory_space<semaphore_mem>>) src(%dma_wait3A_120 : memref<80xi32, #tpu.memory_space<hbm>>) dst(%arg11 : memref<80xi32, #tpu.memory_space<vmem>>)
      %dma_wait3A_121 = tpu.memref_slice %arg3[%mul3A_2] : memref<320000xi32, #tpu.memory_space<hbm>> -> memref<80xi32, #tpu.memory_space<hbm>>
      %dma_wait3A_122 = tpu.memref_slice %arg3[%mul3A_2] : memref<320000xi32, #tpu.memory_space<hbm>> -> memref<80xi32, #tpu.memory_space<hbm>>
      tpu.wait_dma2 semaphore(%arg19 : memref<!tpu.dma_semaphore, #tpu.memory_space<semaphore_mem>>) src(%dma_wait3A_122 : memref<80xi32, #tpu.memory_space<hbm>>) dst(%arg9 : memref<80xi32, #tpu.memory_space<vmem>>)
      %dma_start3A_123 = arith.constant 0 : i32
      %dma_start3A_124 = arith.constant 0 : i32
      %dma_start3A_125 = tpu.memref_slice %arg2[%dma_start3A_123, %dma_start3A_124] : memref<10000x128xf32, #tpu.memory_space<hbm>> -> memref<10000x128xf32, #tpu.memory_space<hbm>>
      tpu.enqueue_indirect_dma source(%dma_start3A_125 : memref<10000x128xf32, #tpu.memory_space<hbm>>) target(%arg16 : memref<80x128xf32, #tpu.memory_space<vmem>>) offsets(%arg9 : memref<80xi32, #tpu.memory_space<vmem>>) semaphore(%arg26 : memref<!tpu.dma_semaphore, #tpu.memory_space<semaphore_mem>>)
      %dma_wait3A_126 = arith.constant 0 : i32
      %dma_wait3A_127 = arith.constant 0 : i32
      %dma_wait3A_128 = tpu.memref_slice %arg2[%dma_wait3A_126, %dma_wait3A_127] : memref<10000x128xf32, #tpu.memory_space<hbm>> -> memref<10000x128xf32, #tpu.memory_space<hbm>>
      tpu.wait_indirect_dma semaphore(%arg25 : memref<!tpu.dma_semaphore, #tpu.memory_space<semaphore_mem>>) src(%dma_wait3A_128 : memref<10000x128xf32, #tpu.memory_space<hbm>>) dst(%arg15 : memref<80x128xf32, #tpu.memory_space<vmem>>)
      "tpu.region"() ({
        %run_scoped3A = tpu.sem_alloc : memref<!tpu.dma_semaphore, #tpu.memory_space<semaphore_mem>>
        %dma_start3A_428 = arith.constant 0 : i32
        %dma_start3A_429 = arith.constant 0 : i32
        %dma_start3A_430 = tpu.memref_slice %arg31[%dma_start3A_428, %dma_start3A_429] : memref<10000x128xf32, #tpu.memory_space<vmem_shared>> -> memref<10000x128xf32, #tpu.memory_space<vmem_shared>>
        tpu.enqueue_indirect_dma source(%arg15 : memref<80x128xf32, #tpu.memory_space<vmem>>) target(%dma_start3A_430 : memref<10000x128xf32, #tpu.memory_space<vmem_shared>>) offsets(%arg10 : memref<80xi32, #tpu.memory_space<vmem>>) semaphore(%run_scoped3A : memref<!tpu.dma_semaphore, #tpu.memory_space<semaphore_mem>>) {add = true}
        %dma_wait3A_431 = arith.constant 0 : i32
        %dma_wait3A_432 = arith.constant 0 : i32
        %dma_wait3A_433 = tpu.memref_slice %arg31[%dma_wait3A_431, %dma_wait3A_432] : memref<10000x128xf32, #tpu.memory_space<vmem_shared>> -> memref<10000x128xf32, #tpu.memory_space<vmem_shared>>
        tpu.wait_indirect_dma semaphore(%run_scoped3A : memref<!tpu.dma_semaphore, #tpu.memory_space<semaphore_mem>>) src(%arg15 : memref<80x128xf32, #tpu.memory_space<vmem>>) dst(%dma_wait3A_433 : memref<10000x128xf32, #tpu.memory_space<vmem_shared>>)
        tpu.yield
      }) : () -> ()
      %add3A_129 = arith.constant 1 : i32
      %add3A_130 = arith.addi %add3A_118, %add3A_129 : i32
      %lt3A = arith.constant 125 : i32
      %lt3A_131 = arith.cmpi slt, %add3A_130, %lt3A : i32
      %convert_element_type3A_132 = arith.extui %lt3A_131 : i1 to i32
      %cond3A_133 = arith.constant 0 : i32
      %cond3A_134 = arith.cmpi ne, %convert_element_type3A_132, %cond3A_133 : i32
      scf.if %cond3A_134 {
        %add3A_428 = arith.constant 1 : i32
        %add3A_429 = arith.addi %add3A_118, %add3A_428 : i32
        %mul3A_430 = arith.constant 80 : i32
        %mul3A_431 = arith.muli %add3A_429, %mul3A_430 : i32
        %add3A_432 = arith.addi %mul3A_2, %mul3A_431 : i32
        %dma_start3A_433 = tpu.memref_slice %arg4[%add3A_432] : memref<320000xi32, #tpu.memory_space<hbm>> -> memref<80xi32, #tpu.memory_space<hbm>>
        %dma_start3A_434 = tpu.memref_slice %arg4[%add3A_432] : memref<320000xi32, #tpu.memory_space<hbm>> -> memref<80xi32, #tpu.memory_space<hbm>>
        tpu.enqueue_dma source(%dma_start3A_434 : memref<80xi32, #tpu.memory_space<hbm>>) target(%arg12 : memref<80xi32, #tpu.memory_space<vmem>>) target_semaphore(%arg22 : memref<!tpu.dma_semaphore, #tpu.memory_space<semaphore_mem>>)
      } else {
      }
      %add3A_135 = arith.constant 2 : i32
      %add3A_136 = arith.addi %add3A_118, %add3A_135 : i32
      %lt3A_137 = arith.constant 125 : i32
      %lt3A_138 = arith.cmpi slt, %add3A_136, %lt3A_137 : i32
      %convert_element_type3A_139 = arith.extui %lt3A_138 : i1 to i32
      %cond3A_140 = arith.constant 0 : i32
      %cond3A_141 = arith.cmpi ne, %convert_element_type3A_139, %cond3A_140 : i32
      scf.if %cond3A_141 {
        %add3A_428 = arith.constant 2 : i32
        %add3A_429 = arith.addi %add3A_118, %add3A_428 : i32
        %mul3A_430 = arith.constant 80 : i32
        %mul3A_431 = arith.muli %add3A_429, %mul3A_430 : i32
        %add3A_432 = arith.addi %mul3A_2, %mul3A_431 : i32
        %dma_start3A_433 = tpu.memref_slice %arg3[%add3A_432] : memref<320000xi32, #tpu.memory_space<hbm>> -> memref<80xi32, #tpu.memory_space<hbm>>
        %dma_start3A_434 = tpu.memref_slice %arg3[%add3A_432] : memref<320000xi32, #tpu.memory_space<hbm>> -> memref<80xi32, #tpu.memory_space<hbm>>
        tpu.enqueue_dma source(%dma_start3A_434 : memref<80xi32, #tpu.memory_space<hbm>>) target(%arg8 : memref<80xi32, #tpu.memory_space<vmem>>) target_semaphore(%arg18 : memref<!tpu.dma_semaphore, #tpu.memory_space<semaphore_mem>>)
      } else {
      }
      %add3A_142 = arith.constant 1 : i32
      %add3A_143 = arith.addi %add3A_116, %add3A_142 : i32
      %dma_wait3A_144 = tpu.memref_slice %arg4[%mul3A_2] : memref<320000xi32, #tpu.memory_space<hbm>> -> memref<80xi32, #tpu.memory_space<hbm>>
      %dma_wait3A_145 = tpu.memref_slice %arg4[%mul3A_2] : memref<320000xi32, #tpu.memory_space<hbm>> -> memref<80xi32, #tpu.memory_space<hbm>>
      tpu.wait_dma2 semaphore(%arg22 : memref<!tpu.dma_semaphore, #tpu.memory_space<semaphore_mem>>) src(%dma_wait3A_145 : memref<80xi32, #tpu.memory_space<hbm>>) dst(%arg12 : memref<80xi32, #tpu.memory_space<vmem>>)
      %dma_wait3A_146 = tpu.memref_slice %arg3[%mul3A_2] : memref<320000xi32, #tpu.memory_space<hbm>> -> memref<80xi32, #tpu.memory_space<hbm>>
      %dma_wait3A_147 = tpu.memref_slice %arg3[%mul3A_2] : memref<320000xi32, #tpu.memory_space<hbm>> -> memref<80xi32, #tpu.memory_space<hbm>>
      tpu.wait_dma2 semaphore(%arg17 : memref<!tpu.dma_semaphore, #tpu.memory_space<semaphore_mem>>) src(%dma_wait3A_147 : memref<80xi32, #tpu.memory_space<hbm>>) dst(%arg7 : memref<80xi32, #tpu.memory_space<vmem>>)
      %dma_start3A_148 = arith.constant 0 : i32
      %dma_start3A_149 = arith.constant 0 : i32
      %dma_start3A_150 = tpu.memref_slice %arg2[%dma_start3A_148, %dma_start3A_149] : memref<10000x128xf32, #tpu.memory_space<hbm>> -> memref<10000x128xf32, #tpu.memory_space<hbm>>
      tpu.enqueue_indirect_dma source(%dma_start3A_150 : memref<10000x128xf32, #tpu.memory_space<hbm>>) target(%arg14 : memref<80x128xf32, #tpu.memory_space<vmem>>) offsets(%arg7 : memref<80xi32, #tpu.memory_space<vmem>>) semaphore(%arg24 : memref<!tpu.dma_semaphore, #tpu.memory_space<semaphore_mem>>)
      %dma_wait3A_151 = arith.constant 0 : i32
      %dma_wait3A_152 = arith.constant 0 : i32
      %dma_wait3A_153 = tpu.memref_slice %arg2[%dma_wait3A_151, %dma_wait3A_152] : memref<10000x128xf32, #tpu.memory_space<hbm>> -> memref<10000x128xf32, #tpu.memory_space<hbm>>
      tpu.wait_indirect_dma semaphore(%arg26 : memref<!tpu.dma_semaphore, #tpu.memory_space<semaphore_mem>>) src(%dma_wait3A_153 : memref<10000x128xf32, #tpu.memory_space<hbm>>) dst(%arg16 : memref<80x128xf32, #tpu.memory_space<vmem>>)
      "tpu.region"() ({
        %run_scoped3A = tpu.sem_alloc : memref<!tpu.dma_semaphore, #tpu.memory_space<semaphore_mem>>
        %dma_start3A_428 = arith.constant 0 : i32
        %dma_start3A_429 = arith.constant 0 : i32
        %dma_start3A_430 = tpu.memref_slice %arg31[%dma_start3A_428, %dma_start3A_429] : memref<10000x128xf32, #tpu.memory_space<vmem_shared>> -> memref<10000x128xf32, #tpu.memory_space<vmem_shared>>
        tpu.enqueue_indirect_dma source(%arg16 : memref<80x128xf32, #tpu.memory_space<vmem>>) target(%dma_start3A_430 : memref<10000x128xf32, #tpu.memory_space<vmem_shared>>) offsets(%arg11 : memref<80xi32, #tpu.memory_space<vmem>>) semaphore(%run_scoped3A : memref<!tpu.dma_semaphore, #tpu.memory_space<semaphore_mem>>) {add = true}
        %dma_wait3A_431 = arith.constant 0 : i32
        %dma_wait3A_432 = arith.constant 0 : i32
        %dma_wait3A_433 = tpu.memref_slice %arg31[%dma_wait3A_431, %dma_wait3A_432] : memref<10000x128xf32, #tpu.memory_space<vmem_shared>> -> memref<10000x128xf32, #tpu.memory_space<vmem_shared>>
        tpu.wait_indirect_dma semaphore(%run_scoped3A : memref<!tpu.dma_semaphore, #tpu.memory_space<semaphore_mem>>) src(%arg16 : memref<80x128xf32, #tpu.memory_space<vmem>>) dst(%dma_wait3A_433 : memref<10000x128xf32, #tpu.memory_space<vmem_shared>>)
        tpu.yield
      }) : () -> ()
      %add3A_154 = arith.constant 1 : i32
      %add3A_155 = arith.addi %add3A_143, %add3A_154 : i32
      %lt3A_156 = arith.constant 125 : i32
      %lt3A_157 = arith.cmpi slt, %add3A_155, %lt3A_156 : i32
      %convert_element_type3A_158 = arith.extui %lt3A_157 : i1 to i32
      %cond3A_159 = arith.constant 0 : i32
      %cond3A_160 = arith.cmpi ne, %convert_element_type3A_158, %cond3A_159 : i32
      scf.if %cond3A_160 {
        %add3A_428 = arith.constant 1 : i32
        %add3A_429 = arith.addi %add3A_143, %add3A_428 : i32
        %mul3A_430 = arith.constant 80 : i32
        %mul3A_431 = arith.muli %add3A_429, %mul3A_430 : i32
        %add3A_432 = arith.addi %mul3A_2, %mul3A_431 : i32
        %dma_start3A_433 = tpu.memref_slice %arg4[%add3A_432] : memref<320000xi32, #tpu.memory_space<hbm>> -> memref<80xi32, #tpu.memory_space<hbm>>
        %dma_start3A_434 = tpu.memref_slice %arg4[%add3A_432] : memref<320000xi32, #tpu.memory_space<hbm>> -> memref<80xi32, #tpu.memory_space<hbm>>
        tpu.enqueue_dma source(%dma_start3A_434 : memref<80xi32, #tpu.memory_space<hbm>>) target(%arg13 : memref<80xi32, #tpu.memory_space<vmem>>) target_semaphore(%arg23 : memref<!tpu.dma_semaphore, #tpu.memory_space<semaphore_mem>>)
      } else {
      }
      %add3A_161 = arith.constant 2 : i32
      %add3A_162 = arith.addi %add3A_143, %add3A_161 : i32
      %lt3A_163 = arith.constant 125 : i32
      %lt3A_164 = arith.cmpi slt, %add3A_162, %lt3A_163 : i32
      %convert_element_type3A_165 = arith.extui %lt3A_164 : i1 to i32
      %cond3A_166 = arith.constant 0 : i32
      %cond3A_167 = arith.cmpi ne, %convert_element_type3A_165, %cond3A_166 : i32
      scf.if %cond3A_167 {
        %add3A_428 = arith.constant 2 : i32
        %add3A_429 = arith.addi %add3A_143, %add3A_428 : i32
        %mul3A_430 = arith.constant 80 : i32
        %mul3A_431 = arith.muli %add3A_429, %mul3A_430 : i32
        %add3A_432 = arith.addi %mul3A_2, %mul3A_431 : i32
        %dma_start3A_433 = tpu.memref_slice %arg3[%add3A_432] : memref<320000xi32, #tpu.memory_space<hbm>> -> memref<80xi32, #tpu.memory_space<hbm>>
        %dma_start3A_434 = tpu.memref_slice %arg3[%add3A_432] : memref<320000xi32, #tpu.memory_space<hbm>> -> memref<80xi32, #tpu.memory_space<hbm>>
        tpu.enqueue_dma source(%dma_start3A_434 : memref<80xi32, #tpu.memory_space<hbm>>) target(%arg9 : memref<80xi32, #tpu.memory_space<vmem>>) target_semaphore(%arg19 : memref<!tpu.dma_semaphore, #tpu.memory_space<semaphore_mem>>)
      } else {
      }
      %add3A_168 = arith.constant 2 : i32
      %add3A_169 = arith.addi %add3A_116, %add3A_168 : i32
      %dma_wait3A_170 = tpu.memref_slice %arg4[%mul3A_2] : memref<320000xi32, #tpu.memory_space<hbm>> -> memref<80xi32, #tpu.memory_space<hbm>>
      %dma_wait3A_171 = tpu.memref_slice %arg4[%mul3A_2] : memref<320000xi32, #tpu.memory_space<hbm>> -> memref<80xi32, #tpu.memory_space<hbm>>
      tpu.wait_dma2 semaphore(%arg23 : memref<!tpu.dma_semaphore, #tpu.memory_space<semaphore_mem>>) src(%dma_wait3A_171 : memref<80xi32, #tpu.memory_space<hbm>>) dst(%arg13 : memref<80xi32, #tpu.memory_space<vmem>>)
      %dma_wait3A_172 = tpu.memref_slice %arg3[%mul3A_2] : memref<320000xi32, #tpu.memory_space<hbm>> -> memref<80xi32, #tpu.memory_space<hbm>>
      %dma_wait3A_173 = tpu.memref_slice %arg3[%mul3A_2] : memref<320000xi32, #tpu.memory_space<hbm>> -> memref<80xi32, #tpu.memory_space<hbm>>
      tpu.wait_dma2 semaphore(%arg18 : memref<!tpu.dma_semaphore, #tpu.memory_space<semaphore_mem>>) src(%dma_wait3A_173 : memref<80xi32, #tpu.memory_space<hbm>>) dst(%arg8 : memref<80xi32, #tpu.memory_space<vmem>>)
      %dma_start3A_174 = arith.constant 0 : i32
      %dma_start3A_175 = arith.constant 0 : i32
      %dma_start3A_176 = tpu.memref_slice %arg2[%dma_start3A_174, %dma_start3A_175] : memref<10000x128xf32, #tpu.memory_space<hbm>> -> memref<10000x128xf32, #tpu.memory_space<hbm>>
      tpu.enqueue_indirect_dma source(%dma_start3A_176 : memref<10000x128xf32, #tpu.memory_space<hbm>>) target(%arg15 : memref<80x128xf32, #tpu.memory_space<vmem>>) offsets(%arg8 : memref<80xi32, #tpu.memory_space<vmem>>) semaphore(%arg25 : memref<!tpu.dma_semaphore, #tpu.memory_space<semaphore_mem>>)
      %dma_wait3A_177 = arith.constant 0 : i32
      %dma_wait3A_178 = arith.constant 0 : i32
      %dma_wait3A_179 = tpu.memref_slice %arg2[%dma_wait3A_177, %dma_wait3A_178] : memref<10000x128xf32, #tpu.memory_space<hbm>> -> memref<10000x128xf32, #tpu.memory_space<hbm>>
      tpu.wait_indirect_dma semaphore(%arg24 : memref<!tpu.dma_semaphore, #tpu.memory_space<semaphore_mem>>) src(%dma_wait3A_179 : memref<10000x128xf32, #tpu.memory_space<hbm>>) dst(%arg14 : memref<80x128xf32, #tpu.memory_space<vmem>>)
      "tpu.region"() ({
        %run_scoped3A = tpu.sem_alloc : memref<!tpu.dma_semaphore, #tpu.memory_space<semaphore_mem>>
        %dma_start3A_428 = arith.constant 0 : i32
        %dma_start3A_429 = arith.constant 0 : i32
        %dma_start3A_430 = tpu.memref_slice %arg31[%dma_start3A_428, %dma_start3A_429] : memref<10000x128xf32, #tpu.memory_space<vmem_shared>> -> memref<10000x128xf32, #tpu.memory_space<vmem_shared>>
        tpu.enqueue_indirect_dma source(%arg14 : memref<80x128xf32, #tpu.memory_space<vmem>>) target(%dma_start3A_430 : memref<10000x128xf32, #tpu.memory_space<vmem_shared>>) offsets(%arg12 : memref<80xi32, #tpu.memory_space<vmem>>) semaphore(%run_scoped3A : memref<!tpu.dma_semaphore, #tpu.memory_space<semaphore_mem>>) {add = true}
        %dma_wait3A_431 = arith.constant 0 : i32
        %dma_wait3A_432 = arith.constant 0 : i32
        %dma_wait3A_433 = tpu.memref_slice %arg31[%dma_wait3A_431, %dma_wait3A_432] : memref<10000x128xf32, #tpu.memory_space<vmem_shared>> -> memref<10000x128xf32, #tpu.memory_space<vmem_shared>>
        tpu.wait_indirect_dma semaphore(%run_scoped3A : memref<!tpu.dma_semaphore, #tpu.memory_space<semaphore_mem>>) src(%arg14 : memref<80x128xf32, #tpu.memory_space<vmem>>) dst(%dma_wait3A_433 : memref<10000x128xf32, #tpu.memory_space<vmem_shared>>)
        tpu.yield
      }) : () -> ()
      %add3A_180 = arith.constant 1 : i32
      %add3A_181 = arith.addi %add3A_169, %add3A_180 : i32
      %lt3A_182 = arith.constant 125 : i32
      %lt3A_183 = arith.cmpi slt, %add3A_181, %lt3A_182 : i32
      %convert_element_type3A_184 = arith.extui %lt3A_183 : i1 to i32
      %cond3A_185 = arith.constant 0 : i32
      %cond3A_186 = arith.cmpi ne, %convert_element_type3A_184, %cond3A_185 : i32
      scf.if %cond3A_186 {
        %add3A_428 = arith.constant 1 : i32
        %add3A_429 = arith.addi %add3A_169, %add3A_428 : i32
        %mul3A_430 = arith.constant 80 : i32
        %mul3A_431 = arith.muli %add3A_429, %mul3A_430 : i32
        %add3A_432 = arith.addi %mul3A_2, %mul3A_431 : i32
        %dma_start3A_433 = tpu.memref_slice %arg4[%add3A_432] : memref<320000xi32, #tpu.memory_space<hbm>> -> memref<80xi32, #tpu.memory_space<hbm>>
        %dma_start3A_434 = tpu.memref_slice %arg4[%add3A_432] : memref<320000xi32, #tpu.memory_space<hbm>> -> memref<80xi32, #tpu.memory_space<hbm>>
        tpu.enqueue_dma source(%dma_start3A_434 : memref<80xi32, #tpu.memory_space<hbm>>) target(%arg10 : memref<80xi32, #tpu.memory_space<vmem>>) target_semaphore(%arg20 : memref<!tpu.dma_semaphore, #tpu.memory_space<semaphore_mem>>)
      } else {
      }
      %add3A_187 = arith.constant 2 : i32
      %add3A_188 = arith.addi %add3A_169, %add3A_187 : i32
      %lt3A_189 = arith.constant 125 : i32
      %lt3A_190 = arith.cmpi slt, %add3A_188, %lt3A_189 : i32
      %convert_element_type3A_191 = arith.extui %lt3A_190 : i1 to i32
      %cond3A_192 = arith.constant 0 : i32
      %cond3A_193 = arith.cmpi ne, %convert_element_type3A_191, %cond3A_192 : i32
      scf.if %cond3A_193 {
        %add3A_428 = arith.constant 2 : i32
        %add3A_429 = arith.addi %add3A_169, %add3A_428 : i32
        %mul3A_430 = arith.constant 80 : i32
        %mul3A_431 = arith.muli %add3A_429, %mul3A_430 : i32
        %add3A_432 = arith.addi %mul3A_2, %mul3A_431 : i32
        %dma_start3A_433 = tpu.memref_slice %arg3[%add3A_432] : memref<320000xi32, #tpu.memory_space<hbm>> -> memref<80xi32, #tpu.memory_space<hbm>>
        %dma_start3A_434 = tpu.memref_slice %arg3[%add3A_432] : memref<320000xi32, #tpu.memory_space<hbm>> -> memref<80xi32, #tpu.memory_space<hbm>>
        tpu.enqueue_dma source(%dma_start3A_434 : memref<80xi32, #tpu.memory_space<hbm>>) target(%arg7 : memref<80xi32, #tpu.memory_space<vmem>>) target_semaphore(%arg17 : memref<!tpu.dma_semaphore, #tpu.memory_space<semaphore_mem>>)
      } else {
      }
      %add3A_194 = arith.constant 3 : i32
      %add3A_195 = arith.addi %add3A_116, %add3A_194 : i32
      %dma_wait3A_196 = tpu.memref_slice %arg4[%mul3A_2] : memref<320000xi32, #tpu.memory_space<hbm>> -> memref<80xi32, #tpu.memory_space<hbm>>
      %dma_wait3A_197 = tpu.memref_slice %arg4[%mul3A_2] : memref<320000xi32, #tpu.memory_space<hbm>> -> memref<80xi32, #tpu.memory_space<hbm>>
      tpu.wait_dma2 semaphore(%arg20 : memref<!tpu.dma_semaphore, #tpu.memory_space<semaphore_mem>>) src(%dma_wait3A_197 : memref<80xi32, #tpu.memory_space<hbm>>) dst(%arg10 : memref<80xi32, #tpu.memory_space<vmem>>)
      %dma_wait3A_198 = tpu.memref_slice %arg3[%mul3A_2] : memref<320000xi32, #tpu.memory_space<hbm>> -> memref<80xi32, #tpu.memory_space<hbm>>
      %dma_wait3A_199 = tpu.memref_slice %arg3[%mul3A_2] : memref<320000xi32, #tpu.memory_space<hbm>> -> memref<80xi32, #tpu.memory_space<hbm>>
      tpu.wait_dma2 semaphore(%arg19 : memref<!tpu.dma_semaphore, #tpu.memory_space<semaphore_mem>>) src(%dma_wait3A_199 : memref<80xi32, #tpu.memory_space<hbm>>) dst(%arg9 : memref<80xi32, #tpu.memory_space<vmem>>)
      %dma_start3A_200 = arith.constant 0 : i32
      %dma_start3A_201 = arith.constant 0 : i32
      %dma_start3A_202 = tpu.memref_slice %arg2[%dma_start3A_200, %dma_start3A_201] : memref<10000x128xf32, #tpu.memory_space<hbm>> -> memref<10000x128xf32, #tpu.memory_space<hbm>>
      tpu.enqueue_indirect_dma source(%dma_start3A_202 : memref<10000x128xf32, #tpu.memory_space<hbm>>) target(%arg16 : memref<80x128xf32, #tpu.memory_space<vmem>>) offsets(%arg9 : memref<80xi32, #tpu.memory_space<vmem>>) semaphore(%arg26 : memref<!tpu.dma_semaphore, #tpu.memory_space<semaphore_mem>>)
      %dma_wait3A_203 = arith.constant 0 : i32
      %dma_wait3A_204 = arith.constant 0 : i32
      %dma_wait3A_205 = tpu.memref_slice %arg2[%dma_wait3A_203, %dma_wait3A_204] : memref<10000x128xf32, #tpu.memory_space<hbm>> -> memref<10000x128xf32, #tpu.memory_space<hbm>>
      tpu.wait_indirect_dma semaphore(%arg25 : memref<!tpu.dma_semaphore, #tpu.memory_space<semaphore_mem>>) src(%dma_wait3A_205 : memref<10000x128xf32, #tpu.memory_space<hbm>>) dst(%arg15 : memref<80x128xf32, #tpu.memory_space<vmem>>)
      "tpu.region"() ({
        %run_scoped3A = tpu.sem_alloc : memref<!tpu.dma_semaphore, #tpu.memory_space<semaphore_mem>>
        %dma_start3A_428 = arith.constant 0 : i32
        %dma_start3A_429 = arith.constant 0 : i32
        %dma_start3A_430 = tpu.memref_slice %arg31[%dma_start3A_428, %dma_start3A_429] : memref<10000x128xf32, #tpu.memory_space<vmem_shared>> -> memref<10000x128xf32, #tpu.memory_space<vmem_shared>>
        tpu.enqueue_indirect_dma source(%arg15 : memref<80x128xf32, #tpu.memory_space<vmem>>) target(%dma_start3A_430 : memref<10000x128xf32, #tpu.memory_space<vmem_shared>>) offsets(%arg13 : memref<80xi32, #tpu.memory_space<vmem>>) semaphore(%run_scoped3A : memref<!tpu.dma_semaphore, #tpu.memory_space<semaphore_mem>>) {add = true}
        %dma_wait3A_431 = arith.constant 0 : i32
        %dma_wait3A_432 = arith.constant 0 : i32
        %dma_wait3A_433 = tpu.memref_slice %arg31[%dma_wait3A_431, %dma_wait3A_432] : memref<10000x128xf32, #tpu.memory_space<vmem_shared>> -> memref<10000x128xf32, #tpu.memory_space<vmem_shared>>
        tpu.wait_indirect_dma semaphore(%run_scoped3A : memref<!tpu.dma_semaphore, #tpu.memory_space<semaphore_mem>>) src(%arg15 : memref<80x128xf32, #tpu.memory_space<vmem>>) dst(%dma_wait3A_433 : memref<10000x128xf32, #tpu.memory_space<vmem_shared>>)
        tpu.yield
      }) : () -> ()
      %add3A_206 = arith.constant 1 : i32
      %add3A_207 = arith.addi %add3A_195, %add3A_206 : i32
      %lt3A_208 = arith.constant 125 : i32
      %lt3A_209 = arith.cmpi slt, %add3A_207, %lt3A_208 : i32
      %convert_element_type3A_210 = arith.extui %lt3A_209 : i1 to i32
      %cond3A_211 = arith.constant 0 : i32
      %cond3A_212 = arith.cmpi ne, %convert_element_type3A_210, %cond3A_211 : i32
      scf.if %cond3A_212 {
        %add3A_428 = arith.constant 1 : i32
        %add3A_429 = arith.addi %add3A_195, %add3A_428 : i32
        %mul3A_430 = arith.constant 80 : i32
        %mul3A_431 = arith.muli %add3A_429, %mul3A_430 : i32
        %add3A_432 = arith.addi %mul3A_2, %mul3A_431 : i32
        %dma_start3A_433 = tpu.memref_slice %arg4[%add3A_432] : memref<320000xi32, #tpu.memory_space<hbm>> -> memref<80xi32, #tpu.memory_space<hbm>>
        %dma_start3A_434 = tpu.memref_slice %arg4[%add3A_432] : memref<320000xi32, #tpu.memory_space<hbm>> -> memref<80xi32, #tpu.memory_space<hbm>>
        tpu.enqueue_dma source(%dma_start3A_434 : memref<80xi32, #tpu.memory_space<hbm>>) target(%arg11 : memref<80xi32, #tpu.memory_space<vmem>>) target_semaphore(%arg21 : memref<!tpu.dma_semaphore, #tpu.memory_space<semaphore_mem>>)
      } else {
      }
      %add3A_213 = arith.constant 2 : i32
      %add3A_214 = arith.addi %add3A_195, %add3A_213 : i32
      %lt3A_215 = arith.constant 125 : i32
      %lt3A_216 = arith.cmpi slt, %add3A_214, %lt3A_215 : i32
      %convert_element_type3A_217 = arith.extui %lt3A_216 : i1 to i32
      %cond3A_218 = arith.constant 0 : i32
      %cond3A_219 = arith.cmpi ne, %convert_element_type3A_217, %cond3A_218 : i32
      scf.if %cond3A_219 {
        %add3A_428 = arith.constant 2 : i32
        %add3A_429 = arith.addi %add3A_195, %add3A_428 : i32
        %mul3A_430 = arith.constant 80 : i32
        %mul3A_431 = arith.muli %add3A_429, %mul3A_430 : i32
        %add3A_432 = arith.addi %mul3A_2, %mul3A_431 : i32
        %dma_start3A_433 = tpu.memref_slice %arg3[%add3A_432] : memref<320000xi32, #tpu.memory_space<hbm>> -> memref<80xi32, #tpu.memory_space<hbm>>
        %dma_start3A_434 = tpu.memref_slice %arg3[%add3A_432] : memref<320000xi32, #tpu.memory_space<hbm>> -> memref<80xi32, #tpu.memory_space<hbm>>
        tpu.enqueue_dma source(%dma_start3A_434 : memref<80xi32, #tpu.memory_space<hbm>>) target(%arg8 : memref<80xi32, #tpu.memory_space<vmem>>) target_semaphore(%arg18 : memref<!tpu.dma_semaphore, #tpu.memory_space<semaphore_mem>>)
      } else {
      }
      %add3A_220 = arith.constant 4 : i32
      %add3A_221 = arith.addi %add3A_116, %add3A_220 : i32
      %dma_wait3A_222 = tpu.memref_slice %arg4[%mul3A_2] : memref<320000xi32, #tpu.memory_space<hbm>> -> memref<80xi32, #tpu.memory_space<hbm>>
      %dma_wait3A_223 = tpu.memref_slice %arg4[%mul3A_2] : memref<320000xi32, #tpu.memory_space<hbm>> -> memref<80xi32, #tpu.memory_space<hbm>>
      tpu.wait_dma2 semaphore(%arg21 : memref<!tpu.dma_semaphore, #tpu.memory_space<semaphore_mem>>) src(%dma_wait3A_223 : memref<80xi32, #tpu.memory_space<hbm>>) dst(%arg11 : memref<80xi32, #tpu.memory_space<vmem>>)
      %dma_wait3A_224 = tpu.memref_slice %arg3[%mul3A_2] : memref<320000xi32, #tpu.memory_space<hbm>> -> memref<80xi32, #tpu.memory_space<hbm>>
      %dma_wait3A_225 = tpu.memref_slice %arg3[%mul3A_2] : memref<320000xi32, #tpu.memory_space<hbm>> -> memref<80xi32, #tpu.memory_space<hbm>>
      tpu.wait_dma2 semaphore(%arg17 : memref<!tpu.dma_semaphore, #tpu.memory_space<semaphore_mem>>) src(%dma_wait3A_225 : memref<80xi32, #tpu.memory_space<hbm>>) dst(%arg7 : memref<80xi32, #tpu.memory_space<vmem>>)
      %dma_start3A_226 = arith.constant 0 : i32
      %dma_start3A_227 = arith.constant 0 : i32
      %dma_start3A_228 = tpu.memref_slice %arg2[%dma_start3A_226, %dma_start3A_227] : memref<10000x128xf32, #tpu.memory_space<hbm>> -> memref<10000x128xf32, #tpu.memory_space<hbm>>
      tpu.enqueue_indirect_dma source(%dma_start3A_228 : memref<10000x128xf32, #tpu.memory_space<hbm>>) target(%arg14 : memref<80x128xf32, #tpu.memory_space<vmem>>) offsets(%arg7 : memref<80xi32, #tpu.memory_space<vmem>>) semaphore(%arg24 : memref<!tpu.dma_semaphore, #tpu.memory_space<semaphore_mem>>)
      %dma_wait3A_229 = arith.constant 0 : i32
      %dma_wait3A_230 = arith.constant 0 : i32
      %dma_wait3A_231 = tpu.memref_slice %arg2[%dma_wait3A_229, %dma_wait3A_230] : memref<10000x128xf32, #tpu.memory_space<hbm>> -> memref<10000x128xf32, #tpu.memory_space<hbm>>
      tpu.wait_indirect_dma semaphore(%arg26 : memref<!tpu.dma_semaphore, #tpu.memory_space<semaphore_mem>>) src(%dma_wait3A_231 : memref<10000x128xf32, #tpu.memory_space<hbm>>) dst(%arg16 : memref<80x128xf32, #tpu.memory_space<vmem>>)
      "tpu.region"() ({
        %run_scoped3A = tpu.sem_alloc : memref<!tpu.dma_semaphore, #tpu.memory_space<semaphore_mem>>
        %dma_start3A_428 = arith.constant 0 : i32
        %dma_start3A_429 = arith.constant 0 : i32
        %dma_start3A_430 = tpu.memref_slice %arg31[%dma_start3A_428, %dma_start3A_429] : memref<10000x128xf32, #tpu.memory_space<vmem_shared>> -> memref<10000x128xf32, #tpu.memory_space<vmem_shared>>
        tpu.enqueue_indirect_dma source(%arg16 : memref<80x128xf32, #tpu.memory_space<vmem>>) target(%dma_start3A_430 : memref<10000x128xf32, #tpu.memory_space<vmem_shared>>) offsets(%arg10 : memref<80xi32, #tpu.memory_space<vmem>>) semaphore(%run_scoped3A : memref<!tpu.dma_semaphore, #tpu.memory_space<semaphore_mem>>) {add = true}
        %dma_wait3A_431 = arith.constant 0 : i32
        %dma_wait3A_432 = arith.constant 0 : i32
        %dma_wait3A_433 = tpu.memref_slice %arg31[%dma_wait3A_431, %dma_wait3A_432] : memref<10000x128xf32, #tpu.memory_space<vmem_shared>> -> memref<10000x128xf32, #tpu.memory_space<vmem_shared>>
        tpu.wait_indirect_dma semaphore(%run_scoped3A : memref<!tpu.dma_semaphore, #tpu.memory_space<semaphore_mem>>) src(%arg16 : memref<80x128xf32, #tpu.memory_space<vmem>>) dst(%dma_wait3A_433 : memref<10000x128xf32, #tpu.memory_space<vmem_shared>>)
        tpu.yield
      }) : () -> ()
      %add3A_232 = arith.constant 1 : i32
      %add3A_233 = arith.addi %add3A_221, %add3A_232 : i32
      %lt3A_234 = arith.constant 125 : i32
      %lt3A_235 = arith.cmpi slt, %add3A_233, %lt3A_234 : i32
      %convert_element_type3A_236 = arith.extui %lt3A_235 : i1 to i32
      %cond3A_237 = arith.constant 0 : i32
      %cond3A_238 = arith.cmpi ne, %convert_element_type3A_236, %cond3A_237 : i32
      scf.if %cond3A_238 {
        %add3A_428 = arith.constant 1 : i32
        %add3A_429 = arith.addi %add3A_221, %add3A_428 : i32
        %mul3A_430 = arith.constant 80 : i32
        %mul3A_431 = arith.muli %add3A_429, %mul3A_430 : i32
        %add3A_432 = arith.addi %mul3A_2, %mul3A_431 : i32
        %dma_start3A_433 = tpu.memref_slice %arg4[%add3A_432] : memref<320000xi32, #tpu.memory_space<hbm>> -> memref<80xi32, #tpu.memory_space<hbm>>
        %dma_start3A_434 = tpu.memref_slice %arg4[%add3A_432] : memref<320000xi32, #tpu.memory_space<hbm>> -> memref<80xi32, #tpu.memory_space<hbm>>
        tpu.enqueue_dma source(%dma_start3A_434 : memref<80xi32, #tpu.memory_space<hbm>>) target(%arg12 : memref<80xi32, #tpu.memory_space<vmem>>) target_semaphore(%arg22 : memref<!tpu.dma_semaphore, #tpu.memory_space<semaphore_mem>>)
      } else {
      }
      %add3A_239 = arith.constant 2 : i32
      %add3A_240 = arith.addi %add3A_221, %add3A_239 : i32
      %lt3A_241 = arith.constant 125 : i32
      %lt3A_242 = arith.cmpi slt, %add3A_240, %lt3A_241 : i32
      %convert_element_type3A_243 = arith.extui %lt3A_242 : i1 to i32
      %cond3A_244 = arith.constant 0 : i32
      %cond3A_245 = arith.cmpi ne, %convert_element_type3A_243, %cond3A_244 : i32
      scf.if %cond3A_245 {
        %add3A_428 = arith.constant 2 : i32
        %add3A_429 = arith.addi %add3A_221, %add3A_428 : i32
        %mul3A_430 = arith.constant 80 : i32
        %mul3A_431 = arith.muli %add3A_429, %mul3A_430 : i32
        %add3A_432 = arith.addi %mul3A_2, %mul3A_431 : i32
        %dma_start3A_433 = tpu.memref_slice %arg3[%add3A_432] : memref<320000xi32, #tpu.memory_space<hbm>> -> memref<80xi32, #tpu.memory_space<hbm>>
        %dma_start3A_434 = tpu.memref_slice %arg3[%add3A_432] : memref<320000xi32, #tpu.memory_space<hbm>> -> memref<80xi32, #tpu.memory_space<hbm>>
        tpu.enqueue_dma source(%dma_start3A_434 : memref<80xi32, #tpu.memory_space<hbm>>) target(%arg9 : memref<80xi32, #tpu.memory_space<vmem>>) target_semaphore(%arg19 : memref<!tpu.dma_semaphore, #tpu.memory_space<semaphore_mem>>)
      } else {
      }
      %add3A_246 = arith.constant 5 : i32
      %add3A_247 = arith.addi %add3A_116, %add3A_246 : i32
      %dma_wait3A_248 = tpu.memref_slice %arg4[%mul3A_2] : memref<320000xi32, #tpu.memory_space<hbm>> -> memref<80xi32, #tpu.memory_space<hbm>>
      %dma_wait3A_249 = tpu.memref_slice %arg4[%mul3A_2] : memref<320000xi32, #tpu.memory_space<hbm>> -> memref<80xi32, #tpu.memory_space<hbm>>
      tpu.wait_dma2 semaphore(%arg22 : memref<!tpu.dma_semaphore, #tpu.memory_space<semaphore_mem>>) src(%dma_wait3A_249 : memref<80xi32, #tpu.memory_space<hbm>>) dst(%arg12 : memref<80xi32, #tpu.memory_space<vmem>>)
      %dma_wait3A_250 = tpu.memref_slice %arg3[%mul3A_2] : memref<320000xi32, #tpu.memory_space<hbm>> -> memref<80xi32, #tpu.memory_space<hbm>>
      %dma_wait3A_251 = tpu.memref_slice %arg3[%mul3A_2] : memref<320000xi32, #tpu.memory_space<hbm>> -> memref<80xi32, #tpu.memory_space<hbm>>
      tpu.wait_dma2 semaphore(%arg18 : memref<!tpu.dma_semaphore, #tpu.memory_space<semaphore_mem>>) src(%dma_wait3A_251 : memref<80xi32, #tpu.memory_space<hbm>>) dst(%arg8 : memref<80xi32, #tpu.memory_space<vmem>>)
      %dma_start3A_252 = arith.constant 0 : i32
      %dma_start3A_253 = arith.constant 0 : i32
      %dma_start3A_254 = tpu.memref_slice %arg2[%dma_start3A_252, %dma_start3A_253] : memref<10000x128xf32, #tpu.memory_space<hbm>> -> memref<10000x128xf32, #tpu.memory_space<hbm>>
      tpu.enqueue_indirect_dma source(%dma_start3A_254 : memref<10000x128xf32, #tpu.memory_space<hbm>>) target(%arg15 : memref<80x128xf32, #tpu.memory_space<vmem>>) offsets(%arg8 : memref<80xi32, #tpu.memory_space<vmem>>) semaphore(%arg25 : memref<!tpu.dma_semaphore, #tpu.memory_space<semaphore_mem>>)
      %dma_wait3A_255 = arith.constant 0 : i32
      %dma_wait3A_256 = arith.constant 0 : i32
      %dma_wait3A_257 = tpu.memref_slice %arg2[%dma_wait3A_255, %dma_wait3A_256] : memref<10000x128xf32, #tpu.memory_space<hbm>> -> memref<10000x128xf32, #tpu.memory_space<hbm>>
      tpu.wait_indirect_dma semaphore(%arg24 : memref<!tpu.dma_semaphore, #tpu.memory_space<semaphore_mem>>) src(%dma_wait3A_257 : memref<10000x128xf32, #tpu.memory_space<hbm>>) dst(%arg14 : memref<80x128xf32, #tpu.memory_space<vmem>>)
      "tpu.region"() ({
        %run_scoped3A = tpu.sem_alloc : memref<!tpu.dma_semaphore, #tpu.memory_space<semaphore_mem>>
        %dma_start3A_428 = arith.constant 0 : i32
        %dma_start3A_429 = arith.constant 0 : i32
        %dma_start3A_430 = tpu.memref_slice %arg31[%dma_start3A_428, %dma_start3A_429] : memref<10000x128xf32, #tpu.memory_space<vmem_shared>> -> memref<10000x128xf32, #tpu.memory_space<vmem_shared>>
        tpu.enqueue_indirect_dma source(%arg14 : memref<80x128xf32, #tpu.memory_space<vmem>>) target(%dma_start3A_430 : memref<10000x128xf32, #tpu.memory_space<vmem_shared>>) offsets(%arg11 : memref<80xi32, #tpu.memory_space<vmem>>) semaphore(%run_scoped3A : memref<!tpu.dma_semaphore, #tpu.memory_space<semaphore_mem>>) {add = true}
        %dma_wait3A_431 = arith.constant 0 : i32
        %dma_wait3A_432 = arith.constant 0 : i32
        %dma_wait3A_433 = tpu.memref_slice %arg31[%dma_wait3A_431, %dma_wait3A_432] : memref<10000x128xf32, #tpu.memory_space<vmem_shared>> -> memref<10000x128xf32, #tpu.memory_space<vmem_shared>>
        tpu.wait_indirect_dma semaphore(%run_scoped3A : memref<!tpu.dma_semaphore, #tpu.memory_space<semaphore_mem>>) src(%arg14 : memref<80x128xf32, #tpu.memory_space<vmem>>) dst(%dma_wait3A_433 : memref<10000x128xf32, #tpu.memory_space<vmem_shared>>)
        tpu.yield
      }) : () -> ()
      %add3A_258 = arith.constant 1 : i32
      %add3A_259 = arith.addi %add3A_247, %add3A_258 : i32
      %lt3A_260 = arith.constant 125 : i32
      %lt3A_261 = arith.cmpi slt, %add3A_259, %lt3A_260 : i32
      %convert_element_type3A_262 = arith.extui %lt3A_261 : i1 to i32
      %cond3A_263 = arith.constant 0 : i32
      %cond3A_264 = arith.cmpi ne, %convert_element_type3A_262, %cond3A_263 : i32
      scf.if %cond3A_264 {
        %add3A_428 = arith.constant 1 : i32
        %add3A_429 = arith.addi %add3A_247, %add3A_428 : i32
        %mul3A_430 = arith.constant 80 : i32
        %mul3A_431 = arith.muli %add3A_429, %mul3A_430 : i32
        %add3A_432 = arith.addi %mul3A_2, %mul3A_431 : i32
        %dma_start3A_433 = tpu.memref_slice %arg4[%add3A_432] : memref<320000xi32, #tpu.memory_space<hbm>> -> memref<80xi32, #tpu.memory_space<hbm>>
        %dma_start3A_434 = tpu.memref_slice %arg4[%add3A_432] : memref<320000xi32, #tpu.memory_space<hbm>> -> memref<80xi32, #tpu.memory_space<hbm>>
        tpu.enqueue_dma source(%dma_start3A_434 : memref<80xi32, #tpu.memory_space<hbm>>) target(%arg13 : memref<80xi32, #tpu.memory_space<vmem>>) target_semaphore(%arg23 : memref<!tpu.dma_semaphore, #tpu.memory_space<semaphore_mem>>)
      } else {
      }
      %add3A_265 = arith.constant 2 : i32
      %add3A_266 = arith.addi %add3A_247, %add3A_265 : i32
      %lt3A_267 = arith.constant 125 : i32
      %lt3A_268 = arith.cmpi slt, %add3A_266, %lt3A_267 : i32
      %convert_element_type3A_269 = arith.extui %lt3A_268 : i1 to i32
      %cond3A_270 = arith.constant 0 : i32
      %cond3A_271 = arith.cmpi ne, %convert_element_type3A_269, %cond3A_270 : i32
      scf.if %cond3A_271 {
        %add3A_428 = arith.constant 2 : i32
        %add3A_429 = arith.addi %add3A_247, %add3A_428 : i32
        %mul3A_430 = arith.constant 80 : i32
        %mul3A_431 = arith.muli %add3A_429, %mul3A_430 : i32
        %add3A_432 = arith.addi %mul3A_2, %mul3A_431 : i32
        %dma_start3A_433 = tpu.memref_slice %arg3[%add3A_432] : memref<320000xi32, #tpu.memory_space<hbm>> -> memref<80xi32, #tpu.memory_space<hbm>>
        %dma_start3A_434 = tpu.memref_slice %arg3[%add3A_432] : memref<320000xi32, #tpu.memory_space<hbm>> -> memref<80xi32, #tpu.memory_space<hbm>>
        tpu.enqueue_dma source(%dma_start3A_434 : memref<80xi32, #tpu.memory_space<hbm>>) target(%arg7 : memref<80xi32, #tpu.memory_space<vmem>>) target_semaphore(%arg17 : memref<!tpu.dma_semaphore, #tpu.memory_space<semaphore_mem>>)
      } else {
      }
      %add3A_272 = arith.constant 6 : i32
      %add3A_273 = arith.addi %add3A_116, %add3A_272 : i32
      %dma_wait3A_274 = tpu.memref_slice %arg4[%mul3A_2] : memref<320000xi32, #tpu.memory_space<hbm>> -> memref<80xi32, #tpu.memory_space<hbm>>
      %dma_wait3A_275 = tpu.memref_slice %arg4[%mul3A_2] : memref<320000xi32, #tpu.memory_space<hbm>> -> memref<80xi32, #tpu.memory_space<hbm>>
      tpu.wait_dma2 semaphore(%arg23 : memref<!tpu.dma_semaphore, #tpu.memory_space<semaphore_mem>>) src(%dma_wait3A_275 : memref<80xi32, #tpu.memory_space<hbm>>) dst(%arg13 : memref<80xi32, #tpu.memory_space<vmem>>)
      %dma_wait3A_276 = tpu.memref_slice %arg3[%mul3A_2] : memref<320000xi32, #tpu.memory_space<hbm>> -> memref<80xi32, #tpu.memory_space<hbm>>
      %dma_wait3A_277 = tpu.memref_slice %arg3[%mul3A_2] : memref<320000xi32, #tpu.memory_space<hbm>> -> memref<80xi32, #tpu.memory_space<hbm>>
      tpu.wait_dma2 semaphore(%arg19 : memref<!tpu.dma_semaphore, #tpu.memory_space<semaphore_mem>>) src(%dma_wait3A_277 : memref<80xi32, #tpu.memory_space<hbm>>) dst(%arg9 : memref<80xi32, #tpu.memory_space<vmem>>)
      %dma_start3A_278 = arith.constant 0 : i32
      %dma_start3A_279 = arith.constant 0 : i32
      %dma_start3A_280 = tpu.memref_slice %arg2[%dma_start3A_278, %dma_start3A_279] : memref<10000x128xf32, #tpu.memory_space<hbm>> -> memref<10000x128xf32, #tpu.memory_space<hbm>>
      tpu.enqueue_indirect_dma source(%dma_start3A_280 : memref<10000x128xf32, #tpu.memory_space<hbm>>) target(%arg16 : memref<80x128xf32, #tpu.memory_space<vmem>>) offsets(%arg9 : memref<80xi32, #tpu.memory_space<vmem>>) semaphore(%arg26 : memref<!tpu.dma_semaphore, #tpu.memory_space<semaphore_mem>>)
      %dma_wait3A_281 = arith.constant 0 : i32
      %dma_wait3A_282 = arith.constant 0 : i32
      %dma_wait3A_283 = tpu.memref_slice %arg2[%dma_wait3A_281, %dma_wait3A_282] : memref<10000x128xf32, #tpu.memory_space<hbm>> -> memref<10000x128xf32, #tpu.memory_space<hbm>>
      tpu.wait_indirect_dma semaphore(%arg25 : memref<!tpu.dma_semaphore, #tpu.memory_space<semaphore_mem>>) src(%dma_wait3A_283 : memref<10000x128xf32, #tpu.memory_space<hbm>>) dst(%arg15 : memref<80x128xf32, #tpu.memory_space<vmem>>)
      "tpu.region"() ({
        %run_scoped3A = tpu.sem_alloc : memref<!tpu.dma_semaphore, #tpu.memory_space<semaphore_mem>>
        %dma_start3A_428 = arith.constant 0 : i32
        %dma_start3A_429 = arith.constant 0 : i32
        %dma_start3A_430 = tpu.memref_slice %arg31[%dma_start3A_428, %dma_start3A_429] : memref<10000x128xf32, #tpu.memory_space<vmem_shared>> -> memref<10000x128xf32, #tpu.memory_space<vmem_shared>>
        tpu.enqueue_indirect_dma source(%arg15 : memref<80x128xf32, #tpu.memory_space<vmem>>) target(%dma_start3A_430 : memref<10000x128xf32, #tpu.memory_space<vmem_shared>>) offsets(%arg12 : memref<80xi32, #tpu.memory_space<vmem>>) semaphore(%run_scoped3A : memref<!tpu.dma_semaphore, #tpu.memory_space<semaphore_mem>>) {add = true}
        %dma_wait3A_431 = arith.constant 0 : i32
        %dma_wait3A_432 = arith.constant 0 : i32
        %dma_wait3A_433 = tpu.memref_slice %arg31[%dma_wait3A_431, %dma_wait3A_432] : memref<10000x128xf32, #tpu.memory_space<vmem_shared>> -> memref<10000x128xf32, #tpu.memory_space<vmem_shared>>
        tpu.wait_indirect_dma semaphore(%run_scoped3A : memref<!tpu.dma_semaphore, #tpu.memory_space<semaphore_mem>>) src(%arg15 : memref<80x128xf32, #tpu.memory_space<vmem>>) dst(%dma_wait3A_433 : memref<10000x128xf32, #tpu.memory_space<vmem_shared>>)
        tpu.yield
      }) : () -> ()
      %add3A_284 = arith.constant 1 : i32
      %add3A_285 = arith.addi %add3A_273, %add3A_284 : i32
      %lt3A_286 = arith.constant 125 : i32
      %lt3A_287 = arith.cmpi slt, %add3A_285, %lt3A_286 : i32
      %convert_element_type3A_288 = arith.extui %lt3A_287 : i1 to i32
      %cond3A_289 = arith.constant 0 : i32
      %cond3A_290 = arith.cmpi ne, %convert_element_type3A_288, %cond3A_289 : i32
      scf.if %cond3A_290 {
        %add3A_428 = arith.constant 1 : i32
        %add3A_429 = arith.addi %add3A_273, %add3A_428 : i32
        %mul3A_430 = arith.constant 80 : i32
        %mul3A_431 = arith.muli %add3A_429, %mul3A_430 : i32
        %add3A_432 = arith.addi %mul3A_2, %mul3A_431 : i32
        %dma_start3A_433 = tpu.memref_slice %arg4[%add3A_432] : memref<320000xi32, #tpu.memory_space<hbm>> -> memref<80xi32, #tpu.memory_space<hbm>>
        %dma_start3A_434 = tpu.memref_slice %arg4[%add3A_432] : memref<320000xi32, #tpu.memory_space<hbm>> -> memref<80xi32, #tpu.memory_space<hbm>>
        tpu.enqueue_dma source(%dma_start3A_434 : memref<80xi32, #tpu.memory_space<hbm>>) target(%arg10 : memref<80xi32, #tpu.memory_space<vmem>>) target_semaphore(%arg20 : memref<!tpu.dma_semaphore, #tpu.memory_space<semaphore_mem>>)
      } else {
      }
      %add3A_291 = arith.constant 2 : i32
      %add3A_292 = arith.addi %add3A_273, %add3A_291 : i32
      %lt3A_293 = arith.constant 125 : i32
      %lt3A_294 = arith.cmpi slt, %add3A_292, %lt3A_293 : i32
      %convert_element_type3A_295 = arith.extui %lt3A_294 : i1 to i32
      %cond3A_296 = arith.constant 0 : i32
      %cond3A_297 = arith.cmpi ne, %convert_element_type3A_295, %cond3A_296 : i32
      scf.if %cond3A_297 {
        %add3A_428 = arith.constant 2 : i32
        %add3A_429 = arith.addi %add3A_273, %add3A_428 : i32
        %mul3A_430 = arith.constant 80 : i32
        %mul3A_431 = arith.muli %add3A_429, %mul3A_430 : i32
        %add3A_432 = arith.addi %mul3A_2, %mul3A_431 : i32
        %dma_start3A_433 = tpu.memref_slice %arg3[%add3A_432] : memref<320000xi32, #tpu.memory_space<hbm>> -> memref<80xi32, #tpu.memory_space<hbm>>
        %dma_start3A_434 = tpu.memref_slice %arg3[%add3A_432] : memref<320000xi32, #tpu.memory_space<hbm>> -> memref<80xi32, #tpu.memory_space<hbm>>
        tpu.enqueue_dma source(%dma_start3A_434 : memref<80xi32, #tpu.memory_space<hbm>>) target(%arg8 : memref<80xi32, #tpu.memory_space<vmem>>) target_semaphore(%arg18 : memref<!tpu.dma_semaphore, #tpu.memory_space<semaphore_mem>>)
      } else {
      }
      %add3A_298 = arith.constant 7 : i32
      %add3A_299 = arith.addi %add3A_116, %add3A_298 : i32
      %dma_wait3A_300 = tpu.memref_slice %arg4[%mul3A_2] : memref<320000xi32, #tpu.memory_space<hbm>> -> memref<80xi32, #tpu.memory_space<hbm>>
      %dma_wait3A_301 = tpu.memref_slice %arg4[%mul3A_2] : memref<320000xi32, #tpu.memory_space<hbm>> -> memref<80xi32, #tpu.memory_space<hbm>>
      tpu.wait_dma2 semaphore(%arg20 : memref<!tpu.dma_semaphore, #tpu.memory_space<semaphore_mem>>) src(%dma_wait3A_301 : memref<80xi32, #tpu.memory_space<hbm>>) dst(%arg10 : memref<80xi32, #tpu.memory_space<vmem>>)
      %dma_wait3A_302 = tpu.memref_slice %arg3[%mul3A_2] : memref<320000xi32, #tpu.memory_space<hbm>> -> memref<80xi32, #tpu.memory_space<hbm>>
      %dma_wait3A_303 = tpu.memref_slice %arg3[%mul3A_2] : memref<320000xi32, #tpu.memory_space<hbm>> -> memref<80xi32, #tpu.memory_space<hbm>>
      tpu.wait_dma2 semaphore(%arg17 : memref<!tpu.dma_semaphore, #tpu.memory_space<semaphore_mem>>) src(%dma_wait3A_303 : memref<80xi32, #tpu.memory_space<hbm>>) dst(%arg7 : memref<80xi32, #tpu.memory_space<vmem>>)
      %dma_start3A_304 = arith.constant 0 : i32
      %dma_start3A_305 = arith.constant 0 : i32
      %dma_start3A_306 = tpu.memref_slice %arg2[%dma_start3A_304, %dma_start3A_305] : memref<10000x128xf32, #tpu.memory_space<hbm>> -> memref<10000x128xf32, #tpu.memory_space<hbm>>
      tpu.enqueue_indirect_dma source(%dma_start3A_306 : memref<10000x128xf32, #tpu.memory_space<hbm>>) target(%arg14 : memref<80x128xf32, #tpu.memory_space<vmem>>) offsets(%arg7 : memref<80xi32, #tpu.memory_space<vmem>>) semaphore(%arg24 : memref<!tpu.dma_semaphore, #tpu.memory_space<semaphore_mem>>)
      %dma_wait3A_307 = arith.constant 0 : i32
      %dma_wait3A_308 = arith.constant 0 : i32
      %dma_wait3A_309 = tpu.memref_slice %arg2[%dma_wait3A_307, %dma_wait3A_308] : memref<10000x128xf32, #tpu.memory_space<hbm>> -> memref<10000x128xf32, #tpu.memory_space<hbm>>
      tpu.wait_indirect_dma semaphore(%arg26 : memref<!tpu.dma_semaphore, #tpu.memory_space<semaphore_mem>>) src(%dma_wait3A_309 : memref<10000x128xf32, #tpu.memory_space<hbm>>) dst(%arg16 : memref<80x128xf32, #tpu.memory_space<vmem>>)
      "tpu.region"() ({
        %run_scoped3A = tpu.sem_alloc : memref<!tpu.dma_semaphore, #tpu.memory_space<semaphore_mem>>
        %dma_start3A_428 = arith.constant 0 : i32
        %dma_start3A_429 = arith.constant 0 : i32
        %dma_start3A_430 = tpu.memref_slice %arg31[%dma_start3A_428, %dma_start3A_429] : memref<10000x128xf32, #tpu.memory_space<vmem_shared>> -> memref<10000x128xf32, #tpu.memory_space<vmem_shared>>
        tpu.enqueue_indirect_dma source(%arg16 : memref<80x128xf32, #tpu.memory_space<vmem>>) target(%dma_start3A_430 : memref<10000x128xf32, #tpu.memory_space<vmem_shared>>) offsets(%arg13 : memref<80xi32, #tpu.memory_space<vmem>>) semaphore(%run_scoped3A : memref<!tpu.dma_semaphore, #tpu.memory_space<semaphore_mem>>) {add = true}
        %dma_wait3A_431 = arith.constant 0 : i32
        %dma_wait3A_432 = arith.constant 0 : i32
        %dma_wait3A_433 = tpu.memref_slice %arg31[%dma_wait3A_431, %dma_wait3A_432] : memref<10000x128xf32, #tpu.memory_space<vmem_shared>> -> memref<10000x128xf32, #tpu.memory_space<vmem_shared>>
        tpu.wait_indirect_dma semaphore(%run_scoped3A : memref<!tpu.dma_semaphore, #tpu.memory_space<semaphore_mem>>) src(%arg16 : memref<80x128xf32, #tpu.memory_space<vmem>>) dst(%dma_wait3A_433 : memref<10000x128xf32, #tpu.memory_space<vmem_shared>>)
        tpu.yield
      }) : () -> ()
      %add3A_310 = arith.constant 1 : i32
      %add3A_311 = arith.addi %add3A_299, %add3A_310 : i32
      %lt3A_312 = arith.constant 125 : i32
      %lt3A_313 = arith.cmpi slt, %add3A_311, %lt3A_312 : i32
      %convert_element_type3A_314 = arith.extui %lt3A_313 : i1 to i32
      %cond3A_315 = arith.constant 0 : i32
      %cond3A_316 = arith.cmpi ne, %convert_element_type3A_314, %cond3A_315 : i32
      scf.if %cond3A_316 {
        %add3A_428 = arith.constant 1 : i32
        %add3A_429 = arith.addi %add3A_299, %add3A_428 : i32
        %mul3A_430 = arith.constant 80 : i32
        %mul3A_431 = arith.muli %add3A_429, %mul3A_430 : i32
        %add3A_432 = arith.addi %mul3A_2, %mul3A_431 : i32
        %dma_start3A_433 = tpu.memref_slice %arg4[%add3A_432] : memref<320000xi32, #tpu.memory_space<hbm>> -> memref<80xi32, #tpu.memory_space<hbm>>
        %dma_start3A_434 = tpu.memref_slice %arg4[%add3A_432] : memref<320000xi32, #tpu.memory_space<hbm>> -> memref<80xi32, #tpu.memory_space<hbm>>
        tpu.enqueue_dma source(%dma_start3A_434 : memref<80xi32, #tpu.memory_space<hbm>>) target(%arg11 : memref<80xi32, #tpu.memory_space<vmem>>) target_semaphore(%arg21 : memref<!tpu.dma_semaphore, #tpu.memory_space<semaphore_mem>>)
      } else {
      }
      %add3A_317 = arith.constant 2 : i32
      %add3A_318 = arith.addi %add3A_299, %add3A_317 : i32
      %lt3A_319 = arith.constant 125 : i32
      %lt3A_320 = arith.cmpi slt, %add3A_318, %lt3A_319 : i32
      %convert_element_type3A_321 = arith.extui %lt3A_320 : i1 to i32
      %cond3A_322 = arith.constant 0 : i32
      %cond3A_323 = arith.cmpi ne, %convert_element_type3A_321, %cond3A_322 : i32
      scf.if %cond3A_323 {
        %add3A_428 = arith.constant 2 : i32
        %add3A_429 = arith.addi %add3A_299, %add3A_428 : i32
        %mul3A_430 = arith.constant 80 : i32
        %mul3A_431 = arith.muli %add3A_429, %mul3A_430 : i32
        %add3A_432 = arith.addi %mul3A_2, %mul3A_431 : i32
        %dma_start3A_433 = tpu.memref_slice %arg3[%add3A_432] : memref<320000xi32, #tpu.memory_space<hbm>> -> memref<80xi32, #tpu.memory_space<hbm>>
        %dma_start3A_434 = tpu.memref_slice %arg3[%add3A_432] : memref<320000xi32, #tpu.memory_space<hbm>> -> memref<80xi32, #tpu.memory_space<hbm>>
        tpu.enqueue_dma source(%dma_start3A_434 : memref<80xi32, #tpu.memory_space<hbm>>) target(%arg9 : memref<80xi32, #tpu.memory_space<vmem>>) target_semaphore(%arg19 : memref<!tpu.dma_semaphore, #tpu.memory_space<semaphore_mem>>)
      } else {
      }
      %add3A_324 = arith.constant 8 : i32
      %add3A_325 = arith.addi %add3A_116, %add3A_324 : i32
      %dma_wait3A_326 = tpu.memref_slice %arg4[%mul3A_2] : memref<320000xi32, #tpu.memory_space<hbm>> -> memref<80xi32, #tpu.memory_space<hbm>>
      %dma_wait3A_327 = tpu.memref_slice %arg4[%mul3A_2] : memref<320000xi32, #tpu.memory_space<hbm>> -> memref<80xi32, #tpu.memory_space<hbm>>
      tpu.wait_dma2 semaphore(%arg21 : memref<!tpu.dma_semaphore, #tpu.memory_space<semaphore_mem>>) src(%dma_wait3A_327 : memref<80xi32, #tpu.memory_space<hbm>>) dst(%arg11 : memref<80xi32, #tpu.memory_space<vmem>>)
      %dma_wait3A_328 = tpu.memref_slice %arg3[%mul3A_2] : memref<320000xi32, #tpu.memory_space<hbm>> -> memref<80xi32, #tpu.memory_space<hbm>>
      %dma_wait3A_329 = tpu.memref_slice %arg3[%mul3A_2] : memref<320000xi32, #tpu.memory_space<hbm>> -> memref<80xi32, #tpu.memory_space<hbm>>
      tpu.wait_dma2 semaphore(%arg18 : memref<!tpu.dma_semaphore, #tpu.memory_space<semaphore_mem>>) src(%dma_wait3A_329 : memref<80xi32, #tpu.memory_space<hbm>>) dst(%arg8 : memref<80xi32, #tpu.memory_space<vmem>>)
      %dma_start3A_330 = arith.constant 0 : i32
      %dma_start3A_331 = arith.constant 0 : i32
      %dma_start3A_332 = tpu.memref_slice %arg2[%dma_start3A_330, %dma_start3A_331] : memref<10000x128xf32, #tpu.memory_space<hbm>> -> memref<10000x128xf32, #tpu.memory_space<hbm>>
      tpu.enqueue_indirect_dma source(%dma_start3A_332 : memref<10000x128xf32, #tpu.memory_space<hbm>>) target(%arg15 : memref<80x128xf32, #tpu.memory_space<vmem>>) offsets(%arg8 : memref<80xi32, #tpu.memory_space<vmem>>) semaphore(%arg25 : memref<!tpu.dma_semaphore, #tpu.memory_space<semaphore_mem>>)
      %dma_wait3A_333 = arith.constant 0 : i32
      %dma_wait3A_334 = arith.constant 0 : i32
      %dma_wait3A_335 = tpu.memref_slice %arg2[%dma_wait3A_333, %dma_wait3A_334] : memref<10000x128xf32, #tpu.memory_space<hbm>> -> memref<10000x128xf32, #tpu.memory_space<hbm>>
      tpu.wait_indirect_dma semaphore(%arg24 : memref<!tpu.dma_semaphore, #tpu.memory_space<semaphore_mem>>) src(%dma_wait3A_335 : memref<10000x128xf32, #tpu.memory_space<hbm>>) dst(%arg14 : memref<80x128xf32, #tpu.memory_space<vmem>>)
      "tpu.region"() ({
        %run_scoped3A = tpu.sem_alloc : memref<!tpu.dma_semaphore, #tpu.memory_space<semaphore_mem>>
        %dma_start3A_428 = arith.constant 0 : i32
        %dma_start3A_429 = arith.constant 0 : i32
        %dma_start3A_430 = tpu.memref_slice %arg31[%dma_start3A_428, %dma_start3A_429] : memref<10000x128xf32, #tpu.memory_space<vmem_shared>> -> memref<10000x128xf32, #tpu.memory_space<vmem_shared>>
        tpu.enqueue_indirect_dma source(%arg14 : memref<80x128xf32, #tpu.memory_space<vmem>>) target(%dma_start3A_430 : memref<10000x128xf32, #tpu.memory_space<vmem_shared>>) offsets(%arg10 : memref<80xi32, #tpu.memory_space<vmem>>) semaphore(%run_scoped3A : memref<!tpu.dma_semaphore, #tpu.memory_space<semaphore_mem>>) {add = true}
        %dma_wait3A_431 = arith.constant 0 : i32
        %dma_wait3A_432 = arith.constant 0 : i32
        %dma_wait3A_433 = tpu.memref_slice %arg31[%dma_wait3A_431, %dma_wait3A_432] : memref<10000x128xf32, #tpu.memory_space<vmem_shared>> -> memref<10000x128xf32, #tpu.memory_space<vmem_shared>>
        tpu.wait_indirect_dma semaphore(%run_scoped3A : memref<!tpu.dma_semaphore, #tpu.memory_space<semaphore_mem>>) src(%arg14 : memref<80x128xf32, #tpu.memory_space<vmem>>) dst(%dma_wait3A_433 : memref<10000x128xf32, #tpu.memory_space<vmem_shared>>)
        tpu.yield
      }) : () -> ()
      %add3A_336 = arith.constant 1 : i32
      %add3A_337 = arith.addi %add3A_325, %add3A_336 : i32
      %lt3A_338 = arith.constant 125 : i32
      %lt3A_339 = arith.cmpi slt, %add3A_337, %lt3A_338 : i32
      %convert_element_type3A_340 = arith.extui %lt3A_339 : i1 to i32
      %cond3A_341 = arith.constant 0 : i32
      %cond3A_342 = arith.cmpi ne, %convert_element_type3A_340, %cond3A_341 : i32
      scf.if %cond3A_342 {
        %add3A_428 = arith.constant 1 : i32
        %add3A_429 = arith.addi %add3A_325, %add3A_428 : i32
        %mul3A_430 = arith.constant 80 : i32
        %mul3A_431 = arith.muli %add3A_429, %mul3A_430 : i32
        %add3A_432 = arith.addi %mul3A_2, %mul3A_431 : i32
        %dma_start3A_433 = tpu.memref_slice %arg4[%add3A_432] : memref<320000xi32, #tpu.memory_space<hbm>> -> memref<80xi32, #tpu.memory_space<hbm>>
        %dma_start3A_434 = tpu.memref_slice %arg4[%add3A_432] : memref<320000xi32, #tpu.memory_space<hbm>> -> memref<80xi32, #tpu.memory_space<hbm>>
        tpu.enqueue_dma source(%dma_start3A_434 : memref<80xi32, #tpu.memory_space<hbm>>) target(%arg12 : memref<80xi32, #tpu.memory_space<vmem>>) target_semaphore(%arg22 : memref<!tpu.dma_semaphore, #tpu.memory_space<semaphore_mem>>)
      } else {
      }
      %add3A_343 = arith.constant 2 : i32
      %add3A_344 = arith.addi %add3A_325, %add3A_343 : i32
      %lt3A_345 = arith.constant 125 : i32
      %lt3A_346 = arith.cmpi slt, %add3A_344, %lt3A_345 : i32
      %convert_element_type3A_347 = arith.extui %lt3A_346 : i1 to i32
      %cond3A_348 = arith.constant 0 : i32
      %cond3A_349 = arith.cmpi ne, %convert_element_type3A_347, %cond3A_348 : i32
      scf.if %cond3A_349 {
        %add3A_428 = arith.constant 2 : i32
        %add3A_429 = arith.addi %add3A_325, %add3A_428 : i32
        %mul3A_430 = arith.constant 80 : i32
        %mul3A_431 = arith.muli %add3A_429, %mul3A_430 : i32
        %add3A_432 = arith.addi %mul3A_2, %mul3A_431 : i32
        %dma_start3A_433 = tpu.memref_slice %arg3[%add3A_432] : memref<320000xi32, #tpu.memory_space<hbm>> -> memref<80xi32, #tpu.memory_space<hbm>>
        %dma_start3A_434 = tpu.memref_slice %arg3[%add3A_432] : memref<320000xi32, #tpu.memory_space<hbm>> -> memref<80xi32, #tpu.memory_space<hbm>>
        tpu.enqueue_dma source(%dma_start3A_434 : memref<80xi32, #tpu.memory_space<hbm>>) target(%arg7 : memref<80xi32, #tpu.memory_space<vmem>>) target_semaphore(%arg17 : memref<!tpu.dma_semaphore, #tpu.memory_space<semaphore_mem>>)
      } else {
      }
      %add3A_350 = arith.constant 9 : i32
      %add3A_351 = arith.addi %add3A_116, %add3A_350 : i32
      %dma_wait3A_352 = tpu.memref_slice %arg4[%mul3A_2] : memref<320000xi32, #tpu.memory_space<hbm>> -> memref<80xi32, #tpu.memory_space<hbm>>
      %dma_wait3A_353 = tpu.memref_slice %arg4[%mul3A_2] : memref<320000xi32, #tpu.memory_space<hbm>> -> memref<80xi32, #tpu.memory_space<hbm>>
      tpu.wait_dma2 semaphore(%arg22 : memref<!tpu.dma_semaphore, #tpu.memory_space<semaphore_mem>>) src(%dma_wait3A_353 : memref<80xi32, #tpu.memory_space<hbm>>) dst(%arg12 : memref<80xi32, #tpu.memory_space<vmem>>)
      %dma_wait3A_354 = tpu.memref_slice %arg3[%mul3A_2] : memref<320000xi32, #tpu.memory_space<hbm>> -> memref<80xi32, #tpu.memory_space<hbm>>
      %dma_wait3A_355 = tpu.memref_slice %arg3[%mul3A_2] : memref<320000xi32, #tpu.memory_space<hbm>> -> memref<80xi32, #tpu.memory_space<hbm>>
      tpu.wait_dma2 semaphore(%arg19 : memref<!tpu.dma_semaphore, #tpu.memory_space<semaphore_mem>>) src(%dma_wait3A_355 : memref<80xi32, #tpu.memory_space<hbm>>) dst(%arg9 : memref<80xi32, #tpu.memory_space<vmem>>)
      %dma_start3A_356 = arith.constant 0 : i32
      %dma_start3A_357 = arith.constant 0 : i32
      %dma_start3A_358 = tpu.memref_slice %arg2[%dma_start3A_356, %dma_start3A_357] : memref<10000x128xf32, #tpu.memory_space<hbm>> -> memref<10000x128xf32, #tpu.memory_space<hbm>>
      tpu.enqueue_indirect_dma source(%dma_start3A_358 : memref<10000x128xf32, #tpu.memory_space<hbm>>) target(%arg16 : memref<80x128xf32, #tpu.memory_space<vmem>>) offsets(%arg9 : memref<80xi32, #tpu.memory_space<vmem>>) semaphore(%arg26 : memref<!tpu.dma_semaphore, #tpu.memory_space<semaphore_mem>>)
      %dma_wait3A_359 = arith.constant 0 : i32
      %dma_wait3A_360 = arith.constant 0 : i32
      %dma_wait3A_361 = tpu.memref_slice %arg2[%dma_wait3A_359, %dma_wait3A_360] : memref<10000x128xf32, #tpu.memory_space<hbm>> -> memref<10000x128xf32, #tpu.memory_space<hbm>>
      tpu.wait_indirect_dma semaphore(%arg25 : memref<!tpu.dma_semaphore, #tpu.memory_space<semaphore_mem>>) src(%dma_wait3A_361 : memref<10000x128xf32, #tpu.memory_space<hbm>>) dst(%arg15 : memref<80x128xf32, #tpu.memory_space<vmem>>)
      "tpu.region"() ({
        %run_scoped3A = tpu.sem_alloc : memref<!tpu.dma_semaphore, #tpu.memory_space<semaphore_mem>>
        %dma_start3A_428 = arith.constant 0 : i32
        %dma_start3A_429 = arith.constant 0 : i32
        %dma_start3A_430 = tpu.memref_slice %arg31[%dma_start3A_428, %dma_start3A_429] : memref<10000x128xf32, #tpu.memory_space<vmem_shared>> -> memref<10000x128xf32, #tpu.memory_space<vmem_shared>>
        tpu.enqueue_indirect_dma source(%arg15 : memref<80x128xf32, #tpu.memory_space<vmem>>) target(%dma_start3A_430 : memref<10000x128xf32, #tpu.memory_space<vmem_shared>>) offsets(%arg11 : memref<80xi32, #tpu.memory_space<vmem>>) semaphore(%run_scoped3A : memref<!tpu.dma_semaphore, #tpu.memory_space<semaphore_mem>>) {add = true}
        %dma_wait3A_431 = arith.constant 0 : i32
        %dma_wait3A_432 = arith.constant 0 : i32
        %dma_wait3A_433 = tpu.memref_slice %arg31[%dma_wait3A_431, %dma_wait3A_432] : memref<10000x128xf32, #tpu.memory_space<vmem_shared>> -> memref<10000x128xf32, #tpu.memory_space<vmem_shared>>
        tpu.wait_indirect_dma semaphore(%run_scoped3A : memref<!tpu.dma_semaphore, #tpu.memory_space<semaphore_mem>>) src(%arg15 : memref<80x128xf32, #tpu.memory_space<vmem>>) dst(%dma_wait3A_433 : memref<10000x128xf32, #tpu.memory_space<vmem_shared>>)
        tpu.yield
      }) : () -> ()
      %add3A_362 = arith.constant 1 : i32
      %add3A_363 = arith.addi %add3A_351, %add3A_362 : i32
      %lt3A_364 = arith.constant 125 : i32
      %lt3A_365 = arith.cmpi slt, %add3A_363, %lt3A_364 : i32
      %convert_element_type3A_366 = arith.extui %lt3A_365 : i1 to i32
      %cond3A_367 = arith.constant 0 : i32
      %cond3A_368 = arith.cmpi ne, %convert_element_type3A_366, %cond3A_367 : i32
      scf.if %cond3A_368 {
        %add3A_428 = arith.constant 1 : i32
        %add3A_429 = arith.addi %add3A_351, %add3A_428 : i32
        %mul3A_430 = arith.constant 80 : i32
        %mul3A_431 = arith.muli %add3A_429, %mul3A_430 : i32
        %add3A_432 = arith.addi %mul3A_2, %mul3A_431 : i32
        %dma_start3A_433 = tpu.memref_slice %arg4[%add3A_432] : memref<320000xi32, #tpu.memory_space<hbm>> -> memref<80xi32, #tpu.memory_space<hbm>>
        %dma_start3A_434 = tpu.memref_slice %arg4[%add3A_432] : memref<320000xi32, #tpu.memory_space<hbm>> -> memref<80xi32, #tpu.memory_space<hbm>>
        tpu.enqueue_dma source(%dma_start3A_434 : memref<80xi32, #tpu.memory_space<hbm>>) target(%arg13 : memref<80xi32, #tpu.memory_space<vmem>>) target_semaphore(%arg23 : memref<!tpu.dma_semaphore, #tpu.memory_space<semaphore_mem>>)
      } else {
      }
      %add3A_369 = arith.constant 2 : i32
      %add3A_370 = arith.addi %add3A_351, %add3A_369 : i32
      %lt3A_371 = arith.constant 125 : i32
      %lt3A_372 = arith.cmpi slt, %add3A_370, %lt3A_371 : i32
      %convert_element_type3A_373 = arith.extui %lt3A_372 : i1 to i32
      %cond3A_374 = arith.constant 0 : i32
      %cond3A_375 = arith.cmpi ne, %convert_element_type3A_373, %cond3A_374 : i32
      scf.if %cond3A_375 {
        %add3A_428 = arith.constant 2 : i32
        %add3A_429 = arith.addi %add3A_351, %add3A_428 : i32
        %mul3A_430 = arith.constant 80 : i32
        %mul3A_431 = arith.muli %add3A_429, %mul3A_430 : i32
        %add3A_432 = arith.addi %mul3A_2, %mul3A_431 : i32
        %dma_start3A_433 = tpu.memref_slice %arg3[%add3A_432] : memref<320000xi32, #tpu.memory_space<hbm>> -> memref<80xi32, #tpu.memory_space<hbm>>
        %dma_start3A_434 = tpu.memref_slice %arg3[%add3A_432] : memref<320000xi32, #tpu.memory_space<hbm>> -> memref<80xi32, #tpu.memory_space<hbm>>
        tpu.enqueue_dma source(%dma_start3A_434 : memref<80xi32, #tpu.memory_space<hbm>>) target(%arg8 : memref<80xi32, #tpu.memory_space<vmem>>) target_semaphore(%arg18 : memref<!tpu.dma_semaphore, #tpu.memory_space<semaphore_mem>>)
      } else {
      }
      %add3A_376 = arith.constant 10 : i32
      %add3A_377 = arith.addi %add3A_116, %add3A_376 : i32
      %dma_wait3A_378 = tpu.memref_slice %arg4[%mul3A_2] : memref<320000xi32, #tpu.memory_space<hbm>> -> memref<80xi32, #tpu.memory_space<hbm>>
      %dma_wait3A_379 = tpu.memref_slice %arg4[%mul3A_2] : memref<320000xi32, #tpu.memory_space<hbm>> -> memref<80xi32, #tpu.memory_space<hbm>>
      tpu.wait_dma2 semaphore(%arg23 : memref<!tpu.dma_semaphore, #tpu.memory_space<semaphore_mem>>) src(%dma_wait3A_379 : memref<80xi32, #tpu.memory_space<hbm>>) dst(%arg13 : memref<80xi32, #tpu.memory_space<vmem>>)
      %dma_wait3A_380 = tpu.memref_slice %arg3[%mul3A_2] : memref<320000xi32, #tpu.memory_space<hbm>> -> memref<80xi32, #tpu.memory_space<hbm>>
      %dma_wait3A_381 = tpu.memref_slice %arg3[%mul3A_2] : memref<320000xi32, #tpu.memory_space<hbm>> -> memref<80xi32, #tpu.memory_space<hbm>>
      tpu.wait_dma2 semaphore(%arg17 : memref<!tpu.dma_semaphore, #tpu.memory_space<semaphore_mem>>) src(%dma_wait3A_381 : memref<80xi32, #tpu.memory_space<hbm>>) dst(%arg7 : memref<80xi32, #tpu.memory_space<vmem>>)
      %dma_start3A_382 = arith.constant 0 : i32
      %dma_start3A_383 = arith.constant 0 : i32
      %dma_start3A_384 = tpu.memref_slice %arg2[%dma_start3A_382, %dma_start3A_383] : memref<10000x128xf32, #tpu.memory_space<hbm>> -> memref<10000x128xf32, #tpu.memory_space<hbm>>
      tpu.enqueue_indirect_dma source(%dma_start3A_384 : memref<10000x128xf32, #tpu.memory_space<hbm>>) target(%arg14 : memref<80x128xf32, #tpu.memory_space<vmem>>) offsets(%arg7 : memref<80xi32, #tpu.memory_space<vmem>>) semaphore(%arg24 : memref<!tpu.dma_semaphore, #tpu.memory_space<semaphore_mem>>)
      %dma_wait3A_385 = arith.constant 0 : i32
      %dma_wait3A_386 = arith.constant 0 : i32
      %dma_wait3A_387 = tpu.memref_slice %arg2[%dma_wait3A_385, %dma_wait3A_386] : memref<10000x128xf32, #tpu.memory_space<hbm>> -> memref<10000x128xf32, #tpu.memory_space<hbm>>
      tpu.wait_indirect_dma semaphore(%arg26 : memref<!tpu.dma_semaphore, #tpu.memory_space<semaphore_mem>>) src(%dma_wait3A_387 : memref<10000x128xf32, #tpu.memory_space<hbm>>) dst(%arg16 : memref<80x128xf32, #tpu.memory_space<vmem>>)
      "tpu.region"() ({
        %run_scoped3A = tpu.sem_alloc : memref<!tpu.dma_semaphore, #tpu.memory_space<semaphore_mem>>
        %dma_start3A_428 = arith.constant 0 : i32
        %dma_start3A_429 = arith.constant 0 : i32
        %dma_start3A_430 = tpu.memref_slice %arg31[%dma_start3A_428, %dma_start3A_429] : memref<10000x128xf32, #tpu.memory_space<vmem_shared>> -> memref<10000x128xf32, #tpu.memory_space<vmem_shared>>
        tpu.enqueue_indirect_dma source(%arg16 : memref<80x128xf32, #tpu.memory_space<vmem>>) target(%dma_start3A_430 : memref<10000x128xf32, #tpu.memory_space<vmem_shared>>) offsets(%arg12 : memref<80xi32, #tpu.memory_space<vmem>>) semaphore(%run_scoped3A : memref<!tpu.dma_semaphore, #tpu.memory_space<semaphore_mem>>) {add = true}
        %dma_wait3A_431 = arith.constant 0 : i32
        %dma_wait3A_432 = arith.constant 0 : i32
        %dma_wait3A_433 = tpu.memref_slice %arg31[%dma_wait3A_431, %dma_wait3A_432] : memref<10000x128xf32, #tpu.memory_space<vmem_shared>> -> memref<10000x128xf32, #tpu.memory_space<vmem_shared>>
        tpu.wait_indirect_dma semaphore(%run_scoped3A : memref<!tpu.dma_semaphore, #tpu.memory_space<semaphore_mem>>) src(%arg16 : memref<80x128xf32, #tpu.memory_space<vmem>>) dst(%dma_wait3A_433 : memref<10000x128xf32, #tpu.memory_space<vmem_shared>>)
        tpu.yield
      }) : () -> ()
      %add3A_388 = arith.constant 1 : i32
      %add3A_389 = arith.addi %add3A_377, %add3A_388 : i32
      %lt3A_390 = arith.constant 125 : i32
      %lt3A_391 = arith.cmpi slt, %add3A_389, %lt3A_390 : i32
      %convert_element_type3A_392 = arith.extui %lt3A_391 : i1 to i32
      %cond3A_393 = arith.constant 0 : i32
      %cond3A_394 = arith.cmpi ne, %convert_element_type3A_392, %cond3A_393 : i32
      scf.if %cond3A_394 {
        %add3A_428 = arith.constant 1 : i32
        %add3A_429 = arith.addi %add3A_377, %add3A_428 : i32
        %mul3A_430 = arith.constant 80 : i32
        %mul3A_431 = arith.muli %add3A_429, %mul3A_430 : i32
        %add3A_432 = arith.addi %mul3A_2, %mul3A_431 : i32
        %dma_start3A_433 = tpu.memref_slice %arg4[%add3A_432] : memref<320000xi32, #tpu.memory_space<hbm>> -> memref<80xi32, #tpu.memory_space<hbm>>
        %dma_start3A_434 = tpu.memref_slice %arg4[%add3A_432] : memref<320000xi32, #tpu.memory_space<hbm>> -> memref<80xi32, #tpu.memory_space<hbm>>
        tpu.enqueue_dma source(%dma_start3A_434 : memref<80xi32, #tpu.memory_space<hbm>>) target(%arg10 : memref<80xi32, #tpu.memory_space<vmem>>) target_semaphore(%arg20 : memref<!tpu.dma_semaphore, #tpu.memory_space<semaphore_mem>>)
      } else {
      }
      %add3A_395 = arith.constant 2 : i32
      %add3A_396 = arith.addi %add3A_377, %add3A_395 : i32
      %lt3A_397 = arith.constant 125 : i32
      %lt3A_398 = arith.cmpi slt, %add3A_396, %lt3A_397 : i32
      %convert_element_type3A_399 = arith.extui %lt3A_398 : i1 to i32
      %cond3A_400 = arith.constant 0 : i32
      %cond3A_401 = arith.cmpi ne, %convert_element_type3A_399, %cond3A_400 : i32
      scf.if %cond3A_401 {
        %add3A_428 = arith.constant 2 : i32
        %add3A_429 = arith.addi %add3A_377, %add3A_428 : i32
        %mul3A_430 = arith.constant 80 : i32
        %mul3A_431 = arith.muli %add3A_429, %mul3A_430 : i32
        %add3A_432 = arith.addi %mul3A_2, %mul3A_431 : i32
        %dma_start3A_433 = tpu.memref_slice %arg3[%add3A_432] : memref<320000xi32, #tpu.memory_space<hbm>> -> memref<80xi32, #tpu.memory_space<hbm>>
        %dma_start3A_434 = tpu.memref_slice %arg3[%add3A_432] : memref<320000xi32, #tpu.memory_space<hbm>> -> memref<80xi32, #tpu.memory_space<hbm>>
        tpu.enqueue_dma source(%dma_start3A_434 : memref<80xi32, #tpu.memory_space<hbm>>) target(%arg9 : memref<80xi32, #tpu.memory_space<vmem>>) target_semaphore(%arg19 : memref<!tpu.dma_semaphore, #tpu.memory_space<semaphore_mem>>)
      } else {
      }
      %add3A_402 = arith.constant 11 : i32
      %add3A_403 = arith.addi %add3A_116, %add3A_402 : i32
      %dma_wait3A_404 = tpu.memref_slice %arg4[%mul3A_2] : memref<320000xi32, #tpu.memory_space<hbm>> -> memref<80xi32, #tpu.memory_space<hbm>>
      %dma_wait3A_405 = tpu.memref_slice %arg4[%mul3A_2] : memref<320000xi32, #tpu.memory_space<hbm>> -> memref<80xi32, #tpu.memory_space<hbm>>
      tpu.wait_dma2 semaphore(%arg20 : memref<!tpu.dma_semaphore, #tpu.memory_space<semaphore_mem>>) src(%dma_wait3A_405 : memref<80xi32, #tpu.memory_space<hbm>>) dst(%arg10 : memref<80xi32, #tpu.memory_space<vmem>>)
      %dma_wait3A_406 = tpu.memref_slice %arg3[%mul3A_2] : memref<320000xi32, #tpu.memory_space<hbm>> -> memref<80xi32, #tpu.memory_space<hbm>>
      %dma_wait3A_407 = tpu.memref_slice %arg3[%mul3A_2] : memref<320000xi32, #tpu.memory_space<hbm>> -> memref<80xi32, #tpu.memory_space<hbm>>
      tpu.wait_dma2 semaphore(%arg18 : memref<!tpu.dma_semaphore, #tpu.memory_space<semaphore_mem>>) src(%dma_wait3A_407 : memref<80xi32, #tpu.memory_space<hbm>>) dst(%arg8 : memref<80xi32, #tpu.memory_space<vmem>>)
      %dma_start3A_408 = arith.constant 0 : i32
      %dma_start3A_409 = arith.constant 0 : i32
      %dma_start3A_410 = tpu.memref_slice %arg2[%dma_start3A_408, %dma_start3A_409] : memref<10000x128xf32, #tpu.memory_space<hbm>> -> memref<10000x128xf32, #tpu.memory_space<hbm>>
      tpu.enqueue_indirect_dma source(%dma_start3A_410 : memref<10000x128xf32, #tpu.memory_space<hbm>>) target(%arg15 : memref<80x128xf32, #tpu.memory_space<vmem>>) offsets(%arg8 : memref<80xi32, #tpu.memory_space<vmem>>) semaphore(%arg25 : memref<!tpu.dma_semaphore, #tpu.memory_space<semaphore_mem>>)
      %dma_wait3A_411 = arith.constant 0 : i32
      %dma_wait3A_412 = arith.constant 0 : i32
      %dma_wait3A_413 = tpu.memref_slice %arg2[%dma_wait3A_411, %dma_wait3A_412] : memref<10000x128xf32, #tpu.memory_space<hbm>> -> memref<10000x128xf32, #tpu.memory_space<hbm>>
      tpu.wait_indirect_dma semaphore(%arg24 : memref<!tpu.dma_semaphore, #tpu.memory_space<semaphore_mem>>) src(%dma_wait3A_413 : memref<10000x128xf32, #tpu.memory_space<hbm>>) dst(%arg14 : memref<80x128xf32, #tpu.memory_space<vmem>>)
      "tpu.region"() ({
        %run_scoped3A = tpu.sem_alloc : memref<!tpu.dma_semaphore, #tpu.memory_space<semaphore_mem>>
        %dma_start3A_428 = arith.constant 0 : i32
        %dma_start3A_429 = arith.constant 0 : i32
        %dma_start3A_430 = tpu.memref_slice %arg31[%dma_start3A_428, %dma_start3A_429] : memref<10000x128xf32, #tpu.memory_space<vmem_shared>> -> memref<10000x128xf32, #tpu.memory_space<vmem_shared>>
        tpu.enqueue_indirect_dma source(%arg14 : memref<80x128xf32, #tpu.memory_space<vmem>>) target(%dma_start3A_430 : memref<10000x128xf32, #tpu.memory_space<vmem_shared>>) offsets(%arg13 : memref<80xi32, #tpu.memory_space<vmem>>) semaphore(%run_scoped3A : memref<!tpu.dma_semaphore, #tpu.memory_space<semaphore_mem>>) {add = true}
        %dma_wait3A_431 = arith.constant 0 : i32
        %dma_wait3A_432 = arith.constant 0 : i32
        %dma_wait3A_433 = tpu.memref_slice %arg31[%dma_wait3A_431, %dma_wait3A_432] : memref<10000x128xf32, #tpu.memory_space<vmem_shared>> -> memref<10000x128xf32, #tpu.memory_space<vmem_shared>>
        tpu.wait_indirect_dma semaphore(%run_scoped3A : memref<!tpu.dma_semaphore, #tpu.memory_space<semaphore_mem>>) src(%arg14 : memref<80x128xf32, #tpu.memory_space<vmem>>) dst(%dma_wait3A_433 : memref<10000x128xf32, #tpu.memory_space<vmem_shared>>)
        tpu.yield
      }) : () -> ()
      %add3A_414 = arith.constant 1 : i32
      %add3A_415 = arith.addi %add3A_403, %add3A_414 : i32
      %lt3A_416 = arith.constant 125 : i32
      %lt3A_417 = arith.cmpi slt, %add3A_415, %lt3A_416 : i32
      %convert_element_type3A_418 = arith.extui %lt3A_417 : i1 to i32
      %cond3A_419 = arith.constant 0 : i32
      %cond3A_420 = arith.cmpi ne, %convert_element_type3A_418, %cond3A_419 : i32
      scf.if %cond3A_420 {
        %add3A_428 = arith.constant 1 : i32
        %add3A_429 = arith.addi %add3A_403, %add3A_428 : i32
        %mul3A_430 = arith.constant 80 : i32
        %mul3A_431 = arith.muli %add3A_429, %mul3A_430 : i32
        %add3A_432 = arith.addi %mul3A_2, %mul3A_431 : i32
        %dma_start3A_433 = tpu.memref_slice %arg4[%add3A_432] : memref<320000xi32, #tpu.memory_space<hbm>> -> memref<80xi32, #tpu.memory_space<hbm>>
        %dma_start3A_434 = tpu.memref_slice %arg4[%add3A_432] : memref<320000xi32, #tpu.memory_space<hbm>> -> memref<80xi32, #tpu.memory_space<hbm>>
        tpu.enqueue_dma source(%dma_start3A_434 : memref<80xi32, #tpu.memory_space<hbm>>) target(%arg11 : memref<80xi32, #tpu.memory_space<vmem>>) target_semaphore(%arg21 : memref<!tpu.dma_semaphore, #tpu.memory_space<semaphore_mem>>)
      } else {
      }
      %add3A_421 = arith.constant 2 : i32
      %add3A_422 = arith.addi %add3A_403, %add3A_421 : i32
      %lt3A_423 = arith.constant 125 : i32
      %lt3A_424 = arith.cmpi slt, %add3A_422, %lt3A_423 : i32
      %convert_element_type3A_425 = arith.extui %lt3A_424 : i1 to i32
      %cond3A_426 = arith.constant 0 : i32
      %cond3A_427 = arith.cmpi ne, %convert_element_type3A_425, %cond3A_426 : i32
      scf.if %cond3A_427 {
        %add3A_428 = arith.constant 2 : i32
        %add3A_429 = arith.addi %add3A_403, %add3A_428 : i32
        %mul3A_430 = arith.constant 80 : i32
        %mul3A_431 = arith.muli %add3A_429, %mul3A_430 : i32
        %add3A_432 = arith.addi %mul3A_2, %mul3A_431 : i32
        %dma_start3A_433 = tpu.memref_slice %arg3[%add3A_432] : memref<320000xi32, #tpu.memory_space<hbm>> -> memref<80xi32, #tpu.memory_space<hbm>>
        %dma_start3A_434 = tpu.memref_slice %arg3[%add3A_432] : memref<320000xi32, #tpu.memory_space<hbm>> -> memref<80xi32, #tpu.memory_space<hbm>>
        tpu.enqueue_dma source(%dma_start3A_434 : memref<80xi32, #tpu.memory_space<hbm>>) target(%arg7 : memref<80xi32, #tpu.memory_space<vmem>>) target_semaphore(%arg17 : memref<!tpu.dma_semaphore, #tpu.memory_space<semaphore_mem>>)
      } else {
      }
    }
    %scan3A_98 = arith.constant 10 : i32
    %dma_wait3A_99 = arith.constant 0 : i32
    %dma_wait3A_100 = arith.constant 0 : i32
    %dma_wait3A_101 = tpu.memref_slice %arg2[%dma_wait3A_99, %dma_wait3A_100] : memref<10000x128xf32, #tpu.memory_space<hbm>> -> memref<10000x128xf32, #tpu.memory_space<hbm>>
    tpu.wait_indirect_dma semaphore(%arg25 : memref<!tpu.dma_semaphore, #tpu.memory_space<semaphore_mem>>) src(%dma_wait3A_101 : memref<10000x128xf32, #tpu.memory_space<hbm>>) dst(%arg15 : memref<80x128xf32, #tpu.memory_space<vmem>>)
    "tpu.region"() ({
      %run_scoped3A = tpu.sem_alloc : memref<!tpu.dma_semaphore, #tpu.memory_space<semaphore_mem>>
      %dma_start3A_112 = arith.constant 0 : i32
      %dma_start3A_113 = arith.constant 0 : i32
      %dma_start3A_114 = tpu.memref_slice %arg31[%dma_start3A_112, %dma_start3A_113] : memref<10000x128xf32, #tpu.memory_space<vmem_shared>> -> memref<10000x128xf32, #tpu.memory_space<vmem_shared>>
      tpu.enqueue_indirect_dma source(%arg15 : memref<80x128xf32, #tpu.memory_space<vmem>>) target(%dma_start3A_114 : memref<10000x128xf32, #tpu.memory_space<vmem_shared>>) offsets(%arg10 : memref<80xi32, #tpu.memory_space<vmem>>) semaphore(%run_scoped3A : memref<!tpu.dma_semaphore, #tpu.memory_space<semaphore_mem>>) {add = true}
      %dma_wait3A_115 = arith.constant 0 : i32
      %dma_wait3A_116 = arith.constant 0 : i32
      %dma_wait3A_117 = tpu.memref_slice %arg31[%dma_wait3A_115, %dma_wait3A_116] : memref<10000x128xf32, #tpu.memory_space<vmem_shared>> -> memref<10000x128xf32, #tpu.memory_space<vmem_shared>>
      tpu.wait_indirect_dma semaphore(%run_scoped3A : memref<!tpu.dma_semaphore, #tpu.memory_space<semaphore_mem>>) src(%arg15 : memref<80x128xf32, #tpu.memory_space<vmem>>) dst(%dma_wait3A_117 : memref<10000x128xf32, #tpu.memory_space<vmem_shared>>)
      tpu.yield
    }) : () -> ()
    %barrier3A_102 = arith.constant 0 : index
    tpu.barrier barrier_id(%barrier3A_102)
    %mul3A_103 = arith.constant 624 : i32
    %mul3A_104 = arith.muli %arg1, %mul3A_103 : i32
    %mul3A_105 = arith.constant 624 : i32
    %mul3A_106 = arith.muli %arg1, %mul3A_105 : i32
    "tpu.region"() ({
      %run_scoped3A = tpu.sem_alloc : memref<!tpu.dma_semaphore, #tpu.memory_space<semaphore_mem>>
      %dma_start3A_112 = arith.constant 0 : i32
      %dma_start3A_113 = tpu.memref_slice %arg6[%arg0, %mul3A_106, %dma_start3A_112] : memref<2x10000x128xf32, #tpu.memory_space<hbm>> -> memref<1x624x128xf32, #tpu.memory_space<hbm>>
      %dma_start3A_114 = tpu.memref_squeeze %dma_start3A_113 : memref<1x624x128xf32, #tpu.memory_space<hbm>> -> memref<624x128xf32, #tpu.memory_space<hbm>>
      %dma_start3A_115 = arith.constant 0 : i32
      %dma_start3A_116 = tpu.memref_slice %arg31[%mul3A_104, %dma_start3A_115] : memref<10000x128xf32, #tpu.memory_space<vmem_shared>> -> memref<624x128xf32, #tpu.memory_space<vmem_shared>>
      tpu.enqueue_dma source(%dma_start3A_116 : memref<624x128xf32, #tpu.memory_space<vmem_shared>>) target(%dma_start3A_114 : memref<624x128xf32, #tpu.memory_space<hbm>>) target_semaphore(%run_scoped3A : memref<!tpu.dma_semaphore, #tpu.memory_space<semaphore_mem>>)
      %dma_wait3A_117 = arith.constant 0 : i32
      %dma_wait3A_118 = tpu.memref_slice %arg6[%arg0, %mul3A_106, %dma_wait3A_117] : memref<2x10000x128xf32, #tpu.memory_space<hbm>> -> memref<1x624x128xf32, #tpu.memory_space<hbm>>
      %dma_wait3A_119 = tpu.memref_squeeze %dma_wait3A_118 : memref<1x624x128xf32, #tpu.memory_space<hbm>> -> memref<624x128xf32, #tpu.memory_space<hbm>>
      %dma_wait3A_120 = arith.constant 0 : i32
      %dma_wait3A_121 = tpu.memref_slice %arg31[%mul3A_104, %dma_wait3A_120] : memref<10000x128xf32, #tpu.memory_space<vmem_shared>> -> memref<624x128xf32, #tpu.memory_space<vmem_shared>>
      tpu.wait_dma2 semaphore(%run_scoped3A : memref<!tpu.dma_semaphore, #tpu.memory_space<semaphore_mem>>) src(%dma_wait3A_121 : memref<624x128xf32, #tpu.memory_space<vmem_shared>>) dst(%dma_wait3A_119 : memref<624x128xf32, #tpu.memory_space<hbm>>)
      tpu.yield
    }) : () -> ()
    %eq3A_107 = arith.constant 15 : i32
    %eq3A_108 = arith.cmpi eq, %arg1, %eq3A_107 : i32
    %convert_element_type3A_109 = arith.extui %eq3A_108 : i1 to i32
    %cond3A_110 = arith.constant 0 : i32
    %cond3A_111 = arith.cmpi ne, %convert_element_type3A_109, %cond3A_110 : i32
    scf.if %cond3A_111 {
      "tpu.region"() ({
        %run_scoped3A = tpu.sem_alloc : memref<!tpu.dma_semaphore, #tpu.memory_space<semaphore_mem>>
        %dma_start3A_112 = arith.constant 9984 : i32
        %dma_start3A_113 = arith.constant 0 : i32
        %dma_start3A_114 = tpu.memref_slice %arg6[%arg0, %dma_start3A_112, %dma_start3A_113] : memref<2x10000x128xf32, #tpu.memory_space<hbm>> -> memref<1x16x128xf32, #tpu.memory_space<hbm>>
        %dma_start3A_115 = tpu.memref_squeeze %dma_start3A_114 : memref<1x16x128xf32, #tpu.memory_space<hbm>> -> memref<16x128xf32, #tpu.memory_space<hbm>>
        %dma_start3A_116 = arith.constant 9984 : i32
        %dma_start3A_117 = arith.constant 0 : i32
        %dma_start3A_118 = tpu.memref_slice %arg31[%dma_start3A_116, %dma_start3A_117] : memref<10000x128xf32, #tpu.memory_space<vmem_shared>> -> memref<16x128xf32, #tpu.memory_space<vmem_shared>>
        tpu.enqueue_dma source(%dma_start3A_118 : memref<16x128xf32, #tpu.memory_space<vmem_shared>>) target(%dma_start3A_115 : memref<16x128xf32, #tpu.memory_space<hbm>>) target_semaphore(%run_scoped3A : memref<!tpu.dma_semaphore, #tpu.memory_space<semaphore_mem>>)
        %dma_wait3A_119 = arith.constant 9984 : i32
        %dma_wait3A_120 = arith.constant 0 : i32
        %dma_wait3A_121 = tpu.memref_slice %arg6[%arg0, %dma_wait3A_119, %dma_wait3A_120] : memref<2x10000x128xf32, #tpu.memory_space<hbm>> -> memref<1x16x128xf32, #tpu.memory_space<hbm>>
        %dma_wait3A_122 = tpu.memref_squeeze %dma_wait3A_121 : memref<1x16x128xf32, #tpu.memory_space<hbm>> -> memref<16x128xf32, #tpu.memory_space<hbm>>
        %dma_wait3A_123 = arith.constant 9984 : i32
        %dma_wait3A_124 = arith.constant 0 : i32
        %dma_wait3A_125 = tpu.memref_slice %arg31[%dma_wait3A_123, %dma_wait3A_124] : memref<10000x128xf32, #tpu.memory_space<vmem_shared>> -> memref<16x128xf32, #tpu.memory_space<vmem_shared>>
        tpu.wait_dma2 semaphore(%run_scoped3A : memref<!tpu.dma_semaphore, #tpu.memory_space<semaphore_mem>>) src(%dma_wait3A_125 : memref<16x128xf32, #tpu.memory_space<vmem_shared>>) dst(%dma_wait3A_122 : memref<16x128xf32, #tpu.memory_space<hbm>>)
        tpu.yield
      }) : () -> ()
    } else {
    }
    return
  }
}

#map = affine_map<(d0, d1) -> (0)>
#map1 = affine_map<(d0, d1) -> (0, 0)>
#map2 = affine_map<(d0, d1) -> (0, 0, 0)>
module attributes {stable_mosaic.version = 14 : i64} {
  func.func @_sc_degree(%arg0: i32, %arg1: i32, %arg2: memref<320000xi32, #tpu.memory_space<hbm>>, %arg3: memref<10000x128xf32, #tpu.memory_space<hbm>>, %arg4: memref<80x128xf32, #tpu.memory_space<hbm>>, %arg5: memref<2x10000x128xf32, #tpu.memory_space<hbm>>, %arg6: memref<80xi32, #tpu.memory_space<vmem>>, %arg7: memref<80xi32, #tpu.memory_space<vmem>>, %arg8: memref<80x128xf32, #tpu.memory_space<vmem>>, %arg9: memref<!tpu.dma_semaphore, #tpu.memory_space<semaphore_mem>>, %arg10: memref<!tpu.dma_semaphore, #tpu.memory_space<semaphore_mem>>, %arg11: memref<10000x128xf32, #tpu.memory_space<vmem_shared>>) attributes {dimension_semantics = [#tpu.dimension_semantics<core_parallel>, #tpu.dimension_semantics<subcore_parallel>], iteration_bounds = array<i64: 2, 16>, scalar_prefetch = 0 : i64, scratch_operands = 6 : i64, tpu.core_type = #tpu.core_type<sc_vector_subcore>, window_params = [{transform_indices = #map}, {transform_indices = #map1}, {transform_indices = #map1}, {transform_indices = #map2}]} {
    %mul3A = arith.constant 16 : i32
    %mul3A_0 = arith.muli %arg0, %mul3A : i32
    %add3A = arith.addi %mul3A_0, %arg1 : i32
    %mul3A_1 = arith.constant 10000 : i32
    %mul3A_2 = arith.muli %add3A, %mul3A_1 : i32
    %mul3A_3 = arith.constant 624 : i32
    %mul3A_4 = arith.muli %arg1, %mul3A_3 : i32
    %mul3A_5 = arith.constant 624 : i32
    %mul3A_6 = arith.muli %arg1, %mul3A_5 : i32
    "tpu.region"() ({
      %run_scoped3A = tpu.sem_alloc : memref<!tpu.dma_semaphore, #tpu.memory_space<semaphore_mem>>
      %dma_start3A_27 = arith.constant 0 : i32
      %dma_start3A_28 = tpu.memref_slice %arg11[%mul3A_6, %dma_start3A_27] : memref<10000x128xf32, #tpu.memory_space<vmem_shared>> -> memref<624x128xf32, #tpu.memory_space<vmem_shared>>
      %dma_start3A_29 = arith.constant 0 : i32
      %dma_start3A_30 = tpu.memref_slice %arg3[%mul3A_4, %dma_start3A_29] : memref<10000x128xf32, #tpu.memory_space<hbm>> -> memref<624x128xf32, #tpu.memory_space<hbm>>
      tpu.enqueue_dma source(%dma_start3A_30 : memref<624x128xf32, #tpu.memory_space<hbm>>) target(%dma_start3A_28 : memref<624x128xf32, #tpu.memory_space<vmem_shared>>) target_semaphore(%run_scoped3A : memref<!tpu.dma_semaphore, #tpu.memory_space<semaphore_mem>>)
      %dma_wait3A = arith.constant 0 : i32
      %dma_wait3A_31 = tpu.memref_slice %arg11[%mul3A_6, %dma_wait3A] : memref<10000x128xf32, #tpu.memory_space<vmem_shared>> -> memref<624x128xf32, #tpu.memory_space<vmem_shared>>
      %dma_wait3A_32 = arith.constant 0 : i32
      %dma_wait3A_33 = tpu.memref_slice %arg3[%mul3A_4, %dma_wait3A_32] : memref<10000x128xf32, #tpu.memory_space<hbm>> -> memref<624x128xf32, #tpu.memory_space<hbm>>
      tpu.wait_dma2 semaphore(%run_scoped3A : memref<!tpu.dma_semaphore, #tpu.memory_space<semaphore_mem>>) src(%dma_wait3A_33 : memref<624x128xf32, #tpu.memory_space<hbm>>) dst(%dma_wait3A_31 : memref<624x128xf32, #tpu.memory_space<vmem_shared>>)
      tpu.yield
    }) : () -> ()
    %eq3A = arith.constant 15 : i32
    %eq3A_7 = arith.cmpi eq, %arg1, %eq3A : i32
    %convert_element_type3A = arith.extui %eq3A_7 : i1 to i32
    %cond3A = arith.constant 0 : i32
    %cond3A_8 = arith.cmpi ne, %convert_element_type3A, %cond3A : i32
    scf.if %cond3A_8 {
      "tpu.region"() ({
        %run_scoped3A = tpu.sem_alloc : memref<!tpu.dma_semaphore, #tpu.memory_space<semaphore_mem>>
        %dma_start3A_27 = arith.constant 9984 : i32
        %dma_start3A_28 = arith.constant 0 : i32
        %dma_start3A_29 = tpu.memref_slice %arg11[%dma_start3A_27, %dma_start3A_28] : memref<10000x128xf32, #tpu.memory_space<vmem_shared>> -> memref<16x128xf32, #tpu.memory_space<vmem_shared>>
        %dma_start3A_30 = arith.constant 9984 : i32
        %dma_start3A_31 = arith.constant 0 : i32
        %dma_start3A_32 = tpu.memref_slice %arg3[%dma_start3A_30, %dma_start3A_31] : memref<10000x128xf32, #tpu.memory_space<hbm>> -> memref<16x128xf32, #tpu.memory_space<hbm>>
        tpu.enqueue_dma source(%dma_start3A_32 : memref<16x128xf32, #tpu.memory_space<hbm>>) target(%dma_start3A_29 : memref<16x128xf32, #tpu.memory_space<vmem_shared>>) target_semaphore(%run_scoped3A : memref<!tpu.dma_semaphore, #tpu.memory_space<semaphore_mem>>)
        %dma_wait3A = arith.constant 9984 : i32
        %dma_wait3A_33 = arith.constant 0 : i32
        %dma_wait3A_34 = tpu.memref_slice %arg11[%dma_wait3A, %dma_wait3A_33] : memref<10000x128xf32, #tpu.memory_space<vmem_shared>> -> memref<16x128xf32, #tpu.memory_space<vmem_shared>>
        %dma_wait3A_35 = arith.constant 9984 : i32
        %dma_wait3A_36 = arith.constant 0 : i32
        %dma_wait3A_37 = tpu.memref_slice %arg3[%dma_wait3A_35, %dma_wait3A_36] : memref<10000x128xf32, #tpu.memory_space<hbm>> -> memref<16x128xf32, #tpu.memory_space<hbm>>
        tpu.wait_dma2 semaphore(%run_scoped3A : memref<!tpu.dma_semaphore, #tpu.memory_space<semaphore_mem>>) src(%dma_wait3A_37 : memref<16x128xf32, #tpu.memory_space<hbm>>) dst(%dma_wait3A_34 : memref<16x128xf32, #tpu.memory_space<vmem_shared>>)
        tpu.yield
      }) : () -> ()
    } else {
    }
    "tpu.region"() ({
      %run_scoped3A = tpu.sem_alloc : memref<!tpu.dma_semaphore, #tpu.memory_space<semaphore_mem>>
      tpu.enqueue_dma source(%arg4 : memref<80x128xf32, #tpu.memory_space<hbm>>) target(%arg8 : memref<80x128xf32, #tpu.memory_space<vmem>>) target_semaphore(%run_scoped3A : memref<!tpu.dma_semaphore, #tpu.memory_space<semaphore_mem>>)
      tpu.wait_dma2 semaphore(%run_scoped3A : memref<!tpu.dma_semaphore, #tpu.memory_space<semaphore_mem>>) src(%arg4 : memref<80x128xf32, #tpu.memory_space<hbm>>) dst(%arg8 : memref<80x128xf32, #tpu.memory_space<vmem>>)
      tpu.yield
    }) : () -> ()
    "tpu.region"() ({
      %run_scoped3A = tpu.sem_alloc : memref<!tpu.dma_semaphore, #tpu.memory_space<semaphore_mem>>
      %dma_start3A_27 = tpu.memref_slice %arg2[%mul3A_2] : memref<320000xi32, #tpu.memory_space<hbm>> -> memref<80xi32, #tpu.memory_space<hbm>>
      %dma_start3A_28 = tpu.memref_slice %arg2[%mul3A_2] : memref<320000xi32, #tpu.memory_space<hbm>> -> memref<80xi32, #tpu.memory_space<hbm>>
      tpu.enqueue_dma source(%dma_start3A_28 : memref<80xi32, #tpu.memory_space<hbm>>) target(%arg6 : memref<80xi32, #tpu.memory_space<vmem>>) target_semaphore(%run_scoped3A : memref<!tpu.dma_semaphore, #tpu.memory_space<semaphore_mem>>)
      %dma_wait3A = tpu.memref_slice %arg2[%mul3A_2] : memref<320000xi32, #tpu.memory_space<hbm>> -> memref<80xi32, #tpu.memory_space<hbm>>
      %dma_wait3A_29 = tpu.memref_slice %arg2[%mul3A_2] : memref<320000xi32, #tpu.memory_space<hbm>> -> memref<80xi32, #tpu.memory_space<hbm>>
      tpu.wait_dma2 semaphore(%run_scoped3A : memref<!tpu.dma_semaphore, #tpu.memory_space<semaphore_mem>>) src(%dma_wait3A_29 : memref<80xi32, #tpu.memory_space<hbm>>) dst(%arg6 : memref<80xi32, #tpu.memory_space<vmem>>)
      tpu.yield
    }) : () -> ()
    %add3A_9 = arith.constant 80 : i32
    %add3A_10 = arith.addi %mul3A_2, %add3A_9 : i32
    %dma_start3A = tpu.memref_slice %arg2[%add3A_10] : memref<320000xi32, #tpu.memory_space<hbm>> -> memref<80xi32, #tpu.memory_space<hbm>>
    %dma_start3A_11 = tpu.memref_slice %arg2[%add3A_10] : memref<320000xi32, #tpu.memory_space<hbm>> -> memref<80xi32, #tpu.memory_space<hbm>>
    tpu.enqueue_dma source(%dma_start3A_11 : memref<80xi32, #tpu.memory_space<hbm>>) target(%arg7 : memref<80xi32, #tpu.memory_space<vmem>>) target_semaphore(%arg10 : memref<!tpu.dma_semaphore, #tpu.memory_space<semaphore_mem>>)
    %barrier3A = arith.constant 0 : index
    tpu.barrier barrier_id(%barrier3A)
    "tpu.region"() ({
      %run_scoped3A = tpu.sem_alloc : memref<!tpu.dma_semaphore, #tpu.memory_space<semaphore_mem>>
      %dma_start3A_27 = arith.constant 0 : i32
      %dma_start3A_28 = arith.constant 0 : i32
      %dma_start3A_29 = tpu.memref_slice %arg11[%dma_start3A_27, %dma_start3A_28] : memref<10000x128xf32, #tpu.memory_space<vmem_shared>> -> memref<10000x128xf32, #tpu.memory_space<vmem_shared>>
      tpu.enqueue_indirect_dma source(%arg8 : memref<80x128xf32, #tpu.memory_space<vmem>>) target(%dma_start3A_29 : memref<10000x128xf32, #tpu.memory_space<vmem_shared>>) offsets(%arg6 : memref<80xi32, #tpu.memory_space<vmem>>) semaphore(%run_scoped3A : memref<!tpu.dma_semaphore, #tpu.memory_space<semaphore_mem>>) {add = true}
      %dma_wait3A = arith.constant 0 : i32
      %dma_wait3A_30 = arith.constant 0 : i32
      %dma_wait3A_31 = tpu.memref_slice %arg11[%dma_wait3A, %dma_wait3A_30] : memref<10000x128xf32, #tpu.memory_space<vmem_shared>> -> memref<10000x128xf32, #tpu.memory_space<vmem_shared>>
      tpu.wait_indirect_dma semaphore(%run_scoped3A : memref<!tpu.dma_semaphore, #tpu.memory_space<semaphore_mem>>) src(%arg8 : memref<80x128xf32, #tpu.memory_space<vmem>>) dst(%dma_wait3A_31 : memref<10000x128xf32, #tpu.memory_space<vmem_shared>>)
      tpu.yield
    }) : () -> ()
    %scan3A = arith.constant 0 : i32
    %scan3A_12 = arith.constant 0 : i32
    %scan3A_13 = arith.constant 62 : i32
    %scan3A_14 = arith.addi %scan3A_12, %scan3A_13 : i32
    %scan3A_15 = arith.constant 1 : i32
    scf.for %scan3A_27 = %scan3A_12 to %scan3A_14 step %scan3A_15  : i32 {
      %mul3A_28 = arith.constant 2 : i32
      %mul3A_29 = arith.muli %mul3A_28, %scan3A_27 : i32
      %add3A_30 = arith.constant 1 : i32
      %add3A_31 = arith.addi %mul3A_29, %add3A_30 : i32
      %add3A_32 = arith.constant 1 : i32
      %add3A_33 = arith.addi %add3A_31, %add3A_32 : i32
      %lt3A = arith.constant 125 : i32
      %lt3A_34 = arith.cmpi slt, %add3A_33, %lt3A : i32
      %mul3A_35 = arith.constant 80 : i32
      %mul3A_36 = arith.muli %add3A_31, %mul3A_35 : i32
      %add3A_37 = arith.addi %mul3A_2, %mul3A_36 : i32
      %dma_wait3A = tpu.memref_slice %arg2[%add3A_37] : memref<320000xi32, #tpu.memory_space<hbm>> -> memref<80xi32, #tpu.memory_space<hbm>>
      %dma_wait3A_38 = tpu.memref_slice %arg2[%add3A_37] : memref<320000xi32, #tpu.memory_space<hbm>> -> memref<80xi32, #tpu.memory_space<hbm>>
      tpu.wait_dma2 semaphore(%arg10 : memref<!tpu.dma_semaphore, #tpu.memory_space<semaphore_mem>>) src(%dma_wait3A_38 : memref<80xi32, #tpu.memory_space<hbm>>) dst(%arg7 : memref<80xi32, #tpu.memory_space<vmem>>)
      %convert_element_type3A_39 = arith.extui %lt3A_34 : i1 to i32
      %cond3A_40 = arith.constant 0 : i32
      %cond3A_41 = arith.cmpi ne, %convert_element_type3A_39, %cond3A_40 : i32
      scf.if %cond3A_41 {
        %add3A_56 = arith.constant 1 : i32
        %add3A_57 = arith.addi %add3A_31, %add3A_56 : i32
        %mul3A_58 = arith.constant 80 : i32
        %mul3A_59 = arith.muli %add3A_57, %mul3A_58 : i32
        %add3A_60 = arith.addi %mul3A_2, %mul3A_59 : i32
        %dma_start3A_61 = tpu.memref_slice %arg2[%add3A_60] : memref<320000xi32, #tpu.memory_space<hbm>> -> memref<80xi32, #tpu.memory_space<hbm>>
        %dma_start3A_62 = tpu.memref_slice %arg2[%add3A_60] : memref<320000xi32, #tpu.memory_space<hbm>> -> memref<80xi32, #tpu.memory_space<hbm>>
        tpu.enqueue_dma source(%dma_start3A_62 : memref<80xi32, #tpu.memory_space<hbm>>) target(%arg6 : memref<80xi32, #tpu.memory_space<vmem>>) target_semaphore(%arg9 : memref<!tpu.dma_semaphore, #tpu.memory_space<semaphore_mem>>)
      } else {
      }
      "tpu.region"() ({
        %run_scoped3A = tpu.sem_alloc : memref<!tpu.dma_semaphore, #tpu.memory_space<semaphore_mem>>
        %dma_start3A_56 = arith.constant 0 : i32
        %dma_start3A_57 = arith.constant 0 : i32
        %dma_start3A_58 = tpu.memref_slice %arg11[%dma_start3A_56, %dma_start3A_57] : memref<10000x128xf32, #tpu.memory_space<vmem_shared>> -> memref<10000x128xf32, #tpu.memory_space<vmem_shared>>
        tpu.enqueue_indirect_dma source(%arg8 : memref<80x128xf32, #tpu.memory_space<vmem>>) target(%dma_start3A_58 : memref<10000x128xf32, #tpu.memory_space<vmem_shared>>) offsets(%arg7 : memref<80xi32, #tpu.memory_space<vmem>>) semaphore(%run_scoped3A : memref<!tpu.dma_semaphore, #tpu.memory_space<semaphore_mem>>) {add = true}
        %dma_wait3A_59 = arith.constant 0 : i32
        %dma_wait3A_60 = arith.constant 0 : i32
        %dma_wait3A_61 = tpu.memref_slice %arg11[%dma_wait3A_59, %dma_wait3A_60] : memref<10000x128xf32, #tpu.memory_space<vmem_shared>> -> memref<10000x128xf32, #tpu.memory_space<vmem_shared>>
        tpu.wait_indirect_dma semaphore(%run_scoped3A : memref<!tpu.dma_semaphore, #tpu.memory_space<semaphore_mem>>) src(%arg8 : memref<80x128xf32, #tpu.memory_space<vmem>>) dst(%dma_wait3A_61 : memref<10000x128xf32, #tpu.memory_space<vmem_shared>>)
        tpu.yield
      }) : () -> ()
      %add3A_42 = arith.constant 1 : i32
      %add3A_43 = arith.addi %add3A_31, %add3A_42 : i32
      %add3A_44 = arith.constant 2 : i32
      %add3A_45 = arith.addi %add3A_31, %add3A_44 : i32
      %lt3A_46 = arith.constant 125 : i32
      %lt3A_47 = arith.cmpi slt, %add3A_45, %lt3A_46 : i32
      %mul3A_48 = arith.constant 80 : i32
      %mul3A_49 = arith.muli %add3A_43, %mul3A_48 : i32
      %add3A_50 = arith.addi %mul3A_2, %mul3A_49 : i32
      %dma_wait3A_51 = tpu.memref_slice %arg2[%add3A_50] : memref<320000xi32, #tpu.memory_space<hbm>> -> memref<80xi32, #tpu.memory_space<hbm>>
      %dma_wait3A_52 = tpu.memref_slice %arg2[%add3A_50] : memref<320000xi32, #tpu.memory_space<hbm>> -> memref<80xi32, #tpu.memory_space<hbm>>
      tpu.wait_dma2 semaphore(%arg9 : memref<!tpu.dma_semaphore, #tpu.memory_space<semaphore_mem>>) src(%dma_wait3A_52 : memref<80xi32, #tpu.memory_space<hbm>>) dst(%arg6 : memref<80xi32, #tpu.memory_space<vmem>>)
      %convert_element_type3A_53 = arith.extui %lt3A_47 : i1 to i32
      %cond3A_54 = arith.constant 0 : i32
      %cond3A_55 = arith.cmpi ne, %convert_element_type3A_53, %cond3A_54 : i32
      scf.if %cond3A_55 {
        %add3A_56 = arith.constant 1 : i32
        %add3A_57 = arith.addi %add3A_43, %add3A_56 : i32
        %mul3A_58 = arith.constant 80 : i32
        %mul3A_59 = arith.muli %add3A_57, %mul3A_58 : i32
        %add3A_60 = arith.addi %mul3A_2, %mul3A_59 : i32
        %dma_start3A_61 = tpu.memref_slice %arg2[%add3A_60] : memref<320000xi32, #tpu.memory_space<hbm>> -> memref<80xi32, #tpu.memory_space<hbm>>
        %dma_start3A_62 = tpu.memref_slice %arg2[%add3A_60] : memref<320000xi32, #tpu.memory_space<hbm>> -> memref<80xi32, #tpu.memory_space<hbm>>
        tpu.enqueue_dma source(%dma_start3A_62 : memref<80xi32, #tpu.memory_space<hbm>>) target(%arg7 : memref<80xi32, #tpu.memory_space<vmem>>) target_semaphore(%arg10 : memref<!tpu.dma_semaphore, #tpu.memory_space<semaphore_mem>>)
      } else {
      }
      "tpu.region"() ({
        %run_scoped3A = tpu.sem_alloc : memref<!tpu.dma_semaphore, #tpu.memory_space<semaphore_mem>>
        %dma_start3A_56 = arith.constant 0 : i32
        %dma_start3A_57 = arith.constant 0 : i32
        %dma_start3A_58 = tpu.memref_slice %arg11[%dma_start3A_56, %dma_start3A_57] : memref<10000x128xf32, #tpu.memory_space<vmem_shared>> -> memref<10000x128xf32, #tpu.memory_space<vmem_shared>>
        tpu.enqueue_indirect_dma source(%arg8 : memref<80x128xf32, #tpu.memory_space<vmem>>) target(%dma_start3A_58 : memref<10000x128xf32, #tpu.memory_space<vmem_shared>>) offsets(%arg6 : memref<80xi32, #tpu.memory_space<vmem>>) semaphore(%run_scoped3A : memref<!tpu.dma_semaphore, #tpu.memory_space<semaphore_mem>>) {add = true}
        %dma_wait3A_59 = arith.constant 0 : i32
        %dma_wait3A_60 = arith.constant 0 : i32
        %dma_wait3A_61 = tpu.memref_slice %arg11[%dma_wait3A_59, %dma_wait3A_60] : memref<10000x128xf32, #tpu.memory_space<vmem_shared>> -> memref<10000x128xf32, #tpu.memory_space<vmem_shared>>
        tpu.wait_indirect_dma semaphore(%run_scoped3A : memref<!tpu.dma_semaphore, #tpu.memory_space<semaphore_mem>>) src(%arg8 : memref<80x128xf32, #tpu.memory_space<vmem>>) dst(%dma_wait3A_61 : memref<10000x128xf32, #tpu.memory_space<vmem_shared>>)
        tpu.yield
      }) : () -> ()
    }
    %scan3A_16 = arith.constant 62 : i32
    %barrier3A_17 = arith.constant 0 : index
    tpu.barrier barrier_id(%barrier3A_17)
    %mul3A_18 = arith.constant 624 : i32
    %mul3A_19 = arith.muli %arg1, %mul3A_18 : i32
    %mul3A_20 = arith.constant 624 : i32
    %mul3A_21 = arith.muli %arg1, %mul3A_20 : i32
    "tpu.region"() ({
      %run_scoped3A = tpu.sem_alloc : memref<!tpu.dma_semaphore, #tpu.memory_space<semaphore_mem>>
      %dma_start3A_27 = arith.constant 0 : i32
      %dma_start3A_28 = tpu.memref_slice %arg5[%arg0, %mul3A_21, %dma_start3A_27] : memref<2x10000x128xf32, #tpu.memory_space<hbm>> -> memref<1x624x128xf32, #tpu.memory_space<hbm>>
      %dma_start3A_29 = tpu.memref_squeeze %dma_start3A_28 : memref<1x624x128xf32, #tpu.memory_space<hbm>> -> memref<624x128xf32, #tpu.memory_space<hbm>>
      %dma_start3A_30 = arith.constant 0 : i32
      %dma_start3A_31 = tpu.memref_slice %arg11[%mul3A_19, %dma_start3A_30] : memref<10000x128xf32, #tpu.memory_space<vmem_shared>> -> memref<624x128xf32, #tpu.memory_space<vmem_shared>>
      tpu.enqueue_dma source(%dma_start3A_31 : memref<624x128xf32, #tpu.memory_space<vmem_shared>>) target(%dma_start3A_29 : memref<624x128xf32, #tpu.memory_space<hbm>>) target_semaphore(%run_scoped3A : memref<!tpu.dma_semaphore, #tpu.memory_space<semaphore_mem>>)
      %dma_wait3A = arith.constant 0 : i32
      %dma_wait3A_32 = tpu.memref_slice %arg5[%arg0, %mul3A_21, %dma_wait3A] : memref<2x10000x128xf32, #tpu.memory_space<hbm>> -> memref<1x624x128xf32, #tpu.memory_space<hbm>>
      %dma_wait3A_33 = tpu.memref_squeeze %dma_wait3A_32 : memref<1x624x128xf32, #tpu.memory_space<hbm>> -> memref<624x128xf32, #tpu.memory_space<hbm>>
      %dma_wait3A_34 = arith.constant 0 : i32
      %dma_wait3A_35 = tpu.memref_slice %arg11[%mul3A_19, %dma_wait3A_34] : memref<10000x128xf32, #tpu.memory_space<vmem_shared>> -> memref<624x128xf32, #tpu.memory_space<vmem_shared>>
      tpu.wait_dma2 semaphore(%run_scoped3A : memref<!tpu.dma_semaphore, #tpu.memory_space<semaphore_mem>>) src(%dma_wait3A_35 : memref<624x128xf32, #tpu.memory_space<vmem_shared>>) dst(%dma_wait3A_33 : memref<624x128xf32, #tpu.memory_space<hbm>>)
      tpu.yield
    }) : () -> ()
    %eq3A_22 = arith.constant 15 : i32
    %eq3A_23 = arith.cmpi eq, %arg1, %eq3A_22 : i32
    %convert_element_type3A_24 = arith.extui %eq3A_23 : i1 to i32
    %cond3A_25 = arith.constant 0 : i32
    %cond3A_26 = arith.cmpi ne, %convert_element_type3A_24, %cond3A_25 : i32
    scf.if %cond3A_26 {
      "tpu.region"() ({
        %run_scoped3A = tpu.sem_alloc : memref<!tpu.dma_semaphore, #tpu.memory_space<semaphore_mem>>
        %dma_start3A_27 = arith.constant 9984 : i32
        %dma_start3A_28 = arith.constant 0 : i32
        %dma_start3A_29 = tpu.memref_slice %arg5[%arg0, %dma_start3A_27, %dma_start3A_28] : memref<2x10000x128xf32, #tpu.memory_space<hbm>> -> memref<1x16x128xf32, #tpu.memory_space<hbm>>
        %dma_start3A_30 = tpu.memref_squeeze %dma_start3A_29 : memref<1x16x128xf32, #tpu.memory_space<hbm>> -> memref<16x128xf32, #tpu.memory_space<hbm>>
        %dma_start3A_31 = arith.constant 9984 : i32
        %dma_start3A_32 = arith.constant 0 : i32
        %dma_start3A_33 = tpu.memref_slice %arg11[%dma_start3A_31, %dma_start3A_32] : memref<10000x128xf32, #tpu.memory_space<vmem_shared>> -> memref<16x128xf32, #tpu.memory_space<vmem_shared>>
        tpu.enqueue_dma source(%dma_start3A_33 : memref<16x128xf32, #tpu.memory_space<vmem_shared>>) target(%dma_start3A_30 : memref<16x128xf32, #tpu.memory_space<hbm>>) target_semaphore(%run_scoped3A : memref<!tpu.dma_semaphore, #tpu.memory_space<semaphore_mem>>)
        %dma_wait3A = arith.constant 9984 : i32
        %dma_wait3A_34 = arith.constant 0 : i32
        %dma_wait3A_35 = tpu.memref_slice %arg5[%arg0, %dma_wait3A, %dma_wait3A_34] : memref<2x10000x128xf32, #tpu.memory_space<hbm>> -> memref<1x16x128xf32, #tpu.memory_space<hbm>>
        %dma_wait3A_36 = tpu.memref_squeeze %dma_wait3A_35 : memref<1x16x128xf32, #tpu.memory_space<hbm>> -> memref<16x128xf32, #tpu.memory_space<hbm>>
        %dma_wait3A_37 = arith.constant 9984 : i32
        %dma_wait3A_38 = arith.constant 0 : i32
        %dma_wait3A_39 = tpu.memref_slice %arg11[%dma_wait3A_37, %dma_wait3A_38] : memref<10000x128xf32, #tpu.memory_space<vmem_shared>> -> memref<16x128xf32, #tpu.memory_space<vmem_shared>>
        tpu.wait_dma2 semaphore(%run_scoped3A : memref<!tpu.dma_semaphore, #tpu.memory_space<semaphore_mem>>) src(%dma_wait3A_39 : memref<16x128xf32, #tpu.memory_space<vmem_shared>>) dst(%dma_wait3A_36 : memref<16x128xf32, #tpu.memory_space<hbm>>)
        tpu.yield
      }) : () -> ()
    } else {
    }
    return
  }
}

#map = affine_map<(d0, d1) -> (0, 0)>
#map1 = affine_map<(d0, d1) -> (0)>
#map2 = affine_map<(d0, d1) -> (0, 0, 0)>
module attributes {stable_mosaic.version = 14 : i64} {
  func.func @_sc_scatter(%arg0: i32, %arg1: i32, %arg2: memref<10000x128xf32, #tpu.memory_space<hbm>>, %arg3: memref<320000xi32, #tpu.memory_space<hbm>>, %arg4: memref<320000xi32, #tpu.memory_space<hbm>>, %arg5: memref<10000x128xf32, #tpu.memory_space<hbm>>, %arg6: memref<2x10000x128xf32, #tpu.memory_space<hbm>>, %arg7: memref<80xi32, #tpu.memory_space<vmem>>, %arg8: memref<80xi32, #tpu.memory_space<vmem>>, %arg9: memref<80xi32, #tpu.memory_space<vmem>>, %arg10: memref<80xi32, #tpu.memory_space<vmem>>, %arg11: memref<80xi32, #tpu.memory_space<vmem>>, %arg12: memref<80xi32, #tpu.memory_space<vmem>>, %arg13: memref<80xi32, #tpu.memory_space<vmem>>, %arg14: memref<80x128xf32, #tpu.memory_space<vmem>>, %arg15: memref<80x128xf32, #tpu.memory_space<vmem>>, %arg16: memref<80x128xf32, #tpu.memory_space<vmem>>, %arg17: memref<!tpu.dma_semaphore, #tpu.memory_space<semaphore_mem>>, %arg18: memref<!tpu.dma_semaphore, #tpu.memory_space<semaphore_mem>>, %arg19: memref<!tpu.dma_semaphore, #tpu.memory_space<semaphore_mem>>, %arg20: memref<!tpu.dma_semaphore, #tpu.memory_space<semaphore_mem>>, %arg21: memref<!tpu.dma_semaphore, #tpu.memory_space<semaphore_mem>>, %arg22: memref<!tpu.dma_semaphore, #tpu.memory_space<semaphore_mem>>, %arg23: memref<!tpu.dma_semaphore, #tpu.memory_space<semaphore_mem>>, %arg24: memref<!tpu.dma_semaphore, #tpu.memory_space<semaphore_mem>>, %arg25: memref<!tpu.dma_semaphore, #tpu.memory_space<semaphore_mem>>, %arg26: memref<!tpu.dma_semaphore, #tpu.memory_space<semaphore_mem>>, %arg27: memref<!tpu.dma_semaphore, #tpu.memory_space<semaphore_mem>>, %arg28: memref<!tpu.dma_semaphore, #tpu.memory_space<semaphore_mem>>, %arg29: memref<!tpu.dma_semaphore, #tpu.memory_space<semaphore_mem>>, %arg30: memref<!tpu.dma_semaphore, #tpu.memory_space<semaphore_mem>>, %arg31: memref<10000x128xf32, #tpu.memory_space<vmem_shared>>) attributes {dimension_semantics = [#tpu.dimension_semantics<core_parallel>, #tpu.dimension_semantics<subcore_parallel>], iteration_bounds = array<i64: 2, 16>, scalar_prefetch = 0 : i64, scratch_operands = 25 : i64, tpu.core_type = #tpu.core_type<sc_vector_subcore>, window_params = [{transform_indices = #map}, {transform_indices = #map1}, {transform_indices = #map1}, {transform_indices = #map}, {transform_indices = #map2}]} {
    %mul3A = arith.constant 16 : i32
    %mul3A_0 = arith.muli %arg0, %mul3A : i32
    %add3A = arith.addi %mul3A_0, %arg1 : i32
    %mul3A_1 = arith.constant 10000 : i32
    %mul3A_2 = arith.muli %add3A, %mul3A_1 : i32
    %mul3A_3 = arith.constant 624 : i32
    %mul3A_4 = arith.muli %arg1, %mul3A_3 : i32
    %mul3A_5 = arith.constant 624 : i32
    %mul3A_6 = arith.muli %arg1, %mul3A_5 : i32
    "tpu.region"() ({
      %run_scoped3A = tpu.sem_alloc : memref<!tpu.dma_semaphore, #tpu.memory_space<semaphore_mem>>
      %dma_start3A_112 = arith.constant 0 : i32
      %dma_start3A_113 = tpu.memref_slice %arg31[%mul3A_6, %dma_start3A_112] : memref<10000x128xf32, #tpu.memory_space<vmem_shared>> -> memref<624x128xf32, #tpu.memory_space<vmem_shared>>
      %dma_start3A_114 = arith.constant 0 : i32
      %dma_start3A_115 = tpu.memref_slice %arg5[%mul3A_4, %dma_start3A_114] : memref<10000x128xf32, #tpu.memory_space<hbm>> -> memref<624x128xf32, #tpu.memory_space<hbm>>
      tpu.enqueue_dma source(%dma_start3A_115 : memref<624x128xf32, #tpu.memory_space<hbm>>) target(%dma_start3A_113 : memref<624x128xf32, #tpu.memory_space<vmem_shared>>) target_semaphore(%run_scoped3A : memref<!tpu.dma_semaphore, #tpu.memory_space<semaphore_mem>>)
      %dma_wait3A_116 = arith.constant 0 : i32
      %dma_wait3A_117 = tpu.memref_slice %arg31[%mul3A_6, %dma_wait3A_116] : memref<10000x128xf32, #tpu.memory_space<vmem_shared>> -> memref<624x128xf32, #tpu.memory_space<vmem_shared>>
      %dma_wait3A_118 = arith.constant 0 : i32
      %dma_wait3A_119 = tpu.memref_slice %arg5[%mul3A_4, %dma_wait3A_118] : memref<10000x128xf32, #tpu.memory_space<hbm>> -> memref<624x128xf32, #tpu.memory_space<hbm>>
      tpu.wait_dma2 semaphore(%run_scoped3A : memref<!tpu.dma_semaphore, #tpu.memory_space<semaphore_mem>>) src(%dma_wait3A_119 : memref<624x128xf32, #tpu.memory_space<hbm>>) dst(%dma_wait3A_117 : memref<624x128xf32, #tpu.memory_space<vmem_shared>>)
      tpu.yield
    }) : () -> ()
    %eq3A = arith.constant 15 : i32
    %eq3A_7 = arith.cmpi eq, %arg1, %eq3A : i32
    %convert_element_type3A = arith.extui %eq3A_7 : i1 to i32
    %cond3A = arith.constant 0 : i32
    %cond3A_8 = arith.cmpi ne, %convert_element_type3A, %cond3A : i32
    scf.if %cond3A_8 {
      "tpu.region"() ({
        %run_scoped3A = tpu.sem_alloc : memref<!tpu.dma_semaphore, #tpu.memory_space<semaphore_mem>>
        %dma_start3A_112 = arith.constant 9984 : i32
        %dma_start3A_113 = arith.constant 0 : i32
        %dma_start3A_114 = tpu.memref_slice %arg31[%dma_start3A_112, %dma_start3A_113] : memref<10000x128xf32, #tpu.memory_space<vmem_shared>> -> memref<16x128xf32, #tpu.memory_space<vmem_shared>>
        %dma_start3A_115 = arith.constant 9984 : i32
        %dma_start3A_116 = arith.constant 0 : i32
        %dma_start3A_117 = tpu.memref_slice %arg5[%dma_start3A_115, %dma_start3A_116] : memref<10000x128xf32, #tpu.memory_space<hbm>> -> memref<16x128xf32, #tpu.memory_space<hbm>>
        tpu.enqueue_dma source(%dma_start3A_117 : memref<16x128xf32, #tpu.memory_space<hbm>>) target(%dma_start3A_114 : memref<16x128xf32, #tpu.memory_space<vmem_shared>>) target_semaphore(%run_scoped3A : memref<!tpu.dma_semaphore, #tpu.memory_space<semaphore_mem>>)
        %dma_wait3A_118 = arith.constant 9984 : i32
        %dma_wait3A_119 = arith.constant 0 : i32
        %dma_wait3A_120 = tpu.memref_slice %arg31[%dma_wait3A_118, %dma_wait3A_119] : memref<10000x128xf32, #tpu.memory_space<vmem_shared>> -> memref<16x128xf32, #tpu.memory_space<vmem_shared>>
        %dma_wait3A_121 = arith.constant 9984 : i32
        %dma_wait3A_122 = arith.constant 0 : i32
        %dma_wait3A_123 = tpu.memref_slice %arg5[%dma_wait3A_121, %dma_wait3A_122] : memref<10000x128xf32, #tpu.memory_space<hbm>> -> memref<16x128xf32, #tpu.memory_space<hbm>>
        tpu.wait_dma2 semaphore(%run_scoped3A : memref<!tpu.dma_semaphore, #tpu.memory_space<semaphore_mem>>) src(%dma_wait3A_123 : memref<16x128xf32, #tpu.memory_space<hbm>>) dst(%dma_wait3A_120 : memref<16x128xf32, #tpu.memory_space<vmem_shared>>)
        tpu.yield
      }) : () -> ()
    } else {
    }
    "tpu.region"() ({
      %run_scoped3A = tpu.sem_alloc : memref<!tpu.dma_semaphore, #tpu.memory_space<semaphore_mem>>
      %dma_start3A_112 = tpu.memref_slice %arg3[%mul3A_2] : memref<320000xi32, #tpu.memory_space<hbm>> -> memref<80xi32, #tpu.memory_space<hbm>>
      %dma_start3A_113 = tpu.memref_slice %arg3[%mul3A_2] : memref<320000xi32, #tpu.memory_space<hbm>> -> memref<80xi32, #tpu.memory_space<hbm>>
      tpu.enqueue_dma source(%dma_start3A_113 : memref<80xi32, #tpu.memory_space<hbm>>) target(%arg7 : memref<80xi32, #tpu.memory_space<vmem>>) target_semaphore(%run_scoped3A : memref<!tpu.dma_semaphore, #tpu.memory_space<semaphore_mem>>)
      %dma_wait3A_114 = tpu.memref_slice %arg3[%mul3A_2] : memref<320000xi32, #tpu.memory_space<hbm>> -> memref<80xi32, #tpu.memory_space<hbm>>
      %dma_wait3A_115 = tpu.memref_slice %arg3[%mul3A_2] : memref<320000xi32, #tpu.memory_space<hbm>> -> memref<80xi32, #tpu.memory_space<hbm>>
      tpu.wait_dma2 semaphore(%run_scoped3A : memref<!tpu.dma_semaphore, #tpu.memory_space<semaphore_mem>>) src(%dma_wait3A_115 : memref<80xi32, #tpu.memory_space<hbm>>) dst(%arg7 : memref<80xi32, #tpu.memory_space<vmem>>)
      tpu.yield
    }) : () -> ()
    "tpu.region"() ({
      %run_scoped3A = tpu.sem_alloc : memref<!tpu.dma_semaphore, #tpu.memory_space<semaphore_mem>>
      %dma_start3A_112 = tpu.memref_slice %arg4[%mul3A_2] : memref<320000xi32, #tpu.memory_space<hbm>> -> memref<80xi32, #tpu.memory_space<hbm>>
      %dma_start3A_113 = tpu.memref_slice %arg4[%mul3A_2] : memref<320000xi32, #tpu.memory_space<hbm>> -> memref<80xi32, #tpu.memory_space<hbm>>
      tpu.enqueue_dma source(%dma_start3A_113 : memref<80xi32, #tpu.memory_space<hbm>>) target(%arg10 : memref<80xi32, #tpu.memory_space<vmem>>) target_semaphore(%run_scoped3A : memref<!tpu.dma_semaphore, #tpu.memory_space<semaphore_mem>>)
      %dma_wait3A_114 = tpu.memref_slice %arg4[%mul3A_2] : memref<320000xi32, #tpu.memory_space<hbm>> -> memref<80xi32, #tpu.memory_space<hbm>>
      %dma_wait3A_115 = tpu.memref_slice %arg4[%mul3A_2] : memref<320000xi32, #tpu.memory_space<hbm>> -> memref<80xi32, #tpu.memory_space<hbm>>
      tpu.wait_dma2 semaphore(%run_scoped3A : memref<!tpu.dma_semaphore, #tpu.memory_space<semaphore_mem>>) src(%dma_wait3A_115 : memref<80xi32, #tpu.memory_space<hbm>>) dst(%arg10 : memref<80xi32, #tpu.memory_space<vmem>>)
      tpu.yield
    }) : () -> ()
    %add3A_9 = arith.constant 80 : i32
    %add3A_10 = arith.addi %mul3A_2, %add3A_9 : i32
    %dma_start3A = tpu.memref_slice %arg3[%add3A_10] : memref<320000xi32, #tpu.memory_space<hbm>> -> memref<80xi32, #tpu.memory_space<hbm>>
    %dma_start3A_11 = tpu.memref_slice %arg3[%add3A_10] : memref<320000xi32, #tpu.memory_space<hbm>> -> memref<80xi32, #tpu.memory_space<hbm>>
    tpu.enqueue_dma source(%dma_start3A_11 : memref<80xi32, #tpu.memory_space<hbm>>) target(%arg8 : memref<80xi32, #tpu.memory_space<vmem>>) target_semaphore(%arg18 : memref<!tpu.dma_semaphore, #tpu.memory_space<semaphore_mem>>)
    %add3A_12 = arith.constant 160 : i32
    %add3A_13 = arith.addi %mul3A_2, %add3A_12 : i32
    %dma_start3A_14 = tpu.memref_slice %arg3[%add3A_13] : memref<320000xi32, #tpu.memory_space<hbm>> -> memref<80xi32, #tpu.memory_space<hbm>>
    %dma_start3A_15 = tpu.memref_slice %arg3[%add3A_13] : memref<320000xi32, #tpu.memory_space<hbm>> -> memref<80xi32, #tpu.memory_space<hbm>>
    tpu.enqueue_dma source(%dma_start3A_15 : memref<80xi32, #tpu.memory_space<hbm>>) target(%arg9 : memref<80xi32, #tpu.memory_space<vmem>>) target_semaphore(%arg19 : memref<!tpu.dma_semaphore, #tpu.memory_space<semaphore_mem>>)
    %add3A_16 = arith.constant 80 : i32
    %add3A_17 = arith.addi %mul3A_2, %add3A_16 : i32
    %dma_start3A_18 = tpu.memref_slice %arg4[%add3A_17] : memref<320000xi32, #tpu.memory_space<hbm>> -> memref<80xi32, #tpu.memory_space<hbm>>
    %dma_start3A_19 = tpu.memref_slice %arg4[%add3A_17] : memref<320000xi32, #tpu.memory_space<hbm>> -> memref<80xi32, #tpu.memory_space<hbm>>
    tpu.enqueue_dma source(%dma_start3A_19 : memref<80xi32, #tpu.memory_space<hbm>>) target(%arg11 : memref<80xi32, #tpu.memory_space<vmem>>) target_semaphore(%arg21 : memref<!tpu.dma_semaphore, #tpu.memory_space<semaphore_mem>>)
    %barrier3A = arith.constant 0 : index
    tpu.barrier barrier_id(%barrier3A)
    %dma_start3A_20 = arith.constant 0 : i32
    %dma_start3A_21 = arith.constant 0 : i32
    %dma_start3A_22 = tpu.memref_slice %arg2[%dma_start3A_20, %dma_start3A_21] : memref<10000x128xf32, #tpu.memory_space<hbm>> -> memref<10000x128xf32, #tpu.memory_space<hbm>>
    tpu.enqueue_indirect_dma source(%dma_start3A_22 : memref<10000x128xf32, #tpu.memory_space<hbm>>) target(%arg14 : memref<80x128xf32, #tpu.memory_space<vmem>>) offsets(%arg7 : memref<80xi32, #tpu.memory_space<vmem>>) semaphore(%arg24 : memref<!tpu.dma_semaphore, #tpu.memory_space<semaphore_mem>>)
    %dma_wait3A = tpu.memref_slice %arg4[%mul3A_2] : memref<320000xi32, #tpu.memory_space<hbm>> -> memref<80xi32, #tpu.memory_space<hbm>>
    %dma_wait3A_23 = tpu.memref_slice %arg4[%mul3A_2] : memref<320000xi32, #tpu.memory_space<hbm>> -> memref<80xi32, #tpu.memory_space<hbm>>
    tpu.wait_dma2 semaphore(%arg21 : memref<!tpu.dma_semaphore, #tpu.memory_space<semaphore_mem>>) src(%dma_wait3A_23 : memref<80xi32, #tpu.memory_space<hbm>>) dst(%arg11 : memref<80xi32, #tpu.memory_space<vmem>>)
    %dma_wait3A_24 = tpu.memref_slice %arg3[%mul3A_2] : memref<320000xi32, #tpu.memory_space<hbm>> -> memref<80xi32, #tpu.memory_space<hbm>>
    %dma_wait3A_25 = tpu.memref_slice %arg3[%mul3A_2] : memref<320000xi32, #tpu.memory_space<hbm>> -> memref<80xi32, #tpu.memory_space<hbm>>
    tpu.wait_dma2 semaphore(%arg18 : memref<!tpu.dma_semaphore, #tpu.memory_space<semaphore_mem>>) src(%dma_wait3A_25 : memref<80xi32, #tpu.memory_space<hbm>>) dst(%arg8 : memref<80xi32, #tpu.memory_space<vmem>>)
    %dma_start3A_26 = arith.constant 0 : i32
    %dma_start3A_27 = arith.constant 0 : i32
    %dma_start3A_28 = tpu.memref_slice %arg2[%dma_start3A_26, %dma_start3A_27] : memref<10000x128xf32, #tpu.memory_space<hbm>> -> memref<10000x128xf32, #tpu.memory_space<hbm>>
    tpu.enqueue_indirect_dma source(%dma_start3A_28 : memref<10000x128xf32, #tpu.memory_space<hbm>>) target(%arg15 : memref<80x128xf32, #tpu.memory_space<vmem>>) offsets(%arg8 : memref<80xi32, #tpu.memory_space<vmem>>) semaphore(%arg25 : memref<!tpu.dma_semaphore, #tpu.memory_space<semaphore_mem>>)
    %dma_wait3A_29 = arith.constant 0 : i32
    %dma_wait3A_30 = arith.constant 0 : i32
    %dma_wait3A_31 = tpu.memref_slice %arg2[%dma_wait3A_29, %dma_wait3A_30] : memref<10000x128xf32, #tpu.memory_space<hbm>> -> memref<10000x128xf32, #tpu.memory_space<hbm>>
    tpu.wait_indirect_dma semaphore(%arg24 : memref<!tpu.dma_semaphore, #tpu.memory_space<semaphore_mem>>) src(%dma_wait3A_31 : memref<10000x128xf32, #tpu.memory_space<hbm>>) dst(%arg14 : memref<80x128xf32, #tpu.memory_space<vmem>>)
    "tpu.region"() ({
      %run_scoped3A = tpu.sem_alloc : memref<!tpu.dma_semaphore, #tpu.memory_space<semaphore_mem>>
      %dma_start3A_112 = arith.constant 0 : i32
      %dma_start3A_113 = arith.constant 0 : i32
      %dma_start3A_114 = tpu.memref_slice %arg31[%dma_start3A_112, %dma_start3A_113] : memref<10000x128xf32, #tpu.memory_space<vmem_shared>> -> memref<10000x128xf32, #tpu.memory_space<vmem_shared>>
      tpu.enqueue_indirect_dma source(%arg14 : memref<80x128xf32, #tpu.memory_space<vmem>>) target(%dma_start3A_114 : memref<10000x128xf32, #tpu.memory_space<vmem_shared>>) offsets(%arg10 : memref<80xi32, #tpu.memory_space<vmem>>) semaphore(%run_scoped3A : memref<!tpu.dma_semaphore, #tpu.memory_space<semaphore_mem>>) {add = true}
      %dma_wait3A_115 = arith.constant 0 : i32
      %dma_wait3A_116 = arith.constant 0 : i32
      %dma_wait3A_117 = tpu.memref_slice %arg31[%dma_wait3A_115, %dma_wait3A_116] : memref<10000x128xf32, #tpu.memory_space<vmem_shared>> -> memref<10000x128xf32, #tpu.memory_space<vmem_shared>>
      tpu.wait_indirect_dma semaphore(%run_scoped3A : memref<!tpu.dma_semaphore, #tpu.memory_space<semaphore_mem>>) src(%arg14 : memref<80x128xf32, #tpu.memory_space<vmem>>) dst(%dma_wait3A_117 : memref<10000x128xf32, #tpu.memory_space<vmem_shared>>)
      tpu.yield
    }) : () -> ()
    %add3A_32 = arith.constant 160 : i32
    %add3A_33 = arith.addi %mul3A_2, %add3A_32 : i32
    %dma_start3A_34 = tpu.memref_slice %arg4[%add3A_33] : memref<320000xi32, #tpu.memory_space<hbm>> -> memref<80xi32, #tpu.memory_space<hbm>>
    %dma_start3A_35 = tpu.memref_slice %arg4[%add3A_33] : memref<320000xi32, #tpu.memory_space<hbm>> -> memref<80xi32, #tpu.memory_space<hbm>>
    tpu.enqueue_dma source(%dma_start3A_35 : memref<80xi32, #tpu.memory_space<hbm>>) target(%arg12 : memref<80xi32, #tpu.memory_space<vmem>>) target_semaphore(%arg22 : memref<!tpu.dma_semaphore, #tpu.memory_space<semaphore_mem>>)
    %add3A_36 = arith.constant 240 : i32
    %add3A_37 = arith.addi %mul3A_2, %add3A_36 : i32
    %dma_start3A_38 = tpu.memref_slice %arg3[%add3A_37] : memref<320000xi32, #tpu.memory_space<hbm>> -> memref<80xi32, #tpu.memory_space<hbm>>
    %dma_start3A_39 = tpu.memref_slice %arg3[%add3A_37] : memref<320000xi32, #tpu.memory_space<hbm>> -> memref<80xi32, #tpu.memory_space<hbm>>
    tpu.enqueue_dma source(%dma_start3A_39 : memref<80xi32, #tpu.memory_space<hbm>>) target(%arg7 : memref<80xi32, #tpu.memory_space<vmem>>) target_semaphore(%arg17 : memref<!tpu.dma_semaphore, #tpu.memory_space<semaphore_mem>>)
    %dma_wait3A_40 = tpu.memref_slice %arg4[%mul3A_2] : memref<320000xi32, #tpu.memory_space<hbm>> -> memref<80xi32, #tpu.memory_space<hbm>>
    %dma_wait3A_41 = tpu.memref_slice %arg4[%mul3A_2] : memref<320000xi32, #tpu.memory_space<hbm>> -> memref<80xi32, #tpu.memory_space<hbm>>
    tpu.wait_dma2 semaphore(%arg22 : memref<!tpu.dma_semaphore, #tpu.memory_space<semaphore_mem>>) src(%dma_wait3A_41 : memref<80xi32, #tpu.memory_space<hbm>>) dst(%arg12 : memref<80xi32, #tpu.memory_space<vmem>>)
    %dma_wait3A_42 = tpu.memref_slice %arg3[%mul3A_2] : memref<320000xi32, #tpu.memory_space<hbm>> -> memref<80xi32, #tpu.memory_space<hbm>>
    %dma_wait3A_43 = tpu.memref_slice %arg3[%mul3A_2] : memref<320000xi32, #tpu.memory_space<hbm>> -> memref<80xi32, #tpu.memory_space<hbm>>
    tpu.wait_dma2 semaphore(%arg19 : memref<!tpu.dma_semaphore, #tpu.memory_space<semaphore_mem>>) src(%dma_wait3A_43 : memref<80xi32, #tpu.memory_space<hbm>>) dst(%arg9 : memref<80xi32, #tpu.memory_space<vmem>>)
    %dma_start3A_44 = arith.constant 0 : i32
    %dma_start3A_45 = arith.constant 0 : i32
    %dma_start3A_46 = tpu.memref_slice %arg2[%dma_start3A_44, %dma_start3A_45] : memref<10000x128xf32, #tpu.memory_space<hbm>> -> memref<10000x128xf32, #tpu.memory_space<hbm>>
    tpu.enqueue_indirect_dma source(%dma_start3A_46 : memref<10000x128xf32, #tpu.memory_space<hbm>>) target(%arg16 : memref<80x128xf32, #tpu.memory_space<vmem>>) offsets(%arg9 : memref<80xi32, #tpu.memory_space<vmem>>) semaphore(%arg26 : memref<!tpu.dma_semaphore, #tpu.memory_space<semaphore_mem>>)
    %dma_wait3A_47 = arith.constant 0 : i32
    %dma_wait3A_48 = arith.constant 0 : i32
    %dma_wait3A_49 = tpu.memref_slice %arg2[%dma_wait3A_47, %dma_wait3A_48] : memref<10000x128xf32, #tpu.memory_space<hbm>> -> memref<10000x128xf32, #tpu.memory_space<hbm>>
    tpu.wait_indirect_dma semaphore(%arg25 : memref<!tpu.dma_semaphore, #tpu.memory_space<semaphore_mem>>) src(%dma_wait3A_49 : memref<10000x128xf32, #tpu.memory_space<hbm>>) dst(%arg15 : memref<80x128xf32, #tpu.memory_space<vmem>>)
    "tpu.region"() ({
      %run_scoped3A = tpu.sem_alloc : memref<!tpu.dma_semaphore, #tpu.memory_space<semaphore_mem>>
      %dma_start3A_112 = arith.constant 0 : i32
      %dma_start3A_113 = arith.constant 0 : i32
      %dma_start3A_114 = tpu.memref_slice %arg31[%dma_start3A_112, %dma_start3A_113] : memref<10000x128xf32, #tpu.memory_space<vmem_shared>> -> memref<10000x128xf32, #tpu.memory_space<vmem_shared>>
      tpu.enqueue_indirect_dma source(%arg15 : memref<80x128xf32, #tpu.memory_space<vmem>>) target(%dma_start3A_114 : memref<10000x128xf32, #tpu.memory_space<vmem_shared>>) offsets(%arg11 : memref<80xi32, #tpu.memory_space<vmem>>) semaphore(%run_scoped3A : memref<!tpu.dma_semaphore, #tpu.memory_space<semaphore_mem>>) {add = true}
      %dma_wait3A_115 = arith.constant 0 : i32
      %dma_wait3A_116 = arith.constant 0 : i32
      %dma_wait3A_117 = tpu.memref_slice %arg31[%dma_wait3A_115, %dma_wait3A_116] : memref<10000x128xf32, #tpu.memory_space<vmem_shared>> -> memref<10000x128xf32, #tpu.memory_space<vmem_shared>>
      tpu.wait_indirect_dma semaphore(%run_scoped3A : memref<!tpu.dma_semaphore, #tpu.memory_space<semaphore_mem>>) src(%arg15 : memref<80x128xf32, #tpu.memory_space<vmem>>) dst(%dma_wait3A_117 : memref<10000x128xf32, #tpu.memory_space<vmem_shared>>)
      tpu.yield
    }) : () -> ()
    %add3A_50 = arith.constant 240 : i32
    %add3A_51 = arith.addi %mul3A_2, %add3A_50 : i32
    %dma_start3A_52 = tpu.memref_slice %arg4[%add3A_51] : memref<320000xi32, #tpu.memory_space<hbm>> -> memref<80xi32, #tpu.memory_space<hbm>>
    %dma_start3A_53 = tpu.memref_slice %arg4[%add3A_51] : memref<320000xi32, #tpu.memory_space<hbm>> -> memref<80xi32, #tpu.memory_space<hbm>>
    tpu.enqueue_dma source(%dma_start3A_53 : memref<80xi32, #tpu.memory_space<hbm>>) target(%arg13 : memref<80xi32, #tpu.memory_space<vmem>>) target_semaphore(%arg23 : memref<!tpu.dma_semaphore, #tpu.memory_space<semaphore_mem>>)
    %add3A_54 = arith.constant 320 : i32
    %add3A_55 = arith.addi %mul3A_2, %add3A_54 : i32
    %dma_start3A_56 = tpu.memref_slice %arg3[%add3A_55] : memref<320000xi32, #tpu.memory_space<hbm>> -> memref<80xi32, #tpu.memory_space<hbm>>
    %dma_start3A_57 = tpu.memref_slice %arg3[%add3A_55] : memref<320000xi32, #tpu.memory_space<hbm>> -> memref<80xi32, #tpu.memory_space<hbm>>
    tpu.enqueue_dma source(%dma_start3A_57 : memref<80xi32, #tpu.memory_space<hbm>>) target(%arg8 : memref<80xi32, #tpu.memory_space<vmem>>) target_semaphore(%arg18 : memref<!tpu.dma_semaphore, #tpu.memory_space<semaphore_mem>>)
    %dma_wait3A_58 = tpu.memref_slice %arg4[%mul3A_2] : memref<320000xi32, #tpu.memory_space<hbm>> -> memref<80xi32, #tpu.memory_space<hbm>>
    %dma_wait3A_59 = tpu.memref_slice %arg4[%mul3A_2] : memref<320000xi32, #tpu.memory_space<hbm>> -> memref<80xi32, #tpu.memory_space<hbm>>
    tpu.wait_dma2 semaphore(%arg23 : memref<!tpu.dma_semaphore, #tpu.memory_space<semaphore_mem>>) src(%dma_wait3A_59 : memref<80xi32, #tpu.memory_space<hbm>>) dst(%arg13 : memref<80xi32, #tpu.memory_space<vmem>>)
    %dma_wait3A_60 = tpu.memref_slice %arg3[%mul3A_2] : memref<320000xi32, #tpu.memory_space<hbm>> -> memref<80xi32, #tpu.memory_space<hbm>>
    %dma_wait3A_61 = tpu.memref_slice %arg3[%mul3A_2] : memref<320000xi32, #tpu.memory_space<hbm>> -> memref<80xi32, #tpu.memory_space<hbm>>
    tpu.wait_dma2 semaphore(%arg17 : memref<!tpu.dma_semaphore, #tpu.memory_space<semaphore_mem>>) src(%dma_wait3A_61 : memref<80xi32, #tpu.memory_space<hbm>>) dst(%arg7 : memref<80xi32, #tpu.memory_space<vmem>>)
    %dma_start3A_62 = arith.constant 0 : i32
    %dma_start3A_63 = arith.constant 0 : i32
    %dma_start3A_64 = tpu.memref_slice %arg2[%dma_start3A_62, %dma_start3A_63] : memref<10000x128xf32, #tpu.memory_space<hbm>> -> memref<10000x128xf32, #tpu.memory_space<hbm>>
    tpu.enqueue_indirect_dma source(%dma_start3A_64 : memref<10000x128xf32, #tpu.memory_space<hbm>>) target(%arg14 : memref<80x128xf32, #tpu.memory_space<vmem>>) offsets(%arg7 : memref<80xi32, #tpu.memory_space<vmem>>) semaphore(%arg24 : memref<!tpu.dma_semaphore, #tpu.memory_space<semaphore_mem>>)
    %dma_wait3A_65 = arith.constant 0 : i32
    %dma_wait3A_66 = arith.constant 0 : i32
    %dma_wait3A_67 = tpu.memref_slice %arg2[%dma_wait3A_65, %dma_wait3A_66] : memref<10000x128xf32, #tpu.memory_space<hbm>> -> memref<10000x128xf32, #tpu.memory_space<hbm>>
    tpu.wait_indirect_dma semaphore(%arg26 : memref<!tpu.dma_semaphore, #tpu.memory_space<semaphore_mem>>) src(%dma_wait3A_67 : memref<10000x128xf32, #tpu.memory_space<hbm>>) dst(%arg16 : memref<80x128xf32, #tpu.memory_space<vmem>>)
    "tpu.region"() ({
      %run_scoped3A = tpu.sem_alloc : memref<!tpu.dma_semaphore, #tpu.memory_space<semaphore_mem>>
      %dma_start3A_112 = arith.constant 0 : i32
      %dma_start3A_113 = arith.constant 0 : i32
      %dma_start3A_114 = tpu.memref_slice %arg31[%dma_start3A_112, %dma_start3A_113] : memref<10000x128xf32, #tpu.memory_space<vmem_shared>> -> memref<10000x128xf32, #tpu.memory_space<vmem_shared>>
      tpu.enqueue_indirect_dma source(%arg16 : memref<80x128xf32, #tpu.memory_space<vmem>>) target(%dma_start3A_114 : memref<10000x128xf32, #tpu.memory_space<vmem_shared>>) offsets(%arg12 : memref<80xi32, #tpu.memory_space<vmem>>) semaphore(%run_scoped3A : memref<!tpu.dma_semaphore, #tpu.memory_space<semaphore_mem>>) {add = true}
      %dma_wait3A_115 = arith.constant 0 : i32
      %dma_wait3A_116 = arith.constant 0 : i32
      %dma_wait3A_117 = tpu.memref_slice %arg31[%dma_wait3A_115, %dma_wait3A_116] : memref<10000x128xf32, #tpu.memory_space<vmem_shared>> -> memref<10000x128xf32, #tpu.memory_space<vmem_shared>>
      tpu.wait_indirect_dma semaphore(%run_scoped3A : memref<!tpu.dma_semaphore, #tpu.memory_space<semaphore_mem>>) src(%arg16 : memref<80x128xf32, #tpu.memory_space<vmem>>) dst(%dma_wait3A_117 : memref<10000x128xf32, #tpu.memory_space<vmem_shared>>)
      tpu.yield
    }) : () -> ()
    %add3A_68 = arith.constant 320 : i32
    %add3A_69 = arith.addi %mul3A_2, %add3A_68 : i32
    %dma_start3A_70 = tpu.memref_slice %arg4[%add3A_69] : memref<320000xi32, #tpu.memory_space<hbm>> -> memref<80xi32, #tpu.memory_space<hbm>>
    %dma_start3A_71 = tpu.memref_slice %arg4[%add3A_69] : memref<320000xi32, #tpu.memory_space<hbm>> -> memref<80xi32, #tpu.memory_space<hbm>>
    tpu.enqueue_dma source(%dma_start3A_71 : memref<80xi32, #tpu.memory_space<hbm>>) target(%arg10 : memref<80xi32, #tpu.memory_space<vmem>>) target_semaphore(%arg20 : memref<!tpu.dma_semaphore, #tpu.memory_space<semaphore_mem>>)
    %add3A_72 = arith.constant 400 : i32
    %add3A_73 = arith.addi %mul3A_2, %add3A_72 : i32
    %dma_start3A_74 = tpu.memref_slice %arg3[%add3A_73] : memref<320000xi32, #tpu.memory_space<hbm>> -> memref<80xi32, #tpu.memory_space<hbm>>
    %dma_start3A_75 = tpu.memref_slice %arg3[%add3A_73] : memref<320000xi32, #tpu.memory_space<hbm>> -> memref<80xi32, #tpu.memory_space<hbm>>
    tpu.enqueue_dma source(%dma_start3A_75 : memref<80xi32, #tpu.memory_space<hbm>>) target(%arg9 : memref<80xi32, #tpu.memory_space<vmem>>) target_semaphore(%arg19 : memref<!tpu.dma_semaphore, #tpu.memory_space<semaphore_mem>>)
    %dma_wait3A_76 = tpu.memref_slice %arg4[%mul3A_2] : memref<320000xi32, #tpu.memory_space<hbm>> -> memref<80xi32, #tpu.memory_space<hbm>>
    %dma_wait3A_77 = tpu.memref_slice %arg4[%mul3A_2] : memref<320000xi32, #tpu.memory_space<hbm>> -> memref<80xi32, #tpu.memory_space<hbm>>
    tpu.wait_dma2 semaphore(%arg20 : memref<!tpu.dma_semaphore, #tpu.memory_space<semaphore_mem>>) src(%dma_wait3A_77 : memref<80xi32, #tpu.memory_space<hbm>>) dst(%arg10 : memref<80xi32, #tpu.memory_space<vmem>>)
    %dma_wait3A_78 = tpu.memref_slice %arg3[%mul3A_2] : memref<320000xi32, #tpu.memory_space<hbm>> -> memref<80xi32, #tpu.memory_space<hbm>>
    %dma_wait3A_79 = tpu.memref_slice %arg3[%mul3A_2] : memref<320000xi32, #tpu.memory_space<hbm>> -> memref<80xi32, #tpu.memory_space<hbm>>
    tpu.wait_dma2 semaphore(%arg18 : memref<!tpu.dma_semaphore, #tpu.memory_space<semaphore_mem>>) src(%dma_wait3A_79 : memref<80xi32, #tpu.memory_space<hbm>>) dst(%arg8 : memref<80xi32, #tpu.memory_space<vmem>>)
    %dma_start3A_80 = arith.constant 0 : i32
    %dma_start3A_81 = arith.constant 0 : i32
    %dma_start3A_82 = tpu.memref_slice %arg2[%dma_start3A_80, %dma_start3A_81] : memref<10000x128xf32, #tpu.memory_space<hbm>> -> memref<10000x128xf32, #tpu.memory_space<hbm>>
    tpu.enqueue_indirect_dma source(%dma_start3A_82 : memref<10000x128xf32, #tpu.memory_space<hbm>>) target(%arg15 : memref<80x128xf32, #tpu.memory_space<vmem>>) offsets(%arg8 : memref<80xi32, #tpu.memory_space<vmem>>) semaphore(%arg25 : memref<!tpu.dma_semaphore, #tpu.memory_space<semaphore_mem>>)
    %dma_wait3A_83 = arith.constant 0 : i32
    %dma_wait3A_84 = arith.constant 0 : i32
    %dma_wait3A_85 = tpu.memref_slice %arg2[%dma_wait3A_83, %dma_wait3A_84] : memref<10000x128xf32, #tpu.memory_space<hbm>> -> memref<10000x128xf32, #tpu.memory_space<hbm>>
    tpu.wait_indirect_dma semaphore(%arg24 : memref<!tpu.dma_semaphore, #tpu.memory_space<semaphore_mem>>) src(%dma_wait3A_85 : memref<10000x128xf32, #tpu.memory_space<hbm>>) dst(%arg14 : memref<80x128xf32, #tpu.memory_space<vmem>>)
    "tpu.region"() ({
      %run_scoped3A = tpu.sem_alloc : memref<!tpu.dma_semaphore, #tpu.memory_space<semaphore_mem>>
      %dma_start3A_112 = arith.constant 0 : i32
      %dma_start3A_113 = arith.constant 0 : i32
      %dma_start3A_114 = tpu.memref_slice %arg31[%dma_start3A_112, %dma_start3A_113] : memref<10000x128xf32, #tpu.memory_space<vmem_shared>> -> memref<10000x128xf32, #tpu.memory_space<vmem_shared>>
      tpu.enqueue_indirect_dma source(%arg14 : memref<80x128xf32, #tpu.memory_space<vmem>>) target(%dma_start3A_114 : memref<10000x128xf32, #tpu.memory_space<vmem_shared>>) offsets(%arg13 : memref<80xi32, #tpu.memory_space<vmem>>) semaphore(%run_scoped3A : memref<!tpu.dma_semaphore, #tpu.memory_space<semaphore_mem>>) {add = true}
      %dma_wait3A_115 = arith.constant 0 : i32
      %dma_wait3A_116 = arith.constant 0 : i32
      %dma_wait3A_117 = tpu.memref_slice %arg31[%dma_wait3A_115, %dma_wait3A_116] : memref<10000x128xf32, #tpu.memory_space<vmem_shared>> -> memref<10000x128xf32, #tpu.memory_space<vmem_shared>>
      tpu.wait_indirect_dma semaphore(%run_scoped3A : memref<!tpu.dma_semaphore, #tpu.memory_space<semaphore_mem>>) src(%arg14 : memref<80x128xf32, #tpu.memory_space<vmem>>) dst(%dma_wait3A_117 : memref<10000x128xf32, #tpu.memory_space<vmem_shared>>)
      tpu.yield
    }) : () -> ()
    %add3A_86 = arith.constant 400 : i32
    %add3A_87 = arith.addi %mul3A_2, %add3A_86 : i32
    %dma_start3A_88 = tpu.memref_slice %arg4[%add3A_87] : memref<320000xi32, #tpu.memory_space<hbm>> -> memref<80xi32, #tpu.memory_space<hbm>>
    %dma_start3A_89 = tpu.memref_slice %arg4[%add3A_87] : memref<320000xi32, #tpu.memory_space<hbm>> -> memref<80xi32, #tpu.memory_space<hbm>>
    tpu.enqueue_dma source(%dma_start3A_89 : memref<80xi32, #tpu.memory_space<hbm>>) target(%arg11 : memref<80xi32, #tpu.memory_space<vmem>>) target_semaphore(%arg21 : memref<!tpu.dma_semaphore, #tpu.memory_space<semaphore_mem>>)
    %add3A_90 = arith.constant 480 : i32
    %add3A_91 = arith.addi %mul3A_2, %add3A_90 : i32
    %dma_start3A_92 = tpu.memref_slice %arg3[%add3A_91] : memref<320000xi32, #tpu.memory_space<hbm>> -> memref<80xi32, #tpu.memory_space<hbm>>
    %dma_start3A_93 = tpu.memref_slice %arg3[%add3A_91] : memref<320000xi32, #tpu.memory_space<hbm>> -> memref<80xi32, #tpu.memory_space<hbm>>
    tpu.enqueue_dma source(%dma_start3A_93 : memref<80xi32, #tpu.memory_space<hbm>>) target(%arg7 : memref<80xi32, #tpu.memory_space<vmem>>) target_semaphore(%arg17 : memref<!tpu.dma_semaphore, #tpu.memory_space<semaphore_mem>>)
    %scan3A = arith.constant 0 : i32
    %scan3A_94 = arith.constant 0 : i32
    %scan3A_95 = arith.constant 10 : i32
    %scan3A_96 = arith.addi %scan3A_94, %scan3A_95 : i32
    %scan3A_97 = arith.constant 1 : i32
    scf.for %scan3A_112 = %scan3A_94 to %scan3A_96 step %scan3A_97  : i32 {
      %mul3A_113 = arith.constant 12 : i32
      %mul3A_114 = arith.muli %mul3A_113, %scan3A_112 : i32
      %add3A_115 = arith.constant 5 : i32
      %add3A_116 = arith.addi %add3A_115, %mul3A_114 : i32
      %add3A_117 = arith.constant 0 : i32
      %add3A_118 = arith.addi %add3A_116, %add3A_117 : i32
      %dma_wait3A_119 = tpu.memref_slice %arg4[%mul3A_2] : memref<320000xi32, #tpu.memory_space<hbm>> -> memref<80xi32, #tpu.memory_space<hbm>>
      %dma_wait3A_120 = tpu.memref_slice %arg4[%mul3A_2] : memref<320000xi32, #tpu.memory_space<hbm>> -> memref<80xi32, #tpu.memory_space<hbm>>
      tpu.wait_dma2 semaphore(%arg21 : memref<!tpu.dma_semaphore, #tpu.memory_space<semaphore_mem>>) src(%dma_wait3A_120 : memref<80xi32, #tpu.memory_space<hbm>>) dst(%arg11 : memref<80xi32, #tpu.memory_space<vmem>>)
      %dma_wait3A_121 = tpu.memref_slice %arg3[%mul3A_2] : memref<320000xi32, #tpu.memory_space<hbm>> -> memref<80xi32, #tpu.memory_space<hbm>>
      %dma_wait3A_122 = tpu.memref_slice %arg3[%mul3A_2] : memref<320000xi32, #tpu.memory_space<hbm>> -> memref<80xi32, #tpu.memory_space<hbm>>
      tpu.wait_dma2 semaphore(%arg19 : memref<!tpu.dma_semaphore, #tpu.memory_space<semaphore_mem>>) src(%dma_wait3A_122 : memref<80xi32, #tpu.memory_space<hbm>>) dst(%arg9 : memref<80xi32, #tpu.memory_space<vmem>>)
      %dma_start3A_123 = arith.constant 0 : i32
      %dma_start3A_124 = arith.constant 0 : i32
      %dma_start3A_125 = tpu.memref_slice %arg2[%dma_start3A_123, %dma_start3A_124] : memref<10000x128xf32, #tpu.memory_space<hbm>> -> memref<10000x128xf32, #tpu.memory_space<hbm>>
      tpu.enqueue_indirect_dma source(%dma_start3A_125 : memref<10000x128xf32, #tpu.memory_space<hbm>>) target(%arg16 : memref<80x128xf32, #tpu.memory_space<vmem>>) offsets(%arg9 : memref<80xi32, #tpu.memory_space<vmem>>) semaphore(%arg26 : memref<!tpu.dma_semaphore, #tpu.memory_space<semaphore_mem>>)
      %dma_wait3A_126 = arith.constant 0 : i32
      %dma_wait3A_127 = arith.constant 0 : i32
      %dma_wait3A_128 = tpu.memref_slice %arg2[%dma_wait3A_126, %dma_wait3A_127] : memref<10000x128xf32, #tpu.memory_space<hbm>> -> memref<10000x128xf32, #tpu.memory_space<hbm>>
      tpu.wait_indirect_dma semaphore(%arg25 : memref<!tpu.dma_semaphore, #tpu.memory_space<semaphore_mem>>) src(%dma_wait3A_128 : memref<10000x128xf32, #tpu.memory_space<hbm>>) dst(%arg15 : memref<80x128xf32, #tpu.memory_space<vmem>>)
      "tpu.region"() ({
        %run_scoped3A = tpu.sem_alloc : memref<!tpu.dma_semaphore, #tpu.memory_space<semaphore_mem>>
        %dma_start3A_428 = arith.constant 0 : i32
        %dma_start3A_429 = arith.constant 0 : i32
        %dma_start3A_430 = tpu.memref_slice %arg31[%dma_start3A_428, %dma_start3A_429] : memref<10000x128xf32, #tpu.memory_space<vmem_shared>> -> memref<10000x128xf32, #tpu.memory_space<vmem_shared>>
        tpu.enqueue_indirect_dma source(%arg15 : memref<80x128xf32, #tpu.memory_space<vmem>>) target(%dma_start3A_430 : memref<10000x128xf32, #tpu.memory_space<vmem_shared>>) offsets(%arg10 : memref<80xi32, #tpu.memory_space<vmem>>) semaphore(%run_scoped3A : memref<!tpu.dma_semaphore, #tpu.memory_space<semaphore_mem>>) {add = true}
        %dma_wait3A_431 = arith.constant 0 : i32
        %dma_wait3A_432 = arith.constant 0 : i32
        %dma_wait3A_433 = tpu.memref_slice %arg31[%dma_wait3A_431, %dma_wait3A_432] : memref<10000x128xf32, #tpu.memory_space<vmem_shared>> -> memref<10000x128xf32, #tpu.memory_space<vmem_shared>>
        tpu.wait_indirect_dma semaphore(%run_scoped3A : memref<!tpu.dma_semaphore, #tpu.memory_space<semaphore_mem>>) src(%arg15 : memref<80x128xf32, #tpu.memory_space<vmem>>) dst(%dma_wait3A_433 : memref<10000x128xf32, #tpu.memory_space<vmem_shared>>)
        tpu.yield
      }) : () -> ()
      %add3A_129 = arith.constant 1 : i32
      %add3A_130 = arith.addi %add3A_118, %add3A_129 : i32
      %lt3A = arith.constant 125 : i32
      %lt3A_131 = arith.cmpi slt, %add3A_130, %lt3A : i32
      %convert_element_type3A_132 = arith.extui %lt3A_131 : i1 to i32
      %cond3A_133 = arith.constant 0 : i32
      %cond3A_134 = arith.cmpi ne, %convert_element_type3A_132, %cond3A_133 : i32
      scf.if %cond3A_134 {
        %add3A_428 = arith.constant 1 : i32
        %add3A_429 = arith.addi %add3A_118, %add3A_428 : i32
        %mul3A_430 = arith.constant 80 : i32
        %mul3A_431 = arith.muli %add3A_429, %mul3A_430 : i32
        %add3A_432 = arith.addi %mul3A_2, %mul3A_431 : i32
        %dma_start3A_433 = tpu.memref_slice %arg4[%add3A_432] : memref<320000xi32, #tpu.memory_space<hbm>> -> memref<80xi32, #tpu.memory_space<hbm>>
        %dma_start3A_434 = tpu.memref_slice %arg4[%add3A_432] : memref<320000xi32, #tpu.memory_space<hbm>> -> memref<80xi32, #tpu.memory_space<hbm>>
        tpu.enqueue_dma source(%dma_start3A_434 : memref<80xi32, #tpu.memory_space<hbm>>) target(%arg12 : memref<80xi32, #tpu.memory_space<vmem>>) target_semaphore(%arg22 : memref<!tpu.dma_semaphore, #tpu.memory_space<semaphore_mem>>)
      } else {
      }
      %add3A_135 = arith.constant 2 : i32
      %add3A_136 = arith.addi %add3A_118, %add3A_135 : i32
      %lt3A_137 = arith.constant 125 : i32
      %lt3A_138 = arith.cmpi slt, %add3A_136, %lt3A_137 : i32
      %convert_element_type3A_139 = arith.extui %lt3A_138 : i1 to i32
      %cond3A_140 = arith.constant 0 : i32
      %cond3A_141 = arith.cmpi ne, %convert_element_type3A_139, %cond3A_140 : i32
      scf.if %cond3A_141 {
        %add3A_428 = arith.constant 2 : i32
        %add3A_429 = arith.addi %add3A_118, %add3A_428 : i32
        %mul3A_430 = arith.constant 80 : i32
        %mul3A_431 = arith.muli %add3A_429, %mul3A_430 : i32
        %add3A_432 = arith.addi %mul3A_2, %mul3A_431 : i32
        %dma_start3A_433 = tpu.memref_slice %arg3[%add3A_432] : memref<320000xi32, #tpu.memory_space<hbm>> -> memref<80xi32, #tpu.memory_space<hbm>>
        %dma_start3A_434 = tpu.memref_slice %arg3[%add3A_432] : memref<320000xi32, #tpu.memory_space<hbm>> -> memref<80xi32, #tpu.memory_space<hbm>>
        tpu.enqueue_dma source(%dma_start3A_434 : memref<80xi32, #tpu.memory_space<hbm>>) target(%arg8 : memref<80xi32, #tpu.memory_space<vmem>>) target_semaphore(%arg18 : memref<!tpu.dma_semaphore, #tpu.memory_space<semaphore_mem>>)
      } else {
      }
      %add3A_142 = arith.constant 1 : i32
      %add3A_143 = arith.addi %add3A_116, %add3A_142 : i32
      %dma_wait3A_144 = tpu.memref_slice %arg4[%mul3A_2] : memref<320000xi32, #tpu.memory_space<hbm>> -> memref<80xi32, #tpu.memory_space<hbm>>
      %dma_wait3A_145 = tpu.memref_slice %arg4[%mul3A_2] : memref<320000xi32, #tpu.memory_space<hbm>> -> memref<80xi32, #tpu.memory_space<hbm>>
      tpu.wait_dma2 semaphore(%arg22 : memref<!tpu.dma_semaphore, #tpu.memory_space<semaphore_mem>>) src(%dma_wait3A_145 : memref<80xi32, #tpu.memory_space<hbm>>) dst(%arg12 : memref<80xi32, #tpu.memory_space<vmem>>)
      %dma_wait3A_146 = tpu.memref_slice %arg3[%mul3A_2] : memref<320000xi32, #tpu.memory_space<hbm>> -> memref<80xi32, #tpu.memory_space<hbm>>
      %dma_wait3A_147 = tpu.memref_slice %arg3[%mul3A_2] : memref<320000xi32, #tpu.memory_space<hbm>> -> memref<80xi32, #tpu.memory_space<hbm>>
      tpu.wait_dma2 semaphore(%arg17 : memref<!tpu.dma_semaphore, #tpu.memory_space<semaphore_mem>>) src(%dma_wait3A_147 : memref<80xi32, #tpu.memory_space<hbm>>) dst(%arg7 : memref<80xi32, #tpu.memory_space<vmem>>)
      %dma_start3A_148 = arith.constant 0 : i32
      %dma_start3A_149 = arith.constant 0 : i32
      %dma_start3A_150 = tpu.memref_slice %arg2[%dma_start3A_148, %dma_start3A_149] : memref<10000x128xf32, #tpu.memory_space<hbm>> -> memref<10000x128xf32, #tpu.memory_space<hbm>>
      tpu.enqueue_indirect_dma source(%dma_start3A_150 : memref<10000x128xf32, #tpu.memory_space<hbm>>) target(%arg14 : memref<80x128xf32, #tpu.memory_space<vmem>>) offsets(%arg7 : memref<80xi32, #tpu.memory_space<vmem>>) semaphore(%arg24 : memref<!tpu.dma_semaphore, #tpu.memory_space<semaphore_mem>>)
      %dma_wait3A_151 = arith.constant 0 : i32
      %dma_wait3A_152 = arith.constant 0 : i32
      %dma_wait3A_153 = tpu.memref_slice %arg2[%dma_wait3A_151, %dma_wait3A_152] : memref<10000x128xf32, #tpu.memory_space<hbm>> -> memref<10000x128xf32, #tpu.memory_space<hbm>>
      tpu.wait_indirect_dma semaphore(%arg26 : memref<!tpu.dma_semaphore, #tpu.memory_space<semaphore_mem>>) src(%dma_wait3A_153 : memref<10000x128xf32, #tpu.memory_space<hbm>>) dst(%arg16 : memref<80x128xf32, #tpu.memory_space<vmem>>)
      "tpu.region"() ({
        %run_scoped3A = tpu.sem_alloc : memref<!tpu.dma_semaphore, #tpu.memory_space<semaphore_mem>>
        %dma_start3A_428 = arith.constant 0 : i32
        %dma_start3A_429 = arith.constant 0 : i32
        %dma_start3A_430 = tpu.memref_slice %arg31[%dma_start3A_428, %dma_start3A_429] : memref<10000x128xf32, #tpu.memory_space<vmem_shared>> -> memref<10000x128xf32, #tpu.memory_space<vmem_shared>>
        tpu.enqueue_indirect_dma source(%arg16 : memref<80x128xf32, #tpu.memory_space<vmem>>) target(%dma_start3A_430 : memref<10000x128xf32, #tpu.memory_space<vmem_shared>>) offsets(%arg11 : memref<80xi32, #tpu.memory_space<vmem>>) semaphore(%run_scoped3A : memref<!tpu.dma_semaphore, #tpu.memory_space<semaphore_mem>>) {add = true}
        %dma_wait3A_431 = arith.constant 0 : i32
        %dma_wait3A_432 = arith.constant 0 : i32
        %dma_wait3A_433 = tpu.memref_slice %arg31[%dma_wait3A_431, %dma_wait3A_432] : memref<10000x128xf32, #tpu.memory_space<vmem_shared>> -> memref<10000x128xf32, #tpu.memory_space<vmem_shared>>
        tpu.wait_indirect_dma semaphore(%run_scoped3A : memref<!tpu.dma_semaphore, #tpu.memory_space<semaphore_mem>>) src(%arg16 : memref<80x128xf32, #tpu.memory_space<vmem>>) dst(%dma_wait3A_433 : memref<10000x128xf32, #tpu.memory_space<vmem_shared>>)
        tpu.yield
      }) : () -> ()
      %add3A_154 = arith.constant 1 : i32
      %add3A_155 = arith.addi %add3A_143, %add3A_154 : i32
      %lt3A_156 = arith.constant 125 : i32
      %lt3A_157 = arith.cmpi slt, %add3A_155, %lt3A_156 : i32
      %convert_element_type3A_158 = arith.extui %lt3A_157 : i1 to i32
      %cond3A_159 = arith.constant 0 : i32
      %cond3A_160 = arith.cmpi ne, %convert_element_type3A_158, %cond3A_159 : i32
      scf.if %cond3A_160 {
        %add3A_428 = arith.constant 1 : i32
        %add3A_429 = arith.addi %add3A_143, %add3A_428 : i32
        %mul3A_430 = arith.constant 80 : i32
        %mul3A_431 = arith.muli %add3A_429, %mul3A_430 : i32
        %add3A_432 = arith.addi %mul3A_2, %mul3A_431 : i32
        %dma_start3A_433 = tpu.memref_slice %arg4[%add3A_432] : memref<320000xi32, #tpu.memory_space<hbm>> -> memref<80xi32, #tpu.memory_space<hbm>>
        %dma_start3A_434 = tpu.memref_slice %arg4[%add3A_432] : memref<320000xi32, #tpu.memory_space<hbm>> -> memref<80xi32, #tpu.memory_space<hbm>>
        tpu.enqueue_dma source(%dma_start3A_434 : memref<80xi32, #tpu.memory_space<hbm>>) target(%arg13 : memref<80xi32, #tpu.memory_space<vmem>>) target_semaphore(%arg23 : memref<!tpu.dma_semaphore, #tpu.memory_space<semaphore_mem>>)
      } else {
      }
      %add3A_161 = arith.constant 2 : i32
      %add3A_162 = arith.addi %add3A_143, %add3A_161 : i32
      %lt3A_163 = arith.constant 125 : i32
      %lt3A_164 = arith.cmpi slt, %add3A_162, %lt3A_163 : i32
      %convert_element_type3A_165 = arith.extui %lt3A_164 : i1 to i32
      %cond3A_166 = arith.constant 0 : i32
      %cond3A_167 = arith.cmpi ne, %convert_element_type3A_165, %cond3A_166 : i32
      scf.if %cond3A_167 {
        %add3A_428 = arith.constant 2 : i32
        %add3A_429 = arith.addi %add3A_143, %add3A_428 : i32
        %mul3A_430 = arith.constant 80 : i32
        %mul3A_431 = arith.muli %add3A_429, %mul3A_430 : i32
        %add3A_432 = arith.addi %mul3A_2, %mul3A_431 : i32
        %dma_start3A_433 = tpu.memref_slice %arg3[%add3A_432] : memref<320000xi32, #tpu.memory_space<hbm>> -> memref<80xi32, #tpu.memory_space<hbm>>
        %dma_start3A_434 = tpu.memref_slice %arg3[%add3A_432] : memref<320000xi32, #tpu.memory_space<hbm>> -> memref<80xi32, #tpu.memory_space<hbm>>
        tpu.enqueue_dma source(%dma_start3A_434 : memref<80xi32, #tpu.memory_space<hbm>>) target(%arg9 : memref<80xi32, #tpu.memory_space<vmem>>) target_semaphore(%arg19 : memref<!tpu.dma_semaphore, #tpu.memory_space<semaphore_mem>>)
      } else {
      }
      %add3A_168 = arith.constant 2 : i32
      %add3A_169 = arith.addi %add3A_116, %add3A_168 : i32
      %dma_wait3A_170 = tpu.memref_slice %arg4[%mul3A_2] : memref<320000xi32, #tpu.memory_space<hbm>> -> memref<80xi32, #tpu.memory_space<hbm>>
      %dma_wait3A_171 = tpu.memref_slice %arg4[%mul3A_2] : memref<320000xi32, #tpu.memory_space<hbm>> -> memref<80xi32, #tpu.memory_space<hbm>>
      tpu.wait_dma2 semaphore(%arg23 : memref<!tpu.dma_semaphore, #tpu.memory_space<semaphore_mem>>) src(%dma_wait3A_171 : memref<80xi32, #tpu.memory_space<hbm>>) dst(%arg13 : memref<80xi32, #tpu.memory_space<vmem>>)
      %dma_wait3A_172 = tpu.memref_slice %arg3[%mul3A_2] : memref<320000xi32, #tpu.memory_space<hbm>> -> memref<80xi32, #tpu.memory_space<hbm>>
      %dma_wait3A_173 = tpu.memref_slice %arg3[%mul3A_2] : memref<320000xi32, #tpu.memory_space<hbm>> -> memref<80xi32, #tpu.memory_space<hbm>>
      tpu.wait_dma2 semaphore(%arg18 : memref<!tpu.dma_semaphore, #tpu.memory_space<semaphore_mem>>) src(%dma_wait3A_173 : memref<80xi32, #tpu.memory_space<hbm>>) dst(%arg8 : memref<80xi32, #tpu.memory_space<vmem>>)
      %dma_start3A_174 = arith.constant 0 : i32
      %dma_start3A_175 = arith.constant 0 : i32
      %dma_start3A_176 = tpu.memref_slice %arg2[%dma_start3A_174, %dma_start3A_175] : memref<10000x128xf32, #tpu.memory_space<hbm>> -> memref<10000x128xf32, #tpu.memory_space<hbm>>
      tpu.enqueue_indirect_dma source(%dma_start3A_176 : memref<10000x128xf32, #tpu.memory_space<hbm>>) target(%arg15 : memref<80x128xf32, #tpu.memory_space<vmem>>) offsets(%arg8 : memref<80xi32, #tpu.memory_space<vmem>>) semaphore(%arg25 : memref<!tpu.dma_semaphore, #tpu.memory_space<semaphore_mem>>)
      %dma_wait3A_177 = arith.constant 0 : i32
      %dma_wait3A_178 = arith.constant 0 : i32
      %dma_wait3A_179 = tpu.memref_slice %arg2[%dma_wait3A_177, %dma_wait3A_178] : memref<10000x128xf32, #tpu.memory_space<hbm>> -> memref<10000x128xf32, #tpu.memory_space<hbm>>
      tpu.wait_indirect_dma semaphore(%arg24 : memref<!tpu.dma_semaphore, #tpu.memory_space<semaphore_mem>>) src(%dma_wait3A_179 : memref<10000x128xf32, #tpu.memory_space<hbm>>) dst(%arg14 : memref<80x128xf32, #tpu.memory_space<vmem>>)
      "tpu.region"() ({
        %run_scoped3A = tpu.sem_alloc : memref<!tpu.dma_semaphore, #tpu.memory_space<semaphore_mem>>
        %dma_start3A_428 = arith.constant 0 : i32
        %dma_start3A_429 = arith.constant 0 : i32
        %dma_start3A_430 = tpu.memref_slice %arg31[%dma_start3A_428, %dma_start3A_429] : memref<10000x128xf32, #tpu.memory_space<vmem_shared>> -> memref<10000x128xf32, #tpu.memory_space<vmem_shared>>
        tpu.enqueue_indirect_dma source(%arg14 : memref<80x128xf32, #tpu.memory_space<vmem>>) target(%dma_start3A_430 : memref<10000x128xf32, #tpu.memory_space<vmem_shared>>) offsets(%arg12 : memref<80xi32, #tpu.memory_space<vmem>>) semaphore(%run_scoped3A : memref<!tpu.dma_semaphore, #tpu.memory_space<semaphore_mem>>) {add = true}
        %dma_wait3A_431 = arith.constant 0 : i32
        %dma_wait3A_432 = arith.constant 0 : i32
        %dma_wait3A_433 = tpu.memref_slice %arg31[%dma_wait3A_431, %dma_wait3A_432] : memref<10000x128xf32, #tpu.memory_space<vmem_shared>> -> memref<10000x128xf32, #tpu.memory_space<vmem_shared>>
        tpu.wait_indirect_dma semaphore(%run_scoped3A : memref<!tpu.dma_semaphore, #tpu.memory_space<semaphore_mem>>) src(%arg14 : memref<80x128xf32, #tpu.memory_space<vmem>>) dst(%dma_wait3A_433 : memref<10000x128xf32, #tpu.memory_space<vmem_shared>>)
        tpu.yield
      }) : () -> ()
      %add3A_180 = arith.constant 1 : i32
      %add3A_181 = arith.addi %add3A_169, %add3A_180 : i32
      %lt3A_182 = arith.constant 125 : i32
      %lt3A_183 = arith.cmpi slt, %add3A_181, %lt3A_182 : i32
      %convert_element_type3A_184 = arith.extui %lt3A_183 : i1 to i32
      %cond3A_185 = arith.constant 0 : i32
      %cond3A_186 = arith.cmpi ne, %convert_element_type3A_184, %cond3A_185 : i32
      scf.if %cond3A_186 {
        %add3A_428 = arith.constant 1 : i32
        %add3A_429 = arith.addi %add3A_169, %add3A_428 : i32
        %mul3A_430 = arith.constant 80 : i32
        %mul3A_431 = arith.muli %add3A_429, %mul3A_430 : i32
        %add3A_432 = arith.addi %mul3A_2, %mul3A_431 : i32
        %dma_start3A_433 = tpu.memref_slice %arg4[%add3A_432] : memref<320000xi32, #tpu.memory_space<hbm>> -> memref<80xi32, #tpu.memory_space<hbm>>
        %dma_start3A_434 = tpu.memref_slice %arg4[%add3A_432] : memref<320000xi32, #tpu.memory_space<hbm>> -> memref<80xi32, #tpu.memory_space<hbm>>
        tpu.enqueue_dma source(%dma_start3A_434 : memref<80xi32, #tpu.memory_space<hbm>>) target(%arg10 : memref<80xi32, #tpu.memory_space<vmem>>) target_semaphore(%arg20 : memref<!tpu.dma_semaphore, #tpu.memory_space<semaphore_mem>>)
      } else {
      }
      %add3A_187 = arith.constant 2 : i32
      %add3A_188 = arith.addi %add3A_169, %add3A_187 : i32
      %lt3A_189 = arith.constant 125 : i32
      %lt3A_190 = arith.cmpi slt, %add3A_188, %lt3A_189 : i32
      %convert_element_type3A_191 = arith.extui %lt3A_190 : i1 to i32
      %cond3A_192 = arith.constant 0 : i32
      %cond3A_193 = arith.cmpi ne, %convert_element_type3A_191, %cond3A_192 : i32
      scf.if %cond3A_193 {
        %add3A_428 = arith.constant 2 : i32
        %add3A_429 = arith.addi %add3A_169, %add3A_428 : i32
        %mul3A_430 = arith.constant 80 : i32
        %mul3A_431 = arith.muli %add3A_429, %mul3A_430 : i32
        %add3A_432 = arith.addi %mul3A_2, %mul3A_431 : i32
        %dma_start3A_433 = tpu.memref_slice %arg3[%add3A_432] : memref<320000xi32, #tpu.memory_space<hbm>> -> memref<80xi32, #tpu.memory_space<hbm>>
        %dma_start3A_434 = tpu.memref_slice %arg3[%add3A_432] : memref<320000xi32, #tpu.memory_space<hbm>> -> memref<80xi32, #tpu.memory_space<hbm>>
        tpu.enqueue_dma source(%dma_start3A_434 : memref<80xi32, #tpu.memory_space<hbm>>) target(%arg7 : memref<80xi32, #tpu.memory_space<vmem>>) target_semaphore(%arg17 : memref<!tpu.dma_semaphore, #tpu.memory_space<semaphore_mem>>)
      } else {
      }
      %add3A_194 = arith.constant 3 : i32
      %add3A_195 = arith.addi %add3A_116, %add3A_194 : i32
      %dma_wait3A_196 = tpu.memref_slice %arg4[%mul3A_2] : memref<320000xi32, #tpu.memory_space<hbm>> -> memref<80xi32, #tpu.memory_space<hbm>>
      %dma_wait3A_197 = tpu.memref_slice %arg4[%mul3A_2] : memref<320000xi32, #tpu.memory_space<hbm>> -> memref<80xi32, #tpu.memory_space<hbm>>
      tpu.wait_dma2 semaphore(%arg20 : memref<!tpu.dma_semaphore, #tpu.memory_space<semaphore_mem>>) src(%dma_wait3A_197 : memref<80xi32, #tpu.memory_space<hbm>>) dst(%arg10 : memref<80xi32, #tpu.memory_space<vmem>>)
      %dma_wait3A_198 = tpu.memref_slice %arg3[%mul3A_2] : memref<320000xi32, #tpu.memory_space<hbm>> -> memref<80xi32, #tpu.memory_space<hbm>>
      %dma_wait3A_199 = tpu.memref_slice %arg3[%mul3A_2] : memref<320000xi32, #tpu.memory_space<hbm>> -> memref<80xi32, #tpu.memory_space<hbm>>
      tpu.wait_dma2 semaphore(%arg19 : memref<!tpu.dma_semaphore, #tpu.memory_space<semaphore_mem>>) src(%dma_wait3A_199 : memref<80xi32, #tpu.memory_space<hbm>>) dst(%arg9 : memref<80xi32, #tpu.memory_space<vmem>>)
      %dma_start3A_200 = arith.constant 0 : i32
      %dma_start3A_201 = arith.constant 0 : i32
      %dma_start3A_202 = tpu.memref_slice %arg2[%dma_start3A_200, %dma_start3A_201] : memref<10000x128xf32, #tpu.memory_space<hbm>> -> memref<10000x128xf32, #tpu.memory_space<hbm>>
      tpu.enqueue_indirect_dma source(%dma_start3A_202 : memref<10000x128xf32, #tpu.memory_space<hbm>>) target(%arg16 : memref<80x128xf32, #tpu.memory_space<vmem>>) offsets(%arg9 : memref<80xi32, #tpu.memory_space<vmem>>) semaphore(%arg26 : memref<!tpu.dma_semaphore, #tpu.memory_space<semaphore_mem>>)
      %dma_wait3A_203 = arith.constant 0 : i32
      %dma_wait3A_204 = arith.constant 0 : i32
      %dma_wait3A_205 = tpu.memref_slice %arg2[%dma_wait3A_203, %dma_wait3A_204] : memref<10000x128xf32, #tpu.memory_space<hbm>> -> memref<10000x128xf32, #tpu.memory_space<hbm>>
      tpu.wait_indirect_dma semaphore(%arg25 : memref<!tpu.dma_semaphore, #tpu.memory_space<semaphore_mem>>) src(%dma_wait3A_205 : memref<10000x128xf32, #tpu.memory_space<hbm>>) dst(%arg15 : memref<80x128xf32, #tpu.memory_space<vmem>>)
      "tpu.region"() ({
        %run_scoped3A = tpu.sem_alloc : memref<!tpu.dma_semaphore, #tpu.memory_space<semaphore_mem>>
        %dma_start3A_428 = arith.constant 0 : i32
        %dma_start3A_429 = arith.constant 0 : i32
        %dma_start3A_430 = tpu.memref_slice %arg31[%dma_start3A_428, %dma_start3A_429] : memref<10000x128xf32, #tpu.memory_space<vmem_shared>> -> memref<10000x128xf32, #tpu.memory_space<vmem_shared>>
        tpu.enqueue_indirect_dma source(%arg15 : memref<80x128xf32, #tpu.memory_space<vmem>>) target(%dma_start3A_430 : memref<10000x128xf32, #tpu.memory_space<vmem_shared>>) offsets(%arg13 : memref<80xi32, #tpu.memory_space<vmem>>) semaphore(%run_scoped3A : memref<!tpu.dma_semaphore, #tpu.memory_space<semaphore_mem>>) {add = true}
        %dma_wait3A_431 = arith.constant 0 : i32
        %dma_wait3A_432 = arith.constant 0 : i32
        %dma_wait3A_433 = tpu.memref_slice %arg31[%dma_wait3A_431, %dma_wait3A_432] : memref<10000x128xf32, #tpu.memory_space<vmem_shared>> -> memref<10000x128xf32, #tpu.memory_space<vmem_shared>>
        tpu.wait_indirect_dma semaphore(%run_scoped3A : memref<!tpu.dma_semaphore, #tpu.memory_space<semaphore_mem>>) src(%arg15 : memref<80x128xf32, #tpu.memory_space<vmem>>) dst(%dma_wait3A_433 : memref<10000x128xf32, #tpu.memory_space<vmem_shared>>)
        tpu.yield
      }) : () -> ()
      %add3A_206 = arith.constant 1 : i32
      %add3A_207 = arith.addi %add3A_195, %add3A_206 : i32
      %lt3A_208 = arith.constant 125 : i32
      %lt3A_209 = arith.cmpi slt, %add3A_207, %lt3A_208 : i32
      %convert_element_type3A_210 = arith.extui %lt3A_209 : i1 to i32
      %cond3A_211 = arith.constant 0 : i32
      %cond3A_212 = arith.cmpi ne, %convert_element_type3A_210, %cond3A_211 : i32
      scf.if %cond3A_212 {
        %add3A_428 = arith.constant 1 : i32
        %add3A_429 = arith.addi %add3A_195, %add3A_428 : i32
        %mul3A_430 = arith.constant 80 : i32
        %mul3A_431 = arith.muli %add3A_429, %mul3A_430 : i32
        %add3A_432 = arith.addi %mul3A_2, %mul3A_431 : i32
        %dma_start3A_433 = tpu.memref_slice %arg4[%add3A_432] : memref<320000xi32, #tpu.memory_space<hbm>> -> memref<80xi32, #tpu.memory_space<hbm>>
        %dma_start3A_434 = tpu.memref_slice %arg4[%add3A_432] : memref<320000xi32, #tpu.memory_space<hbm>> -> memref<80xi32, #tpu.memory_space<hbm>>
        tpu.enqueue_dma source(%dma_start3A_434 : memref<80xi32, #tpu.memory_space<hbm>>) target(%arg11 : memref<80xi32, #tpu.memory_space<vmem>>) target_semaphore(%arg21 : memref<!tpu.dma_semaphore, #tpu.memory_space<semaphore_mem>>)
      } else {
      }
      %add3A_213 = arith.constant 2 : i32
      %add3A_214 = arith.addi %add3A_195, %add3A_213 : i32
      %lt3A_215 = arith.constant 125 : i32
      %lt3A_216 = arith.cmpi slt, %add3A_214, %lt3A_215 : i32
      %convert_element_type3A_217 = arith.extui %lt3A_216 : i1 to i32
      %cond3A_218 = arith.constant 0 : i32
      %cond3A_219 = arith.cmpi ne, %convert_element_type3A_217, %cond3A_218 : i32
      scf.if %cond3A_219 {
        %add3A_428 = arith.constant 2 : i32
        %add3A_429 = arith.addi %add3A_195, %add3A_428 : i32
        %mul3A_430 = arith.constant 80 : i32
        %mul3A_431 = arith.muli %add3A_429, %mul3A_430 : i32
        %add3A_432 = arith.addi %mul3A_2, %mul3A_431 : i32
        %dma_start3A_433 = tpu.memref_slice %arg3[%add3A_432] : memref<320000xi32, #tpu.memory_space<hbm>> -> memref<80xi32, #tpu.memory_space<hbm>>
        %dma_start3A_434 = tpu.memref_slice %arg3[%add3A_432] : memref<320000xi32, #tpu.memory_space<hbm>> -> memref<80xi32, #tpu.memory_space<hbm>>
        tpu.enqueue_dma source(%dma_start3A_434 : memref<80xi32, #tpu.memory_space<hbm>>) target(%arg8 : memref<80xi32, #tpu.memory_space<vmem>>) target_semaphore(%arg18 : memref<!tpu.dma_semaphore, #tpu.memory_space<semaphore_mem>>)
      } else {
      }
      %add3A_220 = arith.constant 4 : i32
      %add3A_221 = arith.addi %add3A_116, %add3A_220 : i32
      %dma_wait3A_222 = tpu.memref_slice %arg4[%mul3A_2] : memref<320000xi32, #tpu.memory_space<hbm>> -> memref<80xi32, #tpu.memory_space<hbm>>
      %dma_wait3A_223 = tpu.memref_slice %arg4[%mul3A_2] : memref<320000xi32, #tpu.memory_space<hbm>> -> memref<80xi32, #tpu.memory_space<hbm>>
      tpu.wait_dma2 semaphore(%arg21 : memref<!tpu.dma_semaphore, #tpu.memory_space<semaphore_mem>>) src(%dma_wait3A_223 : memref<80xi32, #tpu.memory_space<hbm>>) dst(%arg11 : memref<80xi32, #tpu.memory_space<vmem>>)
      %dma_wait3A_224 = tpu.memref_slice %arg3[%mul3A_2] : memref<320000xi32, #tpu.memory_space<hbm>> -> memref<80xi32, #tpu.memory_space<hbm>>
      %dma_wait3A_225 = tpu.memref_slice %arg3[%mul3A_2] : memref<320000xi32, #tpu.memory_space<hbm>> -> memref<80xi32, #tpu.memory_space<hbm>>
      tpu.wait_dma2 semaphore(%arg17 : memref<!tpu.dma_semaphore, #tpu.memory_space<semaphore_mem>>) src(%dma_wait3A_225 : memref<80xi32, #tpu.memory_space<hbm>>) dst(%arg7 : memref<80xi32, #tpu.memory_space<vmem>>)
      %dma_start3A_226 = arith.constant 0 : i32
      %dma_start3A_227 = arith.constant 0 : i32
      %dma_start3A_228 = tpu.memref_slice %arg2[%dma_start3A_226, %dma_start3A_227] : memref<10000x128xf32, #tpu.memory_space<hbm>> -> memref<10000x128xf32, #tpu.memory_space<hbm>>
      tpu.enqueue_indirect_dma source(%dma_start3A_228 : memref<10000x128xf32, #tpu.memory_space<hbm>>) target(%arg14 : memref<80x128xf32, #tpu.memory_space<vmem>>) offsets(%arg7 : memref<80xi32, #tpu.memory_space<vmem>>) semaphore(%arg24 : memref<!tpu.dma_semaphore, #tpu.memory_space<semaphore_mem>>)
      %dma_wait3A_229 = arith.constant 0 : i32
      %dma_wait3A_230 = arith.constant 0 : i32
      %dma_wait3A_231 = tpu.memref_slice %arg2[%dma_wait3A_229, %dma_wait3A_230] : memref<10000x128xf32, #tpu.memory_space<hbm>> -> memref<10000x128xf32, #tpu.memory_space<hbm>>
      tpu.wait_indirect_dma semaphore(%arg26 : memref<!tpu.dma_semaphore, #tpu.memory_space<semaphore_mem>>) src(%dma_wait3A_231 : memref<10000x128xf32, #tpu.memory_space<hbm>>) dst(%arg16 : memref<80x128xf32, #tpu.memory_space<vmem>>)
      "tpu.region"() ({
        %run_scoped3A = tpu.sem_alloc : memref<!tpu.dma_semaphore, #tpu.memory_space<semaphore_mem>>
        %dma_start3A_428 = arith.constant 0 : i32
        %dma_start3A_429 = arith.constant 0 : i32
        %dma_start3A_430 = tpu.memref_slice %arg31[%dma_start3A_428, %dma_start3A_429] : memref<10000x128xf32, #tpu.memory_space<vmem_shared>> -> memref<10000x128xf32, #tpu.memory_space<vmem_shared>>
        tpu.enqueue_indirect_dma source(%arg16 : memref<80x128xf32, #tpu.memory_space<vmem>>) target(%dma_start3A_430 : memref<10000x128xf32, #tpu.memory_space<vmem_shared>>) offsets(%arg10 : memref<80xi32, #tpu.memory_space<vmem>>) semaphore(%run_scoped3A : memref<!tpu.dma_semaphore, #tpu.memory_space<semaphore_mem>>) {add = true}
        %dma_wait3A_431 = arith.constant 0 : i32
        %dma_wait3A_432 = arith.constant 0 : i32
        %dma_wait3A_433 = tpu.memref_slice %arg31[%dma_wait3A_431, %dma_wait3A_432] : memref<10000x128xf32, #tpu.memory_space<vmem_shared>> -> memref<10000x128xf32, #tpu.memory_space<vmem_shared>>
        tpu.wait_indirect_dma semaphore(%run_scoped3A : memref<!tpu.dma_semaphore, #tpu.memory_space<semaphore_mem>>) src(%arg16 : memref<80x128xf32, #tpu.memory_space<vmem>>) dst(%dma_wait3A_433 : memref<10000x128xf32, #tpu.memory_space<vmem_shared>>)
        tpu.yield
      }) : () -> ()
      %add3A_232 = arith.constant 1 : i32
      %add3A_233 = arith.addi %add3A_221, %add3A_232 : i32
      %lt3A_234 = arith.constant 125 : i32
      %lt3A_235 = arith.cmpi slt, %add3A_233, %lt3A_234 : i32
      %convert_element_type3A_236 = arith.extui %lt3A_235 : i1 to i32
      %cond3A_237 = arith.constant 0 : i32
      %cond3A_238 = arith.cmpi ne, %convert_element_type3A_236, %cond3A_237 : i32
      scf.if %cond3A_238 {
        %add3A_428 = arith.constant 1 : i32
        %add3A_429 = arith.addi %add3A_221, %add3A_428 : i32
        %mul3A_430 = arith.constant 80 : i32
        %mul3A_431 = arith.muli %add3A_429, %mul3A_430 : i32
        %add3A_432 = arith.addi %mul3A_2, %mul3A_431 : i32
        %dma_start3A_433 = tpu.memref_slice %arg4[%add3A_432] : memref<320000xi32, #tpu.memory_space<hbm>> -> memref<80xi32, #tpu.memory_space<hbm>>
        %dma_start3A_434 = tpu.memref_slice %arg4[%add3A_432] : memref<320000xi32, #tpu.memory_space<hbm>> -> memref<80xi32, #tpu.memory_space<hbm>>
        tpu.enqueue_dma source(%dma_start3A_434 : memref<80xi32, #tpu.memory_space<hbm>>) target(%arg12 : memref<80xi32, #tpu.memory_space<vmem>>) target_semaphore(%arg22 : memref<!tpu.dma_semaphore, #tpu.memory_space<semaphore_mem>>)
      } else {
      }
      %add3A_239 = arith.constant 2 : i32
      %add3A_240 = arith.addi %add3A_221, %add3A_239 : i32
      %lt3A_241 = arith.constant 125 : i32
      %lt3A_242 = arith.cmpi slt, %add3A_240, %lt3A_241 : i32
      %convert_element_type3A_243 = arith.extui %lt3A_242 : i1 to i32
      %cond3A_244 = arith.constant 0 : i32
      %cond3A_245 = arith.cmpi ne, %convert_element_type3A_243, %cond3A_244 : i32
      scf.if %cond3A_245 {
        %add3A_428 = arith.constant 2 : i32
        %add3A_429 = arith.addi %add3A_221, %add3A_428 : i32
        %mul3A_430 = arith.constant 80 : i32
        %mul3A_431 = arith.muli %add3A_429, %mul3A_430 : i32
        %add3A_432 = arith.addi %mul3A_2, %mul3A_431 : i32
        %dma_start3A_433 = tpu.memref_slice %arg3[%add3A_432] : memref<320000xi32, #tpu.memory_space<hbm>> -> memref<80xi32, #tpu.memory_space<hbm>>
        %dma_start3A_434 = tpu.memref_slice %arg3[%add3A_432] : memref<320000xi32, #tpu.memory_space<hbm>> -> memref<80xi32, #tpu.memory_space<hbm>>
        tpu.enqueue_dma source(%dma_start3A_434 : memref<80xi32, #tpu.memory_space<hbm>>) target(%arg9 : memref<80xi32, #tpu.memory_space<vmem>>) target_semaphore(%arg19 : memref<!tpu.dma_semaphore, #tpu.memory_space<semaphore_mem>>)
      } else {
      }
      %add3A_246 = arith.constant 5 : i32
      %add3A_247 = arith.addi %add3A_116, %add3A_246 : i32
      %dma_wait3A_248 = tpu.memref_slice %arg4[%mul3A_2] : memref<320000xi32, #tpu.memory_space<hbm>> -> memref<80xi32, #tpu.memory_space<hbm>>
      %dma_wait3A_249 = tpu.memref_slice %arg4[%mul3A_2] : memref<320000xi32, #tpu.memory_space<hbm>> -> memref<80xi32, #tpu.memory_space<hbm>>
      tpu.wait_dma2 semaphore(%arg22 : memref<!tpu.dma_semaphore, #tpu.memory_space<semaphore_mem>>) src(%dma_wait3A_249 : memref<80xi32, #tpu.memory_space<hbm>>) dst(%arg12 : memref<80xi32, #tpu.memory_space<vmem>>)
      %dma_wait3A_250 = tpu.memref_slice %arg3[%mul3A_2] : memref<320000xi32, #tpu.memory_space<hbm>> -> memref<80xi32, #tpu.memory_space<hbm>>
      %dma_wait3A_251 = tpu.memref_slice %arg3[%mul3A_2] : memref<320000xi32, #tpu.memory_space<hbm>> -> memref<80xi32, #tpu.memory_space<hbm>>
      tpu.wait_dma2 semaphore(%arg18 : memref<!tpu.dma_semaphore, #tpu.memory_space<semaphore_mem>>) src(%dma_wait3A_251 : memref<80xi32, #tpu.memory_space<hbm>>) dst(%arg8 : memref<80xi32, #tpu.memory_space<vmem>>)
      %dma_start3A_252 = arith.constant 0 : i32
      %dma_start3A_253 = arith.constant 0 : i32
      %dma_start3A_254 = tpu.memref_slice %arg2[%dma_start3A_252, %dma_start3A_253] : memref<10000x128xf32, #tpu.memory_space<hbm>> -> memref<10000x128xf32, #tpu.memory_space<hbm>>
      tpu.enqueue_indirect_dma source(%dma_start3A_254 : memref<10000x128xf32, #tpu.memory_space<hbm>>) target(%arg15 : memref<80x128xf32, #tpu.memory_space<vmem>>) offsets(%arg8 : memref<80xi32, #tpu.memory_space<vmem>>) semaphore(%arg25 : memref<!tpu.dma_semaphore, #tpu.memory_space<semaphore_mem>>)
      %dma_wait3A_255 = arith.constant 0 : i32
      %dma_wait3A_256 = arith.constant 0 : i32
      %dma_wait3A_257 = tpu.memref_slice %arg2[%dma_wait3A_255, %dma_wait3A_256] : memref<10000x128xf32, #tpu.memory_space<hbm>> -> memref<10000x128xf32, #tpu.memory_space<hbm>>
      tpu.wait_indirect_dma semaphore(%arg24 : memref<!tpu.dma_semaphore, #tpu.memory_space<semaphore_mem>>) src(%dma_wait3A_257 : memref<10000x128xf32, #tpu.memory_space<hbm>>) dst(%arg14 : memref<80x128xf32, #tpu.memory_space<vmem>>)
      "tpu.region"() ({
        %run_scoped3A = tpu.sem_alloc : memref<!tpu.dma_semaphore, #tpu.memory_space<semaphore_mem>>
        %dma_start3A_428 = arith.constant 0 : i32
        %dma_start3A_429 = arith.constant 0 : i32
        %dma_start3A_430 = tpu.memref_slice %arg31[%dma_start3A_428, %dma_start3A_429] : memref<10000x128xf32, #tpu.memory_space<vmem_shared>> -> memref<10000x128xf32, #tpu.memory_space<vmem_shared>>
        tpu.enqueue_indirect_dma source(%arg14 : memref<80x128xf32, #tpu.memory_space<vmem>>) target(%dma_start3A_430 : memref<10000x128xf32, #tpu.memory_space<vmem_shared>>) offsets(%arg11 : memref<80xi32, #tpu.memory_space<vmem>>) semaphore(%run_scoped3A : memref<!tpu.dma_semaphore, #tpu.memory_space<semaphore_mem>>) {add = true}
        %dma_wait3A_431 = arith.constant 0 : i32
        %dma_wait3A_432 = arith.constant 0 : i32
        %dma_wait3A_433 = tpu.memref_slice %arg31[%dma_wait3A_431, %dma_wait3A_432] : memref<10000x128xf32, #tpu.memory_space<vmem_shared>> -> memref<10000x128xf32, #tpu.memory_space<vmem_shared>>
        tpu.wait_indirect_dma semaphore(%run_scoped3A : memref<!tpu.dma_semaphore, #tpu.memory_space<semaphore_mem>>) src(%arg14 : memref<80x128xf32, #tpu.memory_space<vmem>>) dst(%dma_wait3A_433 : memref<10000x128xf32, #tpu.memory_space<vmem_shared>>)
        tpu.yield
      }) : () -> ()
      %add3A_258 = arith.constant 1 : i32
      %add3A_259 = arith.addi %add3A_247, %add3A_258 : i32
      %lt3A_260 = arith.constant 125 : i32
      %lt3A_261 = arith.cmpi slt, %add3A_259, %lt3A_260 : i32
      %convert_element_type3A_262 = arith.extui %lt3A_261 : i1 to i32
      %cond3A_263 = arith.constant 0 : i32
      %cond3A_264 = arith.cmpi ne, %convert_element_type3A_262, %cond3A_263 : i32
      scf.if %cond3A_264 {
        %add3A_428 = arith.constant 1 : i32
        %add3A_429 = arith.addi %add3A_247, %add3A_428 : i32
        %mul3A_430 = arith.constant 80 : i32
        %mul3A_431 = arith.muli %add3A_429, %mul3A_430 : i32
        %add3A_432 = arith.addi %mul3A_2, %mul3A_431 : i32
        %dma_start3A_433 = tpu.memref_slice %arg4[%add3A_432] : memref<320000xi32, #tpu.memory_space<hbm>> -> memref<80xi32, #tpu.memory_space<hbm>>
        %dma_start3A_434 = tpu.memref_slice %arg4[%add3A_432] : memref<320000xi32, #tpu.memory_space<hbm>> -> memref<80xi32, #tpu.memory_space<hbm>>
        tpu.enqueue_dma source(%dma_start3A_434 : memref<80xi32, #tpu.memory_space<hbm>>) target(%arg13 : memref<80xi32, #tpu.memory_space<vmem>>) target_semaphore(%arg23 : memref<!tpu.dma_semaphore, #tpu.memory_space<semaphore_mem>>)
      } else {
      }
      %add3A_265 = arith.constant 2 : i32
      %add3A_266 = arith.addi %add3A_247, %add3A_265 : i32
      %lt3A_267 = arith.constant 125 : i32
      %lt3A_268 = arith.cmpi slt, %add3A_266, %lt3A_267 : i32
      %convert_element_type3A_269 = arith.extui %lt3A_268 : i1 to i32
      %cond3A_270 = arith.constant 0 : i32
      %cond3A_271 = arith.cmpi ne, %convert_element_type3A_269, %cond3A_270 : i32
      scf.if %cond3A_271 {
        %add3A_428 = arith.constant 2 : i32
        %add3A_429 = arith.addi %add3A_247, %add3A_428 : i32
        %mul3A_430 = arith.constant 80 : i32
        %mul3A_431 = arith.muli %add3A_429, %mul3A_430 : i32
        %add3A_432 = arith.addi %mul3A_2, %mul3A_431 : i32
        %dma_start3A_433 = tpu.memref_slice %arg3[%add3A_432] : memref<320000xi32, #tpu.memory_space<hbm>> -> memref<80xi32, #tpu.memory_space<hbm>>
        %dma_start3A_434 = tpu.memref_slice %arg3[%add3A_432] : memref<320000xi32, #tpu.memory_space<hbm>> -> memref<80xi32, #tpu.memory_space<hbm>>
        tpu.enqueue_dma source(%dma_start3A_434 : memref<80xi32, #tpu.memory_space<hbm>>) target(%arg7 : memref<80xi32, #tpu.memory_space<vmem>>) target_semaphore(%arg17 : memref<!tpu.dma_semaphore, #tpu.memory_space<semaphore_mem>>)
      } else {
      }
      %add3A_272 = arith.constant 6 : i32
      %add3A_273 = arith.addi %add3A_116, %add3A_272 : i32
      %dma_wait3A_274 = tpu.memref_slice %arg4[%mul3A_2] : memref<320000xi32, #tpu.memory_space<hbm>> -> memref<80xi32, #tpu.memory_space<hbm>>
      %dma_wait3A_275 = tpu.memref_slice %arg4[%mul3A_2] : memref<320000xi32, #tpu.memory_space<hbm>> -> memref<80xi32, #tpu.memory_space<hbm>>
      tpu.wait_dma2 semaphore(%arg23 : memref<!tpu.dma_semaphore, #tpu.memory_space<semaphore_mem>>) src(%dma_wait3A_275 : memref<80xi32, #tpu.memory_space<hbm>>) dst(%arg13 : memref<80xi32, #tpu.memory_space<vmem>>)
      %dma_wait3A_276 = tpu.memref_slice %arg3[%mul3A_2] : memref<320000xi32, #tpu.memory_space<hbm>> -> memref<80xi32, #tpu.memory_space<hbm>>
      %dma_wait3A_277 = tpu.memref_slice %arg3[%mul3A_2] : memref<320000xi32, #tpu.memory_space<hbm>> -> memref<80xi32, #tpu.memory_space<hbm>>
      tpu.wait_dma2 semaphore(%arg19 : memref<!tpu.dma_semaphore, #tpu.memory_space<semaphore_mem>>) src(%dma_wait3A_277 : memref<80xi32, #tpu.memory_space<hbm>>) dst(%arg9 : memref<80xi32, #tpu.memory_space<vmem>>)
      %dma_start3A_278 = arith.constant 0 : i32
      %dma_start3A_279 = arith.constant 0 : i32
      %dma_start3A_280 = tpu.memref_slice %arg2[%dma_start3A_278, %dma_start3A_279] : memref<10000x128xf32, #tpu.memory_space<hbm>> -> memref<10000x128xf32, #tpu.memory_space<hbm>>
      tpu.enqueue_indirect_dma source(%dma_start3A_280 : memref<10000x128xf32, #tpu.memory_space<hbm>>) target(%arg16 : memref<80x128xf32, #tpu.memory_space<vmem>>) offsets(%arg9 : memref<80xi32, #tpu.memory_space<vmem>>) semaphore(%arg26 : memref<!tpu.dma_semaphore, #tpu.memory_space<semaphore_mem>>)
      %dma_wait3A_281 = arith.constant 0 : i32
      %dma_wait3A_282 = arith.constant 0 : i32
      %dma_wait3A_283 = tpu.memref_slice %arg2[%dma_wait3A_281, %dma_wait3A_282] : memref<10000x128xf32, #tpu.memory_space<hbm>> -> memref<10000x128xf32, #tpu.memory_space<hbm>>
      tpu.wait_indirect_dma semaphore(%arg25 : memref<!tpu.dma_semaphore, #tpu.memory_space<semaphore_mem>>) src(%dma_wait3A_283 : memref<10000x128xf32, #tpu.memory_space<hbm>>) dst(%arg15 : memref<80x128xf32, #tpu.memory_space<vmem>>)
      "tpu.region"() ({
        %run_scoped3A = tpu.sem_alloc : memref<!tpu.dma_semaphore, #tpu.memory_space<semaphore_mem>>
        %dma_start3A_428 = arith.constant 0 : i32
        %dma_start3A_429 = arith.constant 0 : i32
        %dma_start3A_430 = tpu.memref_slice %arg31[%dma_start3A_428, %dma_start3A_429] : memref<10000x128xf32, #tpu.memory_space<vmem_shared>> -> memref<10000x128xf32, #tpu.memory_space<vmem_shared>>
        tpu.enqueue_indirect_dma source(%arg15 : memref<80x128xf32, #tpu.memory_space<vmem>>) target(%dma_start3A_430 : memref<10000x128xf32, #tpu.memory_space<vmem_shared>>) offsets(%arg12 : memref<80xi32, #tpu.memory_space<vmem>>) semaphore(%run_scoped3A : memref<!tpu.dma_semaphore, #tpu.memory_space<semaphore_mem>>) {add = true}
        %dma_wait3A_431 = arith.constant 0 : i32
        %dma_wait3A_432 = arith.constant 0 : i32
        %dma_wait3A_433 = tpu.memref_slice %arg31[%dma_wait3A_431, %dma_wait3A_432] : memref<10000x128xf32, #tpu.memory_space<vmem_shared>> -> memref<10000x128xf32, #tpu.memory_space<vmem_shared>>
        tpu.wait_indirect_dma semaphore(%run_scoped3A : memref<!tpu.dma_semaphore, #tpu.memory_space<semaphore_mem>>) src(%arg15 : memref<80x128xf32, #tpu.memory_space<vmem>>) dst(%dma_wait3A_433 : memref<10000x128xf32, #tpu.memory_space<vmem_shared>>)
        tpu.yield
      }) : () -> ()
      %add3A_284 = arith.constant 1 : i32
      %add3A_285 = arith.addi %add3A_273, %add3A_284 : i32
      %lt3A_286 = arith.constant 125 : i32
      %lt3A_287 = arith.cmpi slt, %add3A_285, %lt3A_286 : i32
      %convert_element_type3A_288 = arith.extui %lt3A_287 : i1 to i32
      %cond3A_289 = arith.constant 0 : i32
      %cond3A_290 = arith.cmpi ne, %convert_element_type3A_288, %cond3A_289 : i32
      scf.if %cond3A_290 {
        %add3A_428 = arith.constant 1 : i32
        %add3A_429 = arith.addi %add3A_273, %add3A_428 : i32
        %mul3A_430 = arith.constant 80 : i32
        %mul3A_431 = arith.muli %add3A_429, %mul3A_430 : i32
        %add3A_432 = arith.addi %mul3A_2, %mul3A_431 : i32
        %dma_start3A_433 = tpu.memref_slice %arg4[%add3A_432] : memref<320000xi32, #tpu.memory_space<hbm>> -> memref<80xi32, #tpu.memory_space<hbm>>
        %dma_start3A_434 = tpu.memref_slice %arg4[%add3A_432] : memref<320000xi32, #tpu.memory_space<hbm>> -> memref<80xi32, #tpu.memory_space<hbm>>
        tpu.enqueue_dma source(%dma_start3A_434 : memref<80xi32, #tpu.memory_space<hbm>>) target(%arg10 : memref<80xi32, #tpu.memory_space<vmem>>) target_semaphore(%arg20 : memref<!tpu.dma_semaphore, #tpu.memory_space<semaphore_mem>>)
      } else {
      }
      %add3A_291 = arith.constant 2 : i32
      %add3A_292 = arith.addi %add3A_273, %add3A_291 : i32
      %lt3A_293 = arith.constant 125 : i32
      %lt3A_294 = arith.cmpi slt, %add3A_292, %lt3A_293 : i32
      %convert_element_type3A_295 = arith.extui %lt3A_294 : i1 to i32
      %cond3A_296 = arith.constant 0 : i32
      %cond3A_297 = arith.cmpi ne, %convert_element_type3A_295, %cond3A_296 : i32
      scf.if %cond3A_297 {
        %add3A_428 = arith.constant 2 : i32
        %add3A_429 = arith.addi %add3A_273, %add3A_428 : i32
        %mul3A_430 = arith.constant 80 : i32
        %mul3A_431 = arith.muli %add3A_429, %mul3A_430 : i32
        %add3A_432 = arith.addi %mul3A_2, %mul3A_431 : i32
        %dma_start3A_433 = tpu.memref_slice %arg3[%add3A_432] : memref<320000xi32, #tpu.memory_space<hbm>> -> memref<80xi32, #tpu.memory_space<hbm>>
        %dma_start3A_434 = tpu.memref_slice %arg3[%add3A_432] : memref<320000xi32, #tpu.memory_space<hbm>> -> memref<80xi32, #tpu.memory_space<hbm>>
        tpu.enqueue_dma source(%dma_start3A_434 : memref<80xi32, #tpu.memory_space<hbm>>) target(%arg8 : memref<80xi32, #tpu.memory_space<vmem>>) target_semaphore(%arg18 : memref<!tpu.dma_semaphore, #tpu.memory_space<semaphore_mem>>)
      } else {
      }
      %add3A_298 = arith.constant 7 : i32
      %add3A_299 = arith.addi %add3A_116, %add3A_298 : i32
      %dma_wait3A_300 = tpu.memref_slice %arg4[%mul3A_2] : memref<320000xi32, #tpu.memory_space<hbm>> -> memref<80xi32, #tpu.memory_space<hbm>>
      %dma_wait3A_301 = tpu.memref_slice %arg4[%mul3A_2] : memref<320000xi32, #tpu.memory_space<hbm>> -> memref<80xi32, #tpu.memory_space<hbm>>
      tpu.wait_dma2 semaphore(%arg20 : memref<!tpu.dma_semaphore, #tpu.memory_space<semaphore_mem>>) src(%dma_wait3A_301 : memref<80xi32, #tpu.memory_space<hbm>>) dst(%arg10 : memref<80xi32, #tpu.memory_space<vmem>>)
      %dma_wait3A_302 = tpu.memref_slice %arg3[%mul3A_2] : memref<320000xi32, #tpu.memory_space<hbm>> -> memref<80xi32, #tpu.memory_space<hbm>>
      %dma_wait3A_303 = tpu.memref_slice %arg3[%mul3A_2] : memref<320000xi32, #tpu.memory_space<hbm>> -> memref<80xi32, #tpu.memory_space<hbm>>
      tpu.wait_dma2 semaphore(%arg17 : memref<!tpu.dma_semaphore, #tpu.memory_space<semaphore_mem>>) src(%dma_wait3A_303 : memref<80xi32, #tpu.memory_space<hbm>>) dst(%arg7 : memref<80xi32, #tpu.memory_space<vmem>>)
      %dma_start3A_304 = arith.constant 0 : i32
      %dma_start3A_305 = arith.constant 0 : i32
      %dma_start3A_306 = tpu.memref_slice %arg2[%dma_start3A_304, %dma_start3A_305] : memref<10000x128xf32, #tpu.memory_space<hbm>> -> memref<10000x128xf32, #tpu.memory_space<hbm>>
      tpu.enqueue_indirect_dma source(%dma_start3A_306 : memref<10000x128xf32, #tpu.memory_space<hbm>>) target(%arg14 : memref<80x128xf32, #tpu.memory_space<vmem>>) offsets(%arg7 : memref<80xi32, #tpu.memory_space<vmem>>) semaphore(%arg24 : memref<!tpu.dma_semaphore, #tpu.memory_space<semaphore_mem>>)
      %dma_wait3A_307 = arith.constant 0 : i32
      %dma_wait3A_308 = arith.constant 0 : i32
      %dma_wait3A_309 = tpu.memref_slice %arg2[%dma_wait3A_307, %dma_wait3A_308] : memref<10000x128xf32, #tpu.memory_space<hbm>> -> memref<10000x128xf32, #tpu.memory_space<hbm>>
      tpu.wait_indirect_dma semaphore(%arg26 : memref<!tpu.dma_semaphore, #tpu.memory_space<semaphore_mem>>) src(%dma_wait3A_309 : memref<10000x128xf32, #tpu.memory_space<hbm>>) dst(%arg16 : memref<80x128xf32, #tpu.memory_space<vmem>>)
      "tpu.region"() ({
        %run_scoped3A = tpu.sem_alloc : memref<!tpu.dma_semaphore, #tpu.memory_space<semaphore_mem>>
        %dma_start3A_428 = arith.constant 0 : i32
        %dma_start3A_429 = arith.constant 0 : i32
        %dma_start3A_430 = tpu.memref_slice %arg31[%dma_start3A_428, %dma_start3A_429] : memref<10000x128xf32, #tpu.memory_space<vmem_shared>> -> memref<10000x128xf32, #tpu.memory_space<vmem_shared>>
        tpu.enqueue_indirect_dma source(%arg16 : memref<80x128xf32, #tpu.memory_space<vmem>>) target(%dma_start3A_430 : memref<10000x128xf32, #tpu.memory_space<vmem_shared>>) offsets(%arg13 : memref<80xi32, #tpu.memory_space<vmem>>) semaphore(%run_scoped3A : memref<!tpu.dma_semaphore, #tpu.memory_space<semaphore_mem>>) {add = true}
        %dma_wait3A_431 = arith.constant 0 : i32
        %dma_wait3A_432 = arith.constant 0 : i32
        %dma_wait3A_433 = tpu.memref_slice %arg31[%dma_wait3A_431, %dma_wait3A_432] : memref<10000x128xf32, #tpu.memory_space<vmem_shared>> -> memref<10000x128xf32, #tpu.memory_space<vmem_shared>>
        tpu.wait_indirect_dma semaphore(%run_scoped3A : memref<!tpu.dma_semaphore, #tpu.memory_space<semaphore_mem>>) src(%arg16 : memref<80x128xf32, #tpu.memory_space<vmem>>) dst(%dma_wait3A_433 : memref<10000x128xf32, #tpu.memory_space<vmem_shared>>)
        tpu.yield
      }) : () -> ()
      %add3A_310 = arith.constant 1 : i32
      %add3A_311 = arith.addi %add3A_299, %add3A_310 : i32
      %lt3A_312 = arith.constant 125 : i32
      %lt3A_313 = arith.cmpi slt, %add3A_311, %lt3A_312 : i32
      %convert_element_type3A_314 = arith.extui %lt3A_313 : i1 to i32
      %cond3A_315 = arith.constant 0 : i32
      %cond3A_316 = arith.cmpi ne, %convert_element_type3A_314, %cond3A_315 : i32
      scf.if %cond3A_316 {
        %add3A_428 = arith.constant 1 : i32
        %add3A_429 = arith.addi %add3A_299, %add3A_428 : i32
        %mul3A_430 = arith.constant 80 : i32
        %mul3A_431 = arith.muli %add3A_429, %mul3A_430 : i32
        %add3A_432 = arith.addi %mul3A_2, %mul3A_431 : i32
        %dma_start3A_433 = tpu.memref_slice %arg4[%add3A_432] : memref<320000xi32, #tpu.memory_space<hbm>> -> memref<80xi32, #tpu.memory_space<hbm>>
        %dma_start3A_434 = tpu.memref_slice %arg4[%add3A_432] : memref<320000xi32, #tpu.memory_space<hbm>> -> memref<80xi32, #tpu.memory_space<hbm>>
        tpu.enqueue_dma source(%dma_start3A_434 : memref<80xi32, #tpu.memory_space<hbm>>) target(%arg11 : memref<80xi32, #tpu.memory_space<vmem>>) target_semaphore(%arg21 : memref<!tpu.dma_semaphore, #tpu.memory_space<semaphore_mem>>)
      } else {
      }
      %add3A_317 = arith.constant 2 : i32
      %add3A_318 = arith.addi %add3A_299, %add3A_317 : i32
      %lt3A_319 = arith.constant 125 : i32
      %lt3A_320 = arith.cmpi slt, %add3A_318, %lt3A_319 : i32
      %convert_element_type3A_321 = arith.extui %lt3A_320 : i1 to i32
      %cond3A_322 = arith.constant 0 : i32
      %cond3A_323 = arith.cmpi ne, %convert_element_type3A_321, %cond3A_322 : i32
      scf.if %cond3A_323 {
        %add3A_428 = arith.constant 2 : i32
        %add3A_429 = arith.addi %add3A_299, %add3A_428 : i32
        %mul3A_430 = arith.constant 80 : i32
        %mul3A_431 = arith.muli %add3A_429, %mul3A_430 : i32
        %add3A_432 = arith.addi %mul3A_2, %mul3A_431 : i32
        %dma_start3A_433 = tpu.memref_slice %arg3[%add3A_432] : memref<320000xi32, #tpu.memory_space<hbm>> -> memref<80xi32, #tpu.memory_space<hbm>>
        %dma_start3A_434 = tpu.memref_slice %arg3[%add3A_432] : memref<320000xi32, #tpu.memory_space<hbm>> -> memref<80xi32, #tpu.memory_space<hbm>>
        tpu.enqueue_dma source(%dma_start3A_434 : memref<80xi32, #tpu.memory_space<hbm>>) target(%arg9 : memref<80xi32, #tpu.memory_space<vmem>>) target_semaphore(%arg19 : memref<!tpu.dma_semaphore, #tpu.memory_space<semaphore_mem>>)
      } else {
      }
      %add3A_324 = arith.constant 8 : i32
      %add3A_325 = arith.addi %add3A_116, %add3A_324 : i32
      %dma_wait3A_326 = tpu.memref_slice %arg4[%mul3A_2] : memref<320000xi32, #tpu.memory_space<hbm>> -> memref<80xi32, #tpu.memory_space<hbm>>
      %dma_wait3A_327 = tpu.memref_slice %arg4[%mul3A_2] : memref<320000xi32, #tpu.memory_space<hbm>> -> memref<80xi32, #tpu.memory_space<hbm>>
      tpu.wait_dma2 semaphore(%arg21 : memref<!tpu.dma_semaphore, #tpu.memory_space<semaphore_mem>>) src(%dma_wait3A_327 : memref<80xi32, #tpu.memory_space<hbm>>) dst(%arg11 : memref<80xi32, #tpu.memory_space<vmem>>)
      %dma_wait3A_328 = tpu.memref_slice %arg3[%mul3A_2] : memref<320000xi32, #tpu.memory_space<hbm>> -> memref<80xi32, #tpu.memory_space<hbm>>
      %dma_wait3A_329 = tpu.memref_slice %arg3[%mul3A_2] : memref<320000xi32, #tpu.memory_space<hbm>> -> memref<80xi32, #tpu.memory_space<hbm>>
      tpu.wait_dma2 semaphore(%arg18 : memref<!tpu.dma_semaphore, #tpu.memory_space<semaphore_mem>>) src(%dma_wait3A_329 : memref<80xi32, #tpu.memory_space<hbm>>) dst(%arg8 : memref<80xi32, #tpu.memory_space<vmem>>)
      %dma_start3A_330 = arith.constant 0 : i32
      %dma_start3A_331 = arith.constant 0 : i32
      %dma_start3A_332 = tpu.memref_slice %arg2[%dma_start3A_330, %dma_start3A_331] : memref<10000x128xf32, #tpu.memory_space<hbm>> -> memref<10000x128xf32, #tpu.memory_space<hbm>>
      tpu.enqueue_indirect_dma source(%dma_start3A_332 : memref<10000x128xf32, #tpu.memory_space<hbm>>) target(%arg15 : memref<80x128xf32, #tpu.memory_space<vmem>>) offsets(%arg8 : memref<80xi32, #tpu.memory_space<vmem>>) semaphore(%arg25 : memref<!tpu.dma_semaphore, #tpu.memory_space<semaphore_mem>>)
      %dma_wait3A_333 = arith.constant 0 : i32
      %dma_wait3A_334 = arith.constant 0 : i32
      %dma_wait3A_335 = tpu.memref_slice %arg2[%dma_wait3A_333, %dma_wait3A_334] : memref<10000x128xf32, #tpu.memory_space<hbm>> -> memref<10000x128xf32, #tpu.memory_space<hbm>>
      tpu.wait_indirect_dma semaphore(%arg24 : memref<!tpu.dma_semaphore, #tpu.memory_space<semaphore_mem>>) src(%dma_wait3A_335 : memref<10000x128xf32, #tpu.memory_space<hbm>>) dst(%arg14 : memref<80x128xf32, #tpu.memory_space<vmem>>)
      "tpu.region"() ({
        %run_scoped3A = tpu.sem_alloc : memref<!tpu.dma_semaphore, #tpu.memory_space<semaphore_mem>>
        %dma_start3A_428 = arith.constant 0 : i32
        %dma_start3A_429 = arith.constant 0 : i32
        %dma_start3A_430 = tpu.memref_slice %arg31[%dma_start3A_428, %dma_start3A_429] : memref<10000x128xf32, #tpu.memory_space<vmem_shared>> -> memref<10000x128xf32, #tpu.memory_space<vmem_shared>>
        tpu.enqueue_indirect_dma source(%arg14 : memref<80x128xf32, #tpu.memory_space<vmem>>) target(%dma_start3A_430 : memref<10000x128xf32, #tpu.memory_space<vmem_shared>>) offsets(%arg10 : memref<80xi32, #tpu.memory_space<vmem>>) semaphore(%run_scoped3A : memref<!tpu.dma_semaphore, #tpu.memory_space<semaphore_mem>>) {add = true}
        %dma_wait3A_431 = arith.constant 0 : i32
        %dma_wait3A_432 = arith.constant 0 : i32
        %dma_wait3A_433 = tpu.memref_slice %arg31[%dma_wait3A_431, %dma_wait3A_432] : memref<10000x128xf32, #tpu.memory_space<vmem_shared>> -> memref<10000x128xf32, #tpu.memory_space<vmem_shared>>
        tpu.wait_indirect_dma semaphore(%run_scoped3A : memref<!tpu.dma_semaphore, #tpu.memory_space<semaphore_mem>>) src(%arg14 : memref<80x128xf32, #tpu.memory_space<vmem>>) dst(%dma_wait3A_433 : memref<10000x128xf32, #tpu.memory_space<vmem_shared>>)
        tpu.yield
      }) : () -> ()
      %add3A_336 = arith.constant 1 : i32
      %add3A_337 = arith.addi %add3A_325, %add3A_336 : i32
      %lt3A_338 = arith.constant 125 : i32
      %lt3A_339 = arith.cmpi slt, %add3A_337, %lt3A_338 : i32
      %convert_element_type3A_340 = arith.extui %lt3A_339 : i1 to i32
      %cond3A_341 = arith.constant 0 : i32
      %cond3A_342 = arith.cmpi ne, %convert_element_type3A_340, %cond3A_341 : i32
      scf.if %cond3A_342 {
        %add3A_428 = arith.constant 1 : i32
        %add3A_429 = arith.addi %add3A_325, %add3A_428 : i32
        %mul3A_430 = arith.constant 80 : i32
        %mul3A_431 = arith.muli %add3A_429, %mul3A_430 : i32
        %add3A_432 = arith.addi %mul3A_2, %mul3A_431 : i32
        %dma_start3A_433 = tpu.memref_slice %arg4[%add3A_432] : memref<320000xi32, #tpu.memory_space<hbm>> -> memref<80xi32, #tpu.memory_space<hbm>>
        %dma_start3A_434 = tpu.memref_slice %arg4[%add3A_432] : memref<320000xi32, #tpu.memory_space<hbm>> -> memref<80xi32, #tpu.memory_space<hbm>>
        tpu.enqueue_dma source(%dma_start3A_434 : memref<80xi32, #tpu.memory_space<hbm>>) target(%arg12 : memref<80xi32, #tpu.memory_space<vmem>>) target_semaphore(%arg22 : memref<!tpu.dma_semaphore, #tpu.memory_space<semaphore_mem>>)
      } else {
      }
      %add3A_343 = arith.constant 2 : i32
      %add3A_344 = arith.addi %add3A_325, %add3A_343 : i32
      %lt3A_345 = arith.constant 125 : i32
      %lt3A_346 = arith.cmpi slt, %add3A_344, %lt3A_345 : i32
      %convert_element_type3A_347 = arith.extui %lt3A_346 : i1 to i32
      %cond3A_348 = arith.constant 0 : i32
      %cond3A_349 = arith.cmpi ne, %convert_element_type3A_347, %cond3A_348 : i32
      scf.if %cond3A_349 {
        %add3A_428 = arith.constant 2 : i32
        %add3A_429 = arith.addi %add3A_325, %add3A_428 : i32
        %mul3A_430 = arith.constant 80 : i32
        %mul3A_431 = arith.muli %add3A_429, %mul3A_430 : i32
        %add3A_432 = arith.addi %mul3A_2, %mul3A_431 : i32
        %dma_start3A_433 = tpu.memref_slice %arg3[%add3A_432] : memref<320000xi32, #tpu.memory_space<hbm>> -> memref<80xi32, #tpu.memory_space<hbm>>
        %dma_start3A_434 = tpu.memref_slice %arg3[%add3A_432] : memref<320000xi32, #tpu.memory_space<hbm>> -> memref<80xi32, #tpu.memory_space<hbm>>
        tpu.enqueue_dma source(%dma_start3A_434 : memref<80xi32, #tpu.memory_space<hbm>>) target(%arg7 : memref<80xi32, #tpu.memory_space<vmem>>) target_semaphore(%arg17 : memref<!tpu.dma_semaphore, #tpu.memory_space<semaphore_mem>>)
      } else {
      }
      %add3A_350 = arith.constant 9 : i32
      %add3A_351 = arith.addi %add3A_116, %add3A_350 : i32
      %dma_wait3A_352 = tpu.memref_slice %arg4[%mul3A_2] : memref<320000xi32, #tpu.memory_space<hbm>> -> memref<80xi32, #tpu.memory_space<hbm>>
      %dma_wait3A_353 = tpu.memref_slice %arg4[%mul3A_2] : memref<320000xi32, #tpu.memory_space<hbm>> -> memref<80xi32, #tpu.memory_space<hbm>>
      tpu.wait_dma2 semaphore(%arg22 : memref<!tpu.dma_semaphore, #tpu.memory_space<semaphore_mem>>) src(%dma_wait3A_353 : memref<80xi32, #tpu.memory_space<hbm>>) dst(%arg12 : memref<80xi32, #tpu.memory_space<vmem>>)
      %dma_wait3A_354 = tpu.memref_slice %arg3[%mul3A_2] : memref<320000xi32, #tpu.memory_space<hbm>> -> memref<80xi32, #tpu.memory_space<hbm>>
      %dma_wait3A_355 = tpu.memref_slice %arg3[%mul3A_2] : memref<320000xi32, #tpu.memory_space<hbm>> -> memref<80xi32, #tpu.memory_space<hbm>>
      tpu.wait_dma2 semaphore(%arg19 : memref<!tpu.dma_semaphore, #tpu.memory_space<semaphore_mem>>) src(%dma_wait3A_355 : memref<80xi32, #tpu.memory_space<hbm>>) dst(%arg9 : memref<80xi32, #tpu.memory_space<vmem>>)
      %dma_start3A_356 = arith.constant 0 : i32
      %dma_start3A_357 = arith.constant 0 : i32
      %dma_start3A_358 = tpu.memref_slice %arg2[%dma_start3A_356, %dma_start3A_357] : memref<10000x128xf32, #tpu.memory_space<hbm>> -> memref<10000x128xf32, #tpu.memory_space<hbm>>
      tpu.enqueue_indirect_dma source(%dma_start3A_358 : memref<10000x128xf32, #tpu.memory_space<hbm>>) target(%arg16 : memref<80x128xf32, #tpu.memory_space<vmem>>) offsets(%arg9 : memref<80xi32, #tpu.memory_space<vmem>>) semaphore(%arg26 : memref<!tpu.dma_semaphore, #tpu.memory_space<semaphore_mem>>)
      %dma_wait3A_359 = arith.constant 0 : i32
      %dma_wait3A_360 = arith.constant 0 : i32
      %dma_wait3A_361 = tpu.memref_slice %arg2[%dma_wait3A_359, %dma_wait3A_360] : memref<10000x128xf32, #tpu.memory_space<hbm>> -> memref<10000x128xf32, #tpu.memory_space<hbm>>
      tpu.wait_indirect_dma semaphore(%arg25 : memref<!tpu.dma_semaphore, #tpu.memory_space<semaphore_mem>>) src(%dma_wait3A_361 : memref<10000x128xf32, #tpu.memory_space<hbm>>) dst(%arg15 : memref<80x128xf32, #tpu.memory_space<vmem>>)
      "tpu.region"() ({
        %run_scoped3A = tpu.sem_alloc : memref<!tpu.dma_semaphore, #tpu.memory_space<semaphore_mem>>
        %dma_start3A_428 = arith.constant 0 : i32
        %dma_start3A_429 = arith.constant 0 : i32
        %dma_start3A_430 = tpu.memref_slice %arg31[%dma_start3A_428, %dma_start3A_429] : memref<10000x128xf32, #tpu.memory_space<vmem_shared>> -> memref<10000x128xf32, #tpu.memory_space<vmem_shared>>
        tpu.enqueue_indirect_dma source(%arg15 : memref<80x128xf32, #tpu.memory_space<vmem>>) target(%dma_start3A_430 : memref<10000x128xf32, #tpu.memory_space<vmem_shared>>) offsets(%arg11 : memref<80xi32, #tpu.memory_space<vmem>>) semaphore(%run_scoped3A : memref<!tpu.dma_semaphore, #tpu.memory_space<semaphore_mem>>) {add = true}
        %dma_wait3A_431 = arith.constant 0 : i32
        %dma_wait3A_432 = arith.constant 0 : i32
        %dma_wait3A_433 = tpu.memref_slice %arg31[%dma_wait3A_431, %dma_wait3A_432] : memref<10000x128xf32, #tpu.memory_space<vmem_shared>> -> memref<10000x128xf32, #tpu.memory_space<vmem_shared>>
        tpu.wait_indirect_dma semaphore(%run_scoped3A : memref<!tpu.dma_semaphore, #tpu.memory_space<semaphore_mem>>) src(%arg15 : memref<80x128xf32, #tpu.memory_space<vmem>>) dst(%dma_wait3A_433 : memref<10000x128xf32, #tpu.memory_space<vmem_shared>>)
        tpu.yield
      }) : () -> ()
      %add3A_362 = arith.constant 1 : i32
      %add3A_363 = arith.addi %add3A_351, %add3A_362 : i32
      %lt3A_364 = arith.constant 125 : i32
      %lt3A_365 = arith.cmpi slt, %add3A_363, %lt3A_364 : i32
      %convert_element_type3A_366 = arith.extui %lt3A_365 : i1 to i32
      %cond3A_367 = arith.constant 0 : i32
      %cond3A_368 = arith.cmpi ne, %convert_element_type3A_366, %cond3A_367 : i32
      scf.if %cond3A_368 {
        %add3A_428 = arith.constant 1 : i32
        %add3A_429 = arith.addi %add3A_351, %add3A_428 : i32
        %mul3A_430 = arith.constant 80 : i32
        %mul3A_431 = arith.muli %add3A_429, %mul3A_430 : i32
        %add3A_432 = arith.addi %mul3A_2, %mul3A_431 : i32
        %dma_start3A_433 = tpu.memref_slice %arg4[%add3A_432] : memref<320000xi32, #tpu.memory_space<hbm>> -> memref<80xi32, #tpu.memory_space<hbm>>
        %dma_start3A_434 = tpu.memref_slice %arg4[%add3A_432] : memref<320000xi32, #tpu.memory_space<hbm>> -> memref<80xi32, #tpu.memory_space<hbm>>
        tpu.enqueue_dma source(%dma_start3A_434 : memref<80xi32, #tpu.memory_space<hbm>>) target(%arg13 : memref<80xi32, #tpu.memory_space<vmem>>) target_semaphore(%arg23 : memref<!tpu.dma_semaphore, #tpu.memory_space<semaphore_mem>>)
      } else {
      }
      %add3A_369 = arith.constant 2 : i32
      %add3A_370 = arith.addi %add3A_351, %add3A_369 : i32
      %lt3A_371 = arith.constant 125 : i32
      %lt3A_372 = arith.cmpi slt, %add3A_370, %lt3A_371 : i32
      %convert_element_type3A_373 = arith.extui %lt3A_372 : i1 to i32
      %cond3A_374 = arith.constant 0 : i32
      %cond3A_375 = arith.cmpi ne, %convert_element_type3A_373, %cond3A_374 : i32
      scf.if %cond3A_375 {
        %add3A_428 = arith.constant 2 : i32
        %add3A_429 = arith.addi %add3A_351, %add3A_428 : i32
        %mul3A_430 = arith.constant 80 : i32
        %mul3A_431 = arith.muli %add3A_429, %mul3A_430 : i32
        %add3A_432 = arith.addi %mul3A_2, %mul3A_431 : i32
        %dma_start3A_433 = tpu.memref_slice %arg3[%add3A_432] : memref<320000xi32, #tpu.memory_space<hbm>> -> memref<80xi32, #tpu.memory_space<hbm>>
        %dma_start3A_434 = tpu.memref_slice %arg3[%add3A_432] : memref<320000xi32, #tpu.memory_space<hbm>> -> memref<80xi32, #tpu.memory_space<hbm>>
        tpu.enqueue_dma source(%dma_start3A_434 : memref<80xi32, #tpu.memory_space<hbm>>) target(%arg8 : memref<80xi32, #tpu.memory_space<vmem>>) target_semaphore(%arg18 : memref<!tpu.dma_semaphore, #tpu.memory_space<semaphore_mem>>)
      } else {
      }
      %add3A_376 = arith.constant 10 : i32
      %add3A_377 = arith.addi %add3A_116, %add3A_376 : i32
      %dma_wait3A_378 = tpu.memref_slice %arg4[%mul3A_2] : memref<320000xi32, #tpu.memory_space<hbm>> -> memref<80xi32, #tpu.memory_space<hbm>>
      %dma_wait3A_379 = tpu.memref_slice %arg4[%mul3A_2] : memref<320000xi32, #tpu.memory_space<hbm>> -> memref<80xi32, #tpu.memory_space<hbm>>
      tpu.wait_dma2 semaphore(%arg23 : memref<!tpu.dma_semaphore, #tpu.memory_space<semaphore_mem>>) src(%dma_wait3A_379 : memref<80xi32, #tpu.memory_space<hbm>>) dst(%arg13 : memref<80xi32, #tpu.memory_space<vmem>>)
      %dma_wait3A_380 = tpu.memref_slice %arg3[%mul3A_2] : memref<320000xi32, #tpu.memory_space<hbm>> -> memref<80xi32, #tpu.memory_space<hbm>>
      %dma_wait3A_381 = tpu.memref_slice %arg3[%mul3A_2] : memref<320000xi32, #tpu.memory_space<hbm>> -> memref<80xi32, #tpu.memory_space<hbm>>
      tpu.wait_dma2 semaphore(%arg17 : memref<!tpu.dma_semaphore, #tpu.memory_space<semaphore_mem>>) src(%dma_wait3A_381 : memref<80xi32, #tpu.memory_space<hbm>>) dst(%arg7 : memref<80xi32, #tpu.memory_space<vmem>>)
      %dma_start3A_382 = arith.constant 0 : i32
      %dma_start3A_383 = arith.constant 0 : i32
      %dma_start3A_384 = tpu.memref_slice %arg2[%dma_start3A_382, %dma_start3A_383] : memref<10000x128xf32, #tpu.memory_space<hbm>> -> memref<10000x128xf32, #tpu.memory_space<hbm>>
      tpu.enqueue_indirect_dma source(%dma_start3A_384 : memref<10000x128xf32, #tpu.memory_space<hbm>>) target(%arg14 : memref<80x128xf32, #tpu.memory_space<vmem>>) offsets(%arg7 : memref<80xi32, #tpu.memory_space<vmem>>) semaphore(%arg24 : memref<!tpu.dma_semaphore, #tpu.memory_space<semaphore_mem>>)
      %dma_wait3A_385 = arith.constant 0 : i32
      %dma_wait3A_386 = arith.constant 0 : i32
      %dma_wait3A_387 = tpu.memref_slice %arg2[%dma_wait3A_385, %dma_wait3A_386] : memref<10000x128xf32, #tpu.memory_space<hbm>> -> memref<10000x128xf32, #tpu.memory_space<hbm>>
      tpu.wait_indirect_dma semaphore(%arg26 : memref<!tpu.dma_semaphore, #tpu.memory_space<semaphore_mem>>) src(%dma_wait3A_387 : memref<10000x128xf32, #tpu.memory_space<hbm>>) dst(%arg16 : memref<80x128xf32, #tpu.memory_space<vmem>>)
      "tpu.region"() ({
        %run_scoped3A = tpu.sem_alloc : memref<!tpu.dma_semaphore, #tpu.memory_space<semaphore_mem>>
        %dma_start3A_428 = arith.constant 0 : i32
        %dma_start3A_429 = arith.constant 0 : i32
        %dma_start3A_430 = tpu.memref_slice %arg31[%dma_start3A_428, %dma_start3A_429] : memref<10000x128xf32, #tpu.memory_space<vmem_shared>> -> memref<10000x128xf32, #tpu.memory_space<vmem_shared>>
        tpu.enqueue_indirect_dma source(%arg16 : memref<80x128xf32, #tpu.memory_space<vmem>>) target(%dma_start3A_430 : memref<10000x128xf32, #tpu.memory_space<vmem_shared>>) offsets(%arg12 : memref<80xi32, #tpu.memory_space<vmem>>) semaphore(%run_scoped3A : memref<!tpu.dma_semaphore, #tpu.memory_space<semaphore_mem>>) {add = true}
        %dma_wait3A_431 = arith.constant 0 : i32
        %dma_wait3A_432 = arith.constant 0 : i32
        %dma_wait3A_433 = tpu.memref_slice %arg31[%dma_wait3A_431, %dma_wait3A_432] : memref<10000x128xf32, #tpu.memory_space<vmem_shared>> -> memref<10000x128xf32, #tpu.memory_space<vmem_shared>>
        tpu.wait_indirect_dma semaphore(%run_scoped3A : memref<!tpu.dma_semaphore, #tpu.memory_space<semaphore_mem>>) src(%arg16 : memref<80x128xf32, #tpu.memory_space<vmem>>) dst(%dma_wait3A_433 : memref<10000x128xf32, #tpu.memory_space<vmem_shared>>)
        tpu.yield
      }) : () -> ()
      %add3A_388 = arith.constant 1 : i32
      %add3A_389 = arith.addi %add3A_377, %add3A_388 : i32
      %lt3A_390 = arith.constant 125 : i32
      %lt3A_391 = arith.cmpi slt, %add3A_389, %lt3A_390 : i32
      %convert_element_type3A_392 = arith.extui %lt3A_391 : i1 to i32
      %cond3A_393 = arith.constant 0 : i32
      %cond3A_394 = arith.cmpi ne, %convert_element_type3A_392, %cond3A_393 : i32
      scf.if %cond3A_394 {
        %add3A_428 = arith.constant 1 : i32
        %add3A_429 = arith.addi %add3A_377, %add3A_428 : i32
        %mul3A_430 = arith.constant 80 : i32
        %mul3A_431 = arith.muli %add3A_429, %mul3A_430 : i32
        %add3A_432 = arith.addi %mul3A_2, %mul3A_431 : i32
        %dma_start3A_433 = tpu.memref_slice %arg4[%add3A_432] : memref<320000xi32, #tpu.memory_space<hbm>> -> memref<80xi32, #tpu.memory_space<hbm>>
        %dma_start3A_434 = tpu.memref_slice %arg4[%add3A_432] : memref<320000xi32, #tpu.memory_space<hbm>> -> memref<80xi32, #tpu.memory_space<hbm>>
        tpu.enqueue_dma source(%dma_start3A_434 : memref<80xi32, #tpu.memory_space<hbm>>) target(%arg10 : memref<80xi32, #tpu.memory_space<vmem>>) target_semaphore(%arg20 : memref<!tpu.dma_semaphore, #tpu.memory_space<semaphore_mem>>)
      } else {
      }
      %add3A_395 = arith.constant 2 : i32
      %add3A_396 = arith.addi %add3A_377, %add3A_395 : i32
      %lt3A_397 = arith.constant 125 : i32
      %lt3A_398 = arith.cmpi slt, %add3A_396, %lt3A_397 : i32
      %convert_element_type3A_399 = arith.extui %lt3A_398 : i1 to i32
      %cond3A_400 = arith.constant 0 : i32
      %cond3A_401 = arith.cmpi ne, %convert_element_type3A_399, %cond3A_400 : i32
      scf.if %cond3A_401 {
        %add3A_428 = arith.constant 2 : i32
        %add3A_429 = arith.addi %add3A_377, %add3A_428 : i32
        %mul3A_430 = arith.constant 80 : i32
        %mul3A_431 = arith.muli %add3A_429, %mul3A_430 : i32
        %add3A_432 = arith.addi %mul3A_2, %mul3A_431 : i32
        %dma_start3A_433 = tpu.memref_slice %arg3[%add3A_432] : memref<320000xi32, #tpu.memory_space<hbm>> -> memref<80xi32, #tpu.memory_space<hbm>>
        %dma_start3A_434 = tpu.memref_slice %arg3[%add3A_432] : memref<320000xi32, #tpu.memory_space<hbm>> -> memref<80xi32, #tpu.memory_space<hbm>>
        tpu.enqueue_dma source(%dma_start3A_434 : memref<80xi32, #tpu.memory_space<hbm>>) target(%arg9 : memref<80xi32, #tpu.memory_space<vmem>>) target_semaphore(%arg19 : memref<!tpu.dma_semaphore, #tpu.memory_space<semaphore_mem>>)
      } else {
      }
      %add3A_402 = arith.constant 11 : i32
      %add3A_403 = arith.addi %add3A_116, %add3A_402 : i32
      %dma_wait3A_404 = tpu.memref_slice %arg4[%mul3A_2] : memref<320000xi32, #tpu.memory_space<hbm>> -> memref<80xi32, #tpu.memory_space<hbm>>
      %dma_wait3A_405 = tpu.memref_slice %arg4[%mul3A_2] : memref<320000xi32, #tpu.memory_space<hbm>> -> memref<80xi32, #tpu.memory_space<hbm>>
      tpu.wait_dma2 semaphore(%arg20 : memref<!tpu.dma_semaphore, #tpu.memory_space<semaphore_mem>>) src(%dma_wait3A_405 : memref<80xi32, #tpu.memory_space<hbm>>) dst(%arg10 : memref<80xi32, #tpu.memory_space<vmem>>)
      %dma_wait3A_406 = tpu.memref_slice %arg3[%mul3A_2] : memref<320000xi32, #tpu.memory_space<hbm>> -> memref<80xi32, #tpu.memory_space<hbm>>
      %dma_wait3A_407 = tpu.memref_slice %arg3[%mul3A_2] : memref<320000xi32, #tpu.memory_space<hbm>> -> memref<80xi32, #tpu.memory_space<hbm>>
      tpu.wait_dma2 semaphore(%arg18 : memref<!tpu.dma_semaphore, #tpu.memory_space<semaphore_mem>>) src(%dma_wait3A_407 : memref<80xi32, #tpu.memory_space<hbm>>) dst(%arg8 : memref<80xi32, #tpu.memory_space<vmem>>)
      %dma_start3A_408 = arith.constant 0 : i32
      %dma_start3A_409 = arith.constant 0 : i32
      %dma_start3A_410 = tpu.memref_slice %arg2[%dma_start3A_408, %dma_start3A_409] : memref<10000x128xf32, #tpu.memory_space<hbm>> -> memref<10000x128xf32, #tpu.memory_space<hbm>>
      tpu.enqueue_indirect_dma source(%dma_start3A_410 : memref<10000x128xf32, #tpu.memory_space<hbm>>) target(%arg15 : memref<80x128xf32, #tpu.memory_space<vmem>>) offsets(%arg8 : memref<80xi32, #tpu.memory_space<vmem>>) semaphore(%arg25 : memref<!tpu.dma_semaphore, #tpu.memory_space<semaphore_mem>>)
      %dma_wait3A_411 = arith.constant 0 : i32
      %dma_wait3A_412 = arith.constant 0 : i32
      %dma_wait3A_413 = tpu.memref_slice %arg2[%dma_wait3A_411, %dma_wait3A_412] : memref<10000x128xf32, #tpu.memory_space<hbm>> -> memref<10000x128xf32, #tpu.memory_space<hbm>>
      tpu.wait_indirect_dma semaphore(%arg24 : memref<!tpu.dma_semaphore, #tpu.memory_space<semaphore_mem>>) src(%dma_wait3A_413 : memref<10000x128xf32, #tpu.memory_space<hbm>>) dst(%arg14 : memref<80x128xf32, #tpu.memory_space<vmem>>)
      "tpu.region"() ({
        %run_scoped3A = tpu.sem_alloc : memref<!tpu.dma_semaphore, #tpu.memory_space<semaphore_mem>>
        %dma_start3A_428 = arith.constant 0 : i32
        %dma_start3A_429 = arith.constant 0 : i32
        %dma_start3A_430 = tpu.memref_slice %arg31[%dma_start3A_428, %dma_start3A_429] : memref<10000x128xf32, #tpu.memory_space<vmem_shared>> -> memref<10000x128xf32, #tpu.memory_space<vmem_shared>>
        tpu.enqueue_indirect_dma source(%arg14 : memref<80x128xf32, #tpu.memory_space<vmem>>) target(%dma_start3A_430 : memref<10000x128xf32, #tpu.memory_space<vmem_shared>>) offsets(%arg13 : memref<80xi32, #tpu.memory_space<vmem>>) semaphore(%run_scoped3A : memref<!tpu.dma_semaphore, #tpu.memory_space<semaphore_mem>>) {add = true}
        %dma_wait3A_431 = arith.constant 0 : i32
        %dma_wait3A_432 = arith.constant 0 : i32
        %dma_wait3A_433 = tpu.memref_slice %arg31[%dma_wait3A_431, %dma_wait3A_432] : memref<10000x128xf32, #tpu.memory_space<vmem_shared>> -> memref<10000x128xf32, #tpu.memory_space<vmem_shared>>
        tpu.wait_indirect_dma semaphore(%run_scoped3A : memref<!tpu.dma_semaphore, #tpu.memory_space<semaphore_mem>>) src(%arg14 : memref<80x128xf32, #tpu.memory_space<vmem>>) dst(%dma_wait3A_433 : memref<10000x128xf32, #tpu.memory_space<vmem_shared>>)
        tpu.yield
      }) : () -> ()
      %add3A_414 = arith.constant 1 : i32
      %add3A_415 = arith.addi %add3A_403, %add3A_414 : i32
      %lt3A_416 = arith.constant 125 : i32
      %lt3A_417 = arith.cmpi slt, %add3A_415, %lt3A_416 : i32
      %convert_element_type3A_418 = arith.extui %lt3A_417 : i1 to i32
      %cond3A_419 = arith.constant 0 : i32
      %cond3A_420 = arith.cmpi ne, %convert_element_type3A_418, %cond3A_419 : i32
      scf.if %cond3A_420 {
        %add3A_428 = arith.constant 1 : i32
        %add3A_429 = arith.addi %add3A_403, %add3A_428 : i32
        %mul3A_430 = arith.constant 80 : i32
        %mul3A_431 = arith.muli %add3A_429, %mul3A_430 : i32
        %add3A_432 = arith.addi %mul3A_2, %mul3A_431 : i32
        %dma_start3A_433 = tpu.memref_slice %arg4[%add3A_432] : memref<320000xi32, #tpu.memory_space<hbm>> -> memref<80xi32, #tpu.memory_space<hbm>>
        %dma_start3A_434 = tpu.memref_slice %arg4[%add3A_432] : memref<320000xi32, #tpu.memory_space<hbm>> -> memref<80xi32, #tpu.memory_space<hbm>>
        tpu.enqueue_dma source(%dma_start3A_434 : memref<80xi32, #tpu.memory_space<hbm>>) target(%arg11 : memref<80xi32, #tpu.memory_space<vmem>>) target_semaphore(%arg21 : memref<!tpu.dma_semaphore, #tpu.memory_space<semaphore_mem>>)
      } else {
      }
      %add3A_421 = arith.constant 2 : i32
      %add3A_422 = arith.addi %add3A_403, %add3A_421 : i32
      %lt3A_423 = arith.constant 125 : i32
      %lt3A_424 = arith.cmpi slt, %add3A_422, %lt3A_423 : i32
      %convert_element_type3A_425 = arith.extui %lt3A_424 : i1 to i32
      %cond3A_426 = arith.constant 0 : i32
      %cond3A_427 = arith.cmpi ne, %convert_element_type3A_425, %cond3A_426 : i32
      scf.if %cond3A_427 {
        %add3A_428 = arith.constant 2 : i32
        %add3A_429 = arith.addi %add3A_403, %add3A_428 : i32
        %mul3A_430 = arith.constant 80 : i32
        %mul3A_431 = arith.muli %add3A_429, %mul3A_430 : i32
        %add3A_432 = arith.addi %mul3A_2, %mul3A_431 : i32
        %dma_start3A_433 = tpu.memref_slice %arg3[%add3A_432] : memref<320000xi32, #tpu.memory_space<hbm>> -> memref<80xi32, #tpu.memory_space<hbm>>
        %dma_start3A_434 = tpu.memref_slice %arg3[%add3A_432] : memref<320000xi32, #tpu.memory_space<hbm>> -> memref<80xi32, #tpu.memory_space<hbm>>
        tpu.enqueue_dma source(%dma_start3A_434 : memref<80xi32, #tpu.memory_space<hbm>>) target(%arg7 : memref<80xi32, #tpu.memory_space<vmem>>) target_semaphore(%arg17 : memref<!tpu.dma_semaphore, #tpu.memory_space<semaphore_mem>>)
      } else {
      }
    }
    %scan3A_98 = arith.constant 10 : i32
    %dma_wait3A_99 = arith.constant 0 : i32
    %dma_wait3A_100 = arith.constant 0 : i32
    %dma_wait3A_101 = tpu.memref_slice %arg2[%dma_wait3A_99, %dma_wait3A_100] : memref<10000x128xf32, #tpu.memory_space<hbm>> -> memref<10000x128xf32, #tpu.memory_space<hbm>>
    tpu.wait_indirect_dma semaphore(%arg25 : memref<!tpu.dma_semaphore, #tpu.memory_space<semaphore_mem>>) src(%dma_wait3A_101 : memref<10000x128xf32, #tpu.memory_space<hbm>>) dst(%arg15 : memref<80x128xf32, #tpu.memory_space<vmem>>)
    "tpu.region"() ({
      %run_scoped3A = tpu.sem_alloc : memref<!tpu.dma_semaphore, #tpu.memory_space<semaphore_mem>>
      %dma_start3A_112 = arith.constant 0 : i32
      %dma_start3A_113 = arith.constant 0 : i32
      %dma_start3A_114 = tpu.memref_slice %arg31[%dma_start3A_112, %dma_start3A_113] : memref<10000x128xf32, #tpu.memory_space<vmem_shared>> -> memref<10000x128xf32, #tpu.memory_space<vmem_shared>>
      tpu.enqueue_indirect_dma source(%arg15 : memref<80x128xf32, #tpu.memory_space<vmem>>) target(%dma_start3A_114 : memref<10000x128xf32, #tpu.memory_space<vmem_shared>>) offsets(%arg10 : memref<80xi32, #tpu.memory_space<vmem>>) semaphore(%run_scoped3A : memref<!tpu.dma_semaphore, #tpu.memory_space<semaphore_mem>>) {add = true}
      %dma_wait3A_115 = arith.constant 0 : i32
      %dma_wait3A_116 = arith.constant 0 : i32
      %dma_wait3A_117 = tpu.memref_slice %arg31[%dma_wait3A_115, %dma_wait3A_116] : memref<10000x128xf32, #tpu.memory_space<vmem_shared>> -> memref<10000x128xf32, #tpu.memory_space<vmem_shared>>
      tpu.wait_indirect_dma semaphore(%run_scoped3A : memref<!tpu.dma_semaphore, #tpu.memory_space<semaphore_mem>>) src(%arg15 : memref<80x128xf32, #tpu.memory_space<vmem>>) dst(%dma_wait3A_117 : memref<10000x128xf32, #tpu.memory_space<vmem_shared>>)
      tpu.yield
    }) : () -> ()
    %barrier3A_102 = arith.constant 0 : index
    tpu.barrier barrier_id(%barrier3A_102)
    %mul3A_103 = arith.constant 624 : i32
    %mul3A_104 = arith.muli %arg1, %mul3A_103 : i32
    %mul3A_105 = arith.constant 624 : i32
    %mul3A_106 = arith.muli %arg1, %mul3A_105 : i32
    "tpu.region"() ({
      %run_scoped3A = tpu.sem_alloc : memref<!tpu.dma_semaphore, #tpu.memory_space<semaphore_mem>>
      %dma_start3A_112 = arith.constant 0 : i32
      %dma_start3A_113 = tpu.memref_slice %arg6[%arg0, %mul3A_106, %dma_start3A_112] : memref<2x10000x128xf32, #tpu.memory_space<hbm>> -> memref<1x624x128xf32, #tpu.memory_space<hbm>>
      %dma_start3A_114 = tpu.memref_squeeze %dma_start3A_113 : memref<1x624x128xf32, #tpu.memory_space<hbm>> -> memref<624x128xf32, #tpu.memory_space<hbm>>
      %dma_start3A_115 = arith.constant 0 : i32
      %dma_start3A_116 = tpu.memref_slice %arg31[%mul3A_104, %dma_start3A_115] : memref<10000x128xf32, #tpu.memory_space<vmem_shared>> -> memref<624x128xf32, #tpu.memory_space<vmem_shared>>
      tpu.enqueue_dma source(%dma_start3A_116 : memref<624x128xf32, #tpu.memory_space<vmem_shared>>) target(%dma_start3A_114 : memref<624x128xf32, #tpu.memory_space<hbm>>) target_semaphore(%run_scoped3A : memref<!tpu.dma_semaphore, #tpu.memory_space<semaphore_mem>>)
      %dma_wait3A_117 = arith.constant 0 : i32
      %dma_wait3A_118 = tpu.memref_slice %arg6[%arg0, %mul3A_106, %dma_wait3A_117] : memref<2x10000x128xf32, #tpu.memory_space<hbm>> -> memref<1x624x128xf32, #tpu.memory_space<hbm>>
      %dma_wait3A_119 = tpu.memref_squeeze %dma_wait3A_118 : memref<1x624x128xf32, #tpu.memory_space<hbm>> -> memref<624x128xf32, #tpu.memory_space<hbm>>
      %dma_wait3A_120 = arith.constant 0 : i32
      %dma_wait3A_121 = tpu.memref_slice %arg31[%mul3A_104, %dma_wait3A_120] : memref<10000x128xf32, #tpu.memory_space<vmem_shared>> -> memref<624x128xf32, #tpu.memory_space<vmem_shared>>
      tpu.wait_dma2 semaphore(%run_scoped3A : memref<!tpu.dma_semaphore, #tpu.memory_space<semaphore_mem>>) src(%dma_wait3A_121 : memref<624x128xf32, #tpu.memory_space<vmem_shared>>) dst(%dma_wait3A_119 : memref<624x128xf32, #tpu.memory_space<hbm>>)
      tpu.yield
    }) : () -> ()
    %eq3A_107 = arith.constant 15 : i32
    %eq3A_108 = arith.cmpi eq, %arg1, %eq3A_107 : i32
    %convert_element_type3A_109 = arith.extui %eq3A_108 : i1 to i32
    %cond3A_110 = arith.constant 0 : i32
    %cond3A_111 = arith.cmpi ne, %convert_element_type3A_109, %cond3A_110 : i32
    scf.if %cond3A_111 {
      "tpu.region"() ({
        %run_scoped3A = tpu.sem_alloc : memref<!tpu.dma_semaphore, #tpu.memory_space<semaphore_mem>>
        %dma_start3A_112 = arith.constant 9984 : i32
        %dma_start3A_113 = arith.constant 0 : i32
        %dma_start3A_114 = tpu.memref_slice %arg6[%arg0, %dma_start3A_112, %dma_start3A_113] : memref<2x10000x128xf32, #tpu.memory_space<hbm>> -> memref<1x16x128xf32, #tpu.memory_space<hbm>>
        %dma_start3A_115 = tpu.memref_squeeze %dma_start3A_114 : memref<1x16x128xf32, #tpu.memory_space<hbm>> -> memref<16x128xf32, #tpu.memory_space<hbm>>
        %dma_start3A_116 = arith.constant 9984 : i32
        %dma_start3A_117 = arith.constant 0 : i32
        %dma_start3A_118 = tpu.memref_slice %arg31[%dma_start3A_116, %dma_start3A_117] : memref<10000x128xf32, #tpu.memory_space<vmem_shared>> -> memref<16x128xf32, #tpu.memory_space<vmem_shared>>
        tpu.enqueue_dma source(%dma_start3A_118 : memref<16x128xf32, #tpu.memory_space<vmem_shared>>) target(%dma_start3A_115 : memref<16x128xf32, #tpu.memory_space<hbm>>) target_semaphore(%run_scoped3A : memref<!tpu.dma_semaphore, #tpu.memory_space<semaphore_mem>>)
        %dma_wait3A_119 = arith.constant 9984 : i32
        %dma_wait3A_120 = arith.constant 0 : i32
        %dma_wait3A_121 = tpu.memref_slice %arg6[%arg0, %dma_wait3A_119, %dma_wait3A_120] : memref<2x10000x128xf32, #tpu.memory_space<hbm>> -> memref<1x16x128xf32, #tpu.memory_space<hbm>>
        %dma_wait3A_122 = tpu.memref_squeeze %dma_wait3A_121 : memref<1x16x128xf32, #tpu.memory_space<hbm>> -> memref<16x128xf32, #tpu.memory_space<hbm>>
        %dma_wait3A_123 = arith.constant 9984 : i32
        %dma_wait3A_124 = arith.constant 0 : i32
        %dma_wait3A_125 = tpu.memref_slice %arg31[%dma_wait3A_123, %dma_wait3A_124] : memref<10000x128xf32, #tpu.memory_space<vmem_shared>> -> memref<16x128xf32, #tpu.memory_space<vmem_shared>>
        tpu.wait_dma2 semaphore(%run_scoped3A : memref<!tpu.dma_semaphore, #tpu.memory_space<semaphore_mem>>) src(%dma_wait3A_125 : memref<16x128xf32, #tpu.memory_space<vmem_shared>>) dst(%dma_wait3A_122 : memref<16x128xf32, #tpu.memory_space<hbm>>)
        tpu.yield
      }) : () -> ()
    } else {
    }
    return
  }
}

module attributes {stable_mosaic.version = 14 : i64} {
  func.func @_tc_mid_body(%arg0: i32, %arg1: memref<1000x128xf32, #tpu.memory_space<vmem>>, %arg2: memref<1000x128xf32, #tpu.memory_space<vmem>>, %arg3: memref<1000x128xf32, #tpu.memory_space<vmem>>, %arg4: memref<1000x128xf32, #tpu.memory_space<vmem>>, %arg5: memref<1000x128xf32, #tpu.memory_space<vmem>>, %arg6: memref<1x128xf32, #tpu.memory_space<vmem>>, %arg7: memref<128x128xf32, #tpu.memory_space<vmem>>, %arg8: memref<1000x128xf32, #tpu.memory_space<vmem>>) attributes {dimension_semantics = [#tpu.dimension_semantics<arbitrary>], iteration_bounds = array<i64: 10>, scalar_prefetch = 0 : i64, scratch_operands = 0 : i64, tpu.core_type = #tpu.core_type<tc>, window_params = [{transform_indices = @transform_0, window_bounds = array<i64: 1000, 128>}, {transform_indices = @transform_1, window_bounds = array<i64: 1000, 128>}, {transform_indices = @transform_2, window_bounds = array<i64: 1000, 128>}, {transform_indices = @transform_3, window_bounds = array<i64: 1000, 128>}, {transform_indices = @transform_4, window_bounds = array<i64: 1000, 128>}, {pipeline_mode = #tpu.pipeline_mode<synchronous>, transform_indices = @transform_5, window_bounds = array<i64: 1, 128>}, {pipeline_mode = #tpu.pipeline_mode<synchronous>, transform_indices = @transform_6, window_bounds = array<i64: 128, 128>}, {transform_indices = @transform_7, window_bounds = array<i64: 1000, 128>}]} {
    %get3A = arith.constant 0 : index
    %get3A_0 = arith.constant 0 : index
    %get3A_1 = vector.load %arg4[%get3A, %get3A_0] : memref<1000x128xf32, #tpu.memory_space<vmem>>, vector<1000x1xf32>
    %get3A_2 = arith.constant 0 : index
    %get3A_3 = arith.constant 0 : index
    %get3A_4 = vector.load %arg5[%get3A_2, %get3A_3] : memref<1000x128xf32, #tpu.memory_space<vmem>>, vector<1000x1xf32>
    %add3A = arith.addf %get3A_1, %get3A_4 : vector<1000x1xf32>
    %add3A_5 = arith.constant 1.000000e+00 : f32
    %add3A_6 = vector.broadcast %add3A_5 : f32 to vector<1000x1xf32>
    %add3A_7 = arith.addf %add3A, %add3A_6 : vector<1000x1xf32>
    %rsqrt3A = math.rsqrt %add3A_7 : vector<1000x1xf32>
    %get3A_8 = arith.constant 0 : index
    %get3A_9 = arith.constant 0 : index
    %get3A_10 = vector.load %arg1[%get3A_8, %get3A_9] : memref<1000x128xf32, #tpu.memory_space<vmem>>, vector<1000x128xf32>
    %get3A_11 = arith.constant 0 : index
    %get3A_12 = arith.constant 0 : index
    %get3A_13 = vector.load %arg2[%get3A_11, %get3A_12] : memref<1000x128xf32, #tpu.memory_space<vmem>>, vector<1000x128xf32>
    %add3A_14 = arith.addf %get3A_10, %get3A_13 : vector<1000x128xf32>
    %get3A_15 = arith.constant 0 : index
    %get3A_16 = arith.constant 0 : index
    %get3A_17 = vector.load %arg3[%get3A_15, %get3A_16] : memref<1000x128xf32, #tpu.memory_space<vmem>>, vector<1000x128xf32>
    %add3A_18 = arith.addf %add3A_14, %get3A_17 : vector<1000x128xf32>
    %mul3A = vector.broadcast %rsqrt3A : vector<1000x1xf32> to vector<1000x128xf32>
    %mul3A_19 = arith.mulf %mul3A, %add3A_18 : vector<1000x128xf32>
    %get3A_20 = arith.constant 0 : index
    %get3A_21 = arith.constant 0 : index
    %get3A_22 = vector.load %arg6[%get3A_20, %get3A_21] : memref<1x128xf32, #tpu.memory_space<vmem>>, vector<1x128xf32>
    %add3A_23 = vector.broadcast %get3A_22 : vector<1x128xf32> to vector<1000x128xf32>
    %add3A_24 = arith.addf %mul3A_19, %add3A_23 : vector<1000x128xf32>
    %max3A = arith.constant 0.000000e+00 : f32
    %max3A_25 = vector.broadcast %max3A : f32 to vector<1000x128xf32>
    %max3A_26 = arith.maximumf %add3A_24, %max3A_25 : vector<1000x128xf32>
    %get3A_27 = arith.constant 0 : index
    %get3A_28 = arith.constant 0 : index
    %get3A_29 = vector.load %arg7[%get3A_27, %get3A_28] : memref<128x128xf32, #tpu.memory_space<vmem>>, vector<128x128xf32>
    %dot_general3A = arith.constant dense<0.000000e+00> : vector<1000x128xf32>
    %dot_general3A_30 = tpu.matmul %max3A_26, %get3A_29, %dot_general3A {dimension_numbers = #tpu.dot_dimension_numbers<[1], [0], [0], [1], [0, 0, 1, 1], [], []>, transpose_lhs_hint = false} : vector<1000x128xf32>, vector<128x128xf32>, vector<1000x128xf32> -> vector<1000x128xf32>
    %mul3A_31 = vector.broadcast %rsqrt3A : vector<1000x1xf32> to vector<1000x128xf32>
    %mul3A_32 = arith.mulf %mul3A_31, %dot_general3A_30 : vector<1000x128xf32>
    %swap3A = arith.constant 0 : index
    %swap3A_33 = arith.constant 0 : index
    %swap3A_34 = vector.load %arg8[%swap3A, %swap3A_33] : memref<1000x128xf32, #tpu.memory_space<vmem>>, vector<1000x128xf32>
    tpu.vector_store %arg8[%swap3A, %swap3A_33], %mul3A_32 {strides = array<i32>} : memref<1000x128xf32, #tpu.memory_space<vmem>>, vector<1000x128xf32>,
    return
  }
  func.func @transform_0(%arg0: i32) -> (i32, i32) {
    %c0_i32 = arith.constant 0 : i32
    %c0_i32_0 = arith.constant 0 : i32
    return %arg0, %c0_i32 : i32, i32
  }
  func.func @transform_1(%arg0: i32) -> (i32, i32) {
    %c0_i32 = arith.constant 0 : i32
    %c0_i32_0 = arith.constant 0 : i32
    return %arg0, %c0_i32 : i32, i32
  }
  func.func @transform_2(%arg0: i32) -> (i32, i32) {
    %c0_i32 = arith.constant 0 : i32
    %c0_i32_0 = arith.constant 0 : i32
    return %arg0, %c0_i32 : i32, i32
  }
  func.func @transform_3(%arg0: i32) -> (i32, i32) {
    %c0_i32 = arith.constant 0 : i32
    %c0_i32_0 = arith.constant 0 : i32
    return %arg0, %c0_i32 : i32, i32
  }
  func.func @transform_4(%arg0: i32) -> (i32, i32) {
    %c0_i32 = arith.constant 0 : i32
    %c0_i32_0 = arith.constant 0 : i32
    return %arg0, %c0_i32 : i32, i32
  }
  func.func @transform_5(%arg0: i32) -> (i32, i32) {
    %c0_i32 = arith.constant 0 : i32
    %c0_i32_0 = arith.constant 0 : i32
    %c0_i32_1 = arith.constant 0 : i32
    return %c0_i32, %c0_i32_0 : i32, i32
  }
  func.func @transform_6(%arg0: i32) -> (i32, i32) {
    %c0_i32 = arith.constant 0 : i32
    %c0_i32_0 = arith.constant 0 : i32
    %c0_i32_1 = arith.constant 0 : i32
    return %c0_i32, %c0_i32_0 : i32, i32
  }
  func.func @transform_7(%arg0: i32) -> (i32, i32) {
    %c0_i32 = arith.constant 0 : i32
    %c0_i32_0 = arith.constant 0 : i32
    return %arg0, %c0_i32 : i32, i32
  }
}

module attributes {stable_mosaic.version = 14 : i64} {
  func.func @_tc_prep_body(%arg0: i32, %arg1: memref<1000x128xf32, #tpu.memory_space<vmem>>, %arg2: memref<1000x128xf32, #tpu.memory_space<vmem>>, %arg3: memref<1000x128xf32, #tpu.memory_space<vmem>>, %arg4: memref<128x128xf32, #tpu.memory_space<vmem>>, %arg5: memref<1000x128xf32, #tpu.memory_space<vmem>>) attributes {dimension_semantics = [#tpu.dimension_semantics<arbitrary>], iteration_bounds = array<i64: 10>, scalar_prefetch = 0 : i64, scratch_operands = 0 : i64, tpu.core_type = #tpu.core_type<tc>, window_params = [{transform_indices = @transform_0, window_bounds = array<i64: 1000, 128>}, {transform_indices = @transform_1, window_bounds = array<i64: 1000, 128>}, {transform_indices = @transform_2, window_bounds = array<i64: 1000, 128>}, {pipeline_mode = #tpu.pipeline_mode<synchronous>, transform_indices = @transform_3, window_bounds = array<i64: 128, 128>}, {transform_indices = @transform_4, window_bounds = array<i64: 1000, 128>}]} {
    %get3A = arith.constant 0 : index
    %get3A_0 = arith.constant 0 : index
    %get3A_1 = vector.load %arg1[%get3A, %get3A_0] : memref<1000x128xf32, #tpu.memory_space<vmem>>, vector<1000x1xf32>
    %get3A_2 = arith.constant 0 : index
    %get3A_3 = arith.constant 0 : index
    %get3A_4 = vector.load %arg2[%get3A_2, %get3A_3] : memref<1000x128xf32, #tpu.memory_space<vmem>>, vector<1000x1xf32>
    %add3A = arith.addf %get3A_1, %get3A_4 : vector<1000x1xf32>
    %add3A_5 = arith.constant 1.000000e+00 : f32
    %add3A_6 = vector.broadcast %add3A_5 : f32 to vector<1000x1xf32>
    %add3A_7 = arith.addf %add3A, %add3A_6 : vector<1000x1xf32>
    %rsqrt3A = math.rsqrt %add3A_7 : vector<1000x1xf32>
    %get3A_8 = arith.constant 0 : index
    %get3A_9 = arith.constant 0 : index
    %get3A_10 = vector.load %arg3[%get3A_8, %get3A_9] : memref<1000x128xf32, #tpu.memory_space<vmem>>, vector<1000x128xf32>
    %get3A_11 = arith.constant 0 : index
    %get3A_12 = arith.constant 0 : index
    %get3A_13 = vector.load %arg4[%get3A_11, %get3A_12] : memref<128x128xf32, #tpu.memory_space<vmem>>, vector<128x128xf32>
    %dot_general3A = arith.constant dense<0.000000e+00> : vector<1000x128xf32>
    %dot_general3A_14 = tpu.matmul %get3A_10, %get3A_13, %dot_general3A {dimension_numbers = #tpu.dot_dimension_numbers<[1], [0], [0], [1], [0, 0, 1, 1], [], []>, transpose_lhs_hint = false} : vector<1000x128xf32>, vector<128x128xf32>, vector<1000x128xf32> -> vector<1000x128xf32>
    %mul3A = vector.broadcast %rsqrt3A : vector<1000x1xf32> to vector<1000x128xf32>
    %mul3A_15 = arith.mulf %mul3A, %dot_general3A_14 : vector<1000x128xf32>
    %swap3A = arith.constant 0 : index
    %swap3A_16 = arith.constant 0 : index
    %swap3A_17 = vector.load %arg5[%swap3A, %swap3A_16] : memref<1000x128xf32, #tpu.memory_space<vmem>>, vector<1000x128xf32>
    tpu.vector_store %arg5[%swap3A, %swap3A_16], %mul3A_15 {strides = array<i32>} : memref<1000x128xf32, #tpu.memory_space<vmem>>, vector<1000x128xf32>,
    return
  }
  func.func @transform_0(%arg0: i32) -> (i32, i32) {
    %c0_i32 = arith.constant 0 : i32
    %c0_i32_0 = arith.constant 0 : i32
    return %arg0, %c0_i32 : i32, i32
  }
  func.func @transform_1(%arg0: i32) -> (i32, i32) {
    %c0_i32 = arith.constant 0 : i32
    %c0_i32_0 = arith.constant 0 : i32
    return %arg0, %c0_i32 : i32, i32
  }
  func.func @transform_2(%arg0: i32) -> (i32, i32) {
    %c0_i32 = arith.constant 0 : i32
    %c0_i32_0 = arith.constant 0 : i32
    return %arg0, %c0_i32 : i32, i32
  }
  func.func @transform_3(%arg0: i32) -> (i32, i32) {
    %c0_i32 = arith.constant 0 : i32
    %c0_i32_0 = arith.constant 0 : i32
    %c0_i32_1 = arith.constant 0 : i32
    return %c0_i32, %c0_i32_0 : i32, i32
  }
  func.func @transform_4(%arg0: i32) -> (i32, i32) {
    %c0_i32 = arith.constant 0 : i32
    %c0_i32_0 = arith.constant 0 : i32
    return %arg0, %c0_i32 : i32, i32
  }
}

module attributes {stable_mosaic.version = 14 : i64} {
  func.func @_tc_final_body(%arg0: i32, %arg1: memref<1000x128xf32, #tpu.memory_space<vmem>>, %arg2: memref<1000x128xf32, #tpu.memory_space<vmem>>, %arg3: memref<1000x128xf32, #tpu.memory_space<vmem>>, %arg4: memref<1000x128xf32, #tpu.memory_space<vmem>>, %arg5: memref<1000x128xf32, #tpu.memory_space<vmem>>, %arg6: memref<1x128xf32, #tpu.memory_space<vmem>>, %arg7: memref<1000x128xf32, #tpu.memory_space<vmem>>) attributes {dimension_semantics = [#tpu.dimension_semantics<arbitrary>], iteration_bounds = array<i64: 10>, scalar_prefetch = 0 : i64, scratch_operands = 0 : i64, tpu.core_type = #tpu.core_type<tc>, window_params = [{transform_indices = @transform_0, window_bounds = array<i64: 1000, 128>}, {transform_indices = @transform_1, window_bounds = array<i64: 1000, 128>}, {transform_indices = @transform_2, window_bounds = array<i64: 1000, 128>}, {transform_indices = @transform_3, window_bounds = array<i64: 1000, 128>}, {transform_indices = @transform_4, window_bounds = array<i64: 1000, 128>}, {pipeline_mode = #tpu.pipeline_mode<synchronous>, transform_indices = @transform_5, window_bounds = array<i64: 1, 128>}, {transform_indices = @transform_6, window_bounds = array<i64: 1000, 128>}]} {
    %get3A = arith.constant 0 : index
    %get3A_0 = arith.constant 0 : index
    %get3A_1 = vector.load %arg4[%get3A, %get3A_0] : memref<1000x128xf32, #tpu.memory_space<vmem>>, vector<1000x1xf32>
    %get3A_2 = arith.constant 0 : index
    %get3A_3 = arith.constant 0 : index
    %get3A_4 = vector.load %arg5[%get3A_2, %get3A_3] : memref<1000x128xf32, #tpu.memory_space<vmem>>, vector<1000x1xf32>
    %add3A = arith.addf %get3A_1, %get3A_4 : vector<1000x1xf32>
    %add3A_5 = arith.constant 1.000000e+00 : f32
    %add3A_6 = vector.broadcast %add3A_5 : f32 to vector<1000x1xf32>
    %add3A_7 = arith.addf %add3A, %add3A_6 : vector<1000x1xf32>
    %rsqrt3A = math.rsqrt %add3A_7 : vector<1000x1xf32>
    %get3A_8 = arith.constant 0 : index
    %get3A_9 = arith.constant 0 : index
    %get3A_10 = vector.load %arg1[%get3A_8, %get3A_9] : memref<1000x128xf32, #tpu.memory_space<vmem>>, vector<1000x128xf32>
    %get3A_11 = arith.constant 0 : index
    %get3A_12 = arith.constant 0 : index
    %get3A_13 = vector.load %arg2[%get3A_11, %get3A_12] : memref<1000x128xf32, #tpu.memory_space<vmem>>, vector<1000x128xf32>
    %add3A_14 = arith.addf %get3A_10, %get3A_13 : vector<1000x128xf32>
    %get3A_15 = arith.constant 0 : index
    %get3A_16 = arith.constant 0 : index
    %get3A_17 = vector.load %arg3[%get3A_15, %get3A_16] : memref<1000x128xf32, #tpu.memory_space<vmem>>, vector<1000x128xf32>
    %add3A_18 = arith.addf %add3A_14, %get3A_17 : vector<1000x128xf32>
    %mul3A = vector.broadcast %rsqrt3A : vector<1000x1xf32> to vector<1000x128xf32>
    %mul3A_19 = arith.mulf %mul3A, %add3A_18 : vector<1000x128xf32>
    %get3A_20 = arith.constant 0 : index
    %get3A_21 = arith.constant 0 : index
    %get3A_22 = vector.load %arg6[%get3A_20, %get3A_21] : memref<1x128xf32, #tpu.memory_space<vmem>>, vector<1x128xf32>
    %add3A_23 = vector.broadcast %get3A_22 : vector<1x128xf32> to vector<1000x128xf32>
    %add3A_24 = arith.addf %mul3A_19, %add3A_23 : vector<1000x128xf32>
    %swap3A = arith.constant 0 : index
    %swap3A_25 = arith.constant 0 : index
    %swap3A_26 = vector.load %arg7[%swap3A, %swap3A_25] : memref<1000x128xf32, #tpu.memory_space<vmem>>, vector<1000x128xf32>
    tpu.vector_store %arg7[%swap3A, %swap3A_25], %add3A_24 {strides = array<i32>} : memref<1000x128xf32, #tpu.memory_space<vmem>>, vector<1000x128xf32>,
    return
  }
  func.func @transform_0(%arg0: i32) -> (i32, i32) {
    %c0_i32 = arith.constant 0 : i32
    %c0_i32_0 = arith.constant 0 : i32
    return %arg0, %c0_i32 : i32, i32
  }
  func.func @transform_1(%arg0: i32) -> (i32, i32) {
    %c0_i32 = arith.constant 0 : i32
    %c0_i32_0 = arith.constant 0 : i32
    return %arg0, %c0_i32 : i32, i32
  }
  func.func @transform_2(%arg0: i32) -> (i32, i32) {
    %c0_i32 = arith.constant 0 : i32
    %c0_i32_0 = arith.constant 0 : i32
    return %arg0, %c0_i32 : i32, i32
  }
  func.func @transform_3(%arg0: i32) -> (i32, i32) {
    %c0_i32 = arith.constant 0 : i32
    %c0_i32_0 = arith.constant 0 : i32
    return %arg0, %c0_i32 : i32, i32
  }
  func.func @transform_4(%arg0: i32) -> (i32, i32) {
    %c0_i32 = arith.constant 0 : i32
    %c0_i32_0 = arith.constant 0 : i32
    return %arg0, %c0_i32 : i32, i32
  }
  func.func @transform_5(%arg0: i32) -> (i32, i32) {
    %c0_i32 = arith.constant 0 : i32
    %c0_i32_0 = arith.constant 0 : i32
    %c0_i32_1 = arith.constant 0 : i32
    return %c0_i32, %c0_i32_0 : i32, i32
  }
  func.func @transform_6(%arg0: i32) -> (i32, i32) {
    %c0_i32 = arith.constant 0 : i32
    %c0_i32_0 = arith.constant 0 : i32
    return %arg0, %c0_i32 : i32, i32
  }
}

</mosaic_0001>

<sc_bundles>
// kernel: kernel.11.cloned.1.call-start
scs
__scs_entry_jumppad:
0x0: {  	(pc) =	sbr.rel $0x88, $3  }
0x1: {  	(tag) =	ssettag $0x0;
	lr =	simm.s32 $0x1  }
0x2: {  	[smem:$0x3F9B] =	sst lr;
	_ =	strace $0xD0000000  }
0x3: {  	_ = 	snop  }
0x4: {  	_ = 	snop  }
0x5: {  	_ = 	snop  }
0x6: {  	_ = 	snop  }
0x7: {  	_ = 	snop  }
__scs_overlays_trampoline_lowered:
0x8: {  	[smem:$0x3FAA] =	sst s0  }
0x9: {  	[smem:$0x3FAB] =	sst s1  }
0xa: {  	[smem:$0x3FAC] =	sst s2  }
0xb: {  	[smem:$0x3FAD] =	sst s3  }
0xc: {  	[smem:$0x3FAE] =	sst s4  }
0xd: {  	[smem:$0x3FAF] =	sst s5  }
0xe: {  	[smem:$0x3FB0] =	sst s6  }
0xf: {  	[smem:$0x3FB1] =	sst s7  }
0x10: {  	[smem:$0x3FB2] =	sst s8  }
0x11: {  	[smem:$0x3FB3] =	sst s9;
	s0 =	simm.s32 @!p0 $0x0  }
0x12: {  	s1 =	sld [smem:$0x3F99];
	s0 =	simm.s32 @p0 $0x1  }
0x13: {  	[smem:$0x3FB4] =	sst s0;
	s0 =	simm.s32 @!p1 $0x0  }
0x14: {  	s2 =	sld [smem:$0x3F98];
	s0 =	simm.s32 @p1 $0x1  }
0x15: {  	[smem:$0x3FB5] =	sst s0;
	s0 =	simm.s32 @!p2 $0x0  }
0x16: {  	s3 =	sld [smem:$0x3FDB];
	s0 =	simm.s32 @p2 $0x1  }
0x17: {  	s4 =	simm.s32 $0x1BF5;
	[smem:$0x3FB7] =	sst s0  }
0x18: {  	s0 =	sld [smem:$0x3F9A];
	_ =	swait.ge [sflag:s4], $0x0  }
0x19: {  	s7 =	sld [smem:$0x3F9B]  }
0x1a: {  	s8 =	sadd.s32 $0xFFFFE003, lr  }
0x1b: {  	s9 =	sadd.s32 $0xFFFFFEF7, lr;
	s5 =	simm.s32 $0xFFFFFFFF;
	p2 =	slt.u32 s8, $0xFFFFF086  }
0x1c: {  	p1 =	slt.u32 s9, $0xF7A;
	s5 =	simm.s32 @!p2 $0x0  }
0x1d: {  	s5 =	simm.s32 @p1 $0x1;
	p0 =	seq.s32 s7, s2  }
0x1e: {  	s7 =	smul.u32 @!p0 $0xF7A, s2;
	p2 =	seq.s32 @!p0 s5, $0x0  }
0x1f: {  	s9 =	smul.u32 $0xF7A, s1;
	s8 =	simm.s32 @!p0 $0x1BF5;
	p2 =	por !p2, p0  }
0x20: {  	[sflag:s8] =	ssyncset.s32 @!p0 $0xFFFFF086;
	s6 =	sadd.s32 @!p0 s3, s7;
	s7 =	simm.s32 @!p0 $0x108  }
0x21: {  	s3 =	sadd.s32 s3, s9;
	s6 =	sadd.s32 @!p0 $0x88, s6;
	s7 =	simm.s32 @p2 $0x1082  }
0x22: {  	[simem:s7], [sflag:s8] =	dma.local @!p0 [hbm:s6], $0xF7A  }
0x23: {  	s9 =	sor.u32 $0xD0000000, s2;
	s6 =	simm.s32 $0x108;
	_ =	swait.ge @!p0 [sflag:s8], $0x0  }
0x24: {  	s3 =	sadd.s32 $0x88, s3;
	s6 =	simm.s32 @!p1 $0x1082;
	[sflag:s4] =	ssyncset.s32 $0xFFFFF086  }
0x25: {  	[simem:s6], [sflag:s4] =	dma.local [hbm:s3], $0xF7A  }
0x26: {  	[smem:$0x3F9B] =	sst s1;
	(tag) =	ssettag s2;
	_ =	strace s9  }
0x27: {  	s1 =	sld [smem:$0x3FAB]  }
0x28: {  	s2 =	sld [smem:$0x3FAC]  }
0x29: {  	s4 =	sld [smem:$0x3FAE]  }
0x2a: {  	p0 =	seq.s32 s5, $0x0;
	s5 =	sld [smem:$0x3FAF]  }
0x2b: {  	s6 =	sld [smem:$0x3FB0]  }
0x2c: {  	s7 =	sld [smem:$0x3FB1]  }
0x2d: {  	s3 =	simm.s32 $0x108;
	s8 =	sld [smem:$0x3FB2]  }
0x2e: {  	s3 =	simm.s32 @!p0 $0x1082;
	s9 =	sld [smem:$0x3FB3]  }
0x2f: {  	lr =	sadd.s32 s0, s3;
	s0 =	sld [smem:$0x3FAA]  }
0x30: {  	s3 =	sld [smem:$0x3FAD]  }
0x31: {  	[smem:$0x3FB6] =	sst s10  }
0x32: {  	s10 =	sld [smem:$0x3FB4];
	_ =	sdelay $0x3  }
0x33: {  	p0 =	seq.s32 s10, $0x1;
	s10 =	sld [smem:$0x3FB6];
	_ =	sdelay $0x3  }
0x34: {  	[smem:$0x3FB6] =	sst s10  }
0x35: {  	s10 =	sld [smem:$0x3FB5];
	_ =	sdelay $0x3  }
0x36: {  	p1 =	seq.s32 s10, $0x1;
	s10 =	sld [smem:$0x3FB6];
	_ =	sdelay $0x3  }
0x37: {  	[smem:$0x3FB6] =	sst s10  }
0x38: {  	s10 =	sld [smem:$0x3FB7]  }
0x39: {  	_ = 	snop;
	(pc) =	sbr.ind lr, $3  }
0x3a: {  	_ = 	snop  }
0x3b: {  	_ = 	snop  }
0x3c: {  	p2 =	seq.s32 s10, $0x1;
	s10 =	sld [smem:$0x3FB6]  }
0x3d: {  	_ =	shalt  }
0x3e: {  	_ =	shalt  }
0x3f: {  	_ =	shalt  }
0x40: {  	_ =	shalt  }
0x41: {  	_ =	shalt  }
0x42: {  	_ =	shalt  }
0x43: {  	_ =	shalt  }
0x44: {  	_ =	shalt  }
0x45: {  	_ =	shalt  }
0x46: {  	_ =	shalt  }
0x47: {  	_ =	shalt  }
0x48: {  	_ =	shalt  }
0x49: {  	_ =	shalt  }
0x4a: {  	_ =	shalt  }
0x4b: {  	_ =	shalt  }
0x4c: {  	_ =	shalt  }
0x4d: {  	_ =	shalt  }
0x4e: {  	_ =	shalt  }
0x4f: {  	_ =	shalt  }
0x50: {  	_ =	shalt  }
0x51: {  	_ =	shalt  }
0x52: {  	_ =	shalt  }
0x53: {  	_ =	shalt  }
0x54: {  	_ =	shalt  }
0x55: {  	_ =	shalt  }
0x56: {  	_ =	shalt  }
0x57: {  	_ =	shalt  }
0x58: {  	_ =	shalt  }
0x59: {  	_ =	shalt  }
0x5a: {  	_ =	shalt  }
0x5b: {  	_ =	shalt  }
0x5c: {  	_ =	shalt  }
0x5d: {  	_ =	shalt  }
0x5e: {  	_ =	shalt  }
0x5f: {  	_ =	shalt  }
0x60: {  	_ =	shalt  }
0x61: {  	_ =	shalt  }
0x62: {  	_ =	shalt  }
0x63: {  	_ =	shalt  }
0x64: {  	_ =	shalt  }
0x65: {  	_ =	shalt  }
0x66: {  	_ =	shalt  }
0x67: {  	_ =	shalt  }
0x68: {  	_ =	shalt  }
0x69: {  	_ =	shalt  }
0x6a: {  	_ =	shalt  }
0x6b: {  	_ =	shalt  }
0x6c: {  	_ =	shalt  }
0x6d: {  	_ =	shalt  }
0x6e: {  	_ =	shalt  }
0x6f: {  	_ =	shalt  }
0x70: {  	_ =	shalt  }
0x71: {  	_ =	shalt  }
0x72: {  	_ =	shalt  }
0x73: {  	_ =	shalt  }
0x74: {  	_ =	shalt  }
0x75: {  	_ =	shalt  }
0x76: {  	_ =	shalt  }
0x77: {  	_ =	shalt  }
0x78: {  	_ =	shalt  }
0x79: {  	_ =	shalt  }
0x7a: {  	_ =	shalt  }
0x7b: {  	_ =	shalt  }
0x7c: {  	_ =	shalt  }
0x7d: {  	_ =	shalt  }
0x7e: {  	_ =	shalt  }
0x7f: {  	_ =	shalt  }
0x80: {  	_ =	shalt  }
0x81: {  	_ =	shalt  }
0x82: {  	_ =	shalt  }
0x83: {  	_ =	shalt  }
0x84: {  	_ =	shalt  }
0x85: {  	_ =	shalt  }
0x86: {  	_ =	shalt  }
0x87: {  	_ =	shalt  }
.Lfunc_end0:
.L_simem_size_0:
called_computation.1_lowered:
.L_overlay_start_0:
0x88: {  	s2 =	sld [smem:$0x3FD9]  }
0x89: {  	s3 =	sld [smem:$0x3FFE];
	_ =	sdelay $0x1  }
0x8a: {  	s1 =	srdreg.scid  }
0x8b: {  	s0 =	sand.u32 $0x1, s1  }
0x8c: {  	s17 =	sshll.u32 s0, $0xA;
	s2 =	sadd.s32 s3, s2  }
0x8d: {  	s2 =	sadd.s32 s2, s17  }
0x8e: {  	[smem:$0x3FC2] =	sst s2  }
0x8f: {  	_ = 	snop  }
0x90: {  	s2 =	sld [smem:$0x3FD0];
	(tm) =	ssettm $0x1  }
0x91: {  	s18 =	sld [smem:$0x3FFB];
	_ =	sdelay $0x3  }
0x92: {  	_ =	strace s18  }
0x93: {  	s3 =	sld [smem:$0x3FFC];
	_ =	sdelay $0x3  }
0x94: {  	_ =	strace s3  }
0x95: {  	s3 =	sld [smem:$0x3FFD];
	_ =	sdelay $0x3  }
0x96: {  	_ =	strace s3  }
0x97: {  	_ =	strace $0x8FFFFFFF  }
0x98: {  	s19 =	sld [smem:$0x3FDB];
	_ =	sdelay $0x1  }
0x99: {  	s4 =	simm.s32 $_scs_section_size  }
0x9a: {  	s5 =	simm.s32 $_size__tile_overlayer_lowered;
	s6 =	simm.s32 $_tile_overlayer_lowered  }
0x9b: {  	s22 =	simm.s32 $0x1BFF;
	s21 =	sshll.u32 s6, $0x1;
	s3 =	sadd.s32 s4, s19  }
0x9c: {  	s7 =	simm.s32 $0x0;
	s20 =	sshll.u32 s5, $0x1;
	s5 =	sadd.s32 s21, s3  }
0x9d: {  	[timem:s7], [sflag:s22] =	dma.local [hbm:s5], s20  }
0x9e: {  	_ =	swait.ge [sflag:s22], s20  }
0x9f: {  	s4 =	ssub.s32 $0x0, s20;
	[sflag:s22] =	ssyncset.done $0x0  }
0xa0: {  	[sflag:s22] =	ssyncadd.s32 s4;
	_ =	sdelay $0x1  }
0xa1: {  	s23 =	simm.s32 $0x1B8B  }
0xa2: {  	_ =	swait.ge [sflag:s23], $0x1  }
0xa3: {  	[sflag:s23] =	ssyncset.done $0x0  }
0xa4: {  	s25 =	simm.s32 $0x1B8E;
	s24 =	sld [smem:$0x3FFE];
	[sflag:s23] =	ssyncadd.s32 $0xFFFFFFFF  }
0xa5: {  	s26 =	simm.s32 $execute0_lowered;
	[smem:$0x3FD2] =	sst s25  }
0xa6: {  	s5 =	sshll.u32 s26, $0x1;
	_ =	strace $0x80000049;
	[dreg:$0x1] =	wrdreg $0xFFFFFFFF  }
0xa7: {  	s28 =	simm.s32 $_size_execute0_lowered;
	s3 =	sadd.s32 s3, s5;
	[dreg:$0x0] =	wrdreg $0x0  }
0xa8: {  	s5 =	sshll.u32 s28, $0x1;
	[dreg:$0x2] =	wrdreg s3  }
0xa9: {  	[dreg:$0x3] =	wrdreg s5  }
0xaa: {  	[dreg:$0x4] =	wrdreg $0xC0  }
0xab: {  	_ =	task [dreg:s7], $0x5FFFF  }
0xac: {  	[dreg:$0x1] =	wrdreg $0xFFFFFFFF  }
0xad: {  	[dreg:$0x0] =	wrdreg $0x60  }
0xae: {  	[dreg:$0x2] =	wrdreg s24  }
0xaf: {  	[dreg:$0x3] =	wrdreg s2  }
0xb0: {  	[dreg:$0x4] =	wrdreg $0x7B800  }
0xb1: {  	[dreg:$0x5] =	wrdreg $0x9  }
0xb2: {  	_ =	task.clear_ibuf [dreg:s7], $0x6FFFF;
	_ =	strace $0x90000049  }
0xb3: {  	s29 =	simm.s32 $0x9;
	_ =	strace $0x8000004B  }
0xb4: {  	_ =	swait.ge [sflag:s29], $0x1  }
0xb5: {  	[sflag:s29] =	ssyncadd.s32 $0xFFFFFFFF  }
0xb6: {  	_ =	strace $0x9000004B  }
0xb7: {  	_ =	sfence  }
0xb8: {  	s30 =	sld [smem:$0x0];
	_ =	sdelay $0x2  }
0xb9: {  	s31 =	sshll.u32 s1, $0xD;
	s1 =	sshrl.u32 s1, $0x2  }
0xba: {  	s3 =	sand.u32 $0x4000, s31;
	s1 =	sadd.s32 s1, s30  }
0xbb: {  	s0 =	sor.u32 s3, s0;
	s1 =	sshll.u32 s1, $0x11  }
0xbc: {  	s0 =	sor.u32 s1, s0  }
0xbd: {  	s0 =	sadd.s32 $0x8F2B, s0  }
0xbe: {  	[sflag:s0] =	ssyncadd.remote.s32 $0x1  }
0xbf: {  	_ =	sfence.sel $0xFFFF  }
0xc0: {  	[dreg:$0x0] =	wrdreg $0xFFFFFFFF;
	(pc) =	sbr.abs _section_cstart, $3  }
0xc1: {  	[dreg:$0x1] =	wrdreg $0xFFFFFFFF  }
0xc2: {  	_ =	task.clear_ibuf [dreg:s7], $0x2FFFF;
	_ =	strace $0x9FFFFFFF  }
0xc3: {  	(tm) =	ssettm $0x7FFFFFFF  }
tec
execute0_lowered:
.L_overlay_start_1:
0x0: {  	(tag) =	ssettag $0x1  }
0x1: {  	s0 =	rddreg [dreg:$0x0]  }
0x2: {  	s3 =	rddreg [dreg:$0x1]  }
0x3: {  	s1 =	rddreg [dreg:$0x2];
	s2 =	simm.s32 $0x0;
	s5 =	srdreg.scid  }
0x4: {  	s11 =	stileid.u32;
	s28 =	simm.s32 $0x5;
	s29 =	simm.s32 $0x2  }
0x5: {  	s30 =	simm.s32 $0x2B80;
	s31 =	simm.s32 $0x8;
	[smem:$0x7FF] =	sst s2  }
0x6: {  	s4 =	sadd.s32 $0x65400, s0;
	s12 =	sadd.s32 $0x3400, s0;
	s13 =	sadd.s32 $0xD200, s0  }
0x7: {  	s5 =	sand.u32 $0x1, s5;
	s0 =	sadd.s32 $0x8C600, s0;
	s7 =	smul.u32 $0x4E000, s11  }
0x8: {  	s9 =	smul.u32 $0x13800, s11;
	s26 =	sshll.u32 s11, $0x6;
	p0 =	sne.s32 s11, $0xF  }
0x9: {  	_ =	strace $0x8000004A;
	s6 =	sshll.u32 s5, $0x4;
	s20 =	smul.u32 $0x138800, s5  }
0xa: {  	s8 =	ssub.s32 $0x2, s5;
	s17 =	sor.u32 $0x1C0B, s26;
	s5 =	smul.u32 $0x27100, s5  }
0xb: {  	s26 =	smul.u32 $0x2710, s11;
	s6 =	sor.u32 s11, s6;
	s10 =	sshrl.u32 s8, $0x1  }
0xc: {  	s7 =	sshrl.u32 s7, $0x2;
	s25 =	sshrl.u32 s9, $0x3;
	[dreg:$0x6] =	wrdreg s17  }
0xd: {  	s6 =	smul.u32 $0x2710, s6;
	s8 =	ssub.s32 s8, s10;
	s7 =	sadd.s32 s7, s1  }
0xe: {  	s24 =	sadd.s32 s9, s20;
	s5 =	sadd.s32 s26, s5;
	[dreg:$0x4] =	wrdreg s7  }
0xf: {  	s7 =	sadd.s32 s3, s25;
	s3 =	sadd.s32 $0x27000, s3;
	s25 =	sshrl.u32 s20, $0x3  }
0x10: {  	s9 =	sadd.s32 $0x460, s5;
	[dreg:$0x5] =	wrdreg s7;
	s6 =	sshrl.u32 s6, $0x3  }
0x11: {  	[dreg:$0x7] =	wrdreg s3;
	s7 =	sshrl.u32 s24, $0x3;
	s10 =	sadd.s32 s13, s6  }
0x12: {  	s14 =	sadd.s32 s12, s6;
	s15 =	sadd.s32 $0xA, s6;
	[dreg:$0x9] =	wrdreg s10  }
0x13: {  	s16 =	sadd.s32 $0x14, s6;
	s18 =	sadd.s32 s12, s15;
	[dreg:$0x8] =	wrdreg s14  }
0x14: {  	s22 =	sadd.s32 $0x1E, s6;
	s19 =	sadd.s32 s12, s16;
	[dreg:$0xa] =	wrdreg s18  }
0x15: {  	s3 =	sadd.s32 s13, s15;
	s21 =	sadd.s32 s13, s16;
	[dreg:$0xb] =	wrdreg s19  }
0x16: {  	s23 =	sadd.s32 s12, s22;
	s15 =	sadd.s32 s0, s7;
	[dreg:$0xc] =	wrdreg s3  }
0x17: {  	s0 =	sadd.s32 s0, s25;
	s16 =	sadd.s32 $0x28, s6;
	[dreg:$0xd] =	wrdreg s21  }
0x18: {  	s6 =	sadd.s32 $0x32, s6;
	s25 =	sadd.s32 $0x4B0, s5;
	[dreg:$0xe] =	wrdreg s23  }
0x19: {  	s10 =	sshrl.u32 s9, $0x3;
	s3 =	sadd.s32 s13, s22;
	[dreg:$0x10] =	wrdreg s15  }
0x1a: {  	s18 =	sadd.s32 s12, s16;
	s19 =	sadd.s32 s12, s6;
	[dreg:$0xf] =	wrdreg s3  }
0x1b: {  	s20 =	sadd.s32 s13, s6;
	s0 =	sadd.s32 $0x27000, s0;
	[dreg:$0x11] =	wrdreg s18  }
0x1c: {  	s21 =	sadd.s32 $0x550, s5;
	s22 =	smax.u32 s8, $0x1;
	[dreg:$0x13] =	wrdreg s19  }
0x1d: {  	s23 =	sadd.s32 $0x500, s5;
	s26 =	sshrl.u32 s25, $0x3;
	[dreg:$0x14] =	wrdreg s20  }
0x1e: {  	s15 =	sadd.s32 $0x410, s5;
	s6 =	simm.s32 $0x50;
	[dreg:$0x15] =	wrdreg s0  }
0x1f: {  	s3 =	sadd.s32 s13, s16;
	[dreg:$0x16] =	wrdreg s22;
	s0 =	sshrl.u32 s21, $0x3  }
0x20: {  	s8 =	sadd.s32 s26, s13;
	s16 =	sadd.s32 s10, s13;
	[dreg:$0x12] =	wrdreg s3  }
0x21: {  	s18 =	sadd.s32 $0x370, s5;
	s22 =	sadd.s32 $0x320, s5;
	[dreg:$0x1b] =	wrdreg s8  }
0x22: {  	s3 =	sshrl.u32 s23, $0x3;
	s24 =	sadd.s32 s0, s13;
	[dreg:$0x1d] =	wrdreg s16  }
0x23: {  	s0 =	sadd.s32 s0, s12;
	s19 =	sshrl.u32 s18, $0x3;
	[dreg:$0x17] =	wrdreg s24  }
0x24: {  	s23 =	sshrl.u32 s22, $0x3;
	s16 =	sadd.s32 $0x3C0, s5;
	[dreg:$0x18] =	wrdreg s0  }
0x25: {  	s18 =	sadd.s32 $0x5A0, s5;
	s7 =	sadd.s32 s3, s13;
	[smem:$0x7F7] =	sst s16  }
0x26: {  	s3 =	sadd.s32 s3, s12;
	s0 =	sadd.s32 s26, s12;
	[dreg:$0x19] =	wrdreg s7  }
0x27: {  	s21 =	sadd.s32 s19, s13;
	s24 =	sadd.s32 $0x2D0, s5;
	[dreg:$0x1a] =	wrdreg s3  }
0x28: {  	s25 =	sadd.s32 s23, s13;
	s26 =	sadd.s32 $0x280, s5;
	[dreg:$0x1c] =	wrdreg s0  }
0x29: {  	s16 =	simm.s32 $0x4;
	s3 =	sshrl.u32 s15, $0x3;
	[smem:$0x7EF] =	sst s21  }
0x2a: {  	s0 =	sadd.s32 s10, s12;
	[smem:$0x7F1] =	sst s25;
	s7 =	sshrl.u32 s26, $0x3  }
0x2b: {  	s10 =	sadd.s32 $0x230, s5;
	s5 =	sadd.s32 $0x1E0, s5;
	s21 =	smov.u32 s12  }
0x2c: {  	s25 =	sadd.s32 $0x138000, s1;
	s26 =	sadd.s32 $0x3C, s14;
	s14 =	simm.s32 $0x1  }
0x2d: {  	[dreg:$0x1e] =	wrdreg s0;
	s20 =	sadd.s32 s3, s13;
	s3 =	sadd.s32 s3, s12  }
0x2e: {  	s0 =	sadd.s32 s19, s12;
	s9 =	sadd.s32 s7, s13;
	[smem:$0x7FC] =	sst s25  }
0x2f: {  	s15 =	sshrl.u32 s10, $0x3;
	s22 =	sshrl.u32 s5, $0x3;
	[smem:$0x7FD] =	sst s26  }
0x30: {  	s25 =	simm.s32 $0x80;
	s5 =	simm.s32 $0x200;
	[dreg:$0x1f] =	wrdreg s20  }
0x31: {  	s26 =	simm.s32 $0x380;
	s10 =	simm.s32 $0x9;
	[smem:$0x7EE] =	sst s3  }
0x32: {  	[smem:$0x7F0] =	sst s0;
	s3 =	sshrl.u32 s24, $0x3;
	s0 =	sadd.s32 s23, s12  }
0x33: {  	[smem:$0x7F5] =	sst s9;
	s19 =	sadd.s32 s15, s13;
	s20 =	sshrl.u32 s18, $0x3  }
0x34: {  	s23 =	smov.u32 s13;
	s24 =	sadd.s32 s22, s13;
	[smem:$0x7F2] =	sst s0  }
0x35: {  	s9 =	simm.s32 $0x100;
	s8 =	sadd.s32 s3, s13;
	[smem:$0x7F8] =	sst s19  }
0x36: {  	s3 =	sadd.s32 s3, s12;
	s0 =	sadd.s32 s7, s12;
	[smem:$0x7FB] =	sst s24  }
0x37: {  	s19 =	simm.s32 $0xB;
	s24 =	simm.s32 $0x180;
	[smem:$0x7F3] =	sst s8  }
.Ltmp0:
0x38: {  	s7 =	simm.s32 $0x3;
	[smem:$0x7F4] =	sst s3;
	(pc) =	sbr.rel .LBB2_1-.Ltmp0, $4  }
0x39: {  	s13 =	simm.s32 $0x7;
	[smem:$0x7F6] =	sst s0;
	s0 =	sadd.s32 s15, s12  }
0x3a: {  	s3 =	simm.s32 $0x6;
	s8 =	simm.s32 $0x5380;
	s15 =	simm.s32 $0xA  }
0x3b: {  	[smem:$0x7F9] =	sst s0;
	s0 =	sadd.s32 s20, s12;
	s12 =	simm.s32 $0x300  }
0x3c: {  	s20 =	simm.s32 $0x0;
	[smem:$0x7FA] =	sst s0;
	s0 =	simm.s32 $0x280  }
.LBB2_4:
0x3d: {  	_ =	swait.ge [sflag:s10], $0x2800  }
0x3e: {  	[sflag:s10] =	ssyncset.done $0x0  }
0x3f: {  	[sflag:s10] =	ssyncadd.s32 $0xFFFFD800  }
0x40: {  	[spmem:s1] =	stream.indirect.scatter.add.f32 [tilespmem:s30], [sflag:$0xB], $0x80, s24, s6, $0xb8;
	[tilespmem:$0x1B400] =	vst v63  }
0x41: {  	_ =	swait.ge [sflag:s19], $0x2800  }
0x42: {  	[sflag:s19] =	ssyncset.done $0x0  }
0x43: {  	[sflag:s19] =	ssyncadd.s32 $0xFFFFD800  }
0x44: {  	[bflag:$0x0] =	sbarrier.arrive $0xFFFF  }
0x45: {  	s18 =	sld [smem:$0x7EC]  }
0x46: {  	s17 =	rddreg [dreg:$0x6]  }
0x47: {  	s11 =	rddreg [dreg:$0x10]  }
0x48: {  	[hbm:s11], [sflag:s17] =	dma.local [spmem:s18], $0x2700  }
0x49: {  	_ =	swait.ge [sflag:s19], $0x2700  }
0x4a: {  	s18 =	sld [smem:$0x7ED]  }
0x4b: {  	[sflag:s19] =	ssyncset.done $0x0  }
0x4c: {  	s11 =	rddreg [dreg:$0x15];
	[sflag:s19] =	ssyncadd.s32 $0xFFFFD900  }
0x4d: {  	[hbm:s11], [sflag:s17] =	dma.local @!p0 [spmem:s18], $0x100  }
0x4e: {  	s11 =	simm.s32 @!p0 $0xB  }
0x4f: {  	_ =	swait.ge @!p0 [sflag:s11], $0x100  }
0x50: {  	s20 =	sld [smem:$0x7EB];
	_ =	sdelay $0x2  }
0x51: {  	s22 =	rddreg [dreg:$0x16];
	s20 =	sadd.s32 $0x1, s20  }
0x52: {  	p1 =	sne.s32 s20, s22  }
.Ltmp1:
0x53: {  	_ = 	snop;
	(pc) =	sbr.rel @!p1 .LBB2_5-.Ltmp1, $3  }
0x54: {  	_ =	sdelay $0x1  }
0x55: {  	[sflag:s11] =	ssyncset.done @!p0 $0x0  }
0x56: {  	[sflag:s11] =	ssyncadd.s32 @!p0 $0xFFFFFF00  }
.LBB2_1:
0x57: {  	[smem:$0x7EB] =	sst s20  }
0x58: {  	s11 =	rddreg [dreg:$0x4]  }
0x59: {  	s20 =	rddreg [dreg:$0x5];
	s18 =	sshrl.u32 s11, $0x3  }
0x5a: {  	[smem:$0x7EC] =	sst s18  }
0x5b: {  	[spmem:s18], [sflag:s17] =	dma.local [hbm:s20], $0x2700  }
0x5c: {  	_ =	swait.ge [sflag:s19], $0x2700  }
0x5d: {  	s11 =	sld [smem:$0x7FC];
	_ =	sdelay $0x2  }
0x5e: {  	[sflag:s19] =	ssyncset.done $0x0;
	s18 =	sshrl.u32 @!p0 s11, $0x3;
	s11 =	rddreg [dreg:$0x7]  }
0x5f: {  	[sflag:s19] =	ssyncadd.s32 $0xFFFFD900;
	[smem:$0x7ED] =	sst s18  }
0x60: {  	[spmem:s18], [sflag:s17] =	dma.local @!p0 [hbm:s11], $0x100  }
0x61: {  	s17 =	simm.s32 @!p0 $0xB  }
0x62: {  	_ =	swait.ge @!p0 [sflag:s17], $0x100  }
0x63: {  	[sflag:s17] =	ssyncset.done @!p0 $0x0  }
0x64: {  	s22 =	rddreg [dreg:$0x8];
	[sflag:s17] =	ssyncadd.s32 @!p0 $0xFFFFFF00  }
0x65: {  	[tilespmem:s2], [sflag:$0xB] =	stream.linear.gather [hbm4b:s22+s2], $0x50, $0x38;
	[tilespmem:$0x1B400] =	vst v63  }
0x66: {  	_ =	swait.ge [sflag:s19], $0x50  }
0x67: {  	[sflag:s19] =	ssyncset.done $0x0  }
0x68: {  	s17 =	rddreg [dreg:$0x9];
	[sflag:s19] =	ssyncadd.s32 $0xFFFFFFB0  }
0x69: {  	[tilespmem:s24], [sflag:$0xB] =	stream.linear.gather [hbm4b:s17+s2], $0x50, $0x38;
	[tilespmem:$0x1B400] =	vst v63  }
0x6a: {  	_ =	swait.ge [sflag:s19], $0x50  }
0x6b: {  	[sflag:s19] =	ssyncset.done $0x0  }
0x6c: {  	s18 =	rddreg [dreg:$0xa];
	[sflag:s19] =	ssyncadd.s32 $0xFFFFFFB0  }
0x6d: {  	[tilespmem:s25], [sflag:$0x2] =	stream.linear.gather [hbm4b:s18+s2], $0x50, $0x38;
	[tilespmem:$0x1B400] =	vst v63  }
0x6e: {  	s20 =	rddreg [dreg:$0xb]  }
0x6f: {  	[tilespmem:s9], [sflag:$0x3] =	stream.linear.gather [hbm4b:s20+s2], $0x50, $0x38;
	[tilespmem:$0x1B400] =	vst v63  }
0x70: {  	s22 =	rddreg [dreg:$0xc]  }
0x71: {  	[tilespmem:s5], [sflag:$0x5] =	stream.linear.gather [hbm4b:s22+s2], $0x50, $0x38;
	[tilespmem:$0x1B400] =	vst v63  }
0x72: {  	[bflag:$0x0] =	sbarrier.arrive $0xFFFF  }
0x73: {  	[tilespmem:s26], [sflag:$0x8] =	stream.indirect.gather [hbm4b:s4+s6], $0x80, s2, s6, $0xb8;
	[tilespmem:$0x1B400] =	vst v63  }
0x74: {  	_ =	swait.ge [sflag:s28], $0x50  }
0x75: {  	[sflag:s28] =	ssyncset.done $0x0  }
0x76: {  	[sflag:s28] =	ssyncadd.s32 $0xFFFFFFB0  }
0x77: {  	_ =	swait.ge [sflag:s29], $0x50  }
0x78: {  	[sflag:s29] =	ssyncset.done $0x0  }
0x79: {  	[sflag:s29] =	ssyncadd.s32 $0xFFFFFFB0  }
0x7a: {  	[tilespmem:s30], [sflag:$0x9] =	stream.indirect.gather [hbm4b:s4+s6], $0x80, s25, s6, $0xb8;
	[tilespmem:$0x1B400] =	vst v63  }
0x7b: {  	_ =	swait.ge [sflag:s31], $0x2800  }
0x7c: {  	[sflag:s31] =	ssyncset.done $0x0  }
0x7d: {  	[sflag:s31] =	ssyncadd.s32 $0xFFFFD800  }
0x7e: {  	[spmem:s1] =	stream.indirect.scatter.add.f32 [tilespmem:s26], [sflag:$0xB], $0x80, s24, s6, $0xb8;
	[tilespmem:$0x1B400] =	vst v63  }
0x7f: {  	_ =	swait.ge [sflag:s19], $0x2800  }
0x80: {  	[sflag:s19] =	ssyncset.done $0x0  }
0x81: {  	s17 =	rddreg [dreg:$0xd];
	[sflag:s19] =	ssyncadd.s32 $0xFFFFD800  }
0x82: {  	[tilespmem:s0], [sflag:$0x6] =	stream.linear.gather [hbm4b:s17+s2], $0x50, $0x38;
	[tilespmem:$0x1B400] =	vst v63  }
0x83: {  	s18 =	rddreg [dreg:$0xe]  }
0x84: {  	[tilespmem:s2], [sflag:$0x1] =	stream.linear.gather [hbm4b:s18+s2], $0x50, $0x38;
	[tilespmem:$0x1B400] =	vst v63  }
0x85: {  	_ =	swait.ge [sflag:s3], $0x50  }
0x86: {  	[sflag:s3] =	ssyncset.done $0x0  }
0x87: {  	[sflag:s3] =	ssyncadd.s32 $0xFFFFFFB0  }
0x88: {  	_ =	swait.ge [sflag:s7], $0x50  }
0x89: {  	[sflag:s7] =	ssyncset.done $0x0  }
0x8a: {  	[sflag:s7] =	ssyncadd.s32 $0xFFFFFFB0  }
0x8b: {  	[tilespmem:s8], [sflag:$0xA] =	stream.indirect.gather [hbm4b:s4+s6], $0x80, s9, s6, $0xb8;
	[tilespmem:$0x1B400] =	vst v63  }
0x8c: {  	_ =	swait.ge [sflag:s10], $0x2800  }
0x8d: {  	[sflag:s10] =	ssyncset.done $0x0  }
0x8e: {  	[sflag:s10] =	ssyncadd.s32 $0xFFFFD800  }
0x8f: {  	[spmem:s1] =	stream.indirect.scatter.add.f32 [tilespmem:s30], [sflag:$0xB], $0x80, s5, s6, $0xb8;
	[tilespmem:$0x1B400] =	vst v63  }
0x90: {  	_ =	swait.ge [sflag:s19], $0x2800  }
0x91: {  	[sflag:s19] =	ssyncset.done $0x0  }
0x92: {  	s20 =	rddreg [dreg:$0xf];
	[sflag:s19] =	ssyncadd.s32 $0xFFFFD800  }
0x93: {  	[tilespmem:s12], [sflag:$0x7] =	stream.linear.gather [hbm4b:s20+s2], $0x50, $0x38;
	[tilespmem:$0x1B400] =	vst v63  }
0x94: {  	s22 =	rddreg [dreg:$0x11]  }
0x95: {  	[tilespmem:s25], [sflag:$0x2] =	stream.linear.gather [hbm4b:s22+s2], $0x50, $0x38;
	[tilespmem:$0x1B400] =	vst v63  }
0x96: {  	_ =	swait.ge [sflag:s13], $0x50  }
0x97: {  	[sflag:s13] =	ssyncset.done $0x0  }
0x98: {  	[sflag:s13] =	ssyncadd.s32 $0xFFFFFFB0  }
0x99: {  	_ =	swait.ge [sflag:s14], $0x50  }
0x9a: {  	[sflag:s14] =	ssyncset.done $0x0  }
0x9b: {  	[sflag:s14] =	ssyncadd.s32 $0xFFFFFFB0  }
0x9c: {  	[tilespmem:s26], [sflag:$0x8] =	stream.indirect.gather [hbm4b:s4+s6], $0x80, s2, s6, $0xb8;
	[tilespmem:$0x1B400] =	vst v63  }
0x9d: {  	_ =	swait.ge [sflag:s15], $0x2800  }
0x9e: {  	[sflag:s15] =	ssyncset.done $0x0  }
0x9f: {  	[sflag:s15] =	ssyncadd.s32 $0xFFFFD800  }
0xa0: {  	[spmem:s1] =	stream.indirect.scatter.add.f32 [tilespmem:s8], [sflag:$0xB], $0x80, s0, s6, $0xb8;
	[tilespmem:$0x1B400] =	vst v63  }
0xa1: {  	_ =	swait.ge [sflag:s19], $0x2800  }
0xa2: {  	[sflag:s19] =	ssyncset.done $0x0  }
0xa3: {  	s17 =	rddreg [dreg:$0x12];
	[sflag:s19] =	ssyncadd.s32 $0xFFFFD800  }
0xa4: {  	[tilespmem:s24], [sflag:$0x4] =	stream.linear.gather [hbm4b:s17+s2], $0x50, $0x38;
	[tilespmem:$0x1B400] =	vst v63  }
0xa5: {  	s18 =	rddreg [dreg:$0x13]  }
0xa6: {  	[tilespmem:s9], [sflag:$0x3] =	stream.linear.gather [hbm4b:s18+s2], $0x50, $0x38;
	[tilespmem:$0x1B400] =	vst v63  }
0xa7: {  	_ =	swait.ge [sflag:s16], $0x50  }
0xa8: {  	[sflag:s16] =	ssyncset.done $0x0  }
0xa9: {  	[sflag:s16] =	ssyncadd.s32 $0xFFFFFFB0  }
0xaa: {  	_ =	swait.ge [sflag:s29], $0x50  }
0xab: {  	[sflag:s29] =	ssyncset.done $0x0  }
0xac: {  	[sflag:s29] =	ssyncadd.s32 $0xFFFFFFB0  }
0xad: {  	[tilespmem:s30], [sflag:$0x9] =	stream.indirect.gather [hbm4b:s4+s6], $0x80, s25, s6, $0xb8;
	[tilespmem:$0x1B400] =	vst v63  }
0xae: {  	_ =	swait.ge [sflag:s31], $0x2800  }
0xaf: {  	[sflag:s31] =	ssyncset.done $0x0  }
0xb0: {  	[sflag:s31] =	ssyncadd.s32 $0xFFFFD800  }
0xb1: {  	[spmem:s1] =	stream.indirect.scatter.add.f32 [tilespmem:s26], [sflag:$0xB], $0x80, s12, s6, $0xb8;
	[tilespmem:$0x1B400] =	vst v63  }
0xb2: {  	_ =	swait.ge [sflag:s19], $0x2800  }
0xb3: {  	[sflag:s19] =	ssyncset.done $0x0;
	s20 =	rddreg [dreg:$0x14]  }
0xb4: {  	s22 =	sld [smem:$0x7FD];
	[sflag:s19] =	ssyncadd.s32 $0xFFFFD800  }
0xb5: {  	[tilespmem:s5], [sflag:$0x5] =	stream.linear.gather [hbm4b:s20+s2], $0x50, $0x38;
	[tilespmem:$0x1B400] =	vst v63  }
0xb6: {  	_ = 	snop  }
0xb7: {  	[tilespmem:s2], [sflag:$0x1] =	stream.linear.gather [hbm4b:s22+s2], $0x50, $0x38;
	[tilespmem:$0x1B400] =	vst v63  }
0xb8: {  	s17 =	simm.s32 $0x0;
	s22 =	sld [smem:$0x7F7]  }
.LBB2_2:
0xb9: {  	_ =	swait.ge [sflag:s28], $0x50  }
0xba: {  	[sflag:s28] =	ssyncset.done $0x0  }
0xbb: {  	[sflag:s28] =	ssyncadd.s32 $0xFFFFFFB0  }
0xbc: {  	_ =	swait.ge [sflag:s7], $0x50  }
0xbd: {  	[sflag:s7] =	ssyncset.done $0x0  }
0xbe: {  	[sflag:s7] =	ssyncadd.s32 $0xFFFFFFB0  }
0xbf: {  	[tilespmem:s8], [sflag:$0xA] =	stream.indirect.gather [hbm4b:s4+s6], $0x80, s9, s6, $0xb8;
	[tilespmem:$0x1B400] =	vst v63  }
0xc0: {  	_ =	swait.ge [sflag:s10], $0x2800  }
0xc1: {  	[sflag:s10] =	ssyncset.done $0x0  }
0xc2: {  	[sflag:s10] =	ssyncadd.s32 $0xFFFFD800  }
0xc3: {  	[spmem:s1] =	stream.indirect.scatter.add.f32 [tilespmem:s30], [sflag:$0xB], $0x80, s24, s6, $0xb8;
	[tilespmem:$0x1B400] =	vst v63  }
0xc4: {  	_ =	swait.ge [sflag:s19], $0x2800  }
0xc5: {  	s11 =	sld [smem:$0x7FB];
	_ =	sdelay $0x1  }
0xc6: {  	[sflag:s19] =	ssyncset.done $0x0;
	s20 =	sld [smem:$0x7F9]  }
0xc7: {  	[sflag:s19] =	ssyncadd.s32 $0xFFFFD800;
	s11 =	sadd.s32 s17, s11  }
0xc8: {  	[tilespmem:s0], [sflag:$0x6] =	stream.linear.gather [hbm4b:s11+s2], $0x50, $0x38;
	[tilespmem:$0x1B400] =	vst v63  }
0xc9: {  	s11 =	sadd.s32 s17, s20  }
0xca: {  	[tilespmem:s25], [sflag:$0x2] =	stream.linear.gather [hbm4b:s11+s2], $0x50, $0x38;
	[tilespmem:$0x1B400] =	vst v63  }
0xcb: {  	_ =	swait.ge [sflag:s3], $0x50  }
0xcc: {  	[sflag:s3] =	ssyncset.done $0x0  }
0xcd: {  	[sflag:s3] =	ssyncadd.s32 $0xFFFFFFB0  }
0xce: {  	_ =	swait.ge [sflag:s14], $0x50  }
0xcf: {  	[sflag:s14] =	ssyncset.done $0x0  }
0xd0: {  	[sflag:s14] =	ssyncadd.s32 $0xFFFFFFB0  }
0xd1: {  	[tilespmem:s26], [sflag:$0x8] =	stream.indirect.gather [hbm4b:s4+s6], $0x80, s2, s6, $0xb8;
	[tilespmem:$0x1B400] =	vst v63  }
0xd2: {  	_ =	swait.ge [sflag:s15], $0x2800  }
0xd3: {  	[sflag:s15] =	ssyncset.done $0x0  }
0xd4: {  	[sflag:s15] =	ssyncadd.s32 $0xFFFFD800  }
0xd5: {  	[spmem:s1] =	stream.indirect.scatter.add.f32 [tilespmem:s8], [sflag:$0xB], $0x80, s5, s6, $0xb8;
	[tilespmem:$0x1B400] =	vst v63  }
0xd6: {  	_ =	swait.ge [sflag:s19], $0x2800  }
0xd7: {  	s18 =	sld [smem:$0x7F8];
	_ =	sdelay $0x1  }
0xd8: {  	[sflag:s19] =	ssyncset.done $0x0;
	s20 =	sld [smem:$0x7F6]  }
0xd9: {  	[sflag:s19] =	ssyncadd.s32 $0xFFFFD800;
	s11 =	sadd.s32 s17, s18  }
0xda: {  	[tilespmem:s12], [sflag:$0x7] =	stream.linear.gather [hbm4b:s11+s2], $0x50, $0x38;
	[tilespmem:$0x1B400] =	vst v63  }
0xdb: {  	s11 =	sadd.s32 s17, s20  }
0xdc: {  	[tilespmem:s9], [sflag:$0x3] =	stream.linear.gather [hbm4b:s11+s2], $0x50, $0x38;
	[tilespmem:$0x1B400] =	vst v63  }
0xdd: {  	_ =	swait.ge [sflag:s13], $0x50  }
0xde: {  	[sflag:s13] =	ssyncset.done $0x0  }
0xdf: {  	[sflag:s13] =	ssyncadd.s32 $0xFFFFFFB0  }
0xe0: {  	_ =	swait.ge [sflag:s29], $0x50  }
0xe1: {  	[sflag:s29] =	ssyncset.done $0x0  }
0xe2: {  	[sflag:s29] =	ssyncadd.s32 $0xFFFFFFB0  }
0xe3: {  	[tilespmem:s30], [sflag:$0x9] =	stream.indirect.gather [hbm4b:s4+s6], $0x80, s25, s6, $0xb8;
	[tilespmem:$0x1B400] =	vst v63  }
0xe4: {  	_ =	swait.ge [sflag:s31], $0x2800  }
0xe5: {  	[sflag:s31] =	ssyncset.done $0x0  }
0xe6: {  	[sflag:s31] =	ssyncadd.s32 $0xFFFFD800  }
0xe7: {  	[spmem:s1] =	stream.indirect.scatter.add.f32 [tilespmem:s26], [sflag:$0xB], $0x80, s0, s6, $0xb8;
	[tilespmem:$0x1B400] =	vst v63  }
0xe8: {  	_ =	swait.ge [sflag:s19], $0x2800  }
0xe9: {  	s18 =	sld [smem:$0x7F5];
	_ =	sdelay $0x1  }
0xea: {  	[sflag:s19] =	ssyncset.done $0x0;
	s20 =	sld [smem:$0x7F4]  }
0xeb: {  	[sflag:s19] =	ssyncadd.s32 $0xFFFFD800;
	s11 =	sadd.s32 s17, s18  }
0xec: {  	[tilespmem:s24], [sflag:$0x4] =	stream.linear.gather [hbm4b:s11+s2], $0x50, $0x38;
	[tilespmem:$0x1B400] =	vst v63  }
0xed: {  	s11 =	sadd.s32 s17, s20  }
0xee: {  	[tilespmem:s2], [sflag:$0x1] =	stream.linear.gather [hbm4b:s11+s2], $0x50, $0x38;
	[tilespmem:$0x1B400] =	vst v63  }
0xef: {  	_ =	swait.ge [sflag:s16], $0x50  }
0xf0: {  	[sflag:s16] =	ssyncset.done $0x0  }
0xf1: {  	[sflag:s16] =	ssyncadd.s32 $0xFFFFFFB0  }
0xf2: {  	_ =	swait.ge [sflag:s7], $0x50  }
0xf3: {  	[sflag:s7] =	ssyncset.done $0x0  }
0xf4: {  	[sflag:s7] =	ssyncadd.s32 $0xFFFFFFB0  }
0xf5: {  	[tilespmem:s8], [sflag:$0xA] =	stream.indirect.gather [hbm4b:s4+s6], $0x80, s9, s6, $0xb8;
	[tilespmem:$0x1B400] =	vst v63  }
0xf6: {  	_ =	swait.ge [sflag:s10], $0x2800  }
0xf7: {  	[sflag:s10] =	ssyncset.done $0x0  }
0xf8: {  	[sflag:s10] =	ssyncadd.s32 $0xFFFFD800  }
0xf9: {  	[spmem:s1] =	stream.indirect.scatter.add.f32 [tilespmem:s30], [sflag:$0xB], $0x80, s12, s6, $0xb8;
	[tilespmem:$0x1B400] =	vst v63  }
0xfa: {  	_ =	swait.ge [sflag:s19], $0x2800  }
0xfb: {  	s18 =	sld [smem:$0x7F3];
	_ =	sdelay $0x1  }
0xfc: {  	[sflag:s19] =	ssyncset.done $0x0;
	s20 =	sld [smem:$0x7F2]  }
0xfd: {  	[sflag:s19] =	ssyncadd.s32 $0xFFFFD800;
	s11 =	sadd.s32 s17, s18  }
0xfe: {  	[tilespmem:s5], [sflag:$0x5] =	stream.linear.gather [hbm4b:s11+s2], $0x50, $0x38;
	[tilespmem:$0x1B400] =	vst v63  }
0xff: {  	s11 =	sadd.s32 s17, s20  }
0x100: {  	[tilespmem:s25], [sflag:$0x2] =	stream.linear.gather [hbm4b:s11+s2], $0x50, $0x38;
	[tilespmem:$0x1B400] =	vst v63  }
0x101: {  	_ =	swait.ge [sflag:s28], $0x50  }
0x102: {  	[sflag:s28] =	ssyncset.done $0x0  }
0x103: {  	[sflag:s28] =	ssyncadd.s32 $0xFFFFFFB0  }
0x104: {  	_ =	swait.ge [sflag:s14], $0x50  }
0x105: {  	[sflag:s14] =	ssyncset.done $0x0  }
0x106: {  	[sflag:s14] =	ssyncadd.s32 $0xFFFFFFB0  }
0x107: {  	[tilespmem:s26], [sflag:$0x8] =	stream.indirect.gather [hbm4b:s4+s6], $0x80, s2, s6, $0xb8;
	[tilespmem:$0x1B400] =	vst v63  }
0x108: {  	_ =	swait.ge [sflag:s15], $0x2800  }
0x109: {  	[sflag:s15] =	ssyncset.done $0x0  }
0x10a: {  	[sflag:s15] =	ssyncadd.s32 $0xFFFFD800  }
0x10b: {  	[spmem:s1] =	stream.indirect.scatter.add.f32 [tilespmem:s8], [sflag:$0xB], $0x80, s24, s6, $0xb8;
	[tilespmem:$0x1B400] =	vst v63  }
0x10c: {  	_ =	swait.ge [sflag:s19], $0x2800  }
0x10d: {  	s18 =	sld [smem:$0x7F1];
	_ =	sdelay $0x1  }
0x10e: {  	[sflag:s19] =	ssyncset.done $0x0;
	s20 =	sld [smem:$0x7F0]  }
0x10f: {  	[sflag:s19] =	ssyncadd.s32 $0xFFFFD800;
	s11 =	sadd.s32 s17, s18  }
0x110: {  	[tilespmem:s0], [sflag:$0x6] =	stream.linear.gather [hbm4b:s11+s2], $0x50, $0x38;
	[tilespmem:$0x1B400] =	vst v63  }
0x111: {  	s11 =	sadd.s32 s17, s20  }
0x112: {  	[tilespmem:s9], [sflag:$0x3] =	stream.linear.gather [hbm4b:s11+s2], $0x50, $0x38;
	[tilespmem:$0x1B400] =	vst v63  }
0x113: {  	_ =	swait.ge [sflag:s3], $0x50  }
0x114: {  	[sflag:s3] =	ssyncset.done $0x0  }
0x115: {  	[sflag:s3] =	ssyncadd.s32 $0xFFFFFFB0  }
0x116: {  	_ =	swait.ge [sflag:s29], $0x50  }
0x117: {  	[sflag:s29] =	ssyncset.done $0x0  }
0x118: {  	[sflag:s29] =	ssyncadd.s32 $0xFFFFFFB0  }
0x119: {  	[tilespmem:s30], [sflag:$0x9] =	stream.indirect.gather [hbm4b:s4+s6], $0x80, s25, s6, $0xb8;
	[tilespmem:$0x1B400] =	vst v63  }
0x11a: {  	_ =	swait.ge [sflag:s31], $0x2800  }
0x11b: {  	[sflag:s31] =	ssyncset.done $0x0  }
0x11c: {  	[sflag:s31] =	ssyncadd.s32 $0xFFFFD800  }
0x11d: {  	[spmem:s1] =	stream.indirect.scatter.add.f32 [tilespmem:s26], [sflag:$0xB], $0x80, s5, s6, $0xb8;
	[tilespmem:$0x1B400] =	vst v63  }
0x11e: {  	_ =	swait.ge [sflag:s19], $0x2800  }
0x11f: {  	s18 =	sld [smem:$0x7EF];
	_ =	sdelay $0x1  }
0x120: {  	[sflag:s19] =	ssyncset.done $0x0  }
0x121: {  	s20 =	sshrl.u32 s22, $0x3;
	[sflag:s19] =	ssyncadd.s32 $0xFFFFD800;
	s11 =	sadd.s32 s17, s18  }
0x122: {  	[tilespmem:s12], [sflag:$0x7] =	stream.linear.gather [hbm4b:s11+s2], $0x50, $0x38;
	[tilespmem:$0x1B400] =	vst v63  }
0x123: {  	s18 =	sadd.s32 s21, s20  }
0x124: {  	[tilespmem:s2], [sflag:$0x1] =	stream.linear.gather [hbm4b:s18+s2], $0x50, $0x38;
	[tilespmem:$0x1B400] =	vst v63  }
0x125: {  	_ =	swait.ge [sflag:s13], $0x50  }
0x126: {  	[sflag:s13] =	ssyncset.done $0x0  }
0x127: {  	[sflag:s13] =	ssyncadd.s32 $0xFFFFFFB0  }
0x128: {  	_ =	swait.ge [sflag:s7], $0x50  }
0x129: {  	[sflag:s7] =	ssyncset.done $0x0  }
0x12a: {  	[sflag:s7] =	ssyncadd.s32 $0xFFFFFFB0  }
0x12b: {  	[tilespmem:s8], [sflag:$0xA] =	stream.indirect.gather [hbm4b:s4+s6], $0x80, s9, s6, $0xb8;
	[tilespmem:$0x1B400] =	vst v63  }
0x12c: {  	_ =	swait.ge [sflag:s10], $0x2800  }
0x12d: {  	[sflag:s10] =	ssyncset.done $0x0  }
0x12e: {  	[sflag:s10] =	ssyncadd.s32 $0xFFFFD800  }
0x12f: {  	[spmem:s1] =	stream.indirect.scatter.add.f32 [tilespmem:s30], [sflag:$0xB], $0x80, s0, s6, $0xb8;
	[tilespmem:$0x1B400] =	vst v63  }
0x130: {  	_ =	swait.ge [sflag:s19], $0x2800  }
0x131: {  	[sflag:s19] =	ssyncset.done $0x0;
	s18 =	sld [smem:$0x7EE]  }
0x132: {  	s11 =	sadd.s32 s23, s20;
	[sflag:s19] =	ssyncadd.s32 $0xFFFFD800  }
0x133: {  	[tilespmem:s24], [sflag:$0x4] =	stream.linear.gather [hbm4b:s11+s2], $0x50, $0x38;
	[tilespmem:$0x1B400] =	vst v63  }
0x134: {  	s11 =	sadd.s32 s17, s18  }
0x135: {  	[tilespmem:s25], [sflag:$0x2] =	stream.linear.gather [hbm4b:s11+s2], $0x50, $0x38;
	[tilespmem:$0x1B400] =	vst v63  }
0x136: {  	_ =	swait.ge [sflag:s16], $0x50  }
0x137: {  	[sflag:s16] =	ssyncset.done $0x0  }
0x138: {  	[sflag:s16] =	ssyncadd.s32 $0xFFFFFFB0  }
0x139: {  	_ =	swait.ge [sflag:s14], $0x50  }
0x13a: {  	[sflag:s14] =	ssyncset.done $0x0  }
0x13b: {  	[sflag:s14] =	ssyncadd.s32 $0xFFFFFFB0  }
0x13c: {  	[tilespmem:s26], [sflag:$0x8] =	stream.indirect.gather [hbm4b:s4+s6], $0x80, s2, s6, $0xb8;
	[tilespmem:$0x1B400] =	vst v63  }
0x13d: {  	_ =	swait.ge [sflag:s15], $0x2800  }
0x13e: {  	[sflag:s15] =	ssyncset.done $0x0  }
0x13f: {  	[sflag:s15] =	ssyncadd.s32 $0xFFFFD800  }
0x140: {  	[spmem:s1] =	stream.indirect.scatter.add.f32 [tilespmem:s8], [sflag:$0xB], $0x80, s12, s6, $0xb8;
	[tilespmem:$0x1B400] =	vst v63  }
0x141: {  	_ =	swait.ge [sflag:s19], $0x2800  }
0x142: {  	[sflag:s19] =	ssyncset.done $0x0;
	s20 =	rddreg [dreg:$0x1f]  }
0x143: {  	s18 =	rddreg [dreg:$0x1e];
	[sflag:s19] =	ssyncadd.s32 $0xFFFFD800;
	s11 =	sadd.s32 s17, s20  }
0x144: {  	[tilespmem:s5], [sflag:$0x5] =	stream.linear.gather [hbm4b:s11+s2], $0x50, $0x38;
	[tilespmem:$0x1B400] =	vst v63  }
0x145: {  	s11 =	sadd.s32 s17, s18  }
0x146: {  	[tilespmem:s9], [sflag:$0x3] =	stream.linear.gather [hbm4b:s11+s2], $0x50, $0x38;
	[tilespmem:$0x1B400] =	vst v63  }
0x147: {  	_ =	swait.ge [sflag:s28], $0x50  }
0x148: {  	[sflag:s28] =	ssyncset.done $0x0  }
0x149: {  	[sflag:s28] =	ssyncadd.s32 $0xFFFFFFB0  }
0x14a: {  	_ =	swait.ge [sflag:s29], $0x50  }
0x14b: {  	[sflag:s29] =	ssyncset.done $0x0  }
0x14c: {  	[sflag:s29] =	ssyncadd.s32 $0xFFFFFFB0  }
0x14d: {  	[tilespmem:s30], [sflag:$0x9] =	stream.indirect.gather [hbm4b:s4+s6], $0x80, s25, s6, $0xb8;
	[tilespmem:$0x1B400] =	vst v63  }
0x14e: {  	_ =	swait.ge [sflag:s31], $0x2800  }
0x14f: {  	[sflag:s31] =	ssyncset.done $0x0  }
0x150: {  	[sflag:s31] =	ssyncadd.s32 $0xFFFFD800  }
0x151: {  	[spmem:s1] =	stream.indirect.scatter.add.f32 [tilespmem:s26], [sflag:$0xB], $0x80, s24, s6, $0xb8;
	[tilespmem:$0x1B400] =	vst v63  }
0x152: {  	_ =	swait.ge [sflag:s19], $0x2800  }
0x153: {  	[sflag:s19] =	ssyncset.done $0x0;
	s20 =	rddreg [dreg:$0x1d]  }
0x154: {  	s18 =	rddreg [dreg:$0x1c];
	[sflag:s19] =	ssyncadd.s32 $0xFFFFD800;
	s11 =	sadd.s32 s17, s20  }
0x155: {  	[tilespmem:s0], [sflag:$0x6] =	stream.linear.gather [hbm4b:s11+s2], $0x50, $0x38;
	[tilespmem:$0x1B400] =	vst v63  }
0x156: {  	s11 =	sadd.s32 s17, s18  }
0x157: {  	[tilespmem:s2], [sflag:$0x1] =	stream.linear.gather [hbm4b:s11+s2], $0x50, $0x38;
	[tilespmem:$0x1B400] =	vst v63  }
0x158: {  	_ =	swait.ge [sflag:s3], $0x50  }
0x159: {  	[sflag:s3] =	ssyncset.done $0x0  }
0x15a: {  	[sflag:s3] =	ssyncadd.s32 $0xFFFFFFB0  }
0x15b: {  	_ =	swait.ge [sflag:s7], $0x50  }
0x15c: {  	[sflag:s7] =	ssyncset.done $0x0  }
0x15d: {  	[sflag:s7] =	ssyncadd.s32 $0xFFFFFFB0  }
0x15e: {  	[tilespmem:s8], [sflag:$0xA] =	stream.indirect.gather [hbm4b:s4+s6], $0x80, s9, s6, $0xb8;
	[tilespmem:$0x1B400] =	vst v63  }
0x15f: {  	_ =	swait.ge [sflag:s10], $0x2800  }
0x160: {  	[sflag:s10] =	ssyncset.done $0x0  }
0x161: {  	[sflag:s10] =	ssyncadd.s32 $0xFFFFD800  }
0x162: {  	[spmem:s1] =	stream.indirect.scatter.add.f32 [tilespmem:s30], [sflag:$0xB], $0x80, s5, s6, $0xb8;
	[tilespmem:$0x1B400] =	vst v63  }
0x163: {  	_ =	swait.ge [sflag:s19], $0x2800  }
0x164: {  	[sflag:s19] =	ssyncset.done $0x0;
	s20 =	rddreg [dreg:$0x1b]  }
0x165: {  	s18 =	rddreg [dreg:$0x1a];
	[sflag:s19] =	ssyncadd.s32 $0xFFFFD800;
	s11 =	sadd.s32 s17, s20  }
0x166: {  	[tilespmem:s12], [sflag:$0x7] =	stream.linear.gather [hbm4b:s11+s2], $0x50, $0x38;
	[tilespmem:$0x1B400] =	vst v63  }
0x167: {  	s11 =	sadd.s32 s17, s18  }
0x168: {  	[tilespmem:s25], [sflag:$0x2] =	stream.linear.gather [hbm4b:s11+s2], $0x50, $0x38;
	[tilespmem:$0x1B400] =	vst v63  }
0x169: {  	_ =	swait.ge [sflag:s13], $0x50  }
0x16a: {  	[sflag:s13] =	ssyncset.done $0x0  }
0x16b: {  	[sflag:s13] =	ssyncadd.s32 $0xFFFFFFB0  }
0x16c: {  	_ =	swait.ge [sflag:s14], $0x50  }
0x16d: {  	[sflag:s14] =	ssyncset.done $0x0  }
0x16e: {  	[sflag:s14] =	ssyncadd.s32 $0xFFFFFFB0  }
0x16f: {  	[tilespmem:s26], [sflag:$0x8] =	stream.indirect.gather [hbm4b:s4+s6], $0x80, s2, s6, $0xb8;
	[tilespmem:$0x1B400] =	vst v63  }
0x170: {  	_ =	swait.ge [sflag:s15], $0x2800  }
0x171: {  	[sflag:s15] =	ssyncset.done $0x0  }
0x172: {  	[sflag:s15] =	ssyncadd.s32 $0xFFFFD800  }
0x173: {  	[spmem:s1] =	stream.indirect.scatter.add.f32 [tilespmem:s8], [sflag:$0xB], $0x80, s0, s6, $0xb8;
	[tilespmem:$0x1B400] =	vst v63  }
0x174: {  	_ =	swait.ge [sflag:s19], $0x2800  }
0x175: {  	[sflag:s19] =	ssyncset.done $0x0;
	s20 =	rddreg [dreg:$0x19]  }
0x176: {  	[sflag:s19] =	ssyncadd.s32 $0xFFFFD800;
	s11 =	sadd.s32 s17, s20  }
0x177: {  	[tilespmem:s24], [sflag:$0x4] =	stream.linear.gather [hbm4b:s11+s2], $0x50, $0x38;
	[tilespmem:$0x1B400] =	vst v63  }
0x178: {  	p1 =	seq.s32 s17, $0x438;
	s11 =	rddreg [dreg:$0x18]  }
0x179: {  	s18 =	simm.s32 @!p1 $0x0;
	s20 =	simm.s32 @!p1 $0x100;
	s11 =	sadd.s32 @!p1 s17, s11  }
0x17a: {  	[tilespmem:s20], [sflag:$0x3] =	stream.linear.gather @!p1 [hbm4b:s11+s18], $0x50, $0x38;
	[tilespmem:$0x1B400] =	vst v63  }
0x17b: {  	_ =	swait.ge [sflag:s16], $0x50  }
0x17c: {  	[sflag:s16] =	ssyncset.done $0x0  }
0x17d: {  	[sflag:s16] =	ssyncadd.s32 $0xFFFFFFB0  }
0x17e: {  	_ =	swait.ge [sflag:s29], $0x50  }
0x17f: {  	[sflag:s29] =	ssyncset.done $0x0  }
0x180: {  	[sflag:s29] =	ssyncadd.s32 $0xFFFFFFB0  }
0x181: {  	[tilespmem:s30], [sflag:$0x9] =	stream.indirect.gather [hbm4b:s4+s6], $0x80, s25, s6, $0xb8;
	[tilespmem:$0x1B400] =	vst v63  }
0x182: {  	_ =	swait.ge [sflag:s31], $0x2800  }
0x183: {  	[sflag:s31] =	ssyncset.done $0x0  }
.Ltmp2:
0x184: {  	[sflag:s31] =	ssyncadd.s32 $0xFFFFD800;
	(pc) =	sbr.rel @p1 .LBB2_4-.Ltmp2, $4  }
0x185: {  	[spmem:s1] =	stream.indirect.scatter.add.f32 [tilespmem:s26], [sflag:$0xB], $0x80, s12, s6, $0xb8;
	[tilespmem:$0x1B400] =	vst v63  }
0x186: {  	_ =	swait.ge [sflag:s19], $0x2800  }
0x187: {  	[sflag:s19] =	ssyncset.done $0x0  }
0x188: {  	[sflag:s19] =	ssyncadd.s32 $0xFFFFD800  }
0x189: {  	s11 =	rddreg [dreg:$0x17]  }
.Ltmp3:
0x18a: {  	s20 =	sld [smem:$0x7FA];
	(pc) =	sbr.rel .LBB2_2-.Ltmp3, $4  }
0x18b: {  	s11 =	sadd.s32 s17, s11  }
0x18c: {  	[tilespmem:s5], [sflag:$0x5] =	stream.linear.gather [hbm4b:s11+s2], $0x50, $0x38;
	[tilespmem:$0x1B400] =	vst v63  }
0x18d: {  	s22 =	sadd.s32 $0x3C0, s22;
	s11 =	sadd.s32 s17, s20;
	s17 =	sadd.s32 $0x78, s17  }
0x18e: {  	[tilespmem:s2], [sflag:$0x1] =	stream.linear.gather [hbm4b:s11+s2], $0x50, $0x38;
	[tilespmem:$0x1B400] =	vst v63  }
.LBB2_5:
0x18f: {  	_ =	sfence.sel $0x180000  }
0x190: {  	[bflag:$0x0] =	sbarrier.arrive $0xFFFF  }
0x191: {  	_ =	strace $0x9000004A  }
0x192: {  	s0 =	stileid.u32;
	[bflag:$0x2] =	sbarrier.arrive $0xFFFF  }
0x193: {  	p0 =	sne.s32 s0, $0x0;
	s0 =	rddreg [dreg:$0x3]  }
0x194: {  	s0 =	sadd.s32 @!p0 $0x100000, s0  }
0x195: {  	[sflag:s0] =	ssyncadd.tile.s32 @!p0 $0x1;
	_ =	shalt  }
.Lfunc_end2:
_tile_overlayer_lowered:
.L_overlay_start_2:
0x196: {  	(tag) =	ssettag $0x2  }
0x197: {  	s0 =	rddreg [dreg:$0x0];
	s2 =	stileid.u32  }
0x198: {  	s1 =	rddreg [dreg:$0x1];
	p0 =	sne.s32 s2, $0x0  }
0x199: {  	s3 =	rddreg [dreg:$0x2];
	[bflag:$0x3] =	sbarrier.arrive $0xFFFF;
	s2 =	simm.s32 @!p0 $0x1C0B  }
0x19a: {  	[timem:s3], [sflag:s2] =	dma.local @!p0 [hbm:s0], s1  }
0x19b: {  	s0 =	simm.s32 @!p0 $0xB  }
0x19c: {  	_ =	swait.ge @!p0 [sflag:s0], s1  }
0x19d: {  	s1 =	ssub.s32 @!p0 $0x0, s1;
	[sflag:s0] =	ssyncset.done @!p0 $0x0  }
0x19e: {  	[sflag:s0] =	ssyncadd.s32 @!p0 s1  }
0x19f: {  	[bflag:$0x3] =	sbarrier.arrive $0xFFFF  }
0x1a0: {  	_ =	shalt  }

// kernel: kernel.14.cloned.1.call-start
scs
__scs_entry_jumppad:
0x0: {  	(pc) =	sbr.rel $0x88, $3  }
0x1: {  	(tag) =	ssettag $0x0;
	lr =	simm.s32 $0x1  }
0x2: {  	[smem:$0x3F9B] =	sst lr;
	_ =	strace $0xD0000000  }
0x3: {  	_ = 	snop  }
0x4: {  	_ = 	snop  }
0x5: {  	_ = 	snop  }
0x6: {  	_ = 	snop  }
0x7: {  	_ = 	snop  }
__scs_overlays_trampoline_lowered:
0x8: {  	[smem:$0x3FAA] =	sst s0  }
0x9: {  	[smem:$0x3FAB] =	sst s1  }
0xa: {  	[smem:$0x3FAC] =	sst s2  }
0xb: {  	[smem:$0x3FAD] =	sst s3  }
0xc: {  	[smem:$0x3FAE] =	sst s4  }
0xd: {  	[smem:$0x3FAF] =	sst s5  }
0xe: {  	[smem:$0x3FB0] =	sst s6  }
0xf: {  	[smem:$0x3FB1] =	sst s7  }
0x10: {  	[smem:$0x3FB2] =	sst s8  }
0x11: {  	[smem:$0x3FB3] =	sst s9;
	s0 =	simm.s32 @!p0 $0x0  }
0x12: {  	s1 =	sld [smem:$0x3F99];
	s0 =	simm.s32 @p0 $0x1  }
0x13: {  	[smem:$0x3FB4] =	sst s0;
	s0 =	simm.s32 @!p1 $0x0  }
0x14: {  	s2 =	sld [smem:$0x3F98];
	s0 =	simm.s32 @p1 $0x1  }
0x15: {  	[smem:$0x3FB5] =	sst s0;
	s0 =	simm.s32 @!p2 $0x0  }
0x16: {  	s3 =	sld [smem:$0x3FDB];
	s0 =	simm.s32 @p2 $0x1  }
0x17: {  	s4 =	simm.s32 $0x1BF5;
	[smem:$0x3FB7] =	sst s0  }
0x18: {  	s0 =	sld [smem:$0x3F9A];
	_ =	swait.ge [sflag:s4], $0x0  }
0x19: {  	s7 =	sld [smem:$0x3F9B]  }
0x1a: {  	s8 =	sadd.s32 $0xFFFFE003, lr  }
0x1b: {  	s9 =	sadd.s32 $0xFFFFFEF7, lr;
	s5 =	simm.s32 $0xFFFFFFFF;
	p2 =	slt.u32 s8, $0xFFFFF086  }
0x1c: {  	p1 =	slt.u32 s9, $0xF7A;
	s5 =	simm.s32 @!p2 $0x0  }
0x1d: {  	s5 =	simm.s32 @p1 $0x1;
	p0 =	seq.s32 s7, s2  }
0x1e: {  	s7 =	smul.u32 @!p0 $0xF7A, s2;
	p2 =	seq.s32 @!p0 s5, $0x0  }
0x1f: {  	s9 =	smul.u32 $0xF7A, s1;
	s8 =	simm.s32 @!p0 $0x1BF5;
	p2 =	por !p2, p0  }
0x20: {  	[sflag:s8] =	ssyncset.s32 @!p0 $0xFFFFF086;
	s6 =	sadd.s32 @!p0 s3, s7;
	s7 =	simm.s32 @!p0 $0x108  }
0x21: {  	s3 =	sadd.s32 s3, s9;
	s6 =	sadd.s32 @!p0 $0x88, s6;
	s7 =	simm.s32 @p2 $0x1082  }
0x22: {  	[simem:s7], [sflag:s8] =	dma.local @!p0 [hbm:s6], $0xF7A  }
0x23: {  	s9 =	sor.u32 $0xD0000000, s2;
	s6 =	simm.s32 $0x108;
	_ =	swait.ge @!p0 [sflag:s8], $0x0  }
0x24: {  	s3 =	sadd.s32 $0x88, s3;
	s6 =	simm.s32 @!p1 $0x1082;
	[sflag:s4] =	ssyncset.s32 $0xFFFFF086  }
0x25: {  	[simem:s6], [sflag:s4] =	dma.local [hbm:s3], $0xF7A  }
0x26: {  	[smem:$0x3F9B] =	sst s1;
	(tag) =	ssettag s2;
	_ =	strace s9  }
0x27: {  	s1 =	sld [smem:$0x3FAB]  }
0x28: {  	s2 =	sld [smem:$0x3FAC]  }
0x29: {  	s4 =	sld [smem:$0x3FAE]  }
0x2a: {  	p0 =	seq.s32 s5, $0x0;
	s5 =	sld [smem:$0x3FAF]  }
0x2b: {  	s6 =	sld [smem:$0x3FB0]  }
0x2c: {  	s7 =	sld [smem:$0x3FB1]  }
0x2d: {  	s3 =	simm.s32 $0x108;
	s8 =	sld [smem:$0x3FB2]  }
0x2e: {  	s3 =	simm.s32 @!p0 $0x1082;
	s9 =	sld [smem:$0x3FB3]  }
0x2f: {  	lr =	sadd.s32 s0, s3;
	s0 =	sld [smem:$0x3FAA]  }
0x30: {  	s3 =	sld [smem:$0x3FAD]  }
0x31: {  	[smem:$0x3FB6] =	sst s10  }
0x32: {  	s10 =	sld [smem:$0x3FB4];
	_ =	sdelay $0x3  }
0x33: {  	p0 =	seq.s32 s10, $0x1;
	s10 =	sld [smem:$0x3FB6];
	_ =	sdelay $0x3  }
0x34: {  	[smem:$0x3FB6] =	sst s10  }
0x35: {  	s10 =	sld [smem:$0x3FB5];
	_ =	sdelay $0x3  }
0x36: {  	p1 =	seq.s32 s10, $0x1;
	s10 =	sld [smem:$0x3FB6];
	_ =	sdelay $0x3  }
0x37: {  	[smem:$0x3FB6] =	sst s10  }
0x38: {  	s10 =	sld [smem:$0x3FB7]  }
0x39: {  	_ = 	snop;
	(pc) =	sbr.ind lr, $3  }
0x3a: {  	_ = 	snop  }
0x3b: {  	_ = 	snop  }
0x3c: {  	p2 =	seq.s32 s10, $0x1;
	s10 =	sld [smem:$0x3FB6]  }
0x3d: {  	_ =	shalt  }
0x3e: {  	_ =	shalt  }
0x3f: {  	_ =	shalt  }
0x40: {  	_ =	shalt  }
0x41: {  	_ =	shalt  }
0x42: {  	_ =	shalt  }
0x43: {  	_ =	shalt  }
0x44: {  	_ =	shalt  }
0x45: {  	_ =	shalt  }
0x46: {  	_ =	shalt  }
0x47: {  	_ =	shalt  }
0x48: {  	_ =	shalt  }
0x49: {  	_ =	shalt  }
0x4a: {  	_ =	shalt  }
0x4b: {  	_ =	shalt  }
0x4c: {  	_ =	shalt  }
0x4d: {  	_ =	shalt  }
0x4e: {  	_ =	shalt  }
0x4f: {  	_ =	shalt  }
0x50: {  	_ =	shalt  }
0x51: {  	_ =	shalt  }
0x52: {  	_ =	shalt  }
0x53: {  	_ =	shalt  }
0x54: {  	_ =	shalt  }
0x55: {  	_ =	shalt  }
0x56: {  	_ =	shalt  }
0x57: {  	_ =	shalt  }
0x58: {  	_ =	shalt  }
0x59: {  	_ =	shalt  }
0x5a: {  	_ =	shalt  }
0x5b: {  	_ =	shalt  }
0x5c: {  	_ =	shalt  }
0x5d: {  	_ =	shalt  }
0x5e: {  	_ =	shalt  }
0x5f: {  	_ =	shalt  }
0x60: {  	_ =	shalt  }
0x61: {  	_ =	shalt  }
0x62: {  	_ =	shalt  }
0x63: {  	_ =	shalt  }
0x64: {  	_ =	shalt  }
0x65: {  	_ =	shalt  }
0x66: {  	_ =	shalt  }
0x67: {  	_ =	shalt  }
0x68: {  	_ =	shalt  }
0x69: {  	_ =	shalt  }
0x6a: {  	_ =	shalt  }
0x6b: {  	_ =	shalt  }
0x6c: {  	_ =	shalt  }
0x6d: {  	_ =	shalt  }
0x6e: {  	_ =	shalt  }
0x6f: {  	_ =	shalt  }
0x70: {  	_ =	shalt  }
0x71: {  	_ =	shalt  }
0x72: {  	_ =	shalt  }
0x73: {  	_ =	shalt  }
0x74: {  	_ =	shalt  }
0x75: {  	_ =	shalt  }
0x76: {  	_ =	shalt  }
0x77: {  	_ =	shalt  }
0x78: {  	_ =	shalt  }
0x79: {  	_ =	shalt  }
0x7a: {  	_ =	shalt  }
0x7b: {  	_ =	shalt  }
0x7c: {  	_ =	shalt  }
0x7d: {  	_ =	shalt  }
0x7e: {  	_ =	shalt  }
0x7f: {  	_ =	shalt  }
0x80: {  	_ =	shalt  }
0x81: {  	_ =	shalt  }
0x82: {  	_ =	shalt  }
0x83: {  	_ =	shalt  }
0x84: {  	_ =	shalt  }
0x85: {  	_ =	shalt  }
0x86: {  	_ =	shalt  }
0x87: {  	_ =	shalt  }
.Lfunc_end0:
.L_simem_size_0:
called_computation.2_lowered:
.L_overlay_start_0:
0x88: {  	s2 =	sld [smem:$0x3FD9]  }
0x89: {  	s3 =	sld [smem:$0x3FFE];
	_ =	sdelay $0x1  }
0x8a: {  	s1 =	srdreg.scid  }
0x8b: {  	s0 =	sand.u32 $0x1, s1  }
0x8c: {  	s17 =	sshll.u32 s0, $0xA;
	s2 =	sadd.s32 s3, s2  }
0x8d: {  	s2 =	sadd.s32 s2, s17  }
0x8e: {  	[smem:$0x3FC2] =	sst s2  }
0x8f: {  	_ = 	snop  }
0x90: {  	s2 =	sld [smem:$0x3FD0];
	(tm) =	ssettm $0x1  }
0x91: {  	s18 =	sld [smem:$0x3FFB];
	_ =	sdelay $0x3  }
0x92: {  	_ =	strace s18  }
0x93: {  	s3 =	sld [smem:$0x3FFC];
	_ =	sdelay $0x3  }
0x94: {  	_ =	strace s3  }
0x95: {  	s3 =	sld [smem:$0x3FFD];
	_ =	sdelay $0x3  }
0x96: {  	_ =	strace s3  }
0x97: {  	_ =	strace $0x8FFFFFFF  }
0x98: {  	s19 =	sld [smem:$0x3FDB];
	_ =	sdelay $0x1  }
0x99: {  	s4 =	simm.s32 $_scs_section_size  }
0x9a: {  	s5 =	simm.s32 $_size__tile_overlayer_lowered;
	s6 =	simm.s32 $_tile_overlayer_lowered  }
0x9b: {  	s22 =	simm.s32 $0x1BFF;
	s21 =	sshll.u32 s6, $0x1;
	s3 =	sadd.s32 s4, s19  }
0x9c: {  	s7 =	simm.s32 $0x0;
	s20 =	sshll.u32 s5, $0x1;
	s5 =	sadd.s32 s21, s3  }
0x9d: {  	[timem:s7], [sflag:s22] =	dma.local [hbm:s5], s20  }
0x9e: {  	_ =	swait.ge [sflag:s22], s20  }
0x9f: {  	s4 =	ssub.s32 $0x0, s20;
	[sflag:s22] =	ssyncset.done $0x0  }
0xa0: {  	[sflag:s22] =	ssyncadd.s32 s4;
	_ =	sdelay $0x1  }
0xa1: {  	s23 =	simm.s32 $0x1B8B  }
0xa2: {  	_ =	swait.ge [sflag:s23], $0x1  }
0xa3: {  	[sflag:s23] =	ssyncset.done $0x0  }
0xa4: {  	s25 =	simm.s32 $0x1B8E;
	s24 =	sld [smem:$0x3FFE];
	[sflag:s23] =	ssyncadd.s32 $0xFFFFFFFF  }
0xa5: {  	s26 =	simm.s32 $execute0_lowered;
	[smem:$0x3FD2] =	sst s25  }
0xa6: {  	s5 =	sshll.u32 s26, $0x1;
	_ =	strace $0x8000004C;
	[dreg:$0x1] =	wrdreg $0xFFFFFFFF  }
0xa7: {  	s28 =	simm.s32 $_size_execute0_lowered;
	s3 =	sadd.s32 s3, s5;
	[dreg:$0x0] =	wrdreg $0x0  }
0xa8: {  	s5 =	sshll.u32 s28, $0x1;
	[dreg:$0x2] =	wrdreg s3  }
0xa9: {  	[dreg:$0x3] =	wrdreg s5  }
0xaa: {  	[dreg:$0x4] =	wrdreg $0xC0  }
0xab: {  	_ =	task [dreg:s7], $0x5FFFF  }
0xac: {  	[dreg:$0x1] =	wrdreg $0xFFFFFFFF  }
0xad: {  	[dreg:$0x0] =	wrdreg $0x60  }
0xae: {  	[dreg:$0x2] =	wrdreg s24  }
0xaf: {  	[dreg:$0x3] =	wrdreg s2  }
0xb0: {  	[dreg:$0x4] =	wrdreg $0x7B800  }
0xb1: {  	[dreg:$0x5] =	wrdreg $0x9  }
0xb2: {  	_ =	task.clear_ibuf [dreg:s7], $0x6FFFF;
	_ =	strace $0x9000004C  }
0xb3: {  	s29 =	simm.s32 $0x9;
	_ =	strace $0x8000004E  }
0xb4: {  	_ =	swait.ge [sflag:s29], $0x1  }
0xb5: {  	[sflag:s29] =	ssyncadd.s32 $0xFFFFFFFF  }
0xb6: {  	_ =	strace $0x9000004E  }
0xb7: {  	_ =	sfence  }
0xb8: {  	s30 =	sld [smem:$0x0];
	_ =	sdelay $0x2  }
0xb9: {  	s31 =	sshll.u32 s1, $0xD;
	s1 =	sshrl.u32 s1, $0x2  }
0xba: {  	s3 =	sand.u32 $0x4000, s31;
	s1 =	sadd.s32 s1, s30  }
0xbb: {  	s0 =	sor.u32 s3, s0;
	s1 =	sshll.u32 s1, $0x11  }
0xbc: {  	s0 =	sor.u32 s1, s0  }
0xbd: {  	s0 =	sadd.s32 $0x8F2B, s0  }
0xbe: {  	[sflag:s0] =	ssyncadd.remote.s32 $0x1  }
0xbf: {  	_ =	sfence.sel $0xFFFF  }
0xc0: {  	[dreg:$0x0] =	wrdreg $0xFFFFFFFF;
	(pc) =	sbr.abs _section_cstart, $3  }
0xc1: {  	[dreg:$0x1] =	wrdreg $0xFFFFFFFF  }
0xc2: {  	_ =	task.clear_ibuf [dreg:s7], $0x2FFFF;
	_ =	strace $0x9FFFFFFF  }
0xc3: {  	(tm) =	ssettm $0x7FFFFFFF  }
tec
execute0_lowered:
.L_overlay_start_1:
0x0: {  	(tag) =	ssettag $0x1  }
0x1: {  	s0 =	rddreg [dreg:$0x0]  }
0x2: {  	s3 =	rddreg [dreg:$0x1]  }
0x3: {  	s1 =	rddreg [dreg:$0x2];
	s2 =	simm.s32 $0x0;
	s5 =	srdreg.scid  }
0x4: {  	s11 =	stileid.u32;
	s28 =	simm.s32 $0x5;
	s29 =	simm.s32 $0x2  }
0x5: {  	s30 =	simm.s32 $0x2B80;
	s31 =	simm.s32 $0x8;
	[smem:$0x7FF] =	sst s2  }
0x6: {  	s4 =	sadd.s32 $0x65400, s0;
	s12 =	sadd.s32 $0x3400, s0;
	s13 =	sadd.s32 $0xD200, s0  }
0x7: {  	s5 =	sand.u32 $0x1, s5;
	s0 =	sadd.s32 $0x8C600, s0;
	s7 =	smul.u32 $0x4E000, s11  }
0x8: {  	s9 =	smul.u32 $0x13800, s11;
	s26 =	sshll.u32 s11, $0x6;
	p0 =	sne.s32 s11, $0xF  }
0x9: {  	_ =	strace $0x8000004D;
	s6 =	sshll.u32 s5, $0x4;
	s20 =	smul.u32 $0x138800, s5  }
0xa: {  	s8 =	ssub.s32 $0x2, s5;
	s17 =	sor.u32 $0x1C0B, s26;
	s5 =	smul.u32 $0x27100, s5  }
0xb: {  	s26 =	smul.u32 $0x2710, s11;
	s6 =	sor.u32 s11, s6;
	s10 =	sshrl.u32 s8, $0x1  }
0xc: {  	s7 =	sshrl.u32 s7, $0x2;
	s25 =	sshrl.u32 s9, $0x3;
	[dreg:$0x6] =	wrdreg s17  }
0xd: {  	s6 =	smul.u32 $0x2710, s6;
	s8 =	ssub.s32 s8, s10;
	s7 =	sadd.s32 s7, s1  }
0xe: {  	s24 =	sadd.s32 s9, s20;
	s5 =	sadd.s32 s26, s5;
	[dreg:$0x4] =	wrdreg s7  }
0xf: {  	s7 =	sadd.s32 s3, s25;
	s3 =	sadd.s32 $0x27000, s3;
	s25 =	sshrl.u32 s20, $0x3  }
0x10: {  	s9 =	sadd.s32 $0x460, s5;
	[dreg:$0x5] =	wrdreg s7;
	s6 =	sshrl.u32 s6, $0x3  }
0x11: {  	[dreg:$0x7] =	wrdreg s3;
	s7 =	sshrl.u32 s24, $0x3;
	s10 =	sadd.s32 s13, s6  }
0x12: {  	s14 =	sadd.s32 s12, s6;
	s15 =	sadd.s32 $0xA, s6;
	[dreg:$0x9] =	wrdreg s10  }
0x13: {  	s16 =	sadd.s32 $0x14, s6;
	s18 =	sadd.s32 s12, s15;
	[dreg:$0x8] =	wrdreg s14  }
0x14: {  	s22 =	sadd.s32 $0x1E, s6;
	s19 =	sadd.s32 s12, s16;
	[dreg:$0xa] =	wrdreg s18  }
0x15: {  	s3 =	sadd.s32 s13, s15;
	s21 =	sadd.s32 s13, s16;
	[dreg:$0xb] =	wrdreg s19  }
0x16: {  	s23 =	sadd.s32 s12, s22;
	s15 =	sadd.s32 s0, s7;
	[dreg:$0xc] =	wrdreg s3  }
0x17: {  	s0 =	sadd.s32 s0, s25;
	s16 =	sadd.s32 $0x28, s6;
	[dreg:$0xd] =	wrdreg s21  }
0x18: {  	s6 =	sadd.s32 $0x32, s6;
	s25 =	sadd.s32 $0x4B0, s5;
	[dreg:$0xe] =	wrdreg s23  }
0x19: {  	s10 =	sshrl.u32 s9, $0x3;
	s3 =	sadd.s32 s13, s22;
	[dreg:$0x10] =	wrdreg s15  }
0x1a: {  	s18 =	sadd.s32 s12, s16;
	s19 =	sadd.s32 s12, s6;
	[dreg:$0xf] =	wrdreg s3  }
0x1b: {  	s20 =	sadd.s32 s13, s6;
	s0 =	sadd.s32 $0x27000, s0;
	[dreg:$0x11] =	wrdreg s18  }
0x1c: {  	s21 =	sadd.s32 $0x550, s5;
	s22 =	smax.u32 s8, $0x1;
	[dreg:$0x13] =	wrdreg s19  }
0x1d: {  	s23 =	sadd.s32 $0x500, s5;
	s26 =	sshrl.u32 s25, $0x3;
	[dreg:$0x14] =	wrdreg s20  }
0x1e: {  	s15 =	sadd.s32 $0x410, s5;
	s6 =	simm.s32 $0x50;
	[dreg:$0x15] =	wrdreg s0  }
0x1f: {  	s3 =	sadd.s32 s13, s16;
	[dreg:$0x16] =	wrdreg s22;
	s0 =	sshrl.u32 s21, $0x3  }
0x20: {  	s8 =	sadd.s32 s26, s13;
	s16 =	sadd.s32 s10, s13;
	[dreg:$0x12] =	wrdreg s3  }
0x21: {  	s18 =	sadd.s32 $0x370, s5;
	s22 =	sadd.s32 $0x320, s5;
	[dreg:$0x1b] =	wrdreg s8  }
0x22: {  	s3 =	sshrl.u32 s23, $0x3;
	s24 =	sadd.s32 s0, s13;
	[dreg:$0x1d] =	wrdreg s16  }
0x23: {  	s0 =	sadd.s32 s0, s12;
	s19 =	sshrl.u32 s18, $0x3;
	[dreg:$0x17] =	wrdreg s24  }
0x24: {  	s23 =	sshrl.u32 s22, $0x3;
	s16 =	sadd.s32 $0x3C0, s5;
	[dreg:$0x18] =	wrdreg s0  }
0x25: {  	s18 =	sadd.s32 $0x5A0, s5;
	s7 =	sadd.s32 s3, s13;
	[smem:$0x7F7] =	sst s16  }
0x26: {  	s3 =	sadd.s32 s3, s12;
	s0 =	sadd.s32 s26, s12;
	[dreg:$0x19] =	wrdreg s7  }
0x27: {  	s21 =	sadd.s32 s19, s13;
	s24 =	sadd.s32 $0x2D0, s5;
	[dreg:$0x1a] =	wrdreg s3  }
0x28: {  	s25 =	sadd.s32 s23, s13;
	s26 =	sadd.s32 $0x280, s5;
	[dreg:$0x1c] =	wrdreg s0  }
0x29: {  	s16 =	simm.s32 $0x4;
	s3 =	sshrl.u32 s15, $0x3;
	[smem:$0x7EF] =	sst s21  }
0x2a: {  	s0 =	sadd.s32 s10, s12;
	[smem:$0x7F1] =	sst s25;
	s7 =	sshrl.u32 s26, $0x3  }
0x2b: {  	s10 =	sadd.s32 $0x230, s5;
	s5 =	sadd.s32 $0x1E0, s5;
	s21 =	smov.u32 s12  }
0x2c: {  	s25 =	sadd.s32 $0x138000, s1;
	s26 =	sadd.s32 $0x3C, s14;
	s14 =	simm.s32 $0x1  }
0x2d: {  	[dreg:$0x1e] =	wrdreg s0;
	s20 =	sadd.s32 s3, s13;
	s3 =	sadd.s32 s3, s12  }
0x2e: {  	s0 =	sadd.s32 s19, s12;
	s9 =	sadd.s32 s7, s13;
	[smem:$0x7FC] =	sst s25  }
0x2f: {  	s15 =	sshrl.u32 s10, $0x3;
	s22 =	sshrl.u32 s5, $0x3;
	[smem:$0x7FD] =	sst s26  }
0x30: {  	s25 =	simm.s32 $0x80;
	s5 =	simm.s32 $0x200;
	[dreg:$0x1f] =	wrdreg s20  }
0x31: {  	s26 =	simm.s32 $0x380;
	s10 =	simm.s32 $0x9;
	[smem:$0x7EE] =	sst s3  }
0x32: {  	[smem:$0x7F0] =	sst s0;
	s3 =	sshrl.u32 s24, $0x3;
	s0 =	sadd.s32 s23, s12  }
0x33: {  	[smem:$0x7F5] =	sst s9;
	s19 =	sadd.s32 s15, s13;
	s20 =	sshrl.u32 s18, $0x3  }
0x34: {  	s23 =	smov.u32 s13;
	s24 =	sadd.s32 s22, s13;
	[smem:$0x7F2] =	sst s0  }
0x35: {  	s9 =	simm.s32 $0x100;
	s8 =	sadd.s32 s3, s13;
	[smem:$0x7F8] =	sst s19  }
0x36: {  	s3 =	sadd.s32 s3, s12;
	s0 =	sadd.s32 s7, s12;
	[smem:$0x7FB] =	sst s24  }
0x37: {  	s19 =	simm.s32 $0xB;
	s24 =	simm.s32 $0x180;
	[smem:$0x7F3] =	sst s8  }
.Ltmp0:
0x38: {  	s7 =	simm.s32 $0x3;
	[smem:$0x7F4] =	sst s3;
	(pc) =	sbr.rel .LBB2_1-.Ltmp0, $4  }
0x39: {  	s13 =	simm.s32 $0x7;
	[smem:$0x7F6] =	sst s0;
	s0 =	sadd.s32 s15, s12  }
0x3a: {  	s3 =	simm.s32 $0x6;
	s8 =	simm.s32 $0x5380;
	s15 =	simm.s32 $0xA  }
0x3b: {  	[smem:$0x7F9] =	sst s0;
	s0 =	sadd.s32 s20, s12;
	s12 =	simm.s32 $0x300  }
0x3c: {  	s20 =	simm.s32 $0x0;
	[smem:$0x7FA] =	sst s0;
	s0 =	simm.s32 $0x280  }
.LBB2_4:
0x3d: {  	_ =	swait.ge [sflag:s10], $0x2800  }
0x3e: {  	[sflag:s10] =	ssyncset.done $0x0  }
0x3f: {  	[sflag:s10] =	ssyncadd.s32 $0xFFFFD800  }
0x40: {  	[spmem:s1] =	stream.indirect.scatter.add.f32 [tilespmem:s30], [sflag:$0xB], $0x80, s24, s6, $0xb8;
	[tilespmem:$0x1B400] =	vst v63  }
0x41: {  	_ =	swait.ge [sflag:s19], $0x2800  }
0x42: {  	[sflag:s19] =	ssyncset.done $0x0  }
0x43: {  	[sflag:s19] =	ssyncadd.s32 $0xFFFFD800  }
0x44: {  	[bflag:$0x0] =	sbarrier.arrive $0xFFFF  }
0x45: {  	s18 =	sld [smem:$0x7EC]  }
0x46: {  	s17 =	rddreg [dreg:$0x6]  }
0x47: {  	s11 =	rddreg [dreg:$0x10]  }
0x48: {  	[hbm:s11], [sflag:s17] =	dma.local [spmem:s18], $0x2700  }
0x49: {  	_ =	swait.ge [sflag:s19], $0x2700  }
0x4a: {  	s18 =	sld [smem:$0x7ED]  }
0x4b: {  	[sflag:s19] =	ssyncset.done $0x0  }
0x4c: {  	s11 =	rddreg [dreg:$0x15];
	[sflag:s19] =	ssyncadd.s32 $0xFFFFD900  }
0x4d: {  	[hbm:s11], [sflag:s17] =	dma.local @!p0 [spmem:s18], $0x100  }
0x4e: {  	s11 =	simm.s32 @!p0 $0xB  }
0x4f: {  	_ =	swait.ge @!p0 [sflag:s11], $0x100  }
0x50: {  	s20 =	sld [smem:$0x7EB];
	_ =	sdelay $0x2  }
0x51: {  	s22 =	rddreg [dreg:$0x16];
	s20 =	sadd.s32 $0x1, s20  }
0x52: {  	p1 =	sne.s32 s20, s22  }
.Ltmp1:
0x53: {  	_ = 	snop;
	(pc) =	sbr.rel @!p1 .LBB2_5-.Ltmp1, $3  }
0x54: {  	_ =	sdelay $0x1  }
0x55: {  	[sflag:s11] =	ssyncset.done @!p0 $0x0  }
0x56: {  	[sflag:s11] =	ssyncadd.s32 @!p0 $0xFFFFFF00  }
.LBB2_1:
0x57: {  	[smem:$0x7EB] =	sst s20  }
0x58: {  	s11 =	rddreg [dreg:$0x4]  }
0x59: {  	s20 =	rddreg [dreg:$0x5];
	s18 =	sshrl.u32 s11, $0x3  }
0x5a: {  	[smem:$0x7EC] =	sst s18  }
0x5b: {  	[spmem:s18], [sflag:s17] =	dma.local [hbm:s20], $0x2700  }
0x5c: {  	_ =	swait.ge [sflag:s19], $0x2700  }
0x5d: {  	s11 =	sld [smem:$0x7FC];
	_ =	sdelay $0x2  }
0x5e: {  	[sflag:s19] =	ssyncset.done $0x0;
	s18 =	sshrl.u32 @!p0 s11, $0x3;
	s11 =	rddreg [dreg:$0x7]  }
0x5f: {  	[sflag:s19] =	ssyncadd.s32 $0xFFFFD900;
	[smem:$0x7ED] =	sst s18  }
0x60: {  	[spmem:s18], [sflag:s17] =	dma.local @!p0 [hbm:s11], $0x100  }
0x61: {  	s17 =	simm.s32 @!p0 $0xB  }
0x62: {  	_ =	swait.ge @!p0 [sflag:s17], $0x100  }
0x63: {  	[sflag:s17] =	ssyncset.done @!p0 $0x0  }
0x64: {  	s22 =	rddreg [dreg:$0x8];
	[sflag:s17] =	ssyncadd.s32 @!p0 $0xFFFFFF00  }
0x65: {  	[tilespmem:s2], [sflag:$0xB] =	stream.linear.gather [hbm4b:s22+s2], $0x50, $0x38;
	[tilespmem:$0x1B400] =	vst v63  }
0x66: {  	_ =	swait.ge [sflag:s19], $0x50  }
0x67: {  	[sflag:s19] =	ssyncset.done $0x0  }
0x68: {  	s17 =	rddreg [dreg:$0x9];
	[sflag:s19] =	ssyncadd.s32 $0xFFFFFFB0  }
0x69: {  	[tilespmem:s24], [sflag:$0xB] =	stream.linear.gather [hbm4b:s17+s2], $0x50, $0x38;
	[tilespmem:$0x1B400] =	vst v63  }
0x6a: {  	_ =	swait.ge [sflag:s19], $0x50  }
0x6b: {  	[sflag:s19] =	ssyncset.done $0x0  }
0x6c: {  	s18 =	rddreg [dreg:$0xa];
	[sflag:s19] =	ssyncadd.s32 $0xFFFFFFB0  }
0x6d: {  	[tilespmem:s25], [sflag:$0x2] =	stream.linear.gather [hbm4b:s18+s2], $0x50, $0x38;
	[tilespmem:$0x1B400] =	vst v63  }
0x6e: {  	s20 =	rddreg [dreg:$0xb]  }
0x6f: {  	[tilespmem:s9], [sflag:$0x3] =	stream.linear.gather [hbm4b:s20+s2], $0x50, $0x38;
	[tilespmem:$0x1B400] =	vst v63  }
0x70: {  	s22 =	rddreg [dreg:$0xc]  }
0x71: {  	[tilespmem:s5], [sflag:$0x5] =	stream.linear.gather [hbm4b:s22+s2], $0x50, $0x38;
	[tilespmem:$0x1B400] =	vst v63  }
0x72: {  	[bflag:$0x0] =	sbarrier.arrive $0xFFFF  }
0x73: {  	[tilespmem:s26], [sflag:$0x8] =	stream.indirect.gather [hbm4b:s4+s6], $0x80, s2, s6, $0xb8;
	[tilespmem:$0x1B400] =	vst v63  }
0x74: {  	_ =	swait.ge [sflag:s28], $0x50  }
0x75: {  	[sflag:s28] =	ssyncset.done $0x0  }
0x76: {  	[sflag:s28] =	ssyncadd.s32 $0xFFFFFFB0  }
0x77: {  	_ =	swait.ge [sflag:s29], $0x50  }
0x78: {  	[sflag:s29] =	ssyncset.done $0x0  }
0x79: {  	[sflag:s29] =	ssyncadd.s32 $0xFFFFFFB0  }
0x7a: {  	[tilespmem:s30], [sflag:$0x9] =	stream.indirect.gather [hbm4b:s4+s6], $0x80, s25, s6, $0xb8;
	[tilespmem:$0x1B400] =	vst v63  }
0x7b: {  	_ =	swait.ge [sflag:s31], $0x2800  }
0x7c: {  	[sflag:s31] =	ssyncset.done $0x0  }
0x7d: {  	[sflag:s31] =	ssyncadd.s32 $0xFFFFD800  }
0x7e: {  	[spmem:s1] =	stream.indirect.scatter.add.f32 [tilespmem:s26], [sflag:$0xB], $0x80, s24, s6, $0xb8;
	[tilespmem:$0x1B400] =	vst v63  }
0x7f: {  	_ =	swait.ge [sflag:s19], $0x2800  }
0x80: {  	[sflag:s19] =	ssyncset.done $0x0  }
0x81: {  	s17 =	rddreg [dreg:$0xd];
	[sflag:s19] =	ssyncadd.s32 $0xFFFFD800  }
0x82: {  	[tilespmem:s0], [sflag:$0x6] =	stream.linear.gather [hbm4b:s17+s2], $0x50, $0x38;
	[tilespmem:$0x1B400] =	vst v63  }
0x83: {  	s18 =	rddreg [dreg:$0xe]  }
0x84: {  	[tilespmem:s2], [sflag:$0x1] =	stream.linear.gather [hbm4b:s18+s2], $0x50, $0x38;
	[tilespmem:$0x1B400] =	vst v63  }
0x85: {  	_ =	swait.ge [sflag:s3], $0x50  }
0x86: {  	[sflag:s3] =	ssyncset.done $0x0  }
0x87: {  	[sflag:s3] =	ssyncadd.s32 $0xFFFFFFB0  }
0x88: {  	_ =	swait.ge [sflag:s7], $0x50  }
0x89: {  	[sflag:s7] =	ssyncset.done $0x0  }
0x8a: {  	[sflag:s7] =	ssyncadd.s32 $0xFFFFFFB0  }
0x8b: {  	[tilespmem:s8], [sflag:$0xA] =	stream.indirect.gather [hbm4b:s4+s6], $0x80, s9, s6, $0xb8;
	[tilespmem:$0x1B400] =	vst v63  }
0x8c: {  	_ =	swait.ge [sflag:s10], $0x2800  }
0x8d: {  	[sflag:s10] =	ssyncset.done $0x0  }
0x8e: {  	[sflag:s10] =	ssyncadd.s32 $0xFFFFD800  }
0x8f: {  	[spmem:s1] =	stream.indirect.scatter.add.f32 [tilespmem:s30], [sflag:$0xB], $0x80, s5, s6, $0xb8;
	[tilespmem:$0x1B400] =	vst v63  }
0x90: {  	_ =	swait.ge [sflag:s19], $0x2800  }
0x91: {  	[sflag:s19] =	ssyncset.done $0x0  }
0x92: {  	s20 =	rddreg [dreg:$0xf];
	[sflag:s19] =	ssyncadd.s32 $0xFFFFD800  }
0x93: {  	[tilespmem:s12], [sflag:$0x7] =	stream.linear.gather [hbm4b:s20+s2], $0x50, $0x38;
	[tilespmem:$0x1B400] =	vst v63  }
0x94: {  	s22 =	rddreg [dreg:$0x11]  }
0x95: {  	[tilespmem:s25], [sflag:$0x2] =	stream.linear.gather [hbm4b:s22+s2], $0x50, $0x38;
	[tilespmem:$0x1B400] =	vst v63  }
0x96: {  	_ =	swait.ge [sflag:s13], $0x50  }
0x97: {  	[sflag:s13] =	ssyncset.done $0x0  }
0x98: {  	[sflag:s13] =	ssyncadd.s32 $0xFFFFFFB0  }
0x99: {  	_ =	swait.ge [sflag:s14], $0x50  }
0x9a: {  	[sflag:s14] =	ssyncset.done $0x0  }
0x9b: {  	[sflag:s14] =	ssyncadd.s32 $0xFFFFFFB0  }
0x9c: {  	[tilespmem:s26], [sflag:$0x8] =	stream.indirect.gather [hbm4b:s4+s6], $0x80, s2, s6, $0xb8;
	[tilespmem:$0x1B400] =	vst v63  }
0x9d: {  	_ =	swait.ge [sflag:s15], $0x2800  }
0x9e: {  	[sflag:s15] =	ssyncset.done $0x0  }
0x9f: {  	[sflag:s15] =	ssyncadd.s32 $0xFFFFD800  }
0xa0: {  	[spmem:s1] =	stream.indirect.scatter.add.f32 [tilespmem:s8], [sflag:$0xB], $0x80, s0, s6, $0xb8;
	[tilespmem:$0x1B400] =	vst v63  }
0xa1: {  	_ =	swait.ge [sflag:s19], $0x2800  }
0xa2: {  	[sflag:s19] =	ssyncset.done $0x0  }
0xa3: {  	s17 =	rddreg [dreg:$0x12];
	[sflag:s19] =	ssyncadd.s32 $0xFFFFD800  }
0xa4: {  	[tilespmem:s24], [sflag:$0x4] =	stream.linear.gather [hbm4b:s17+s2], $0x50, $0x38;
	[tilespmem:$0x1B400] =	vst v63  }
0xa5: {  	s18 =	rddreg [dreg:$0x13]  }
0xa6: {  	[tilespmem:s9], [sflag:$0x3] =	stream.linear.gather [hbm4b:s18+s2], $0x50, $0x38;
	[tilespmem:$0x1B400] =	vst v63  }
0xa7: {  	_ =	swait.ge [sflag:s16], $0x50  }
0xa8: {  	[sflag:s16] =	ssyncset.done $0x0  }
0xa9: {  	[sflag:s16] =	ssyncadd.s32 $0xFFFFFFB0  }
0xaa: {  	_ =	swait.ge [sflag:s29], $0x50  }
0xab: {  	[sflag:s29] =	ssyncset.done $0x0  }
0xac: {  	[sflag:s29] =	ssyncadd.s32 $0xFFFFFFB0  }
0xad: {  	[tilespmem:s30], [sflag:$0x9] =	stream.indirect.gather [hbm4b:s4+s6], $0x80, s25, s6, $0xb8;
	[tilespmem:$0x1B400] =	vst v63  }
0xae: {  	_ =	swait.ge [sflag:s31], $0x2800  }
0xaf: {  	[sflag:s31] =	ssyncset.done $0x0  }
0xb0: {  	[sflag:s31] =	ssyncadd.s32 $0xFFFFD800  }
0xb1: {  	[spmem:s1] =	stream.indirect.scatter.add.f32 [tilespmem:s26], [sflag:$0xB], $0x80, s12, s6, $0xb8;
	[tilespmem:$0x1B400] =	vst v63  }
0xb2: {  	_ =	swait.ge [sflag:s19], $0x2800  }
0xb3: {  	[sflag:s19] =	ssyncset.done $0x0;
	s20 =	rddreg [dreg:$0x14]  }
0xb4: {  	s22 =	sld [smem:$0x7FD];
	[sflag:s19] =	ssyncadd.s32 $0xFFFFD800  }
0xb5: {  	[tilespmem:s5], [sflag:$0x5] =	stream.linear.gather [hbm4b:s20+s2], $0x50, $0x38;
	[tilespmem:$0x1B400] =	vst v63  }
0xb6: {  	_ = 	snop  }
0xb7: {  	[tilespmem:s2], [sflag:$0x1] =	stream.linear.gather [hbm4b:s22+s2], $0x50, $0x38;
	[tilespmem:$0x1B400] =	vst v63  }
0xb8: {  	s17 =	simm.s32 $0x0;
	s22 =	sld [smem:$0x7F7]  }
.LBB2_2:
0xb9: {  	_ =	swait.ge [sflag:s28], $0x50  }
0xba: {  	[sflag:s28] =	ssyncset.done $0x0  }
0xbb: {  	[sflag:s28] =	ssyncadd.s32 $0xFFFFFFB0  }
0xbc: {  	_ =	swait.ge [sflag:s7], $0x50  }
0xbd: {  	[sflag:s7] =	ssyncset.done $0x0  }
0xbe: {  	[sflag:s7] =	ssyncadd.s32 $0xFFFFFFB0  }
0xbf: {  	[tilespmem:s8], [sflag:$0xA] =	stream.indirect.gather [hbm4b:s4+s6], $0x80, s9, s6, $0xb8;
	[tilespmem:$0x1B400] =	vst v63  }
0xc0: {  	_ =	swait.ge [sflag:s10], $0x2800  }
0xc1: {  	[sflag:s10] =	ssyncset.done $0x0  }
0xc2: {  	[sflag:s10] =	ssyncadd.s32 $0xFFFFD800  }
0xc3: {  	[spmem:s1] =	stream.indirect.scatter.add.f32 [tilespmem:s30], [sflag:$0xB], $0x80, s24, s6, $0xb8;
	[tilespmem:$0x1B400] =	vst v63  }
0xc4: {  	_ =	swait.ge [sflag:s19], $0x2800  }
0xc5: {  	s11 =	sld [smem:$0x7FB];
	_ =	sdelay $0x1  }
0xc6: {  	[sflag:s19] =	ssyncset.done $0x0;
	s20 =	sld [smem:$0x7F9]  }
0xc7: {  	[sflag:s19] =	ssyncadd.s32 $0xFFFFD800;
	s11 =	sadd.s32 s17, s11  }
0xc8: {  	[tilespmem:s0], [sflag:$0x6] =	stream.linear.gather [hbm4b:s11+s2], $0x50, $0x38;
	[tilespmem:$0x1B400] =	vst v63  }
0xc9: {  	s11 =	sadd.s32 s17, s20  }
0xca: {  	[tilespmem:s25], [sflag:$0x2] =	stream.linear.gather [hbm4b:s11+s2], $0x50, $0x38;
	[tilespmem:$0x1B400] =	vst v63  }
0xcb: {  	_ =	swait.ge [sflag:s3], $0x50  }
0xcc: {  	[sflag:s3] =	ssyncset.done $0x0  }
0xcd: {  	[sflag:s3] =	ssyncadd.s32 $0xFFFFFFB0  }
0xce: {  	_ =	swait.ge [sflag:s14], $0x50  }
0xcf: {  	[sflag:s14] =	ssyncset.done $0x0  }
0xd0: {  	[sflag:s14] =	ssyncadd.s32 $0xFFFFFFB0  }
0xd1: {  	[tilespmem:s26], [sflag:$0x8] =	stream.indirect.gather [hbm4b:s4+s6], $0x80, s2, s6, $0xb8;
	[tilespmem:$0x1B400] =	vst v63  }
0xd2: {  	_ =	swait.ge [sflag:s15], $0x2800  }
0xd3: {  	[sflag:s15] =	ssyncset.done $0x0  }
0xd4: {  	[sflag:s15] =	ssyncadd.s32 $0xFFFFD800  }
0xd5: {  	[spmem:s1] =	stream.indirect.scatter.add.f32 [tilespmem:s8], [sflag:$0xB], $0x80, s5, s6, $0xb8;
	[tilespmem:$0x1B400] =	vst v63  }
0xd6: {  	_ =	swait.ge [sflag:s19], $0x2800  }
0xd7: {  	s18 =	sld [smem:$0x7F8];
	_ =	sdelay $0x1  }
0xd8: {  	[sflag:s19] =	ssyncset.done $0x0;
	s20 =	sld [smem:$0x7F6]  }
0xd9: {  	[sflag:s19] =	ssyncadd.s32 $0xFFFFD800;
	s11 =	sadd.s32 s17, s18  }
0xda: {  	[tilespmem:s12], [sflag:$0x7] =	stream.linear.gather [hbm4b:s11+s2], $0x50, $0x38;
	[tilespmem:$0x1B400] =	vst v63  }
0xdb: {  	s11 =	sadd.s32 s17, s20  }
0xdc: {  	[tilespmem:s9], [sflag:$0x3] =	stream.linear.gather [hbm4b:s11+s2], $0x50, $0x38;
	[tilespmem:$0x1B400] =	vst v63  }
0xdd: {  	_ =	swait.ge [sflag:s13], $0x50  }
0xde: {  	[sflag:s13] =	ssyncset.done $0x0  }
0xdf: {  	[sflag:s13] =	ssyncadd.s32 $0xFFFFFFB0  }
0xe0: {  	_ =	swait.ge [sflag:s29], $0x50  }
0xe1: {  	[sflag:s29] =	ssyncset.done $0x0  }
0xe2: {  	[sflag:s29] =	ssyncadd.s32 $0xFFFFFFB0  }
0xe3: {  	[tilespmem:s30], [sflag:$0x9] =	stream.indirect.gather [hbm4b:s4+s6], $0x80, s25, s6, $0xb8;
	[tilespmem:$0x1B400] =	vst v63  }
0xe4: {  	_ =	swait.ge [sflag:s31], $0x2800  }
0xe5: {  	[sflag:s31] =	ssyncset.done $0x0  }
0xe6: {  	[sflag:s31] =	ssyncadd.s32 $0xFFFFD800  }
0xe7: {  	[spmem:s1] =	stream.indirect.scatter.add.f32 [tilespmem:s26], [sflag:$0xB], $0x80, s0, s6, $0xb8;
	[tilespmem:$0x1B400] =	vst v63  }
0xe8: {  	_ =	swait.ge [sflag:s19], $0x2800  }
0xe9: {  	s18 =	sld [smem:$0x7F5];
	_ =	sdelay $0x1  }
0xea: {  	[sflag:s19] =	ssyncset.done $0x0;
	s20 =	sld [smem:$0x7F4]  }
0xeb: {  	[sflag:s19] =	ssyncadd.s32 $0xFFFFD800;
	s11 =	sadd.s32 s17, s18  }
0xec: {  	[tilespmem:s24], [sflag:$0x4] =	stream.linear.gather [hbm4b:s11+s2], $0x50, $0x38;
	[tilespmem:$0x1B400] =	vst v63  }
0xed: {  	s11 =	sadd.s32 s17, s20  }
0xee: {  	[tilespmem:s2], [sflag:$0x1] =	stream.linear.gather [hbm4b:s11+s2], $0x50, $0x38;
	[tilespmem:$0x1B400] =	vst v63  }
0xef: {  	_ =	swait.ge [sflag:s16], $0x50  }
0xf0: {  	[sflag:s16] =	ssyncset.done $0x0  }
0xf1: {  	[sflag:s16] =	ssyncadd.s32 $0xFFFFFFB0  }
0xf2: {  	_ =	swait.ge [sflag:s7], $0x50  }
0xf3: {  	[sflag:s7] =	ssyncset.done $0x0  }
0xf4: {  	[sflag:s7] =	ssyncadd.s32 $0xFFFFFFB0  }
0xf5: {  	[tilespmem:s8], [sflag:$0xA] =	stream.indirect.gather [hbm4b:s4+s6], $0x80, s9, s6, $0xb8;
	[tilespmem:$0x1B400] =	vst v63  }
0xf6: {  	_ =	swait.ge [sflag:s10], $0x2800  }
0xf7: {  	[sflag:s10] =	ssyncset.done $0x0  }
0xf8: {  	[sflag:s10] =	ssyncadd.s32 $0xFFFFD800  }
0xf9: {  	[spmem:s1] =	stream.indirect.scatter.add.f32 [tilespmem:s30], [sflag:$0xB], $0x80, s12, s6, $0xb8;
	[tilespmem:$0x1B400] =	vst v63  }
0xfa: {  	_ =	swait.ge [sflag:s19], $0x2800  }
0xfb: {  	s18 =	sld [smem:$0x7F3];
	_ =	sdelay $0x1  }
0xfc: {  	[sflag:s19] =	ssyncset.done $0x0;
	s20 =	sld [smem:$0x7F2]  }
0xfd: {  	[sflag:s19] =	ssyncadd.s32 $0xFFFFD800;
	s11 =	sadd.s32 s17, s18  }
0xfe: {  	[tilespmem:s5], [sflag:$0x5] =	stream.linear.gather [hbm4b:s11+s2], $0x50, $0x38;
	[tilespmem:$0x1B400] =	vst v63  }
0xff: {  	s11 =	sadd.s32 s17, s20  }
0x100: {  	[tilespmem:s25], [sflag:$0x2] =	stream.linear.gather [hbm4b:s11+s2], $0x50, $0x38;
	[tilespmem:$0x1B400] =	vst v63  }
0x101: {  	_ =	swait.ge [sflag:s28], $0x50  }
0x102: {  	[sflag:s28] =	ssyncset.done $0x0  }
0x103: {  	[sflag:s28] =	ssyncadd.s32 $0xFFFFFFB0  }
0x104: {  	_ =	swait.ge [sflag:s14], $0x50  }
0x105: {  	[sflag:s14] =	ssyncset.done $0x0  }
0x106: {  	[sflag:s14] =	ssyncadd.s32 $0xFFFFFFB0  }
0x107: {  	[tilespmem:s26], [sflag:$0x8] =	stream.indirect.gather [hbm4b:s4+s6], $0x80, s2, s6, $0xb8;
	[tilespmem:$0x1B400] =	vst v63  }
0x108: {  	_ =	swait.ge [sflag:s15], $0x2800  }
0x109: {  	[sflag:s15] =	ssyncset.done $0x0  }
0x10a: {  	[sflag:s15] =	ssyncadd.s32 $0xFFFFD800  }
0x10b: {  	[spmem:s1] =	stream.indirect.scatter.add.f32 [tilespmem:s8], [sflag:$0xB], $0x80, s24, s6, $0xb8;
	[tilespmem:$0x1B400] =	vst v63  }
0x10c: {  	_ =	swait.ge [sflag:s19], $0x2800  }
0x10d: {  	s18 =	sld [smem:$0x7F1];
	_ =	sdelay $0x1  }
0x10e: {  	[sflag:s19] =	ssyncset.done $0x0;
	s20 =	sld [smem:$0x7F0]  }
0x10f: {  	[sflag:s19] =	ssyncadd.s32 $0xFFFFD800;
	s11 =	sadd.s32 s17, s18  }
0x110: {  	[tilespmem:s0], [sflag:$0x6] =	stream.linear.gather [hbm4b:s11+s2], $0x50, $0x38;
	[tilespmem:$0x1B400] =	vst v63  }
0x111: {  	s11 =	sadd.s32 s17, s20  }
0x112: {  	[tilespmem:s9], [sflag:$0x3] =	stream.linear.gather [hbm4b:s11+s2], $0x50, $0x38;
	[tilespmem:$0x1B400] =	vst v63  }
0x113: {  	_ =	swait.ge [sflag:s3], $0x50  }
0x114: {  	[sflag:s3] =	ssyncset.done $0x0  }
0x115: {  	[sflag:s3] =	ssyncadd.s32 $0xFFFFFFB0  }
0x116: {  	_ =	swait.ge [sflag:s29], $0x50  }
0x117: {  	[sflag:s29] =	ssyncset.done $0x0  }
0x118: {  	[sflag:s29] =	ssyncadd.s32 $0xFFFFFFB0  }
0x119: {  	[tilespmem:s30], [sflag:$0x9] =	stream.indirect.gather [hbm4b:s4+s6], $0x80, s25, s6, $0xb8;
	[tilespmem:$0x1B400] =	vst v63  }
0x11a: {  	_ =	swait.ge [sflag:s31], $0x2800  }
0x11b: {  	[sflag:s31] =	ssyncset.done $0x0  }
0x11c: {  	[sflag:s31] =	ssyncadd.s32 $0xFFFFD800  }
0x11d: {  	[spmem:s1] =	stream.indirect.scatter.add.f32 [tilespmem:s26], [sflag:$0xB], $0x80, s5, s6, $0xb8;
	[tilespmem:$0x1B400] =	vst v63  }
0x11e: {  	_ =	swait.ge [sflag:s19], $0x2800  }
0x11f: {  	s18 =	sld [smem:$0x7EF];
	_ =	sdelay $0x1  }
0x120: {  	[sflag:s19] =	ssyncset.done $0x0  }
0x121: {  	s20 =	sshrl.u32 s22, $0x3;
	[sflag:s19] =	ssyncadd.s32 $0xFFFFD800;
	s11 =	sadd.s32 s17, s18  }
0x122: {  	[tilespmem:s12], [sflag:$0x7] =	stream.linear.gather [hbm4b:s11+s2], $0x50, $0x38;
	[tilespmem:$0x1B400] =	vst v63  }
0x123: {  	s18 =	sadd.s32 s21, s20  }
0x124: {  	[tilespmem:s2], [sflag:$0x1] =	stream.linear.gather [hbm4b:s18+s2], $0x50, $0x38;
	[tilespmem:$0x1B400] =	vst v63  }
0x125: {  	_ =	swait.ge [sflag:s13], $0x50  }
0x126: {  	[sflag:s13] =	ssyncset.done $0x0  }
0x127: {  	[sflag:s13] =	ssyncadd.s32 $0xFFFFFFB0  }
0x128: {  	_ =	swait.ge [sflag:s7], $0x50  }
0x129: {  	[sflag:s7] =	ssyncset.done $0x0  }
0x12a: {  	[sflag:s7] =	ssyncadd.s32 $0xFFFFFFB0  }
0x12b: {  	[tilespmem:s8], [sflag:$0xA] =	stream.indirect.gather [hbm4b:s4+s6], $0x80, s9, s6, $0xb8;
	[tilespmem:$0x1B400] =	vst v63  }
0x12c: {  	_ =	swait.ge [sflag:s10], $0x2800  }
0x12d: {  	[sflag:s10] =	ssyncset.done $0x0  }
0x12e: {  	[sflag:s10] =	ssyncadd.s32 $0xFFFFD800  }
0x12f: {  	[spmem:s1] =	stream.indirect.scatter.add.f32 [tilespmem:s30], [sflag:$0xB], $0x80, s0, s6, $0xb8;
	[tilespmem:$0x1B400] =	vst v63  }
0x130: {  	_ =	swait.ge [sflag:s19], $0x2800  }
0x131: {  	[sflag:s19] =	ssyncset.done $0x0;
	s18 =	sld [smem:$0x7EE]  }
0x132: {  	s11 =	sadd.s32 s23, s20;
	[sflag:s19] =	ssyncadd.s32 $0xFFFFD800  }
0x133: {  	[tilespmem:s24], [sflag:$0x4] =	stream.linear.gather [hbm4b:s11+s2], $0x50, $0x38;
	[tilespmem:$0x1B400] =	vst v63  }
0x134: {  	s11 =	sadd.s32 s17, s18  }
0x135: {  	[tilespmem:s25], [sflag:$0x2] =	stream.linear.gather [hbm4b:s11+s2], $0x50, $0x38;
	[tilespmem:$0x1B400] =	vst v63  }
0x136: {  	_ =	swait.ge [sflag:s16], $0x50  }
0x137: {  	[sflag:s16] =	ssyncset.done $0x0  }
0x138: {  	[sflag:s16] =	ssyncadd.s32 $0xFFFFFFB0  }
0x139: {  	_ =	swait.ge [sflag:s14], $0x50  }
0x13a: {  	[sflag:s14] =	ssyncset.done $0x0  }
0x13b: {  	[sflag:s14] =	ssyncadd.s32 $0xFFFFFFB0  }
0x13c: {  	[tilespmem:s26], [sflag:$0x8] =	stream.indirect.gather [hbm4b:s4+s6], $0x80, s2, s6, $0xb8;
	[tilespmem:$0x1B400] =	vst v63  }
0x13d: {  	_ =	swait.ge [sflag:s15], $0x2800  }
0x13e: {  	[sflag:s15] =	ssyncset.done $0x0  }
0x13f: {  	[sflag:s15] =	ssyncadd.s32 $0xFFFFD800  }
0x140: {  	[spmem:s1] =	stream.indirect.scatter.add.f32 [tilespmem:s8], [sflag:$0xB], $0x80, s12, s6, $0xb8;
	[tilespmem:$0x1B400] =	vst v63  }
0x141: {  	_ =	swait.ge [sflag:s19], $0x2800  }
0x142: {  	[sflag:s19] =	ssyncset.done $0x0;
	s20 =	rddreg [dreg:$0x1f]  }
0x143: {  	s18 =	rddreg [dreg:$0x1e];
	[sflag:s19] =	ssyncadd.s32 $0xFFFFD800;
	s11 =	sadd.s32 s17, s20  }
0x144: {  	[tilespmem:s5], [sflag:$0x5] =	stream.linear.gather [hbm4b:s11+s2], $0x50, $0x38;
	[tilespmem:$0x1B400] =	vst v63  }
0x145: {  	s11 =	sadd.s32 s17, s18  }
0x146: {  	[tilespmem:s9], [sflag:$0x3] =	stream.linear.gather [hbm4b:s11+s2], $0x50, $0x38;
	[tilespmem:$0x1B400] =	vst v63  }
0x147: {  	_ =	swait.ge [sflag:s28], $0x50  }
0x148: {  	[sflag:s28] =	ssyncset.done $0x0  }
0x149: {  	[sflag:s28] =	ssyncadd.s32 $0xFFFFFFB0  }
0x14a: {  	_ =	swait.ge [sflag:s29], $0x50  }
0x14b: {  	[sflag:s29] =	ssyncset.done $0x0  }
0x14c: {  	[sflag:s29] =	ssyncadd.s32 $0xFFFFFFB0  }
0x14d: {  	[tilespmem:s30], [sflag:$0x9] =	stream.indirect.gather [hbm4b:s4+s6], $0x80, s25, s6, $0xb8;
	[tilespmem:$0x1B400] =	vst v63  }
0x14e: {  	_ =	swait.ge [sflag:s31], $0x2800  }
0x14f: {  	[sflag:s31] =	ssyncset.done $0x0  }
0x150: {  	[sflag:s31] =	ssyncadd.s32 $0xFFFFD800  }
0x151: {  	[spmem:s1] =	stream.indirect.scatter.add.f32 [tilespmem:s26], [sflag:$0xB], $0x80, s24, s6, $0xb8;
	[tilespmem:$0x1B400] =	vst v63  }
0x152: {  	_ =	swait.ge [sflag:s19], $0x2800  }
0x153: {  	[sflag:s19] =	ssyncset.done $0x0;
	s20 =	rddreg [dreg:$0x1d]  }
0x154: {  	s18 =	rddreg [dreg:$0x1c];
	[sflag:s19] =	ssyncadd.s32 $0xFFFFD800;
	s11 =	sadd.s32 s17, s20  }
0x155: {  	[tilespmem:s0], [sflag:$0x6] =	stream.linear.gather [hbm4b:s11+s2], $0x50, $0x38;
	[tilespmem:$0x1B400] =	vst v63  }
0x156: {  	s11 =	sadd.s32 s17, s18  }
0x157: {  	[tilespmem:s2], [sflag:$0x1] =	stream.linear.gather [hbm4b:s11+s2], $0x50, $0x38;
	[tilespmem:$0x1B400] =	vst v63  }
0x158: {  	_ =	swait.ge [sflag:s3], $0x50  }
0x159: {  	[sflag:s3] =	ssyncset.done $0x0  }
0x15a: {  	[sflag:s3] =	ssyncadd.s32 $0xFFFFFFB0  }
0x15b: {  	_ =	swait.ge [sflag:s7], $0x50  }
0x15c: {  	[sflag:s7] =	ssyncset.done $0x0  }
0x15d: {  	[sflag:s7] =	ssyncadd.s32 $0xFFFFFFB0  }
0x15e: {  	[tilespmem:s8], [sflag:$0xA] =	stream.indirect.gather [hbm4b:s4+s6], $0x80, s9, s6, $0xb8;
	[tilespmem:$0x1B400] =	vst v63  }
0x15f: {  	_ =	swait.ge [sflag:s10], $0x2800  }
0x160: {  	[sflag:s10] =	ssyncset.done $0x0  }
0x161: {  	[sflag:s10] =	ssyncadd.s32 $0xFFFFD800  }
0x162: {  	[spmem:s1] =	stream.indirect.scatter.add.f32 [tilespmem:s30], [sflag:$0xB], $0x80, s5, s6, $0xb8;
	[tilespmem:$0x1B400] =	vst v63  }
0x163: {  	_ =	swait.ge [sflag:s19], $0x2800  }
0x164: {  	[sflag:s19] =	ssyncset.done $0x0;
	s20 =	rddreg [dreg:$0x1b]  }
0x165: {  	s18 =	rddreg [dreg:$0x1a];
	[sflag:s19] =	ssyncadd.s32 $0xFFFFD800;
	s11 =	sadd.s32 s17, s20  }
0x166: {  	[tilespmem:s12], [sflag:$0x7] =	stream.linear.gather [hbm4b:s11+s2], $0x50, $0x38;
	[tilespmem:$0x1B400] =	vst v63  }
0x167: {  	s11 =	sadd.s32 s17, s18  }
0x168: {  	[tilespmem:s25], [sflag:$0x2] =	stream.linear.gather [hbm4b:s11+s2], $0x50, $0x38;
	[tilespmem:$0x1B400] =	vst v63  }
0x169: {  	_ =	swait.ge [sflag:s13], $0x50  }
0x16a: {  	[sflag:s13] =	ssyncset.done $0x0  }
0x16b: {  	[sflag:s13] =	ssyncadd.s32 $0xFFFFFFB0  }
0x16c: {  	_ =	swait.ge [sflag:s14], $0x50  }
0x16d: {  	[sflag:s14] =	ssyncset.done $0x0  }
0x16e: {  	[sflag:s14] =	ssyncadd.s32 $0xFFFFFFB0  }
0x16f: {  	[tilespmem:s26], [sflag:$0x8] =	stream.indirect.gather [hbm4b:s4+s6], $0x80, s2, s6, $0xb8;
	[tilespmem:$0x1B400] =	vst v63  }
0x170: {  	_ =	swait.ge [sflag:s15], $0x2800  }
0x171: {  	[sflag:s15] =	ssyncset.done $0x0  }
0x172: {  	[sflag:s15] =	ssyncadd.s32 $0xFFFFD800  }
0x173: {  	[spmem:s1] =	stream.indirect.scatter.add.f32 [tilespmem:s8], [sflag:$0xB], $0x80, s0, s6, $0xb8;
	[tilespmem:$0x1B400] =	vst v63  }
0x174: {  	_ =	swait.ge [sflag:s19], $0x2800  }
0x175: {  	[sflag:s19] =	ssyncset.done $0x0;
	s20 =	rddreg [dreg:$0x19]  }
0x176: {  	[sflag:s19] =	ssyncadd.s32 $0xFFFFD800;
	s11 =	sadd.s32 s17, s20  }
0x177: {  	[tilespmem:s24], [sflag:$0x4] =	stream.linear.gather [hbm4b:s11+s2], $0x50, $0x38;
	[tilespmem:$0x1B400] =	vst v63  }
0x178: {  	p1 =	seq.s32 s17, $0x438;
	s11 =	rddreg [dreg:$0x18]  }
0x179: {  	s18 =	simm.s32 @!p1 $0x0;
	s20 =	simm.s32 @!p1 $0x100;
	s11 =	sadd.s32 @!p1 s17, s11  }
0x17a: {  	[tilespmem:s20], [sflag:$0x3] =	stream.linear.gather @!p1 [hbm4b:s11+s18], $0x50, $0x38;
	[tilespmem:$0x1B400] =	vst v63  }
0x17b: {  	_ =	swait.ge [sflag:s16], $0x50  }
0x17c: {  	[sflag:s16] =	ssyncset.done $0x0  }
0x17d: {  	[sflag:s16] =	ssyncadd.s32 $0xFFFFFFB0  }
0x17e: {  	_ =	swait.ge [sflag:s29], $0x50  }
0x17f: {  	[sflag:s29] =	ssyncset.done $0x0  }
0x180: {  	[sflag:s29] =	ssyncadd.s32 $0xFFFFFFB0  }
0x181: {  	[tilespmem:s30], [sflag:$0x9] =	stream.indirect.gather [hbm4b:s4+s6], $0x80, s25, s6, $0xb8;
	[tilespmem:$0x1B400] =	vst v63  }
0x182: {  	_ =	swait.ge [sflag:s31], $0x2800  }
0x183: {  	[sflag:s31] =	ssyncset.done $0x0  }
.Ltmp2:
0x184: {  	[sflag:s31] =	ssyncadd.s32 $0xFFFFD800;
	(pc) =	sbr.rel @p1 .LBB2_4-.Ltmp2, $4  }
0x185: {  	[spmem:s1] =	stream.indirect.scatter.add.f32 [tilespmem:s26], [sflag:$0xB], $0x80, s12, s6, $0xb8;
	[tilespmem:$0x1B400] =	vst v63  }
0x186: {  	_ =	swait.ge [sflag:s19], $0x2800  }
0x187: {  	[sflag:s19] =	ssyncset.done $0x0  }
0x188: {  	[sflag:s19] =	ssyncadd.s32 $0xFFFFD800  }
0x189: {  	s11 =	rddreg [dreg:$0x17]  }
.Ltmp3:
0x18a: {  	s20 =	sld [smem:$0x7FA];
	(pc) =	sbr.rel .LBB2_2-.Ltmp3, $4  }
0x18b: {  	s11 =	sadd.s32 s17, s11  }
0x18c: {  	[tilespmem:s5], [sflag:$0x5] =	stream.linear.gather [hbm4b:s11+s2], $0x50, $0x38;
	[tilespmem:$0x1B400] =	vst v63  }
0x18d: {  	s22 =	sadd.s32 $0x3C0, s22;
	s11 =	sadd.s32 s17, s20;
	s17 =	sadd.s32 $0x78, s17  }
0x18e: {  	[tilespmem:s2], [sflag:$0x1] =	stream.linear.gather [hbm4b:s11+s2], $0x50, $0x38;
	[tilespmem:$0x1B400] =	vst v63  }
.LBB2_5:
0x18f: {  	_ =	sfence.sel $0x180000  }
0x190: {  	[bflag:$0x0] =	sbarrier.arrive $0xFFFF  }
0x191: {  	_ =	strace $0x9000004D  }
0x192: {  	s0 =	stileid.u32;
	[bflag:$0x2] =	sbarrier.arrive $0xFFFF  }
0x193: {  	p0 =	sne.s32 s0, $0x0;
	s0 =	rddreg [dreg:$0x3]  }
0x194: {  	s0 =	sadd.s32 @!p0 $0x100000, s0  }
0x195: {  	[sflag:s0] =	ssyncadd.tile.s32 @!p0 $0x1;
	_ =	shalt  }
.Lfunc_end2:
_tile_overlayer_lowered:
.L_overlay_start_2:
0x196: {  	(tag) =	ssettag $0x2  }
0x197: {  	s0 =	rddreg [dreg:$0x0];
	s2 =	stileid.u32  }
0x198: {  	s1 =	rddreg [dreg:$0x1];
	p0 =	sne.s32 s2, $0x0  }
0x199: {  	s3 =	rddreg [dreg:$0x2];
	[bflag:$0x3] =	sbarrier.arrive $0xFFFF;
	s2 =	simm.s32 @!p0 $0x1C0B  }
0x19a: {  	[timem:s3], [sflag:s2] =	dma.local @!p0 [hbm:s0], s1  }
0x19b: {  	s0 =	simm.s32 @!p0 $0xB  }
0x19c: {  	_ =	swait.ge @!p0 [sflag:s0], s1  }
0x19d: {  	s1 =	ssub.s32 @!p0 $0x0, s1;
	[sflag:s0] =	ssyncset.done @!p0 $0x0  }
0x19e: {  	[sflag:s0] =	ssyncadd.s32 @!p0 s1  }
0x19f: {  	[bflag:$0x3] =	sbarrier.arrive $0xFFFF  }
0x1a0: {  	_ =	shalt  }

// kernel: kernel.8.cloned.1.call-start
scs
__scs_entry_jumppad:
0x0: {  	(pc) =	sbr.rel $0x88, $3  }
0x1: {  	(tag) =	ssettag $0x0;
	lr =	simm.s32 $0x1  }
0x2: {  	[smem:$0x3F9B] =	sst lr;
	_ =	strace $0xD0000000  }
0x3: {  	_ = 	snop  }
0x4: {  	_ = 	snop  }
0x5: {  	_ = 	snop  }
0x6: {  	_ = 	snop  }
0x7: {  	_ = 	snop  }
__scs_overlays_trampoline_lowered:
0x8: {  	[smem:$0x3FAA] =	sst s0  }
0x9: {  	[smem:$0x3FAB] =	sst s1  }
0xa: {  	[smem:$0x3FAC] =	sst s2  }
0xb: {  	[smem:$0x3FAD] =	sst s3  }
0xc: {  	[smem:$0x3FAE] =	sst s4  }
0xd: {  	[smem:$0x3FAF] =	sst s5  }
0xe: {  	[smem:$0x3FB0] =	sst s6  }
0xf: {  	[smem:$0x3FB1] =	sst s7  }
0x10: {  	[smem:$0x3FB2] =	sst s8  }
0x11: {  	[smem:$0x3FB3] =	sst s9;
	s0 =	simm.s32 @!p0 $0x0  }
0x12: {  	s1 =	sld [smem:$0x3F99];
	s0 =	simm.s32 @p0 $0x1  }
0x13: {  	[smem:$0x3FB4] =	sst s0;
	s0 =	simm.s32 @!p1 $0x0  }
0x14: {  	s2 =	sld [smem:$0x3F98];
	s0 =	simm.s32 @p1 $0x1  }
0x15: {  	[smem:$0x3FB5] =	sst s0;
	s0 =	simm.s32 @!p2 $0x0  }
0x16: {  	s3 =	sld [smem:$0x3FDB];
	s0 =	simm.s32 @p2 $0x1  }
0x17: {  	s4 =	simm.s32 $0x1BF5;
	[smem:$0x3FB7] =	sst s0  }
0x18: {  	s0 =	sld [smem:$0x3F9A];
	_ =	swait.ge [sflag:s4], $0x0  }
0x19: {  	s7 =	sld [smem:$0x3F9B]  }
0x1a: {  	s8 =	sadd.s32 $0xFFFFE003, lr  }
0x1b: {  	s9 =	sadd.s32 $0xFFFFFEF7, lr;
	s5 =	simm.s32 $0xFFFFFFFF;
	p2 =	slt.u32 s8, $0xFFFFF086  }
0x1c: {  	p1 =	slt.u32 s9, $0xF7A;
	s5 =	simm.s32 @!p2 $0x0  }
0x1d: {  	s5 =	simm.s32 @p1 $0x1;
	p0 =	seq.s32 s7, s2  }
0x1e: {  	s7 =	smul.u32 @!p0 $0xF7A, s2;
	p2 =	seq.s32 @!p0 s5, $0x0  }
0x1f: {  	s9 =	smul.u32 $0xF7A, s1;
	s8 =	simm.s32 @!p0 $0x1BF5;
	p2 =	por !p2, p0  }
0x20: {  	[sflag:s8] =	ssyncset.s32 @!p0 $0xFFFFF086;
	s6 =	sadd.s32 @!p0 s3, s7;
	s7 =	simm.s32 @!p0 $0x108  }
0x21: {  	s3 =	sadd.s32 s3, s9;
	s6 =	sadd.s32 @!p0 $0x88, s6;
	s7 =	simm.s32 @p2 $0x1082  }
0x22: {  	[simem:s7], [sflag:s8] =	dma.local @!p0 [hbm:s6], $0xF7A  }
0x23: {  	s9 =	sor.u32 $0xD0000000, s2;
	s6 =	simm.s32 $0x108;
	_ =	swait.ge @!p0 [sflag:s8], $0x0  }
0x24: {  	s3 =	sadd.s32 $0x88, s3;
	s6 =	simm.s32 @!p1 $0x1082;
	[sflag:s4] =	ssyncset.s32 $0xFFFFF086  }
0x25: {  	[simem:s6], [sflag:s4] =	dma.local [hbm:s3], $0xF7A  }
0x26: {  	[smem:$0x3F9B] =	sst s1;
	(tag) =	ssettag s2;
	_ =	strace s9  }
0x27: {  	s1 =	sld [smem:$0x3FAB]  }
0x28: {  	s2 =	sld [smem:$0x3FAC]  }
0x29: {  	s4 =	sld [smem:$0x3FAE]  }
0x2a: {  	p0 =	seq.s32 s5, $0x0;
	s5 =	sld [smem:$0x3FAF]  }
0x2b: {  	s6 =	sld [smem:$0x3FB0]  }
0x2c: {  	s7 =	sld [smem:$0x3FB1]  }
0x2d: {  	s3 =	simm.s32 $0x108;
	s8 =	sld [smem:$0x3FB2]  }
0x2e: {  	s3 =	simm.s32 @!p0 $0x1082;
	s9 =	sld [smem:$0x3FB3]  }
0x2f: {  	lr =	sadd.s32 s0, s3;
	s0 =	sld [smem:$0x3FAA]  }
0x30: {  	s3 =	sld [smem:$0x3FAD]  }
0x31: {  	[smem:$0x3FB6] =	sst s10  }
0x32: {  	s10 =	sld [smem:$0x3FB4];
	_ =	sdelay $0x3  }
0x33: {  	p0 =	seq.s32 s10, $0x1;
	s10 =	sld [smem:$0x3FB6];
	_ =	sdelay $0x3  }
0x34: {  	[smem:$0x3FB6] =	sst s10  }
0x35: {  	s10 =	sld [smem:$0x3FB5];
	_ =	sdelay $0x3  }
0x36: {  	p1 =	seq.s32 s10, $0x1;
	s10 =	sld [smem:$0x3FB6];
	_ =	sdelay $0x3  }
0x37: {  	[smem:$0x3FB6] =	sst s10  }
0x38: {  	s10 =	sld [smem:$0x3FB7]  }
0x39: {  	_ = 	snop;
	(pc) =	sbr.ind lr, $3  }
0x3a: {  	_ = 	snop  }
0x3b: {  	_ = 	snop  }
0x3c: {  	p2 =	seq.s32 s10, $0x1;
	s10 =	sld [smem:$0x3FB6]  }
0x3d: {  	_ =	shalt  }
0x3e: {  	_ =	shalt  }
0x3f: {  	_ =	shalt  }
0x40: {  	_ =	shalt  }
0x41: {  	_ =	shalt  }
0x42: {  	_ =	shalt  }
0x43: {  	_ =	shalt  }
0x44: {  	_ =	shalt  }
0x45: {  	_ =	shalt  }
0x46: {  	_ =	shalt  }
0x47: {  	_ =	shalt  }
0x48: {  	_ =	shalt  }
0x49: {  	_ =	shalt  }
0x4a: {  	_ =	shalt  }
0x4b: {  	_ =	shalt  }
0x4c: {  	_ =	shalt  }
0x4d: {  	_ =	shalt  }
0x4e: {  	_ =	shalt  }
0x4f: {  	_ =	shalt  }
0x50: {  	_ =	shalt  }
0x51: {  	_ =	shalt  }
0x52: {  	_ =	shalt  }
0x53: {  	_ =	shalt  }
0x54: {  	_ =	shalt  }
0x55: {  	_ =	shalt  }
0x56: {  	_ =	shalt  }
0x57: {  	_ =	shalt  }
0x58: {  	_ =	shalt  }
0x59: {  	_ =	shalt  }
0x5a: {  	_ =	shalt  }
0x5b: {  	_ =	shalt  }
0x5c: {  	_ =	shalt  }
0x5d: {  	_ =	shalt  }
0x5e: {  	_ =	shalt  }
0x5f: {  	_ =	shalt  }
0x60: {  	_ =	shalt  }
0x61: {  	_ =	shalt  }
0x62: {  	_ =	shalt  }
0x63: {  	_ =	shalt  }
0x64: {  	_ =	shalt  }
0x65: {  	_ =	shalt  }
0x66: {  	_ =	shalt  }
0x67: {  	_ =	shalt  }
0x68: {  	_ =	shalt  }
0x69: {  	_ =	shalt  }
0x6a: {  	_ =	shalt  }
0x6b: {  	_ =	shalt  }
0x6c: {  	_ =	shalt  }
0x6d: {  	_ =	shalt  }
0x6e: {  	_ =	shalt  }
0x6f: {  	_ =	shalt  }
0x70: {  	_ =	shalt  }
0x71: {  	_ =	shalt  }
0x72: {  	_ =	shalt  }
0x73: {  	_ =	shalt  }
0x74: {  	_ =	shalt  }
0x75: {  	_ =	shalt  }
0x76: {  	_ =	shalt  }
0x77: {  	_ =	shalt  }
0x78: {  	_ =	shalt  }
0x79: {  	_ =	shalt  }
0x7a: {  	_ =	shalt  }
0x7b: {  	_ =	shalt  }
0x7c: {  	_ =	shalt  }
0x7d: {  	_ =	shalt  }
0x7e: {  	_ =	shalt  }
0x7f: {  	_ =	shalt  }
0x80: {  	_ =	shalt  }
0x81: {  	_ =	shalt  }
0x82: {  	_ =	shalt  }
0x83: {  	_ =	shalt  }
0x84: {  	_ =	shalt  }
0x85: {  	_ =	shalt  }
0x86: {  	_ =	shalt  }
0x87: {  	_ =	shalt  }
.Lfunc_end0:
.L_simem_size_0:
called_computation_lowered:
.L_overlay_start_0:
0x88: {  	s2 =	sld [smem:$0x3FD9]  }
0x89: {  	s3 =	sld [smem:$0x3FFE];
	_ =	sdelay $0x1  }
0x8a: {  	s1 =	srdreg.scid  }
0x8b: {  	s0 =	sand.u32 $0x1, s1  }
0x8c: {  	s17 =	sshll.u32 s0, $0xA;
	s2 =	sadd.s32 s3, s2  }
0x8d: {  	s2 =	sadd.s32 s2, s17  }
0x8e: {  	[smem:$0x3FC2] =	sst s2  }
0x8f: {  	_ = 	snop  }
0x90: {  	s2 =	sld [smem:$0x3FD0];
	(tm) =	ssettm $0x1  }
0x91: {  	s18 =	sld [smem:$0x3FFB];
	_ =	sdelay $0x3  }
0x92: {  	_ =	strace s18  }
0x93: {  	s3 =	sld [smem:$0x3FFC];
	_ =	sdelay $0x3  }
0x94: {  	_ =	strace s3  }
0x95: {  	s3 =	sld [smem:$0x3FFD];
	_ =	sdelay $0x3  }
0x96: {  	_ =	strace s3  }
0x97: {  	_ =	strace $0x8FFFFFFF  }
0x98: {  	s19 =	sld [smem:$0x3FDB];
	_ =	sdelay $0x1  }
0x99: {  	s4 =	simm.s32 $_scs_section_size  }
0x9a: {  	s5 =	simm.s32 $_size__tile_overlayer_lowered;
	s6 =	simm.s32 $_tile_overlayer_lowered  }
0x9b: {  	s22 =	simm.s32 $0x1BFF;
	s21 =	sshll.u32 s6, $0x1;
	s3 =	sadd.s32 s4, s19  }
0x9c: {  	s7 =	simm.s32 $0x0;
	s20 =	sshll.u32 s5, $0x1;
	s5 =	sadd.s32 s21, s3  }
0x9d: {  	[timem:s7], [sflag:s22] =	dma.local [hbm:s5], s20  }
0x9e: {  	_ =	swait.ge [sflag:s22], s20  }
0x9f: {  	s4 =	ssub.s32 $0x0, s20;
	[sflag:s22] =	ssyncset.done $0x0  }
0xa0: {  	[sflag:s22] =	ssyncadd.s32 s4;
	_ =	sdelay $0x1  }
0xa1: {  	s23 =	simm.s32 $0x1B8B  }
0xa2: {  	_ =	swait.ge [sflag:s23], $0x1  }
0xa3: {  	[sflag:s23] =	ssyncset.done $0x0  }
0xa4: {  	s25 =	simm.s32 $0x1B8E;
	s24 =	sld [smem:$0x3FFE];
	[sflag:s23] =	ssyncadd.s32 $0xFFFFFFFF  }
0xa5: {  	s26 =	simm.s32 $execute0_lowered;
	[smem:$0x3FD2] =	sst s25  }
0xa6: {  	s5 =	sshll.u32 s26, $0x1;
	_ =	strace $0x80000046;
	[dreg:$0x1] =	wrdreg $0xFFFFFFFF  }
0xa7: {  	s28 =	simm.s32 $_size_execute0_lowered;
	s3 =	sadd.s32 s3, s5;
	[dreg:$0x0] =	wrdreg $0x0  }
0xa8: {  	s5 =	sshll.u32 s28, $0x1;
	[dreg:$0x2] =	wrdreg s3  }
0xa9: {  	[dreg:$0x3] =	wrdreg s5  }
0xaa: {  	[dreg:$0x4] =	wrdreg $0xC0  }
0xab: {  	_ =	task [dreg:s7], $0x5FFFF  }
0xac: {  	[dreg:$0x1] =	wrdreg $0xFFFFFFFF  }
0xad: {  	[dreg:$0x0] =	wrdreg $0x60  }
0xae: {  	[dreg:$0x2] =	wrdreg s24  }
0xaf: {  	[dreg:$0x3] =	wrdreg s2  }
0xb0: {  	[dreg:$0x4] =	wrdreg $0x29000  }
0xb1: {  	[dreg:$0x5] =	wrdreg $0x9  }
0xb2: {  	_ =	task.clear_ibuf [dreg:s7], $0x6FFFF;
	_ =	strace $0x90000046  }
0xb3: {  	s29 =	simm.s32 $0x9;
	_ =	strace $0x80000048  }
0xb4: {  	_ =	swait.ge [sflag:s29], $0x1  }
0xb5: {  	[sflag:s29] =	ssyncadd.s32 $0xFFFFFFFF  }
0xb6: {  	_ =	strace $0x90000048  }
0xb7: {  	_ =	sfence  }
0xb8: {  	s30 =	sld [smem:$0x0];
	_ =	sdelay $0x2  }
0xb9: {  	s31 =	sshll.u32 s1, $0xD;
	s1 =	sshrl.u32 s1, $0x2  }
0xba: {  	s3 =	sand.u32 $0x4000, s31;
	s1 =	sadd.s32 s1, s30  }
0xbb: {  	s0 =	sor.u32 s3, s0;
	s1 =	sshll.u32 s1, $0x11  }
0xbc: {  	s0 =	sor.u32 s1, s0  }
0xbd: {  	s0 =	sadd.s32 $0x8F2B, s0  }
0xbe: {  	[sflag:s0] =	ssyncadd.remote.s32 $0x1  }
0xbf: {  	_ =	sfence.sel $0xFFFF  }
0xc0: {  	[dreg:$0x0] =	wrdreg $0xFFFFFFFF;
	(pc) =	sbr.abs _section_cstart, $3  }
0xc1: {  	[dreg:$0x1] =	wrdreg $0xFFFFFFFF  }
0xc2: {  	_ =	task.clear_ibuf [dreg:s7], $0x2FFFF;
	_ =	strace $0x9FFFFFFF  }
0xc3: {  	(tm) =	ssettm $0x7FFFFFFF  }
tec
execute0_lowered:
.L_overlay_start_1:
0x0: {  	(tag) =	ssettag $0x1  }
0x1: {  	s3 =	rddreg [dreg:$0x0]  }
0x2: {  	s8 =	rddreg [dreg:$0x1]  }
0x3: {  	s1 =	rddreg [dreg:$0x2]  }
0x4: {  	s0 =	rddreg [dreg:$0x3]  }
0x5: {  	s2 =	simm.s32 $0x0;
	s6 =	srdreg.scid;
	s18 =	simm.s32 $0x3  }
0x6: {  	s20 =	simm.s32 $0x100;
	s21 =	simm.s32 $0x80;
	s4 =	sadd.s32 $0xD200, s3  }
0x7: {  	s5 =	sadd.s32 $0x17000, s3;
	s11 =	sadd.s32 $0x17600, s3;
	s3 =	stileid.u32  }
0x8: {  	s22 =	simm.s32 $0x50;
	[smem:$0x7FF] =	sst s2;
	s10 =	smul.u32 $0x4E000, s3  }
0x9: {  	s9 =	sand.u32 $0x1, s6;
	s19 =	sadd.s32 $0x138000, s1;
	s13 =	smul.u32 $0x13800, s3  }
0xa: {  	s23 =	simm.s32 $0x2;
	_ =	strace $0x80000047;
	s15 =	smul.u32 $0x138800, s9  }
0xb: {  	s6 =	ssub.s32 $0x2, s9;
	s7 =	sshll.u32 s9, $0x4;
	s30 =	smul.u32 $0x27100, s9  }
0xc: {  	s28 =	sshll.u32 s3, $0x6;
	s16 =	smul.u32 $0x2710, s3;
	p0 =	sne.s32 s3, $0xF  }
0xd: {  	s12 =	sshrl.u32 s6, $0x1;
	s7 =	sor.u32 s3, s7;
	s19 =	sshrl.u32 @!p0 s19, $0x3  }
0xe: {  	s14 =	ssub.s32 s6, s12;
	s24 =	smul.u32 $0x2710, s7;
	s25 =	sshrl.u32 s10, $0x2  }
0xf: {  	s26 =	sshrl.u32 s13, $0x3;
	s7 =	sor.u32 $0x1C03, s28;
	s13 =	sadd.s32 s13, s15  }
0x10: {  	s15 =	sshrl.u32 s15, $0x3;
	s16 =	sadd.s32 s16, s30;
	s17 =	sadd.s32 s25, s1  }
0x11: {  	s6 =	sadd.s32 s8, s26;
	s8 =	sadd.s32 $0x27000, s8;
	s13 =	sshrl.u32 s13, $0x3  }
0x12: {  	s15 =	sadd.s32 s11, s15;
	s31 =	sadd.s32 $0xF0, s16;
	s16 =	sadd.s32 $0xA0, s16  }
0x13: {  	s25 =	simm.s32 $0x0;
	s29 =	sshrl.u32 s24, $0x3;
	s11 =	sadd.s32 s11, s13  }
0x14: {  	s12 =	sadd.s32 $0x27000, s15;
	s13 =	smax.u32 s14, $0x1;
	s15 =	sshrl.u32 s31, $0x3  }
0x15: {  	s17 =	sshrl.u32 s17, $0x3;
	s24 =	simm.s32 $0x1;
	s9 =	sadd.s32 s4, s29  }
0x16: {  	s15 =	sadd.s32 s15, s4;
	s10 =	sadd.s32 $0xA, s9;
	s14 =	sadd.s32 $0x4D8, s9  }
.LBB2_1:
0x17: {  	[spmem:s17], [sflag:s7] =	dma.local [hbm:s6], $0x2700  }
0x18: {  	_ =	swait.ge [sflag:s18], $0x2700  }
0x19: {  	[sflag:s18] =	ssyncset.done $0x0  }
0x1a: {  	s26 =	simm.s32 @!p0 $0x3;
	[sflag:s18] =	ssyncadd.s32 $0xFFFFD900  }
0x1b: {  	[spmem:s19], [sflag:s7] =	dma.local @!p0 [hbm:s8], $0x100  }
0x1c: {  	_ =	swait.ge @!p0 [sflag:s26], $0x100  }
0x1d: {  	[sflag:s26] =	ssyncset.done @!p0 $0x0  }
0x1e: {  	[sflag:s26] =	ssyncadd.s32 @!p0 $0xFFFFFF00  }
0x1f: {  	[tilespmem:s20], [sflag:$0x3] =	stream.linear.gather [hbm4b:s5+s2], $0x2800, $0x38;
	[tilespmem:$0x16180] =	vst v63  }
0x20: {  	_ =	swait.ge [sflag:s18], $0x2800  }
0x21: {  	[sflag:s18] =	ssyncset.done $0x0  }
0x22: {  	[sflag:s18] =	ssyncadd.s32 $0xFFFFD800  }
0x23: {  	[tilespmem:s2], [sflag:$0x3] =	stream.linear.gather [hbm4b:s9+s2], $0x50, $0x38;
	[tilespmem:$0x16180] =	vst v63  }
0x24: {  	_ =	swait.ge [sflag:s18], $0x50  }
0x25: {  	[sflag:s18] =	ssyncset.done $0x0  }
0x26: {  	[sflag:s18] =	ssyncadd.s32 $0xFFFFFFB0  }
0x27: {  	[tilespmem:s21], [sflag:$0x2] =	stream.linear.gather [hbm4b:s10+s2], $0x50, $0x38;
	[tilespmem:$0x16180] =	vst v63  }
0x28: {  	[bflag:$0x0] =	sbarrier.arrive $0xFFFF  }
0x29: {  	[spmem:s1] =	stream.indirect.scatter.add.f32 [tilespmem:s20], [sflag:$0x3], $0x80, s2, s22, $0xb8;
	[tilespmem:$0x16180] =	vst v63  }
0x2a: {  	_ =	swait.ge [sflag:s18], $0x2800  }
0x2b: {  	[sflag:s18] =	ssyncset.done $0x0  }
0x2c: {  	[sflag:s18] =	ssyncadd.s32 $0xFFFFD800  }
0x2d: {  	_ =	swait.ge [sflag:s23], $0x50  }
0x2e: {  	s30 =	sshrl.u32 s16, $0x3;
	[sflag:s23] =	ssyncset.done $0x0  }
0x2f: {  	s26 =	sadd.s32 s4, s30;
	[sflag:s23] =	ssyncadd.s32 $0xFFFFFFB0  }
0x30: {  	[tilespmem:s2], [sflag:$0x1] =	stream.linear.gather [hbm4b:s26+s2], $0x50, $0x38;
	[tilespmem:$0x16180] =	vst v63  }
0x31: {  	_ = 	snop  }
0x32: {  	[spmem:s1] =	stream.indirect.scatter.add.f32 [tilespmem:s20], [sflag:$0x3], $0x80, s21, s22, $0xb8;
	[tilespmem:$0x16180] =	vst v63  }
0x33: {  	_ =	swait.ge [sflag:s18], $0x2800  }
0x34: {  	[sflag:s18] =	ssyncset.done $0x0  }
0x35: {  	[sflag:s18] =	ssyncadd.s32 $0xFFFFD800  }
0x36: {  	_ =	swait.ge [sflag:s24], $0x50  }
0x37: {  	[sflag:s24] =	ssyncset.done $0x0  }
0x38: {  	s31 =	sadd.s32 $0x0, s15;
	[sflag:s24] =	ssyncadd.s32 $0xFFFFFFB0  }
0x39: {  	[tilespmem:s21], [sflag:$0x2] =	stream.linear.gather [hbm4b:s31+s2], $0x50, $0x38;
	[tilespmem:$0x16180] =	vst v63  }
0x3a: {  	_ = 	snop  }
0x3b: {  	[spmem:s1] =	stream.indirect.scatter.add.f32 [tilespmem:s20], [sflag:$0x3], $0x80, s2, s22, $0xb8;
	[tilespmem:$0x16180] =	vst v63  }
0x3c: {  	_ =	swait.ge [sflag:s18], $0x2800  }
0x3d: {  	s28 =	smov.u32 s16;
	s26 =	simm.s32 $0x14;
	[sflag:s18] =	ssyncset.done $0x0  }
.LBB2_2:
0x3e: {  	p1 =	sne.s32 s26, $0x4B0;
	[sflag:s18] =	ssyncadd.s32 $0xFFFFD800;
	s28 =	sadd.s32 $0xA0, s28  }
0x3f: {  	s29 =	smov.u32 s26;
	s26 =	sadd.s32 $0x14, s26  }
0x40: {  	_ =	swait.ge [sflag:s23], $0x50  }
0x41: {  	s30 =	sshrl.u32 s28, $0x3;
	[sflag:s23] =	ssyncset.done $0x0  }
0x42: {  	s30 =	sadd.s32 s4, s30;
	[sflag:s23] =	ssyncadd.s32 $0xFFFFFFB0  }
0x43: {  	[tilespmem:s2], [sflag:$0x1] =	stream.linear.gather [hbm4b:s30+s2], $0x50, $0x38;
	[tilespmem:$0x16180] =	vst v63  }
0x44: {  	_ = 	snop  }
0x45: {  	[spmem:s1] =	stream.indirect.scatter.add.f32 [tilespmem:s20], [sflag:$0x3], $0x80, s21, s22, $0xb8;
	[tilespmem:$0x16180] =	vst v63  }
0x46: {  	_ =	swait.ge [sflag:s18], $0x2800  }
0x47: {  	[sflag:s18] =	ssyncset.done $0x0  }
0x48: {  	[sflag:s18] =	ssyncadd.s32 $0xFFFFD800  }
0x49: {  	_ =	swait.ge [sflag:s24], $0x50  }
0x4a: {  	[sflag:s24] =	ssyncset.done $0x0  }
0x4b: {  	s29 =	sadd.s32 s29, s15;
	[sflag:s24] =	ssyncadd.s32 $0xFFFFFFB0  }
0x4c: {  	[tilespmem:s21], [sflag:$0x2] =	stream.linear.gather [hbm4b:s29+s2], $0x50, $0x38;
	[tilespmem:$0x16180] =	vst v63  }
.Ltmp0:
0x4d: {  	_ = 	snop;
	(pc) =	sbr.rel @p1 .LBB2_2-.Ltmp0, $4  }
0x4e: {  	_ = 	snop  }
0x4f: {  	[spmem:s1] =	stream.indirect.scatter.add.f32 [tilespmem:s20], [sflag:$0x3], $0x80, s2, s22, $0xb8;
	[tilespmem:$0x16180] =	vst v63  }
0x50: {  	_ =	swait.ge [sflag:s18], $0x2800  }
0x51: {  	[sflag:s18] =	ssyncset.done $0x0  }
0x52: {  	[sflag:s18] =	ssyncadd.s32 $0xFFFFD800  }
0x53: {  	_ =	swait.ge [sflag:s23], $0x50  }
0x54: {  	[sflag:s23] =	ssyncset.done $0x0  }
0x55: {  	[sflag:s23] =	ssyncadd.s32 $0xFFFFFFB0  }
0x56: {  	[tilespmem:s2], [sflag:$0x1] =	stream.linear.gather [hbm4b:s14+s2], $0x50, $0x38;
	[tilespmem:$0x16180] =	vst v63  }
0x57: {  	_ = 	snop  }
0x58: {  	[spmem:s1] =	stream.indirect.scatter.add.f32 [tilespmem:s20], [sflag:$0x3], $0x80, s21, s22, $0xb8;
	[tilespmem:$0x16180] =	vst v63  }
0x59: {  	_ =	swait.ge [sflag:s18], $0x2800  }
0x5a: {  	[sflag:s18] =	ssyncset.done $0x0  }
0x5b: {  	[sflag:s18] =	ssyncadd.s32 $0xFFFFD800  }
0x5c: {  	_ =	swait.ge [sflag:s24], $0x50  }
0x5d: {  	[sflag:s24] =	ssyncset.done $0x0  }
0x5e: {  	[sflag:s24] =	ssyncadd.s32 $0xFFFFFFB0  }
0x5f: {  	[spmem:s1] =	stream.indirect.scatter.add.f32 [tilespmem:s20], [sflag:$0x3], $0x80, s2, s22, $0xb8;
	[tilespmem:$0x16180] =	vst v63  }
0x60: {  	_ =	swait.ge [sflag:s18], $0x2800  }
0x61: {  	[sflag:s18] =	ssyncset.done $0x0  }
0x62: {  	[sflag:s18] =	ssyncadd.s32 $0xFFFFD800  }
0x63: {  	[bflag:$0x0] =	sbarrier.arrive $0xFFFF  }
0x64: {  	[hbm:s11], [sflag:s7] =	dma.local [spmem:s17], $0x2700  }
0x65: {  	s25 =	sadd.s32 $0x1, s25;
	_ =	swait.ge [sflag:s18], $0x2700  }
0x66: {  	p1 =	sne.s32 s25, s13;
	[sflag:s18] =	ssyncset.done $0x0  }
.Ltmp1:
0x67: {  	s26 =	simm.s32 @!p0 $0x3;
	[sflag:s18] =	ssyncadd.s32 $0xFFFFD900;
	(pc) =	sbr.rel @p1 .LBB2_1-.Ltmp1, $4  }
0x68: {  	[hbm:s12], [sflag:s7] =	dma.local @!p0 [spmem:s19], $0x100  }
0x69: {  	_ =	swait.ge @!p0 [sflag:s26], $0x100  }
0x6a: {  	[sflag:s26] =	ssyncset.done @!p0 $0x0  }
0x6b: {  	[sflag:s26] =	ssyncadd.s32 @!p0 $0xFFFFFF00  }
0x6c: {  	_ =	sfence.sel $0x180000  }
0x6d: {  	[bflag:$0x0] =	sbarrier.arrive $0xFFFF  }
0x6e: {  	p0 =	sne.s32 s3, $0x0;
	_ =	strace $0x90000047  }
0x6f: {  	s0 =	sadd.s32 @!p0 $0x100000, s0;
	[bflag:$0x2] =	sbarrier.arrive $0xFFFF  }
0x70: {  	[sflag:s0] =	ssyncadd.tile.s32 @!p0 $0x1;
	_ =	shalt  }
.Lfunc_end2:
_tile_overlayer_lowered:
.L_overlay_start_2:
0x71: {  	(tag) =	ssettag $0x2  }
0x72: {  	s0 =	rddreg [dreg:$0x0];
	s2 =	stileid.u32  }
0x73: {  	s1 =	rddreg [dreg:$0x1];
	p0 =	sne.s32 s2, $0x0  }
0x74: {  	s3 =	rddreg [dreg:$0x2];
	[bflag:$0x3] =	sbarrier.arrive $0xFFFF;
	s2 =	simm.s32 @!p0 $0x1C03  }
0x75: {  	[timem:s3], [sflag:s2] =	dma.local @!p0 [hbm:s0], s1  }
0x76: {  	s0 =	simm.s32 @!p0 $0x3  }
0x77: {  	_ =	swait.ge @!p0 [sflag:s0], s1  }
0x78: {  	s1 =	ssub.s32 @!p0 $0x0, s1;
	[sflag:s0] =	ssyncset.done @!p0 $0x0  }
0x79: {  	[sflag:s0] =	ssyncadd.s32 @!p0 s1  }
0x7a: {  	[bflag:$0x3] =	sbarrier.arrive $0xFFFF  }
0x7b: {  	_ =	shalt  }

</sc_bundles>
